<compile_context>
chip_gen: v7x
topology: tpu7x:2x2x1
jax: 0.10.2.dev20260603
libtpu: 0.0.44.dev20260713+nightly
codegen_flags: <defaults>
</compile_context>

<pallas_src>
import functools

import jax
import jax.numpy as jnp
from jax import lax
from jax.experimental import pallas as pl
from jax.experimental.pallas import tpu as pltpu
from jax.experimental.pallas import tpu_sc as plsc

N = 10000
E = 320000
F = 128
NC = 2
NS = 16
EPT = E // NS
CHUNK = 128
NCH = 157
PAD = NCH * CHUNK - EPT
TAIL_REAL = EPT - (NCH - 1) * CHUNK
NTRI = (NCH - 1) // 3
EPTP = NCH * CHUNK
RB = 1000
GRID = N // RB
WT = 10
NA = N + 8
DEG_G = 10
DEG_NG = 15

_MESH = plsc.VectorSubcoreMesh(core_axis_name="c", subcore_axis_name="s")


def _fill_f32(ref, rows, cols, value):
    v = jnp.full((16,), value, jnp.float32)

    def body(i, _):
        for j in range(cols // 16):
            ref[i, pl.ds(j * 16, 16)] = v
        return 0

    lax.fori_loop(0, rows, body, 0, unroll=False)


def _fill_f32_1d(ref, start, n, value):
    v = jnp.full((16,), value, jnp.float32)

    def body(i, _):
        ref[pl.ds(start + i * 16, 16)] = v
        return 0

    lax.fori_loop(0, n // 16, body, 0, unroll=False)


def _deg_body(idx_hbm, deg_hbm, idx2d, ones_v, onest_v, zero_v, acc, sem):
    c = lax.axis_index("c")
    s = lax.axis_index("s")

    _fill_f32_1d(ones_v, 0, CHUNK, 1.0)
    _fill_f32_1d(onest_v, 0, TAIL_REAL, 1.0)
    _fill_f32_1d(onest_v, TAIL_REAL, CHUNK - TAIL_REAL, 0.0)
    _fill_f32_1d(zero_v, 0, 1024, 0.0)

    @pl.when(s < 10)
    def _():
        pltpu.sync_copy(zero_v.at[pl.ds(0, 1000)], acc.at[pl.ds(s * 1000, 1000)])

    @pl.when(s == 10)
    def _():
        pltpu.sync_copy(zero_v.at[pl.ds(0, 8)], acc.at[pl.ds(N, 8)])

    w = c * NS + s
    pltpu.sync_copy(idx_hbm.at[pl.ds(w * EPTP, EPTP)], idx2d)
    plsc.subcore_barrier()

    def group(g, _):
        for t in range(DEG_G):
            pltpu.async_copy(ones_v, acc.at[idx2d.at[pl.ds((g * DEG_G + t) * CHUNK, CHUNK)]], sem,
                             add=True)
        for t in range(DEG_G):
            pltpu.make_async_copy(ones_v, acc.at[idx2d.at[pl.ds((g * DEG_G + t) * CHUNK, CHUNK)]],
                                  sem).wait()
        return 0

    lax.fori_loop(0, DEG_NG, group, 0, unroll=False)
    for t in range(DEG_NG * DEG_G, NCH - 1):
        pltpu.async_copy(ones_v, acc.at[idx2d.at[pl.ds(t * CHUNK, CHUNK)]], sem, add=True)
    pltpu.async_copy(onest_v, acc.at[idx2d.at[pl.ds((NCH - 1) * CHUNK, CHUNK)]], sem, add=True)
    for t in range(DEG_NG * DEG_G, NCH - 1):
        pltpu.make_async_copy(ones_v, acc.at[idx2d.at[pl.ds(t * CHUNK, CHUNK)]], sem).wait()
    pltpu.make_async_copy(onest_v, acc.at[idx2d.at[pl.ds((NCH - 1) * CHUNK, CHUNK)]], sem).wait()

    plsc.subcore_barrier()

    @pl.when(s < 10)
    def _():
        pltpu.sync_copy(acc.at[pl.ds(s * 1000, 1000)], zero_v.at[pl.ds(0, 1000)])
        pltpu.sync_copy(zero_v.at[pl.ds(0, 1000)],
                        deg_hbm.at[pl.ds(c * N + s * 1000, 1000)])


@functools.partial(
    pl.kernel,
    out_type=jax.ShapeDtypeStruct((NC * N,), jnp.float32),
    mesh=_MESH,
    scratch_types=[
        pltpu.VMEM((EPTP,), jnp.int32),
        pltpu.VMEM((CHUNK,), jnp.float32),
        pltpu.VMEM((CHUNK,), jnp.float32),
        pltpu.VMEM((1024,), jnp.float32),
        pltpu.VMEM_SHARED((NA,), jnp.float32),
        pltpu.SemaphoreType.DMA,
    ],
)
def _degree_kernel(idx_hbm, deg_hbm, idx2d, ones_v, onest_v, zero_v, acc, sem):
    _deg_body(idx_hbm, deg_hbm, idx2d, ones_v, onest_v, zero_v, acc, sem)


def _agg_body(gidx_hbm, didx_hbm, h_hbm, out_hbm,
              sidx0, didx0, sidx1, didx1, rows_a, rows_b, rows_c, acc,
              gs_a, gs_b, gs_c, ss_a, ss_b, ss_c, isem0, isem1):
    c = lax.axis_index("c")
    s = lax.axis_index("s")
    w = c * NS + s

    def gath_start(ix, pos, rows, sem):
        pltpu.async_copy(h_hbm.at[ix.at[pl.ds(pos * CHUNK, CHUNK)]], rows, sem)

    def gath_wait(ix, pos, rows, sem):
        pltpu.make_async_copy(
            h_hbm.at[ix.at[pl.ds(pos * CHUNK, CHUNK)]], rows, sem).wait()

    def scat_start(ix, pos, rows, sem):
        pltpu.async_copy(rows, acc.at[ix.at[pl.ds(pos * CHUNK, CHUNK)]], sem,
                         add=True)

    def scat_wait(ix, pos, rows, sem):
        pltpu.make_async_copy(
            rows, acc.at[ix.at[pl.ds(pos * CHUNK, CHUNK)]], sem).wait()

    _fill_f32(rows_a, CHUNK, F, 0.0)

    @pl.when(s < WT)
    def _():
        for q in range(7):
            pltpu.async_copy(rows_a, acc.at[pl.ds(s * 1000 + q * 128, 128)],
                             ss_a)
        pltpu.async_copy(rows_a.at[pl.ds(0, 104), :],
                         acc.at[pl.ds(s * 1000 + 896, 104)], ss_a)

    @pl.when(s == WT)
    def _():
        pltpu.async_copy(rows_a.at[pl.ds(0, 8), :], acc.at[pl.ds(N, 8)], ss_a)

    pltpu.sync_copy(gidx_hbm.at[pl.ds(w * EPTP, 3 * CHUNK)], sidx0)
    pltpu.sync_copy(didx_hbm.at[pl.ds(s * EPTP, 3 * CHUNK)], didx0)
    pltpu.async_copy(gidx_hbm.at[pl.ds(w * EPTP + 3 * CHUNK, 3 * CHUNK)],
                     sidx1, isem1)
    pltpu.async_copy(didx_hbm.at[pl.ds(s * EPTP + 3 * CHUNK, 3 * CHUNK)],
                     didx1, isem1)

    @pl.when(s < WT)
    def _():
        for q in range(7):
            pltpu.make_async_copy(
                rows_a, acc.at[pl.ds(s * 1000 + q * 128, 128)], ss_a).wait()
        pltpu.make_async_copy(
            rows_a.at[pl.ds(0, 104), :],
            acc.at[pl.ds(s * 1000 + 896, 104)], ss_a).wait()

    @pl.when(s == WT)
    def _():
        pltpu.make_async_copy(rows_a.at[pl.ds(0, 8), :],
                              acc.at[pl.ds(N, 8)], ss_a).wait()

    plsc.subcore_barrier()

    gath_start(sidx0, 0, rows_a, gs_a)
    gath_start(sidx0, 1, rows_b, gs_b)

    def do_triple(j0, cur_s, cur_d, nxt_s, nxt_d, cur_isem, nxt_isem, prv_d):
        gath_wait(cur_s, 0, rows_a, gs_a)
        scat_start(cur_d, 0, rows_a, ss_a)
        nb = (j0 + 3) * CHUNK
        pltpu.make_async_copy(gidx_hbm.at[pl.ds(w * EPTP + nb, 3 * CHUNK)],
                              nxt_s, nxt_isem).wait()
        pltpu.make_async_copy(didx_hbm.at[pl.ds(s * EPTP + nb, 3 * CHUNK)],
                              nxt_d, nxt_isem).wait()

        @pl.when(j0 > 0)
        def _():
            scat_wait(prv_d, 2, rows_c, ss_c)

        gath_start(cur_s, 2, rows_c, gs_c)
        gath_wait(cur_s, 1, rows_b, gs_b)
        scat_start(cur_d, 1, rows_b, ss_b)
        scat_wait(cur_d, 0, rows_a, ss_a)
        gath_start(nxt_s, 0, rows_a, gs_a)
        gath_wait(cur_s, 2, rows_c, gs_c)
        scat_start(cur_d, 2, rows_c, ss_c)
        scat_wait(cur_d, 1, rows_b, ss_b)

        @pl.when(j0 + 4 <= NCH - 1)
        def _():
            gath_start(nxt_s, 1, rows_b, gs_b)

        @pl.when(j0 <= 3 * NTRI - 6)
        def _():
            pb = (j0 + 6) * CHUNK
            pltpu.async_copy(gidx_hbm.at[pl.ds(w * EPTP + pb, 3 * CHUNK)],
                             cur_s, cur_isem)
            pltpu.async_copy(didx_hbm.at[pl.ds(s * EPTP + pb, 3 * CHUNK)],
                             cur_d, cur_isem)

    def dtri(kk, _):
        do_triple(6 * kk, sidx0, didx0, sidx1, didx1, isem0, isem1, didx1)
        do_triple(6 * kk + 3, sidx1, didx1, sidx0, didx0, isem1, isem0, didx0)
        return 0

    lax.fori_loop(0, NTRI // 2, dtri, 0, unroll=False)

    gath_wait(sidx0, 0, rows_a, gs_a)
    scat_start(didx0, 0, rows_a, ss_a)
    scat_wait(didx1, 2, rows_c, ss_c)
    scat_wait(didx0, 0, rows_a, ss_a)

    plsc.subcore_barrier()

    @pl.when(s < WT)
    def _():
        for q in range(8):
            nr = 104 if q == 7 else 128
            buf = rows_a if q % 2 == 0 else rows_b
            sem = gs_a if q % 2 == 0 else gs_b
            r0 = s * 1000 + q * 128
            if q >= 2:
                pltpu.make_async_copy(
                    buf, out_hbm.at[c, pl.ds(s * 1000 + (q - 2) * 128, 128), :],
                    sem).wait()
            pltpu.sync_copy(acc.at[pl.ds(r0, nr)], buf.at[pl.ds(0, nr), :])
            pltpu.async_copy(buf.at[pl.ds(0, nr), :],
                             out_hbm.at[c, pl.ds(r0, nr), :], sem)
        pltpu.make_async_copy(rows_a,
                              out_hbm.at[c, pl.ds(s * 1000 + 6 * 128, 128), :],
                              gs_a).wait()
        pltpu.make_async_copy(rows_b.at[pl.ds(0, 104), :],
                              out_hbm.at[c, pl.ds(s * 1000 + 896, 104), :],
                              gs_b).wait()


@functools.partial(
    pl.kernel,
    out_type=jax.ShapeDtypeStruct((NC, N, F), jnp.float32),
    mesh=_MESH,
    scratch_types=[
        pltpu.VMEM((3 * CHUNK,), jnp.int32),
        pltpu.VMEM((3 * CHUNK,), jnp.int32),
        pltpu.VMEM((3 * CHUNK,), jnp.int32),
        pltpu.VMEM((3 * CHUNK,), jnp.int32),
        pltpu.VMEM((CHUNK, F), jnp.float32),
        pltpu.VMEM((CHUNK, F), jnp.float32),
        pltpu.VMEM((CHUNK, F), jnp.float32),
        pltpu.VMEM_SHARED((NA, F), jnp.float32),
        pltpu.SemaphoreType.DMA,
        pltpu.SemaphoreType.DMA,
        pltpu.SemaphoreType.DMA,
        pltpu.SemaphoreType.DMA,
        pltpu.SemaphoreType.DMA,
        pltpu.SemaphoreType.DMA,
        pltpu.SemaphoreType.DMA,
        pltpu.SemaphoreType.DMA,
    ],
)
def _agg_kernel(gidx_hbm, didx_hbm, h_hbm, out_hbm,
                sidx0, didx0, sidx1, didx1, rows_a, rows_b, rows_c, acc,
                gs_a, gs_b, gs_c, ss_a, ss_b, ss_c, isem0, isem1):
    _agg_body(gidx_hbm, didx_hbm, h_hbm, out_hbm,
              sidx0, didx0, sidx1, didx1, rows_a, rows_b, rows_c, acc,
              gs_a, gs_b, gs_c, ss_a, ss_b, ss_c, isem0, isem1)


def _mm1_body(x_ref, deg_ref, w_ref, o_ref):
    inv = lax.rsqrt(jnp.maximum(deg_ref[...], 1.0))
    xs = x_ref[...]
    o_ref[0] = jnp.dot(xs, w_ref[0], preferred_element_type=jnp.float32) * inv
    o_ref[1] = jnp.dot(xs, w_ref[1], preferred_element_type=jnp.float32) * inv


def _mm1(x, deg_out, w1):
    return pl.pallas_call(
        _mm1_body,
        grid=(GRID,),
        in_specs=[
            pl.BlockSpec((RB, F), lambda i: (i, 0)),
            pl.BlockSpec((RB, 1), lambda i: (i, 0)),
            pl.BlockSpec((NC, F, F), lambda i: (0, 0, 0)),
        ],
        out_specs=pl.BlockSpec((NC, RB, F), lambda i: (0, i, 0)),
        out_shape=jax.ShapeDtypeStruct((NC, N, F), jnp.float32),
    )(x, deg_out, w1)


def _mid_body(a_ref, din_ref, dout_ref, b_ref, w_ref, o_ref):
    inv_in = lax.rsqrt(jnp.maximum(din_ref[...], 1.0))
    inv_out = lax.rsqrt(jnp.maximum(dout_ref[...], 1.0))
    for k in range(NC):
        t = jnp.maximum(a_ref[k] * inv_in + b_ref[k], 0.0)
        o_ref[k] = jnp.dot(t, w_ref[k], preferred_element_type=jnp.float32) * inv_out


def _mid(agg1, deg_in, deg_out, b1, w2):
    return pl.pallas_call(
        _mid_body,
        grid=(GRID,),
        in_specs=[
            pl.BlockSpec((NC, RB, F), lambda i: (0, i, 0)),
            pl.BlockSpec((RB, 1), lambda i: (i, 0)),
            pl.BlockSpec((RB, 1), lambda i: (i, 0)),
            pl.BlockSpec((NC, 1, F), lambda i: (0, 0, 0)),
            pl.BlockSpec((NC, F, F), lambda i: (0, 0, 0)),
        ],
        out_specs=pl.BlockSpec((NC, RB, F), lambda i: (0, i, 0)),
        out_shape=jax.ShapeDtypeStruct((NC, N, F), jnp.float32),
    )(agg1, deg_in, deg_out, b1, w2)


def _head_body(a_ref, din_ref, b_ref, wh_ref, bh_ref, y_ref, s_ref):
    inv_in = lax.rsqrt(jnp.maximum(din_ref[...], 1.0))
    hs = a_ref[0] * inv_in + b_ref[0]
    s_ref[...] = jnp.dot(hs, wh_ref[0], preferred_element_type=jnp.float32) + bh_ref[0]
    z = a_ref[1] * inv_in + b_ref[1]
    y_ref[...] = jnp.dot(z, wh_ref[1], preferred_element_type=jnp.float32) + bh_ref[1]


def _head(agg2, deg_in, b2, wh, bh):
    return pl.pallas_call(
        _head_body,
        grid=(GRID,),
        in_specs=[
            pl.BlockSpec((NC, RB, F), lambda i: (0, i, 0)),
            pl.BlockSpec((RB, 1), lambda i: (i, 0)),
            pl.BlockSpec((NC, 1, F), lambda i: (0, 0, 0)),
            pl.BlockSpec((NC, F, 1), lambda i: (0, 0, 0)),
            pl.BlockSpec((NC, 1, 1), lambda i: (0, 0, 0)),
        ],
        out_specs=[
            pl.BlockSpec((RB, 1), lambda i: (i, 0)),
            pl.BlockSpec((RB, 1), lambda i: (i, 0)),
        ],
        out_shape=[
            jax.ShapeDtypeStruct((N, 1), jnp.float32),
            jax.ShapeDtypeStruct((N, 1), jnp.float32),
        ],
    )(agg2, deg_in, b2, wh, bh)


def kernel(x, edge_index, W1e, b1e, W2e, b2e, Wfe, bfe, W1g, b1g, W2g, b2g, Wc, bc):
    src_t = edge_index[0].reshape(NS, EPT)
    dst_t = edge_index[1].reshape(NS, EPT)
    pad_src = jnp.broadcast_to((jnp.arange(PAD, dtype=jnp.int32) % 64)[None],
                               (NS, PAD))
    pad_dst = jnp.broadcast_to((N + jnp.arange(PAD, dtype=jnp.int32) % 8)[None],
                               (NS, PAD))
    src_p = jnp.concatenate([src_t, pad_src], 1).reshape(NS * EPTP)
    dst_p = jnp.concatenate([dst_t, pad_dst], 1).reshape(NS * EPTP)
    opad = jnp.zeros((2 * CHUNK,), jnp.int32)
    deg_idx = jnp.concatenate([src_p, dst_p])
    gat_idx = jnp.concatenate([src_p, src_p + N, opad])
    dst_p = jnp.concatenate([dst_p, opad])

    w1 = jnp.stack([W1e, W1g])
    b1 = jnp.stack([b1e, b1g])[:, None, :]
    w2 = jnp.stack([W2e, W2g])
    b2 = jnp.stack([b2e, b2g])[:, None, :]
    wh = jnp.stack([Wfe, Wc])
    bh = jnp.stack([bfe, bc])[:, None, :]

    deg = _degree_kernel(deg_idx)
    deg_out = deg[:N].reshape(N, 1)
    deg_in = deg[N:].reshape(N, 1)

    h1 = _mm1(x, deg_out, w1)
    agg1 = _agg_kernel(gat_idx, dst_p, h1.reshape(NC * N, F))
    h2 = _mid(agg1, deg_in, deg_out, b1, w2)
    agg2 = _agg_kernel(gat_idx, dst_p, h2.reshape(NC * N, F))
    y, s = _head(agg2, deg_in, b2, wh, bh)
    return (y, s)

# --- scband reference (transcript-rebuilt; emitter-appended) ---
"""Pipeline reference for scband-fair-gnn-69501160784367 (READ-ONLY COPY).

The authoritative reference and input builder live on the scoring server;
editing this copy changes nothing except your own understanding.
"""

import jax, jax.numpy as jnp
import numpy as np

N = 10000
E = 320000
F_IN = 128
H = 128


def setup_inputs(seed: int = 0) -> dict:
    key = jax.random.key(seed)
    ks = jax.random.split(key, 16)
    x = jax.random.normal(ks[0], (N, F_IN), dtype=jnp.float32)
    edge_index = jax.random.randint(ks[1], (2, E), 0, N, dtype=jnp.int32)
    def w(k, shape):
        fan_in = shape[0]
        return jax.random.normal(k, shape, dtype=jnp.float32) / jnp.sqrt(fan_in)
    # estimator = GCN(nfeat, nhid, 1): gc1, gc2, fc
    W1e = w(ks[2], (F_IN, H)); b1e = jnp.zeros((H,), jnp.float32)
    W2e = w(ks[3], (H, H));    b2e = jnp.zeros((H,), jnp.float32)
    Wfe = w(ks[4], (H, 1));    bfe = jnp.zeros((1,), jnp.float32)
    # GNN = GCN_Body(nfeat, nhid): gc1, gc2
    W1g = w(ks[5], (F_IN, H)); b1g = jnp.zeros((H,), jnp.float32)
    W2g = w(ks[6], (H, H));    b2g = jnp.zeros((H,), jnp.float32)
    # classifier = Linear(nhid, 1)
    Wc = w(ks[7], (H, 1));     bc = jnp.zeros((1,), jnp.float32)
    return {
        "x": x, "edge_index": edge_index,
        "W1e": W1e, "b1e": b1e, "W2e": W2e, "b2e": b2e, "Wfe": Wfe, "bfe": bfe,
        "W1g": W1g, "b1g": b1g, "W2g": W2g, "b2g": b2g, "Wc": Wc, "bc": bc,
    }


def _graph_conv(x, W, b, src, dst):
    # DGL GraphConv with norm='both', allow_zero_in_degree=True:
    # h = D_out^{-1/2} -> A^T aggregate -> D_in^{-1/2}, degrees clamped to min 1
    deg_out = jnp.zeros((N,), jnp.float32).at[src].add(1.0)
    deg_in = jnp.zeros((N,), jnp.float32).at[dst].add(1.0)
    deg_out = jnp.maximum(deg_out, 1.0)
    deg_in = jnp.maximum(deg_in, 1.0)
    h = x @ W
    h = h * (1.0 / jnp.sqrt(deg_out))[:, None]
    agg = jnp.zeros((N, h.shape[1]), h.dtype).at[dst].add(h[src])
    out = agg * (1.0 / jnp.sqrt(deg_in))[:, None]
    return out + b


def reference(x, edge_index, W1e, b1e, W2e, b2e, Wfe, bfe, W1g, b1g, W2g, b2g, Wc, bc):
    src = edge_index[0]
    dst = edge_index[1]
    # estimator: GCN -> s
    hs = jax.nn.relu(_graph_conv(x, W1e, b1e, src, dst))
    hs = _graph_conv(hs, W2e, b2e, src, dst)  # dropout is identity in eval
    s = hs @ Wfe + bfe
    # GNN: GCN_Body -> z
    z = jax.nn.relu(_graph_conv(x, W1g, b1g, src, dst))
    z = _graph_conv(z, W2g, b2g, src, dst)
    y = z @ Wc + bc
    return (y, s)

if __name__ == "__main__":
    import jax
    _d = setup_inputs()
    print(jax.jit(kernel)(*tuple(_d.values())))

</pallas_src>

<mosaic_0001>
#map = affine_map<(d0, d1) -> (0)>
module attributes {stable_mosaic.version = 14 : i64} {
  func.func @_degree_kernel(%arg0: i32, %arg1: i32, %arg2: memref<643072xi32, #tpu.memory_space<hbm>>, %arg3: memref<20000xf32, #tpu.memory_space<hbm>>, %arg4: memref<20096xi32, #tpu.memory_space<vmem>>, %arg5: memref<128xf32, #tpu.memory_space<vmem>>, %arg6: memref<128xf32, #tpu.memory_space<vmem>>, %arg7: memref<1024xf32, #tpu.memory_space<vmem>>, %arg8: memref<10008xf32, #tpu.memory_space<vmem_shared>>, %arg9: memref<!tpu.dma_semaphore, #tpu.memory_space<semaphore_mem>>) attributes {dimension_semantics = [#tpu.dimension_semantics<core_parallel>, #tpu.dimension_semantics<subcore_parallel>], iteration_bounds = array<i64: 2, 16>, scalar_prefetch = 0 : i64, scratch_operands = 6 : i64, tpu.core_type = #tpu.core_type<sc_vector_subcore>, window_params = [{transform_indices = #map}, {transform_indices = #map}]} {
    %broadcast_in_dim3A = arith.constant 1.000000e+00 : f32
    %broadcast_in_dim3A_0 = vector.broadcast %broadcast_in_dim3A : f32 to vector<16xf32>
    %scan3A = arith.constant 0 : i32
    %scan3A_1 = arith.constant 0 : i32
    %scan3A_2 = arith.constant 8 : i32
    %scan3A_3 = arith.addi %scan3A_1, %scan3A_2 : i32
    %scan3A_4 = arith.constant 1 : i32
    %scan3A_5 = scf.for %scan3A_110 = %scan3A_1 to %scan3A_3 step %scan3A_4 iter_args(%scan3A_111 = %scan3A) -> (i32)  : i32 {
      %mul3A_112 = arith.constant 16 : i32
      %mul3A_113 = arith.muli %scan3A_110, %mul3A_112 : i32
      %add3A_114 = arith.constant 0 : i32
      %add3A_115 = arith.addi %add3A_114, %mul3A_113 : i32
      %swap3A = arith.index_cast %add3A_115 : i32 to index
      %swap3A_116 = tpu.vector_load %arg5[%swap3A] {strides = array<i32>} : memref<128xf32, #tpu.memory_space<vmem>>, vector<16xf32>,
      %swap3A_117 = vector.shape_cast %swap3A_116 : vector<16xf32> to vector<16xf32>
      %swap3A_118 = vector.shape_cast %broadcast_in_dim3A_0 : vector<16xf32> to vector<16xf32>
      tpu.vector_store %arg5[%swap3A], %swap3A_118 {strides = array<i32>} : memref<128xf32, #tpu.memory_space<vmem>>, vector<16xf32>,
      %scan3A_119 = arith.constant 0 : i32
      scf.yield %scan3A_119 : i32
    }
    %scan3A_6 = arith.constant 8 : i32
    %broadcast_in_dim3A_7 = arith.constant 1.000000e+00 : f32
    %broadcast_in_dim3A_8 = vector.broadcast %broadcast_in_dim3A_7 : f32 to vector<16xf32>
    %scan3A_9 = arith.constant 0 : i32
    %scan3A_10 = arith.constant 0 : i32
    %scan3A_11 = arith.constant 2 : i32
    %scan3A_12 = arith.addi %scan3A_10, %scan3A_11 : i32
    %scan3A_13 = arith.constant 1 : i32
    %scan3A_14 = scf.for %scan3A_110 = %scan3A_10 to %scan3A_12 step %scan3A_13 iter_args(%scan3A_111 = %scan3A_9) -> (i32)  : i32 {
      %mul3A_112 = arith.constant 16 : i32
      %mul3A_113 = arith.muli %scan3A_110, %mul3A_112 : i32
      %add3A_114 = arith.constant 0 : i32
      %add3A_115 = arith.addi %add3A_114, %mul3A_113 : i32
      %swap3A = arith.index_cast %add3A_115 : i32 to index
      %swap3A_116 = tpu.vector_load %arg6[%swap3A] {strides = array<i32>} : memref<128xf32, #tpu.memory_space<vmem>>, vector<16xf32>,
      %swap3A_117 = vector.shape_cast %swap3A_116 : vector<16xf32> to vector<16xf32>
      %swap3A_118 = vector.shape_cast %broadcast_in_dim3A_8 : vector<16xf32> to vector<16xf32>
      tpu.vector_store %arg6[%swap3A], %swap3A_118 {strides = array<i32>} : memref<128xf32, #tpu.memory_space<vmem>>, vector<16xf32>,
      %scan3A_119 = arith.constant 0 : i32
      scf.yield %scan3A_119 : i32
    }
    %scan3A_15 = arith.constant 2 : i32
    %broadcast_in_dim3A_16 = arith.constant 0.000000e+00 : f32
    %broadcast_in_dim3A_17 = vector.broadcast %broadcast_in_dim3A_16 : f32 to vector<16xf32>
    %scan3A_18 = arith.constant 0 : i32
    %scan3A_19 = arith.constant 0 : i32
    %scan3A_20 = arith.constant 6 : i32
    %scan3A_21 = arith.addi %scan3A_19, %scan3A_20 : i32
    %scan3A_22 = arith.constant 1 : i32
    %scan3A_23 = scf.for %scan3A_110 = %scan3A_19 to %scan3A_21 step %scan3A_22 iter_args(%scan3A_111 = %scan3A_18) -> (i32)  : i32 {
      %mul3A_112 = arith.constant 16 : i32
      %mul3A_113 = arith.muli %scan3A_110, %mul3A_112 : i32
      %add3A_114 = arith.constant 32 : i32
      %add3A_115 = arith.addi %add3A_114, %mul3A_113 : i32
      %swap3A = arith.index_cast %add3A_115 : i32 to index
      %swap3A_116 = tpu.vector_load %arg6[%swap3A] {strides = array<i32>} : memref<128xf32, #tpu.memory_space<vmem>>, vector<16xf32>,
      %swap3A_117 = vector.shape_cast %swap3A_116 : vector<16xf32> to vector<16xf32>
      %swap3A_118 = vector.shape_cast %broadcast_in_dim3A_17 : vector<16xf32> to vector<16xf32>
      tpu.vector_store %arg6[%swap3A], %swap3A_118 {strides = array<i32>} : memref<128xf32, #tpu.memory_space<vmem>>, vector<16xf32>,
      %scan3A_119 = arith.constant 0 : i32
      scf.yield %scan3A_119 : i32
    }
    %scan3A_24 = arith.constant 6 : i32
    %broadcast_in_dim3A_25 = arith.constant 0.000000e+00 : f32
    %broadcast_in_dim3A_26 = vector.broadcast %broadcast_in_dim3A_25 : f32 to vector<16xf32>
    %scan3A_27 = arith.constant 0 : i32
    %scan3A_28 = arith.constant 0 : i32
    %scan3A_29 = arith.constant 64 : i32
    %scan3A_30 = arith.addi %scan3A_28, %scan3A_29 : i32
    %scan3A_31 = arith.constant 1 : i32
    %scan3A_32 = scf.for %scan3A_110 = %scan3A_28 to %scan3A_30 step %scan3A_31 iter_args(%scan3A_111 = %scan3A_27) -> (i32)  : i32 {
      %mul3A_112 = arith.constant 16 : i32
      %mul3A_113 = arith.muli %scan3A_110, %mul3A_112 : i32
      %add3A_114 = arith.constant 0 : i32
      %add3A_115 = arith.addi %add3A_114, %mul3A_113 : i32
      %swap3A = arith.index_cast %add3A_115 : i32 to index
      %swap3A_116 = tpu.vector_load %arg7[%swap3A] {strides = array<i32>} : memref<1024xf32, #tpu.memory_space<vmem>>, vector<16xf32>,
      %swap3A_117 = vector.shape_cast %swap3A_116 : vector<16xf32> to vector<16xf32>
      %swap3A_118 = vector.shape_cast %broadcast_in_dim3A_26 : vector<16xf32> to vector<16xf32>
      tpu.vector_store %arg7[%swap3A], %swap3A_118 {strides = array<i32>} : memref<1024xf32, #tpu.memory_space<vmem>>, vector<16xf32>,
      %scan3A_119 = arith.constant 0 : i32
      scf.yield %scan3A_119 : i32
    }
    %scan3A_33 = arith.constant 64 : i32
    %lt3A = arith.constant 10 : i32
    %lt3A_34 = arith.cmpi slt, %arg1, %lt3A : i32
    %convert_element_type3A = arith.extui %lt3A_34 : i1 to i32
    %cond3A = arith.constant 0 : i32
    %cond3A_35 = arith.cmpi ne, %convert_element_type3A, %cond3A : i32
    scf.if %cond3A_35 {
      %mul3A_110 = arith.constant 1000 : i32
      %mul3A_111 = arith.muli %arg1, %mul3A_110 : i32
      "tpu.region"() ({
        %run_scoped3A = tpu.sem_alloc : memref<!tpu.dma_semaphore, #tpu.memory_space<semaphore_mem>>
        %dma_start3A_112 = arith.constant 0 : i32
        %dma_start3A_113 = tpu.memref_slice %arg7[%dma_start3A_112] : memref<1024xf32, #tpu.memory_space<vmem>> -> memref<1000xf32, #tpu.memory_space<vmem>>
        %dma_start3A_114 = tpu.memref_slice %arg8[%mul3A_111] : memref<10008xf32, #tpu.memory_space<vmem_shared>> -> memref<1000xf32, #tpu.memory_space<vmem_shared>>
        %dma_start3A_115 = tpu.memref_slice %arg8[%mul3A_111] : memref<10008xf32, #tpu.memory_space<vmem_shared>> -> memref<1000xf32, #tpu.memory_space<vmem_shared>>
        %dma_start3A_116 = arith.constant 0 : i32
        %dma_start3A_117 = tpu.memref_slice %arg7[%dma_start3A_116] : memref<1024xf32, #tpu.memory_space<vmem>> -> memref<1000xf32, #tpu.memory_space<vmem>>
        tpu.enqueue_dma source(%dma_start3A_117 : memref<1000xf32, #tpu.memory_space<vmem>>) target(%dma_start3A_115 : memref<1000xf32, #tpu.memory_space<vmem_shared>>) target_semaphore(%run_scoped3A : memref<!tpu.dma_semaphore, #tpu.memory_space<semaphore_mem>>)
        %dma_wait3A_118 = arith.constant 0 : i32
        %dma_wait3A_119 = tpu.memref_slice %arg7[%dma_wait3A_118] : memref<1024xf32, #tpu.memory_space<vmem>> -> memref<1000xf32, #tpu.memory_space<vmem>>
        %dma_wait3A_120 = tpu.memref_slice %arg8[%mul3A_111] : memref<10008xf32, #tpu.memory_space<vmem_shared>> -> memref<1000xf32, #tpu.memory_space<vmem_shared>>
        %dma_wait3A_121 = tpu.memref_slice %arg8[%mul3A_111] : memref<10008xf32, #tpu.memory_space<vmem_shared>> -> memref<1000xf32, #tpu.memory_space<vmem_shared>>
        %dma_wait3A_122 = arith.constant 0 : i32
        %dma_wait3A_123 = tpu.memref_slice %arg7[%dma_wait3A_122] : memref<1024xf32, #tpu.memory_space<vmem>> -> memref<1000xf32, #tpu.memory_space<vmem>>
        tpu.wait_dma2 semaphore(%run_scoped3A : memref<!tpu.dma_semaphore, #tpu.memory_space<semaphore_mem>>) src(%dma_wait3A_123 : memref<1000xf32, #tpu.memory_space<vmem>>) dst(%dma_wait3A_121 : memref<1000xf32, #tpu.memory_space<vmem_shared>>)
        tpu.yield
      }) : () -> ()
    } else {
    }
    %eq3A = arith.constant 10 : i32
    %eq3A_36 = arith.cmpi eq, %arg1, %eq3A : i32
    %convert_element_type3A_37 = arith.extui %eq3A_36 : i1 to i32
    %cond3A_38 = arith.constant 0 : i32
    %cond3A_39 = arith.cmpi ne, %convert_element_type3A_37, %cond3A_38 : i32
    scf.if %cond3A_39 {
      "tpu.region"() ({
        %run_scoped3A = tpu.sem_alloc : memref<!tpu.dma_semaphore, #tpu.memory_space<semaphore_mem>>
        %dma_start3A_110 = arith.constant 0 : i32
        %dma_start3A_111 = tpu.memref_slice %arg7[%dma_start3A_110] : memref<1024xf32, #tpu.memory_space<vmem>> -> memref<8xf32, #tpu.memory_space<vmem>>
        %dma_start3A_112 = arith.constant 10000 : i32
        %dma_start3A_113 = tpu.memref_slice %arg8[%dma_start3A_112] : memref<10008xf32, #tpu.memory_space<vmem_shared>> -> memref<8xf32, #tpu.memory_space<vmem_shared>>
        %dma_start3A_114 = arith.constant 10000 : i32
        %dma_start3A_115 = tpu.memref_slice %arg8[%dma_start3A_114] : memref<10008xf32, #tpu.memory_space<vmem_shared>> -> memref<8xf32, #tpu.memory_space<vmem_shared>>
        %dma_start3A_116 = arith.constant 0 : i32
        %dma_start3A_117 = tpu.memref_slice %arg7[%dma_start3A_116] : memref<1024xf32, #tpu.memory_space<vmem>> -> memref<8xf32, #tpu.memory_space<vmem>>
        tpu.enqueue_dma source(%dma_start3A_117 : memref<8xf32, #tpu.memory_space<vmem>>) target(%dma_start3A_115 : memref<8xf32, #tpu.memory_space<vmem_shared>>) target_semaphore(%run_scoped3A : memref<!tpu.dma_semaphore, #tpu.memory_space<semaphore_mem>>)
        %dma_wait3A_118 = arith.constant 0 : i32
        %dma_wait3A_119 = tpu.memref_slice %arg7[%dma_wait3A_118] : memref<1024xf32, #tpu.memory_space<vmem>> -> memref<8xf32, #tpu.memory_space<vmem>>
        %dma_wait3A_120 = arith.constant 10000 : i32
        %dma_wait3A_121 = tpu.memref_slice %arg8[%dma_wait3A_120] : memref<10008xf32, #tpu.memory_space<vmem_shared>> -> memref<8xf32, #tpu.memory_space<vmem_shared>>
        %dma_wait3A_122 = arith.constant 10000 : i32
        %dma_wait3A_123 = tpu.memref_slice %arg8[%dma_wait3A_122] : memref<10008xf32, #tpu.memory_space<vmem_shared>> -> memref<8xf32, #tpu.memory_space<vmem_shared>>
        %dma_wait3A_124 = arith.constant 0 : i32
        %dma_wait3A_125 = tpu.memref_slice %arg7[%dma_wait3A_124] : memref<1024xf32, #tpu.memory_space<vmem>> -> memref<8xf32, #tpu.memory_space<vmem>>
        tpu.wait_dma2 semaphore(%run_scoped3A : memref<!tpu.dma_semaphore, #tpu.memory_space<semaphore_mem>>) src(%dma_wait3A_125 : memref<8xf32, #tpu.memory_space<vmem>>) dst(%dma_wait3A_123 : memref<8xf32, #tpu.memory_space<vmem_shared>>)
        tpu.yield
      }) : () -> ()
    } else {
    }
    %mul3A = arith.constant 16 : i32
    %mul3A_40 = arith.muli %arg0, %mul3A : i32
    %add3A = arith.addi %mul3A_40, %arg1 : i32
    %mul3A_41 = arith.constant 20096 : i32
    %mul3A_42 = arith.muli %add3A, %mul3A_41 : i32
    "tpu.region"() ({
      %run_scoped3A = tpu.sem_alloc : memref<!tpu.dma_semaphore, #tpu.memory_space<semaphore_mem>>
      %dma_start3A_110 = tpu.memref_slice %arg2[%mul3A_42] : memref<643072xi32, #tpu.memory_space<hbm>> -> memref<20096xi32, #tpu.memory_space<hbm>>
      %dma_start3A_111 = tpu.memref_slice %arg2[%mul3A_42] : memref<643072xi32, #tpu.memory_space<hbm>> -> memref<20096xi32, #tpu.memory_space<hbm>>
      tpu.enqueue_dma source(%dma_start3A_111 : memref<20096xi32, #tpu.memory_space<hbm>>) target(%arg4 : memref<20096xi32, #tpu.memory_space<vmem>>) target_semaphore(%run_scoped3A : memref<!tpu.dma_semaphore, #tpu.memory_space<semaphore_mem>>)
      %dma_wait3A_112 = tpu.memref_slice %arg2[%mul3A_42] : memref<643072xi32, #tpu.memory_space<hbm>> -> memref<20096xi32, #tpu.memory_space<hbm>>
      %dma_wait3A_113 = tpu.memref_slice %arg2[%mul3A_42] : memref<643072xi32, #tpu.memory_space<hbm>> -> memref<20096xi32, #tpu.memory_space<hbm>>
      tpu.wait_dma2 semaphore(%run_scoped3A : memref<!tpu.dma_semaphore, #tpu.memory_space<semaphore_mem>>) src(%dma_wait3A_113 : memref<20096xi32, #tpu.memory_space<hbm>>) dst(%arg4 : memref<20096xi32, #tpu.memory_space<vmem>>)
      tpu.yield
    }) : () -> ()
    %barrier3A = arith.constant 0 : index
    tpu.barrier barrier_id(%barrier3A)
    %scan3A_43 = arith.constant 0 : i32
    %scan3A_44 = arith.constant 0 : i32
    %scan3A_45 = arith.constant 15 : i32
    %scan3A_46 = arith.addi %scan3A_44, %scan3A_45 : i32
    %scan3A_47 = arith.constant 1 : i32
    %scan3A_48 = scf.for %scan3A_110 = %scan3A_44 to %scan3A_46 step %scan3A_47 iter_args(%scan3A_111 = %scan3A_43) -> (i32)  : i32 {
      %mul3A_112 = arith.constant 10 : i32
      %mul3A_113 = arith.muli %scan3A_110, %mul3A_112 : i32
      %add3A_114 = arith.constant 0 : i32
      %add3A_115 = arith.addi %mul3A_113, %add3A_114 : i32
      %mul3A_116 = arith.constant 128 : i32
      %mul3A_117 = arith.muli %add3A_115, %mul3A_116 : i32
      %dma_start3A_118 = tpu.memref_slice %arg4[%mul3A_117] : memref<20096xi32, #tpu.memory_space<vmem>> -> memref<128xi32, #tpu.memory_space<vmem>>
      %dma_start3A_119 = arith.constant 0 : i32
      %dma_start3A_120 = tpu.memref_slice %arg8[%dma_start3A_119] : memref<10008xf32, #tpu.memory_space<vmem_shared>> -> memref<10008xf32, #tpu.memory_space<vmem_shared>>
      tpu.enqueue_indirect_dma source(%arg5 : memref<128xf32, #tpu.memory_space<vmem>>) target(%dma_start3A_120 : memref<10008xf32, #tpu.memory_space<vmem_shared>>) offsets(%dma_start3A_118 : memref<128xi32, #tpu.memory_space<vmem>>) semaphore(%arg9 : memref<!tpu.dma_semaphore, #tpu.memory_space<semaphore_mem>>) {add = true}
      %mul3A_121 = arith.constant 10 : i32
      %mul3A_122 = arith.muli %scan3A_110, %mul3A_121 : i32
      %add3A_123 = arith.constant 1 : i32
      %add3A_124 = arith.addi %mul3A_122, %add3A_123 : i32
      %mul3A_125 = arith.constant 128 : i32
      %mul3A_126 = arith.muli %add3A_124, %mul3A_125 : i32
      %dma_start3A_127 = tpu.memref_slice %arg4[%mul3A_126] : memref<20096xi32, #tpu.memory_space<vmem>> -> memref<128xi32, #tpu.memory_space<vmem>>
      %dma_start3A_128 = arith.constant 0 : i32
      %dma_start3A_129 = tpu.memref_slice %arg8[%dma_start3A_128] : memref<10008xf32, #tpu.memory_space<vmem_shared>> -> memref<10008xf32, #tpu.memory_space<vmem_shared>>
      tpu.enqueue_indirect_dma source(%arg5 : memref<128xf32, #tpu.memory_space<vmem>>) target(%dma_start3A_129 : memref<10008xf32, #tpu.memory_space<vmem_shared>>) offsets(%dma_start3A_127 : memref<128xi32, #tpu.memory_space<vmem>>) semaphore(%arg9 : memref<!tpu.dma_semaphore, #tpu.memory_space<semaphore_mem>>) {add = true}
      %mul3A_130 = arith.constant 10 : i32
      %mul3A_131 = arith.muli %scan3A_110, %mul3A_130 : i32
      %add3A_132 = arith.constant 2 : i32
      %add3A_133 = arith.addi %mul3A_131, %add3A_132 : i32
      %mul3A_134 = arith.constant 128 : i32
      %mul3A_135 = arith.muli %add3A_133, %mul3A_134 : i32
      %dma_start3A_136 = tpu.memref_slice %arg4[%mul3A_135] : memref<20096xi32, #tpu.memory_space<vmem>> -> memref<128xi32, #tpu.memory_space<vmem>>
      %dma_start3A_137 = arith.constant 0 : i32
      %dma_start3A_138 = tpu.memref_slice %arg8[%dma_start3A_137] : memref<10008xf32, #tpu.memory_space<vmem_shared>> -> memref<10008xf32, #tpu.memory_space<vmem_shared>>
      tpu.enqueue_indirect_dma source(%arg5 : memref<128xf32, #tpu.memory_space<vmem>>) target(%dma_start3A_138 : memref<10008xf32, #tpu.memory_space<vmem_shared>>) offsets(%dma_start3A_136 : memref<128xi32, #tpu.memory_space<vmem>>) semaphore(%arg9 : memref<!tpu.dma_semaphore, #tpu.memory_space<semaphore_mem>>) {add = true}
      %mul3A_139 = arith.constant 10 : i32
      %mul3A_140 = arith.muli %scan3A_110, %mul3A_139 : i32
      %add3A_141 = arith.constant 3 : i32
      %add3A_142 = arith.addi %mul3A_140, %add3A_141 : i32
      %mul3A_143 = arith.constant 128 : i32
      %mul3A_144 = arith.muli %add3A_142, %mul3A_143 : i32
      %dma_start3A_145 = tpu.memref_slice %arg4[%mul3A_144] : memref<20096xi32, #tpu.memory_space<vmem>> -> memref<128xi32, #tpu.memory_space<vmem>>
      %dma_start3A_146 = arith.constant 0 : i32
      %dma_start3A_147 = tpu.memref_slice %arg8[%dma_start3A_146] : memref<10008xf32, #tpu.memory_space<vmem_shared>> -> memref<10008xf32, #tpu.memory_space<vmem_shared>>
      tpu.enqueue_indirect_dma source(%arg5 : memref<128xf32, #tpu.memory_space<vmem>>) target(%dma_start3A_147 : memref<10008xf32, #tpu.memory_space<vmem_shared>>) offsets(%dma_start3A_145 : memref<128xi32, #tpu.memory_space<vmem>>) semaphore(%arg9 : memref<!tpu.dma_semaphore, #tpu.memory_space<semaphore_mem>>) {add = true}
      %mul3A_148 = arith.constant 10 : i32
      %mul3A_149 = arith.muli %scan3A_110, %mul3A_148 : i32
      %add3A_150 = arith.constant 4 : i32
      %add3A_151 = arith.addi %mul3A_149, %add3A_150 : i32
      %mul3A_152 = arith.constant 128 : i32
      %mul3A_153 = arith.muli %add3A_151, %mul3A_152 : i32
      %dma_start3A_154 = tpu.memref_slice %arg4[%mul3A_153] : memref<20096xi32, #tpu.memory_space<vmem>> -> memref<128xi32, #tpu.memory_space<vmem>>
      %dma_start3A_155 = arith.constant 0 : i32
      %dma_start3A_156 = tpu.memref_slice %arg8[%dma_start3A_155] : memref<10008xf32, #tpu.memory_space<vmem_shared>> -> memref<10008xf32, #tpu.memory_space<vmem_shared>>
      tpu.enqueue_indirect_dma source(%arg5 : memref<128xf32, #tpu.memory_space<vmem>>) target(%dma_start3A_156 : memref<10008xf32, #tpu.memory_space<vmem_shared>>) offsets(%dma_start3A_154 : memref<128xi32, #tpu.memory_space<vmem>>) semaphore(%arg9 : memref<!tpu.dma_semaphore, #tpu.memory_space<semaphore_mem>>) {add = true}
      %mul3A_157 = arith.constant 10 : i32
      %mul3A_158 = arith.muli %scan3A_110, %mul3A_157 : i32
      %add3A_159 = arith.constant 5 : i32
      %add3A_160 = arith.addi %mul3A_158, %add3A_159 : i32
      %mul3A_161 = arith.constant 128 : i32
      %mul3A_162 = arith.muli %add3A_160, %mul3A_161 : i32
      %dma_start3A_163 = tpu.memref_slice %arg4[%mul3A_162] : memref<20096xi32, #tpu.memory_space<vmem>> -> memref<128xi32, #tpu.memory_space<vmem>>
      %dma_start3A_164 = arith.constant 0 : i32
      %dma_start3A_165 = tpu.memref_slice %arg8[%dma_start3A_164] : memref<10008xf32, #tpu.memory_space<vmem_shared>> -> memref<10008xf32, #tpu.memory_space<vmem_shared>>
      tpu.enqueue_indirect_dma source(%arg5 : memref<128xf32, #tpu.memory_space<vmem>>) target(%dma_start3A_165 : memref<10008xf32, #tpu.memory_space<vmem_shared>>) offsets(%dma_start3A_163 : memref<128xi32, #tpu.memory_space<vmem>>) semaphore(%arg9 : memref<!tpu.dma_semaphore, #tpu.memory_space<semaphore_mem>>) {add = true}
      %mul3A_166 = arith.constant 10 : i32
      %mul3A_167 = arith.muli %scan3A_110, %mul3A_166 : i32
      %add3A_168 = arith.constant 6 : i32
      %add3A_169 = arith.addi %mul3A_167, %add3A_168 : i32
      %mul3A_170 = arith.constant 128 : i32
      %mul3A_171 = arith.muli %add3A_169, %mul3A_170 : i32
      %dma_start3A_172 = tpu.memref_slice %arg4[%mul3A_171] : memref<20096xi32, #tpu.memory_space<vmem>> -> memref<128xi32, #tpu.memory_space<vmem>>
      %dma_start3A_173 = arith.constant 0 : i32
      %dma_start3A_174 = tpu.memref_slice %arg8[%dma_start3A_173] : memref<10008xf32, #tpu.memory_space<vmem_shared>> -> memref<10008xf32, #tpu.memory_space<vmem_shared>>
      tpu.enqueue_indirect_dma source(%arg5 : memref<128xf32, #tpu.memory_space<vmem>>) target(%dma_start3A_174 : memref<10008xf32, #tpu.memory_space<vmem_shared>>) offsets(%dma_start3A_172 : memref<128xi32, #tpu.memory_space<vmem>>) semaphore(%arg9 : memref<!tpu.dma_semaphore, #tpu.memory_space<semaphore_mem>>) {add = true}
      %mul3A_175 = arith.constant 10 : i32
      %mul3A_176 = arith.muli %scan3A_110, %mul3A_175 : i32
      %add3A_177 = arith.constant 7 : i32
      %add3A_178 = arith.addi %mul3A_176, %add3A_177 : i32
      %mul3A_179 = arith.constant 128 : i32
      %mul3A_180 = arith.muli %add3A_178, %mul3A_179 : i32
      %dma_start3A_181 = tpu.memref_slice %arg4[%mul3A_180] : memref<20096xi32, #tpu.memory_space<vmem>> -> memref<128xi32, #tpu.memory_space<vmem>>
      %dma_start3A_182 = arith.constant 0 : i32
      %dma_start3A_183 = tpu.memref_slice %arg8[%dma_start3A_182] : memref<10008xf32, #tpu.memory_space<vmem_shared>> -> memref<10008xf32, #tpu.memory_space<vmem_shared>>
      tpu.enqueue_indirect_dma source(%arg5 : memref<128xf32, #tpu.memory_space<vmem>>) target(%dma_start3A_183 : memref<10008xf32, #tpu.memory_space<vmem_shared>>) offsets(%dma_start3A_181 : memref<128xi32, #tpu.memory_space<vmem>>) semaphore(%arg9 : memref<!tpu.dma_semaphore, #tpu.memory_space<semaphore_mem>>) {add = true}
      %mul3A_184 = arith.constant 10 : i32
      %mul3A_185 = arith.muli %scan3A_110, %mul3A_184 : i32
      %add3A_186 = arith.constant 8 : i32
      %add3A_187 = arith.addi %mul3A_185, %add3A_186 : i32
      %mul3A_188 = arith.constant 128 : i32
      %mul3A_189 = arith.muli %add3A_187, %mul3A_188 : i32
      %dma_start3A_190 = tpu.memref_slice %arg4[%mul3A_189] : memref<20096xi32, #tpu.memory_space<vmem>> -> memref<128xi32, #tpu.memory_space<vmem>>
      %dma_start3A_191 = arith.constant 0 : i32
      %dma_start3A_192 = tpu.memref_slice %arg8[%dma_start3A_191] : memref<10008xf32, #tpu.memory_space<vmem_shared>> -> memref<10008xf32, #tpu.memory_space<vmem_shared>>
      tpu.enqueue_indirect_dma source(%arg5 : memref<128xf32, #tpu.memory_space<vmem>>) target(%dma_start3A_192 : memref<10008xf32, #tpu.memory_space<vmem_shared>>) offsets(%dma_start3A_190 : memref<128xi32, #tpu.memory_space<vmem>>) semaphore(%arg9 : memref<!tpu.dma_semaphore, #tpu.memory_space<semaphore_mem>>) {add = true}
      %mul3A_193 = arith.constant 10 : i32
      %mul3A_194 = arith.muli %scan3A_110, %mul3A_193 : i32
      %add3A_195 = arith.constant 9 : i32
      %add3A_196 = arith.addi %mul3A_194, %add3A_195 : i32
      %mul3A_197 = arith.constant 128 : i32
      %mul3A_198 = arith.muli %add3A_196, %mul3A_197 : i32
      %dma_start3A_199 = tpu.memref_slice %arg4[%mul3A_198] : memref<20096xi32, #tpu.memory_space<vmem>> -> memref<128xi32, #tpu.memory_space<vmem>>
      %dma_start3A_200 = arith.constant 0 : i32
      %dma_start3A_201 = tpu.memref_slice %arg8[%dma_start3A_200] : memref<10008xf32, #tpu.memory_space<vmem_shared>> -> memref<10008xf32, #tpu.memory_space<vmem_shared>>
      tpu.enqueue_indirect_dma source(%arg5 : memref<128xf32, #tpu.memory_space<vmem>>) target(%dma_start3A_201 : memref<10008xf32, #tpu.memory_space<vmem_shared>>) offsets(%dma_start3A_199 : memref<128xi32, #tpu.memory_space<vmem>>) semaphore(%arg9 : memref<!tpu.dma_semaphore, #tpu.memory_space<semaphore_mem>>) {add = true}
      %mul3A_202 = arith.constant 10 : i32
      %mul3A_203 = arith.muli %scan3A_110, %mul3A_202 : i32
      %add3A_204 = arith.constant 0 : i32
      %add3A_205 = arith.addi %mul3A_203, %add3A_204 : i32
      %mul3A_206 = arith.constant 128 : i32
      %mul3A_207 = arith.muli %add3A_205, %mul3A_206 : i32
      %dma_wait3A_208 = tpu.memref_slice %arg4[%mul3A_207] : memref<20096xi32, #tpu.memory_space<vmem>> -> memref<128xi32, #tpu.memory_space<vmem>>
      %dma_wait3A_209 = arith.constant 0 : i32
      %dma_wait3A_210 = tpu.memref_slice %arg8[%dma_wait3A_209] : memref<10008xf32, #tpu.memory_space<vmem_shared>> -> memref<10008xf32, #tpu.memory_space<vmem_shared>>
      tpu.wait_indirect_dma semaphore(%arg9 : memref<!tpu.dma_semaphore, #tpu.memory_space<semaphore_mem>>) src(%arg5 : memref<128xf32, #tpu.memory_space<vmem>>) dst(%dma_wait3A_210 : memref<10008xf32, #tpu.memory_space<vmem_shared>>)
      %mul3A_211 = arith.constant 10 : i32
      %mul3A_212 = arith.muli %scan3A_110, %mul3A_211 : i32
      %add3A_213 = arith.constant 1 : i32
      %add3A_214 = arith.addi %mul3A_212, %add3A_213 : i32
      %mul3A_215 = arith.constant 128 : i32
      %mul3A_216 = arith.muli %add3A_214, %mul3A_215 : i32
      %dma_wait3A_217 = tpu.memref_slice %arg4[%mul3A_216] : memref<20096xi32, #tpu.memory_space<vmem>> -> memref<128xi32, #tpu.memory_space<vmem>>
      %dma_wait3A_218 = arith.constant 0 : i32
      %dma_wait3A_219 = tpu.memref_slice %arg8[%dma_wait3A_218] : memref<10008xf32, #tpu.memory_space<vmem_shared>> -> memref<10008xf32, #tpu.memory_space<vmem_shared>>
      tpu.wait_indirect_dma semaphore(%arg9 : memref<!tpu.dma_semaphore, #tpu.memory_space<semaphore_mem>>) src(%arg5 : memref<128xf32, #tpu.memory_space<vmem>>) dst(%dma_wait3A_219 : memref<10008xf32, #tpu.memory_space<vmem_shared>>)
      %mul3A_220 = arith.constant 10 : i32
      %mul3A_221 = arith.muli %scan3A_110, %mul3A_220 : i32
      %add3A_222 = arith.constant 2 : i32
      %add3A_223 = arith.addi %mul3A_221, %add3A_222 : i32
      %mul3A_224 = arith.constant 128 : i32
      %mul3A_225 = arith.muli %add3A_223, %mul3A_224 : i32
      %dma_wait3A_226 = tpu.memref_slice %arg4[%mul3A_225] : memref<20096xi32, #tpu.memory_space<vmem>> -> memref<128xi32, #tpu.memory_space<vmem>>
      %dma_wait3A_227 = arith.constant 0 : i32
      %dma_wait3A_228 = tpu.memref_slice %arg8[%dma_wait3A_227] : memref<10008xf32, #tpu.memory_space<vmem_shared>> -> memref<10008xf32, #tpu.memory_space<vmem_shared>>
      tpu.wait_indirect_dma semaphore(%arg9 : memref<!tpu.dma_semaphore, #tpu.memory_space<semaphore_mem>>) src(%arg5 : memref<128xf32, #tpu.memory_space<vmem>>) dst(%dma_wait3A_228 : memref<10008xf32, #tpu.memory_space<vmem_shared>>)
      %mul3A_229 = arith.constant 10 : i32
      %mul3A_230 = arith.muli %scan3A_110, %mul3A_229 : i32
      %add3A_231 = arith.constant 3 : i32
      %add3A_232 = arith.addi %mul3A_230, %add3A_231 : i32
      %mul3A_233 = arith.constant 128 : i32
      %mul3A_234 = arith.muli %add3A_232, %mul3A_233 : i32
      %dma_wait3A_235 = tpu.memref_slice %arg4[%mul3A_234] : memref<20096xi32, #tpu.memory_space<vmem>> -> memref<128xi32, #tpu.memory_space<vmem>>
      %dma_wait3A_236 = arith.constant 0 : i32
      %dma_wait3A_237 = tpu.memref_slice %arg8[%dma_wait3A_236] : memref<10008xf32, #tpu.memory_space<vmem_shared>> -> memref<10008xf32, #tpu.memory_space<vmem_shared>>
      tpu.wait_indirect_dma semaphore(%arg9 : memref<!tpu.dma_semaphore, #tpu.memory_space<semaphore_mem>>) src(%arg5 : memref<128xf32, #tpu.memory_space<vmem>>) dst(%dma_wait3A_237 : memref<10008xf32, #tpu.memory_space<vmem_shared>>)
      %mul3A_238 = arith.constant 10 : i32
      %mul3A_239 = arith.muli %scan3A_110, %mul3A_238 : i32
      %add3A_240 = arith.constant 4 : i32
      %add3A_241 = arith.addi %mul3A_239, %add3A_240 : i32
      %mul3A_242 = arith.constant 128 : i32
      %mul3A_243 = arith.muli %add3A_241, %mul3A_242 : i32
      %dma_wait3A_244 = tpu.memref_slice %arg4[%mul3A_243] : memref<20096xi32, #tpu.memory_space<vmem>> -> memref<128xi32, #tpu.memory_space<vmem>>
      %dma_wait3A_245 = arith.constant 0 : i32
      %dma_wait3A_246 = tpu.memref_slice %arg8[%dma_wait3A_245] : memref<10008xf32, #tpu.memory_space<vmem_shared>> -> memref<10008xf32, #tpu.memory_space<vmem_shared>>
      tpu.wait_indirect_dma semaphore(%arg9 : memref<!tpu.dma_semaphore, #tpu.memory_space<semaphore_mem>>) src(%arg5 : memref<128xf32, #tpu.memory_space<vmem>>) dst(%dma_wait3A_246 : memref<10008xf32, #tpu.memory_space<vmem_shared>>)
      %mul3A_247 = arith.constant 10 : i32
      %mul3A_248 = arith.muli %scan3A_110, %mul3A_247 : i32
      %add3A_249 = arith.constant 5 : i32
      %add3A_250 = arith.addi %mul3A_248, %add3A_249 : i32
      %mul3A_251 = arith.constant 128 : i32
      %mul3A_252 = arith.muli %add3A_250, %mul3A_251 : i32
      %dma_wait3A_253 = tpu.memref_slice %arg4[%mul3A_252] : memref<20096xi32, #tpu.memory_space<vmem>> -> memref<128xi32, #tpu.memory_space<vmem>>
      %dma_wait3A_254 = arith.constant 0 : i32
      %dma_wait3A_255 = tpu.memref_slice %arg8[%dma_wait3A_254] : memref<10008xf32, #tpu.memory_space<vmem_shared>> -> memref<10008xf32, #tpu.memory_space<vmem_shared>>
      tpu.wait_indirect_dma semaphore(%arg9 : memref<!tpu.dma_semaphore, #tpu.memory_space<semaphore_mem>>) src(%arg5 : memref<128xf32, #tpu.memory_space<vmem>>) dst(%dma_wait3A_255 : memref<10008xf32, #tpu.memory_space<vmem_shared>>)
      %mul3A_256 = arith.constant 10 : i32
      %mul3A_257 = arith.muli %scan3A_110, %mul3A_256 : i32
      %add3A_258 = arith.constant 6 : i32
      %add3A_259 = arith.addi %mul3A_257, %add3A_258 : i32
      %mul3A_260 = arith.constant 128 : i32
      %mul3A_261 = arith.muli %add3A_259, %mul3A_260 : i32
      %dma_wait3A_262 = tpu.memref_slice %arg4[%mul3A_261] : memref<20096xi32, #tpu.memory_space<vmem>> -> memref<128xi32, #tpu.memory_space<vmem>>
      %dma_wait3A_263 = arith.constant 0 : i32
      %dma_wait3A_264 = tpu.memref_slice %arg8[%dma_wait3A_263] : memref<10008xf32, #tpu.memory_space<vmem_shared>> -> memref<10008xf32, #tpu.memory_space<vmem_shared>>
      tpu.wait_indirect_dma semaphore(%arg9 : memref<!tpu.dma_semaphore, #tpu.memory_space<semaphore_mem>>) src(%arg5 : memref<128xf32, #tpu.memory_space<vmem>>) dst(%dma_wait3A_264 : memref<10008xf32, #tpu.memory_space<vmem_shared>>)
      %mul3A_265 = arith.constant 10 : i32
      %mul3A_266 = arith.muli %scan3A_110, %mul3A_265 : i32
      %add3A_267 = arith.constant 7 : i32
      %add3A_268 = arith.addi %mul3A_266, %add3A_267 : i32
      %mul3A_269 = arith.constant 128 : i32
      %mul3A_270 = arith.muli %add3A_268, %mul3A_269 : i32
      %dma_wait3A_271 = tpu.memref_slice %arg4[%mul3A_270] : memref<20096xi32, #tpu.memory_space<vmem>> -> memref<128xi32, #tpu.memory_space<vmem>>
      %dma_wait3A_272 = arith.constant 0 : i32
      %dma_wait3A_273 = tpu.memref_slice %arg8[%dma_wait3A_272] : memref<10008xf32, #tpu.memory_space<vmem_shared>> -> memref<10008xf32, #tpu.memory_space<vmem_shared>>
      tpu.wait_indirect_dma semaphore(%arg9 : memref<!tpu.dma_semaphore, #tpu.memory_space<semaphore_mem>>) src(%arg5 : memref<128xf32, #tpu.memory_space<vmem>>) dst(%dma_wait3A_273 : memref<10008xf32, #tpu.memory_space<vmem_shared>>)
      %mul3A_274 = arith.constant 10 : i32
      %mul3A_275 = arith.muli %scan3A_110, %mul3A_274 : i32
      %add3A_276 = arith.constant 8 : i32
      %add3A_277 = arith.addi %mul3A_275, %add3A_276 : i32
      %mul3A_278 = arith.constant 128 : i32
      %mul3A_279 = arith.muli %add3A_277, %mul3A_278 : i32
      %dma_wait3A_280 = tpu.memref_slice %arg4[%mul3A_279] : memref<20096xi32, #tpu.memory_space<vmem>> -> memref<128xi32, #tpu.memory_space<vmem>>
      %dma_wait3A_281 = arith.constant 0 : i32
      %dma_wait3A_282 = tpu.memref_slice %arg8[%dma_wait3A_281] : memref<10008xf32, #tpu.memory_space<vmem_shared>> -> memref<10008xf32, #tpu.memory_space<vmem_shared>>
      tpu.wait_indirect_dma semaphore(%arg9 : memref<!tpu.dma_semaphore, #tpu.memory_space<semaphore_mem>>) src(%arg5 : memref<128xf32, #tpu.memory_space<vmem>>) dst(%dma_wait3A_282 : memref<10008xf32, #tpu.memory_space<vmem_shared>>)
      %mul3A_283 = arith.constant 10 : i32
      %mul3A_284 = arith.muli %scan3A_110, %mul3A_283 : i32
      %add3A_285 = arith.constant 9 : i32
      %add3A_286 = arith.addi %mul3A_284, %add3A_285 : i32
      %mul3A_287 = arith.constant 128 : i32
      %mul3A_288 = arith.muli %add3A_286, %mul3A_287 : i32
      %dma_wait3A_289 = tpu.memref_slice %arg4[%mul3A_288] : memref<20096xi32, #tpu.memory_space<vmem>> -> memref<128xi32, #tpu.memory_space<vmem>>
      %dma_wait3A_290 = arith.constant 0 : i32
      %dma_wait3A_291 = tpu.memref_slice %arg8[%dma_wait3A_290] : memref<10008xf32, #tpu.memory_space<vmem_shared>> -> memref<10008xf32, #tpu.memory_space<vmem_shared>>
      tpu.wait_indirect_dma semaphore(%arg9 : memref<!tpu.dma_semaphore, #tpu.memory_space<semaphore_mem>>) src(%arg5 : memref<128xf32, #tpu.memory_space<vmem>>) dst(%dma_wait3A_291 : memref<10008xf32, #tpu.memory_space<vmem_shared>>)
      %scan3A_292 = arith.constant 0 : i32
      scf.yield %scan3A_292 : i32
    }
    %scan3A_49 = arith.constant 15 : i32
    %dma_start3A = arith.constant 19200 : i32
    %dma_start3A_50 = tpu.memref_slice %arg4[%dma_start3A] : memref<20096xi32, #tpu.memory_space<vmem>> -> memref<128xi32, #tpu.memory_space<vmem>>
    %dma_start3A_51 = arith.constant 0 : i32
    %dma_start3A_52 = tpu.memref_slice %arg8[%dma_start3A_51] : memref<10008xf32, #tpu.memory_space<vmem_shared>> -> memref<10008xf32, #tpu.memory_space<vmem_shared>>
    tpu.enqueue_indirect_dma source(%arg5 : memref<128xf32, #tpu.memory_space<vmem>>) target(%dma_start3A_52 : memref<10008xf32, #tpu.memory_space<vmem_shared>>) offsets(%dma_start3A_50 : memref<128xi32, #tpu.memory_space<vmem>>) semaphore(%arg9 : memref<!tpu.dma_semaphore, #tpu.memory_space<semaphore_mem>>) {add = true}
    %dma_start3A_53 = arith.constant 19328 : i32
    %dma_start3A_54 = tpu.memref_slice %arg4[%dma_start3A_53] : memref<20096xi32, #tpu.memory_space<vmem>> -> memref<128xi32, #tpu.memory_space<vmem>>
    %dma_start3A_55 = arith.constant 0 : i32
    %dma_start3A_56 = tpu.memref_slice %arg8[%dma_start3A_55] : memref<10008xf32, #tpu.memory_space<vmem_shared>> -> memref<10008xf32, #tpu.memory_space<vmem_shared>>
    tpu.enqueue_indirect_dma source(%arg5 : memref<128xf32, #tpu.memory_space<vmem>>) target(%dma_start3A_56 : memref<10008xf32, #tpu.memory_space<vmem_shared>>) offsets(%dma_start3A_54 : memref<128xi32, #tpu.memory_space<vmem>>) semaphore(%arg9 : memref<!tpu.dma_semaphore, #tpu.memory_space<semaphore_mem>>) {add = true}
    %dma_start3A_57 = arith.constant 19456 : i32
    %dma_start3A_58 = tpu.memref_slice %arg4[%dma_start3A_57] : memref<20096xi32, #tpu.memory_space<vmem>> -> memref<128xi32, #tpu.memory_space<vmem>>
    %dma_start3A_59 = arith.constant 0 : i32
    %dma_start3A_60 = tpu.memref_slice %arg8[%dma_start3A_59] : memref<10008xf32, #tpu.memory_space<vmem_shared>> -> memref<10008xf32, #tpu.memory_space<vmem_shared>>
    tpu.enqueue_indirect_dma source(%arg5 : memref<128xf32, #tpu.memory_space<vmem>>) target(%dma_start3A_60 : memref<10008xf32, #tpu.memory_space<vmem_shared>>) offsets(%dma_start3A_58 : memref<128xi32, #tpu.memory_space<vmem>>) semaphore(%arg9 : memref<!tpu.dma_semaphore, #tpu.memory_space<semaphore_mem>>) {add = true}
    %dma_start3A_61 = arith.constant 19584 : i32
    %dma_start3A_62 = tpu.memref_slice %arg4[%dma_start3A_61] : memref<20096xi32, #tpu.memory_space<vmem>> -> memref<128xi32, #tpu.memory_space<vmem>>
    %dma_start3A_63 = arith.constant 0 : i32
    %dma_start3A_64 = tpu.memref_slice %arg8[%dma_start3A_63] : memref<10008xf32, #tpu.memory_space<vmem_shared>> -> memref<10008xf32, #tpu.memory_space<vmem_shared>>
    tpu.enqueue_indirect_dma source(%arg5 : memref<128xf32, #tpu.memory_space<vmem>>) target(%dma_start3A_64 : memref<10008xf32, #tpu.memory_space<vmem_shared>>) offsets(%dma_start3A_62 : memref<128xi32, #tpu.memory_space<vmem>>) semaphore(%arg9 : memref<!tpu.dma_semaphore, #tpu.memory_space<semaphore_mem>>) {add = true}
    %dma_start3A_65 = arith.constant 19712 : i32
    %dma_start3A_66 = tpu.memref_slice %arg4[%dma_start3A_65] : memref<20096xi32, #tpu.memory_space<vmem>> -> memref<128xi32, #tpu.memory_space<vmem>>
    %dma_start3A_67 = arith.constant 0 : i32
    %dma_start3A_68 = tpu.memref_slice %arg8[%dma_start3A_67] : memref<10008xf32, #tpu.memory_space<vmem_shared>> -> memref<10008xf32, #tpu.memory_space<vmem_shared>>
    tpu.enqueue_indirect_dma source(%arg5 : memref<128xf32, #tpu.memory_space<vmem>>) target(%dma_start3A_68 : memref<10008xf32, #tpu.memory_space<vmem_shared>>) offsets(%dma_start3A_66 : memref<128xi32, #tpu.memory_space<vmem>>) semaphore(%arg9 : memref<!tpu.dma_semaphore, #tpu.memory_space<semaphore_mem>>) {add = true}
    %dma_start3A_69 = arith.constant 19840 : i32
    %dma_start3A_70 = tpu.memref_slice %arg4[%dma_start3A_69] : memref<20096xi32, #tpu.memory_space<vmem>> -> memref<128xi32, #tpu.memory_space<vmem>>
    %dma_start3A_71 = arith.constant 0 : i32
    %dma_start3A_72 = tpu.memref_slice %arg8[%dma_start3A_71] : memref<10008xf32, #tpu.memory_space<vmem_shared>> -> memref<10008xf32, #tpu.memory_space<vmem_shared>>
    tpu.enqueue_indirect_dma source(%arg5 : memref<128xf32, #tpu.memory_space<vmem>>) target(%dma_start3A_72 : memref<10008xf32, #tpu.memory_space<vmem_shared>>) offsets(%dma_start3A_70 : memref<128xi32, #tpu.memory_space<vmem>>) semaphore(%arg9 : memref<!tpu.dma_semaphore, #tpu.memory_space<semaphore_mem>>) {add = true}
    %dma_start3A_73 = arith.constant 19968 : i32
    %dma_start3A_74 = tpu.memref_slice %arg4[%dma_start3A_73] : memref<20096xi32, #tpu.memory_space<vmem>> -> memref<128xi32, #tpu.memory_space<vmem>>
    %dma_start3A_75 = arith.constant 0 : i32
    %dma_start3A_76 = tpu.memref_slice %arg8[%dma_start3A_75] : memref<10008xf32, #tpu.memory_space<vmem_shared>> -> memref<10008xf32, #tpu.memory_space<vmem_shared>>
    tpu.enqueue_indirect_dma source(%arg6 : memref<128xf32, #tpu.memory_space<vmem>>) target(%dma_start3A_76 : memref<10008xf32, #tpu.memory_space<vmem_shared>>) offsets(%dma_start3A_74 : memref<128xi32, #tpu.memory_space<vmem>>) semaphore(%arg9 : memref<!tpu.dma_semaphore, #tpu.memory_space<semaphore_mem>>) {add = true}
    %dma_wait3A = arith.constant 19200 : i32
    %dma_wait3A_77 = tpu.memref_slice %arg4[%dma_wait3A] : memref<20096xi32, #tpu.memory_space<vmem>> -> memref<128xi32, #tpu.memory_space<vmem>>
    %dma_wait3A_78 = arith.constant 0 : i32
    %dma_wait3A_79 = tpu.memref_slice %arg8[%dma_wait3A_78] : memref<10008xf32, #tpu.memory_space<vmem_shared>> -> memref<10008xf32, #tpu.memory_space<vmem_shared>>
    tpu.wait_indirect_dma semaphore(%arg9 : memref<!tpu.dma_semaphore, #tpu.memory_space<semaphore_mem>>) src(%arg5 : memref<128xf32, #tpu.memory_space<vmem>>) dst(%dma_wait3A_79 : memref<10008xf32, #tpu.memory_space<vmem_shared>>)
    %dma_wait3A_80 = arith.constant 19328 : i32
    %dma_wait3A_81 = tpu.memref_slice %arg4[%dma_wait3A_80] : memref<20096xi32, #tpu.memory_space<vmem>> -> memref<128xi32, #tpu.memory_space<vmem>>
    %dma_wait3A_82 = arith.constant 0 : i32
    %dma_wait3A_83 = tpu.memref_slice %arg8[%dma_wait3A_82] : memref<10008xf32, #tpu.memory_space<vmem_shared>> -> memref<10008xf32, #tpu.memory_space<vmem_shared>>
    tpu.wait_indirect_dma semaphore(%arg9 : memref<!tpu.dma_semaphore, #tpu.memory_space<semaphore_mem>>) src(%arg5 : memref<128xf32, #tpu.memory_space<vmem>>) dst(%dma_wait3A_83 : memref<10008xf32, #tpu.memory_space<vmem_shared>>)
    %dma_wait3A_84 = arith.constant 19456 : i32
    %dma_wait3A_85 = tpu.memref_slice %arg4[%dma_wait3A_84] : memref<20096xi32, #tpu.memory_space<vmem>> -> memref<128xi32, #tpu.memory_space<vmem>>
    %dma_wait3A_86 = arith.constant 0 : i32
    %dma_wait3A_87 = tpu.memref_slice %arg8[%dma_wait3A_86] : memref<10008xf32, #tpu.memory_space<vmem_shared>> -> memref<10008xf32, #tpu.memory_space<vmem_shared>>
    tpu.wait_indirect_dma semaphore(%arg9 : memref<!tpu.dma_semaphore, #tpu.memory_space<semaphore_mem>>) src(%arg5 : memref<128xf32, #tpu.memory_space<vmem>>) dst(%dma_wait3A_87 : memref<10008xf32, #tpu.memory_space<vmem_shared>>)
    %dma_wait3A_88 = arith.constant 19584 : i32
    %dma_wait3A_89 = tpu.memref_slice %arg4[%dma_wait3A_88] : memref<20096xi32, #tpu.memory_space<vmem>> -> memref<128xi32, #tpu.memory_space<vmem>>
    %dma_wait3A_90 = arith.constant 0 : i32
    %dma_wait3A_91 = tpu.memref_slice %arg8[%dma_wait3A_90] : memref<10008xf32, #tpu.memory_space<vmem_shared>> -> memref<10008xf32, #tpu.memory_space<vmem_shared>>
    tpu.wait_indirect_dma semaphore(%arg9 : memref<!tpu.dma_semaphore, #tpu.memory_space<semaphore_mem>>) src(%arg5 : memref<128xf32, #tpu.memory_space<vmem>>) dst(%dma_wait3A_91 : memref<10008xf32, #tpu.memory_space<vmem_shared>>)
    %dma_wait3A_92 = arith.constant 19712 : i32
    %dma_wait3A_93 = tpu.memref_slice %arg4[%dma_wait3A_92] : memref<20096xi32, #tpu.memory_space<vmem>> -> memref<128xi32, #tpu.memory_space<vmem>>
    %dma_wait3A_94 = arith.constant 0 : i32
    %dma_wait3A_95 = tpu.memref_slice %arg8[%dma_wait3A_94] : memref<10008xf32, #tpu.memory_space<vmem_shared>> -> memref<10008xf32, #tpu.memory_space<vmem_shared>>
    tpu.wait_indirect_dma semaphore(%arg9 : memref<!tpu.dma_semaphore, #tpu.memory_space<semaphore_mem>>) src(%arg5 : memref<128xf32, #tpu.memory_space<vmem>>) dst(%dma_wait3A_95 : memref<10008xf32, #tpu.memory_space<vmem_shared>>)
    %dma_wait3A_96 = arith.constant 19840 : i32
    %dma_wait3A_97 = tpu.memref_slice %arg4[%dma_wait3A_96] : memref<20096xi32, #tpu.memory_space<vmem>> -> memref<128xi32, #tpu.memory_space<vmem>>
    %dma_wait3A_98 = arith.constant 0 : i32
    %dma_wait3A_99 = tpu.memref_slice %arg8[%dma_wait3A_98] : memref<10008xf32, #tpu.memory_space<vmem_shared>> -> memref<10008xf32, #tpu.memory_space<vmem_shared>>
    tpu.wait_indirect_dma semaphore(%arg9 : memref<!tpu.dma_semaphore, #tpu.memory_space<semaphore_mem>>) src(%arg5 : memref<128xf32, #tpu.memory_space<vmem>>) dst(%dma_wait3A_99 : memref<10008xf32, #tpu.memory_space<vmem_shared>>)
    %dma_wait3A_100 = arith.constant 19968 : i32
    %dma_wait3A_101 = tpu.memref_slice %arg4[%dma_wait3A_100] : memref<20096xi32, #tpu.memory_space<vmem>> -> memref<128xi32, #tpu.memory_space<vmem>>
    %dma_wait3A_102 = arith.constant 0 : i32
    %dma_wait3A_103 = tpu.memref_slice %arg8[%dma_wait3A_102] : memref<10008xf32, #tpu.memory_space<vmem_shared>> -> memref<10008xf32, #tpu.memory_space<vmem_shared>>
    tpu.wait_indirect_dma semaphore(%arg9 : memref<!tpu.dma_semaphore, #tpu.memory_space<semaphore_mem>>) src(%arg6 : memref<128xf32, #tpu.memory_space<vmem>>) dst(%dma_wait3A_103 : memref<10008xf32, #tpu.memory_space<vmem_shared>>)
    %barrier3A_104 = arith.constant 0 : index
    tpu.barrier barrier_id(%barrier3A_104)
    %lt3A_105 = arith.constant 10 : i32
    %lt3A_106 = arith.cmpi slt, %arg1, %lt3A_105 : i32
    %convert_element_type3A_107 = arith.extui %lt3A_106 : i1 to i32
    %cond3A_108 = arith.constant 0 : i32
    %cond3A_109 = arith.cmpi ne, %convert_element_type3A_107, %cond3A_108 : i32
    scf.if %cond3A_109 {
      %mul3A_110 = arith.constant 1000 : i32
      %mul3A_111 = arith.muli %arg1, %mul3A_110 : i32
      "tpu.region"() ({
        %run_scoped3A = tpu.sem_alloc : memref<!tpu.dma_semaphore, #tpu.memory_space<semaphore_mem>>
        %dma_start3A_117 = arith.constant 0 : i32
        %dma_start3A_118 = tpu.memref_slice %arg7[%dma_start3A_117] : memref<1024xf32, #tpu.memory_space<vmem>> -> memref<1000xf32, #tpu.memory_space<vmem>>
        %dma_start3A_119 = tpu.memref_slice %arg8[%mul3A_111] : memref<10008xf32, #tpu.memory_space<vmem_shared>> -> memref<1000xf32, #tpu.memory_space<vmem_shared>>
        %dma_start3A_120 = arith.constant 0 : i32
        %dma_start3A_121 = tpu.memref_slice %arg7[%dma_start3A_120] : memref<1024xf32, #tpu.memory_space<vmem>> -> memref<1000xf32, #tpu.memory_space<vmem>>
        %dma_start3A_122 = tpu.memref_slice %arg8[%mul3A_111] : memref<10008xf32, #tpu.memory_space<vmem_shared>> -> memref<1000xf32, #tpu.memory_space<vmem_shared>>
        tpu.enqueue_dma source(%dma_start3A_122 : memref<1000xf32, #tpu.memory_space<vmem_shared>>) target(%dma_start3A_121 : memref<1000xf32, #tpu.memory_space<vmem>>) target_semaphore(%run_scoped3A : memref<!tpu.dma_semaphore, #tpu.memory_space<semaphore_mem>>)
        %dma_wait3A_123 = arith.constant 0 : i32
        %dma_wait3A_124 = tpu.memref_slice %arg7[%dma_wait3A_123] : memref<1024xf32, #tpu.memory_space<vmem>> -> memref<1000xf32, #tpu.memory_space<vmem>>
        %dma_wait3A_125 = tpu.memref_slice %arg8[%mul3A_111] : memref<10008xf32, #tpu.memory_space<vmem_shared>> -> memref<1000xf32, #tpu.memory_space<vmem_shared>>
        %dma_wait3A_126 = arith.constant 0 : i32
        %dma_wait3A_127 = tpu.memref_slice %arg7[%dma_wait3A_126] : memref<1024xf32, #tpu.memory_space<vmem>> -> memref<1000xf32, #tpu.memory_space<vmem>>
        %dma_wait3A_128 = tpu.memref_slice %arg8[%mul3A_111] : memref<10008xf32, #tpu.memory_space<vmem_shared>> -> memref<1000xf32, #tpu.memory_space<vmem_shared>>
        tpu.wait_dma2 semaphore(%run_scoped3A : memref<!tpu.dma_semaphore, #tpu.memory_space<semaphore_mem>>) src(%dma_wait3A_128 : memref<1000xf32, #tpu.memory_space<vmem_shared>>) dst(%dma_wait3A_127 : memref<1000xf32, #tpu.memory_space<vmem>>)
        tpu.yield
      }) : () -> ()
      %mul3A_112 = arith.constant 10000 : i32
      %mul3A_113 = arith.muli %arg0, %mul3A_112 : i32
      %mul3A_114 = arith.constant 1000 : i32
      %mul3A_115 = arith.muli %arg1, %mul3A_114 : i32
      %add3A_116 = arith.addi %mul3A_113, %mul3A_115 : i32
      "tpu.region"() ({
        %run_scoped3A = tpu.sem_alloc : memref<!tpu.dma_semaphore, #tpu.memory_space<semaphore_mem>>
        %dma_start3A_117 = arith.constant 0 : i32
        %dma_start3A_118 = tpu.memref_slice %arg7[%dma_start3A_117] : memref<1024xf32, #tpu.memory_space<vmem>> -> memref<1000xf32, #tpu.memory_space<vmem>>
        %dma_start3A_119 = tpu.memref_slice %arg3[%add3A_116] : memref<20000xf32, #tpu.memory_space<hbm>> -> memref<1000xf32, #tpu.memory_space<hbm>>
        %dma_start3A_120 = tpu.memref_slice %arg3[%add3A_116] : memref<20000xf32, #tpu.memory_space<hbm>> -> memref<1000xf32, #tpu.memory_space<hbm>>
        %dma_start3A_121 = arith.constant 0 : i32
        %dma_start3A_122 = tpu.memref_slice %arg7[%dma_start3A_121] : memref<1024xf32, #tpu.memory_space<vmem>> -> memref<1000xf32, #tpu.memory_space<vmem>>
        tpu.enqueue_dma source(%dma_start3A_122 : memref<1000xf32, #tpu.memory_space<vmem>>) target(%dma_start3A_120 : memref<1000xf32, #tpu.memory_space<hbm>>) target_semaphore(%run_scoped3A : memref<!tpu.dma_semaphore, #tpu.memory_space<semaphore_mem>>)
        %dma_wait3A_123 = arith.constant 0 : i32
        %dma_wait3A_124 = tpu.memref_slice %arg7[%dma_wait3A_123] : memref<1024xf32, #tpu.memory_space<vmem>> -> memref<1000xf32, #tpu.memory_space<vmem>>
        %dma_wait3A_125 = tpu.memref_slice %arg3[%add3A_116] : memref<20000xf32, #tpu.memory_space<hbm>> -> memref<1000xf32, #tpu.memory_space<hbm>>
        %dma_wait3A_126 = tpu.memref_slice %arg3[%add3A_116] : memref<20000xf32, #tpu.memory_space<hbm>> -> memref<1000xf32, #tpu.memory_space<hbm>>
        %dma_wait3A_127 = arith.constant 0 : i32
        %dma_wait3A_128 = tpu.memref_slice %arg7[%dma_wait3A_127] : memref<1024xf32, #tpu.memory_space<vmem>> -> memref<1000xf32, #tpu.memory_space<vmem>>
        tpu.wait_dma2 semaphore(%run_scoped3A : memref<!tpu.dma_semaphore, #tpu.memory_space<semaphore_mem>>) src(%dma_wait3A_128 : memref<1000xf32, #tpu.memory_space<vmem>>) dst(%dma_wait3A_126 : memref<1000xf32, #tpu.memory_space<hbm>>)
        tpu.yield
      }) : () -> ()
    } else {
    }
    return
  }
}

#map = affine_map<(d0, d1) -> (0)>
#map1 = affine_map<(d0, d1) -> (0, 0)>
#map2 = affine_map<(d0, d1) -> (0, 0, 0)>
module attributes {stable_mosaic.version = 14 : i64} {
  func.func @_agg_kernel(%arg0: i32, %arg1: i32, %arg2: memref<643328xi32, #tpu.memory_space<hbm>>, %arg3: memref<321792xi32, #tpu.memory_space<hbm>>, %arg4: memref<20000x128xf32, #tpu.memory_space<hbm>>, %arg5: memref<2x10000x128xf32, #tpu.memory_space<hbm>>, %arg6: memref<384xi32, #tpu.memory_space<vmem>>, %arg7: memref<384xi32, #tpu.memory_space<vmem>>, %arg8: memref<384xi32, #tpu.memory_space<vmem>>, %arg9: memref<384xi32, #tpu.memory_space<vmem>>, %arg10: memref<128x128xf32, #tpu.memory_space<vmem>>, %arg11: memref<128x128xf32, #tpu.memory_space<vmem>>, %arg12: memref<128x128xf32, #tpu.memory_space<vmem>>, %arg13: memref<10008x128xf32, #tpu.memory_space<vmem_shared>>, %arg14: memref<!tpu.dma_semaphore, #tpu.memory_space<semaphore_mem>>, %arg15: memref<!tpu.dma_semaphore, #tpu.memory_space<semaphore_mem>>, %arg16: memref<!tpu.dma_semaphore, #tpu.memory_space<semaphore_mem>>, %arg17: memref<!tpu.dma_semaphore, #tpu.memory_space<semaphore_mem>>, %arg18: memref<!tpu.dma_semaphore, #tpu.memory_space<semaphore_mem>>, %arg19: memref<!tpu.dma_semaphore, #tpu.memory_space<semaphore_mem>>, %arg20: memref<!tpu.dma_semaphore, #tpu.memory_space<semaphore_mem>>, %arg21: memref<!tpu.dma_semaphore, #tpu.memory_space<semaphore_mem>>) attributes {dimension_semantics = [#tpu.dimension_semantics<core_parallel>, #tpu.dimension_semantics<subcore_parallel>], iteration_bounds = array<i64: 2, 16>, scalar_prefetch = 0 : i64, scratch_operands = 16 : i64, tpu.core_type = #tpu.core_type<sc_vector_subcore>, window_params = [{transform_indices = #map}, {transform_indices = #map}, {transform_indices = #map1}, {transform_indices = #map2}]} {
    %mul3A = arith.constant 16 : i32
    %mul3A_0 = arith.muli %arg0, %mul3A : i32
    %add3A = arith.addi %mul3A_0, %arg1 : i32
    %broadcast_in_dim3A = arith.constant 0.000000e+00 : f32
    %broadcast_in_dim3A_1 = vector.broadcast %broadcast_in_dim3A : f32 to vector<16xf32>
    %scan3A = arith.constant 0 : i32
    %scan3A_2 = arith.constant 0 : i32
    %scan3A_3 = arith.constant 128 : i32
    %scan3A_4 = arith.addi %scan3A_2, %scan3A_3 : i32
    %scan3A_5 = arith.constant 1 : i32
    %scan3A_6 = scf.for %scan3A_81 = %scan3A_2 to %scan3A_4 step %scan3A_5 iter_args(%scan3A_82 = %scan3A) -> (i32)  : i32 {
      %swap3A = arith.index_cast %scan3A_81 : i32 to index
      %swap3A_83 = arith.constant 0 : index
      %swap3A_84 = tpu.vector_load %arg10[%swap3A, %swap3A_83] {strides = array<i32>} : memref<128x128xf32, #tpu.memory_space<vmem>>, vector<1x16xf32>,
      %swap3A_85 = vector.shape_cast %swap3A_84 : vector<1x16xf32> to vector<16xf32>
      %swap3A_86 = vector.shape_cast %broadcast_in_dim3A_1 : vector<16xf32> to vector<1x16xf32>
      tpu.vector_store %arg10[%swap3A, %swap3A_83], %swap3A_86 {strides = array<i32>} : memref<128x128xf32, #tpu.memory_space<vmem>>, vector<1x16xf32>,
      %swap3A_87 = arith.index_cast %scan3A_81 : i32 to index
      %swap3A_88 = arith.constant 16 : index
      %swap3A_89 = tpu.vector_load %arg10[%swap3A_87, %swap3A_88] {strides = array<i32>} : memref<128x128xf32, #tpu.memory_space<vmem>>, vector<1x16xf32>,
      %swap3A_90 = vector.shape_cast %swap3A_89 : vector<1x16xf32> to vector<16xf32>
      %swap3A_91 = vector.shape_cast %broadcast_in_dim3A_1 : vector<16xf32> to vector<1x16xf32>
      tpu.vector_store %arg10[%swap3A_87, %swap3A_88], %swap3A_91 {strides = array<i32>} : memref<128x128xf32, #tpu.memory_space<vmem>>, vector<1x16xf32>,
      %swap3A_92 = arith.index_cast %scan3A_81 : i32 to index
      %swap3A_93 = arith.constant 32 : index
      %swap3A_94 = tpu.vector_load %arg10[%swap3A_92, %swap3A_93] {strides = array<i32>} : memref<128x128xf32, #tpu.memory_space<vmem>>, vector<1x16xf32>,
      %swap3A_95 = vector.shape_cast %swap3A_94 : vector<1x16xf32> to vector<16xf32>
      %swap3A_96 = vector.shape_cast %broadcast_in_dim3A_1 : vector<16xf32> to vector<1x16xf32>
      tpu.vector_store %arg10[%swap3A_92, %swap3A_93], %swap3A_96 {strides = array<i32>} : memref<128x128xf32, #tpu.memory_space<vmem>>, vector<1x16xf32>,
      %swap3A_97 = arith.index_cast %scan3A_81 : i32 to index
      %swap3A_98 = arith.constant 48 : index
      %swap3A_99 = tpu.vector_load %arg10[%swap3A_97, %swap3A_98] {strides = array<i32>} : memref<128x128xf32, #tpu.memory_space<vmem>>, vector<1x16xf32>,
      %swap3A_100 = vector.shape_cast %swap3A_99 : vector<1x16xf32> to vector<16xf32>
      %swap3A_101 = vector.shape_cast %broadcast_in_dim3A_1 : vector<16xf32> to vector<1x16xf32>
      tpu.vector_store %arg10[%swap3A_97, %swap3A_98], %swap3A_101 {strides = array<i32>} : memref<128x128xf32, #tpu.memory_space<vmem>>, vector<1x16xf32>,
      %swap3A_102 = arith.index_cast %scan3A_81 : i32 to index
      %swap3A_103 = arith.constant 64 : index
      %swap3A_104 = tpu.vector_load %arg10[%swap3A_102, %swap3A_103] {strides = array<i32>} : memref<128x128xf32, #tpu.memory_space<vmem>>, vector<1x16xf32>,
      %swap3A_105 = vector.shape_cast %swap3A_104 : vector<1x16xf32> to vector<16xf32>
      %swap3A_106 = vector.shape_cast %broadcast_in_dim3A_1 : vector<16xf32> to vector<1x16xf32>
      tpu.vector_store %arg10[%swap3A_102, %swap3A_103], %swap3A_106 {strides = array<i32>} : memref<128x128xf32, #tpu.memory_space<vmem>>, vector<1x16xf32>,
      %swap3A_107 = arith.index_cast %scan3A_81 : i32 to index
      %swap3A_108 = arith.constant 80 : index
      %swap3A_109 = tpu.vector_load %arg10[%swap3A_107, %swap3A_108] {strides = array<i32>} : memref<128x128xf32, #tpu.memory_space<vmem>>, vector<1x16xf32>,
      %swap3A_110 = vector.shape_cast %swap3A_109 : vector<1x16xf32> to vector<16xf32>
      %swap3A_111 = vector.shape_cast %broadcast_in_dim3A_1 : vector<16xf32> to vector<1x16xf32>
      tpu.vector_store %arg10[%swap3A_107, %swap3A_108], %swap3A_111 {strides = array<i32>} : memref<128x128xf32, #tpu.memory_space<vmem>>, vector<1x16xf32>,
      %swap3A_112 = arith.index_cast %scan3A_81 : i32 to index
      %swap3A_113 = arith.constant 96 : index
      %swap3A_114 = tpu.vector_load %arg10[%swap3A_112, %swap3A_113] {strides = array<i32>} : memref<128x128xf32, #tpu.memory_space<vmem>>, vector<1x16xf32>,
      %swap3A_115 = vector.shape_cast %swap3A_114 : vector<1x16xf32> to vector<16xf32>
      %swap3A_116 = vector.shape_cast %broadcast_in_dim3A_1 : vector<16xf32> to vector<1x16xf32>
      tpu.vector_store %arg10[%swap3A_112, %swap3A_113], %swap3A_116 {strides = array<i32>} : memref<128x128xf32, #tpu.memory_space<vmem>>, vector<1x16xf32>,
      %swap3A_117 = arith.index_cast %scan3A_81 : i32 to index
      %swap3A_118 = arith.constant 112 : index
      %swap3A_119 = tpu.vector_load %arg10[%swap3A_117, %swap3A_118] {strides = array<i32>} : memref<128x128xf32, #tpu.memory_space<vmem>>, vector<1x16xf32>,
      %swap3A_120 = vector.shape_cast %swap3A_119 : vector<1x16xf32> to vector<16xf32>
      %swap3A_121 = vector.shape_cast %broadcast_in_dim3A_1 : vector<16xf32> to vector<1x16xf32>
      tpu.vector_store %arg10[%swap3A_117, %swap3A_118], %swap3A_121 {strides = array<i32>} : memref<128x128xf32, #tpu.memory_space<vmem>>, vector<1x16xf32>,
      %scan3A_122 = arith.constant 0 : i32
      scf.yield %scan3A_122 : i32
    }
    %scan3A_7 = arith.constant 128 : i32
    %lt3A = arith.constant 10 : i32
    %lt3A_8 = arith.cmpi slt, %arg1, %lt3A : i32
    %convert_element_type3A = arith.extui %lt3A_8 : i1 to i32
    %cond3A = arith.constant 0 : i32
    %cond3A_9 = arith.cmpi ne, %convert_element_type3A, %cond3A : i32
    scf.if %cond3A_9 {
      %mul3A_81 = arith.constant 1000 : i32
      %mul3A_82 = arith.muli %arg1, %mul3A_81 : i32
      %add3A_83 = arith.constant 0 : i32
      %add3A_84 = arith.addi %mul3A_82, %add3A_83 : i32
      %dma_start3A_85 = arith.constant 0 : i32
      %dma_start3A_86 = tpu.memref_slice %arg13[%add3A_84, %dma_start3A_85] : memref<10008x128xf32, #tpu.memory_space<vmem_shared>> -> memref<128x128xf32, #tpu.memory_space<vmem_shared>>
      %dma_start3A_87 = arith.constant 0 : i32
      %dma_start3A_88 = tpu.memref_slice %arg13[%add3A_84, %dma_start3A_87] : memref<10008x128xf32, #tpu.memory_space<vmem_shared>> -> memref<128x128xf32, #tpu.memory_space<vmem_shared>>
      tpu.enqueue_dma source(%arg10 : memref<128x128xf32, #tpu.memory_space<vmem>>) target(%dma_start3A_88 : memref<128x128xf32, #tpu.memory_space<vmem_shared>>) target_semaphore(%arg17 : memref<!tpu.dma_semaphore, #tpu.memory_space<semaphore_mem>>)
      %mul3A_89 = arith.constant 1000 : i32
      %mul3A_90 = arith.muli %arg1, %mul3A_89 : i32
      %add3A_91 = arith.constant 128 : i32
      %add3A_92 = arith.addi %mul3A_90, %add3A_91 : i32
      %dma_start3A_93 = arith.constant 0 : i32
      %dma_start3A_94 = tpu.memref_slice %arg13[%add3A_92, %dma_start3A_93] : memref<10008x128xf32, #tpu.memory_space<vmem_shared>> -> memref<128x128xf32, #tpu.memory_space<vmem_shared>>
      %dma_start3A_95 = arith.constant 0 : i32
      %dma_start3A_96 = tpu.memref_slice %arg13[%add3A_92, %dma_start3A_95] : memref<10008x128xf32, #tpu.memory_space<vmem_shared>> -> memref<128x128xf32, #tpu.memory_space<vmem_shared>>
      tpu.enqueue_dma source(%arg10 : memref<128x128xf32, #tpu.memory_space<vmem>>) target(%dma_start3A_96 : memref<128x128xf32, #tpu.memory_space<vmem_shared>>) target_semaphore(%arg17 : memref<!tpu.dma_semaphore, #tpu.memory_space<semaphore_mem>>)
      %mul3A_97 = arith.constant 1000 : i32
      %mul3A_98 = arith.muli %arg1, %mul3A_97 : i32
      %add3A_99 = arith.constant 256 : i32
      %add3A_100 = arith.addi %mul3A_98, %add3A_99 : i32
      %dma_start3A_101 = arith.constant 0 : i32
      %dma_start3A_102 = tpu.memref_slice %arg13[%add3A_100, %dma_start3A_101] : memref<10008x128xf32, #tpu.memory_space<vmem_shared>> -> memref<128x128xf32, #tpu.memory_space<vmem_shared>>
      %dma_start3A_103 = arith.constant 0 : i32
      %dma_start3A_104 = tpu.memref_slice %arg13[%add3A_100, %dma_start3A_103] : memref<10008x128xf32, #tpu.memory_space<vmem_shared>> -> memref<128x128xf32, #tpu.memory_space<vmem_shared>>
      tpu.enqueue_dma source(%arg10 : memref<128x128xf32, #tpu.memory_space<vmem>>) target(%dma_start3A_104 : memref<128x128xf32, #tpu.memory_space<vmem_shared>>) target_semaphore(%arg17 : memref<!tpu.dma_semaphore, #tpu.memory_space<semaphore_mem>>)
      %mul3A_105 = arith.constant 1000 : i32
      %mul3A_106 = arith.muli %arg1, %mul3A_105 : i32
      %add3A_107 = arith.constant 384 : i32
      %add3A_108 = arith.addi %mul3A_106, %add3A_107 : i32
      %dma_start3A_109 = arith.constant 0 : i32
      %dma_start3A_110 = tpu.memref_slice %arg13[%add3A_108, %dma_start3A_109] : memref<10008x128xf32, #tpu.memory_space<vmem_shared>> -> memref<128x128xf32, #tpu.memory_space<vmem_shared>>
      %dma_start3A_111 = arith.constant 0 : i32
      %dma_start3A_112 = tpu.memref_slice %arg13[%add3A_108, %dma_start3A_111] : memref<10008x128xf32, #tpu.memory_space<vmem_shared>> -> memref<128x128xf32, #tpu.memory_space<vmem_shared>>
      tpu.enqueue_dma source(%arg10 : memref<128x128xf32, #tpu.memory_space<vmem>>) target(%dma_start3A_112 : memref<128x128xf32, #tpu.memory_space<vmem_shared>>) target_semaphore(%arg17 : memref<!tpu.dma_semaphore, #tpu.memory_space<semaphore_mem>>)
      %mul3A_113 = arith.constant 1000 : i32
      %mul3A_114 = arith.muli %arg1, %mul3A_113 : i32
      %add3A_115 = arith.constant 512 : i32
      %add3A_116 = arith.addi %mul3A_114, %add3A_115 : i32
      %dma_start3A_117 = arith.constant 0 : i32
      %dma_start3A_118 = tpu.memref_slice %arg13[%add3A_116, %dma_start3A_117] : memref<10008x128xf32, #tpu.memory_space<vmem_shared>> -> memref<128x128xf32, #tpu.memory_space<vmem_shared>>
      %dma_start3A_119 = arith.constant 0 : i32
      %dma_start3A_120 = tpu.memref_slice %arg13[%add3A_116, %dma_start3A_119] : memref<10008x128xf32, #tpu.memory_space<vmem_shared>> -> memref<128x128xf32, #tpu.memory_space<vmem_shared>>
      tpu.enqueue_dma source(%arg10 : memref<128x128xf32, #tpu.memory_space<vmem>>) target(%dma_start3A_120 : memref<128x128xf32, #tpu.memory_space<vmem_shared>>) target_semaphore(%arg17 : memref<!tpu.dma_semaphore, #tpu.memory_space<semaphore_mem>>)
      %mul3A_121 = arith.constant 1000 : i32
      %mul3A_122 = arith.muli %arg1, %mul3A_121 : i32
      %add3A_123 = arith.constant 640 : i32
      %add3A_124 = arith.addi %mul3A_122, %add3A_123 : i32
      %dma_start3A_125 = arith.constant 0 : i32
      %dma_start3A_126 = tpu.memref_slice %arg13[%add3A_124, %dma_start3A_125] : memref<10008x128xf32, #tpu.memory_space<vmem_shared>> -> memref<128x128xf32, #tpu.memory_space<vmem_shared>>
      %dma_start3A_127 = arith.constant 0 : i32
      %dma_start3A_128 = tpu.memref_slice %arg13[%add3A_124, %dma_start3A_127] : memref<10008x128xf32, #tpu.memory_space<vmem_shared>> -> memref<128x128xf32, #tpu.memory_space<vmem_shared>>
      tpu.enqueue_dma source(%arg10 : memref<128x128xf32, #tpu.memory_space<vmem>>) target(%dma_start3A_128 : memref<128x128xf32, #tpu.memory_space<vmem_shared>>) target_semaphore(%arg17 : memref<!tpu.dma_semaphore, #tpu.memory_space<semaphore_mem>>)
      %mul3A_129 = arith.constant 1000 : i32
      %mul3A_130 = arith.muli %arg1, %mul3A_129 : i32
      %add3A_131 = arith.constant 768 : i32
      %add3A_132 = arith.addi %mul3A_130, %add3A_131 : i32
      %dma_start3A_133 = arith.constant 0 : i32
      %dma_start3A_134 = tpu.memref_slice %arg13[%add3A_132, %dma_start3A_133] : memref<10008x128xf32, #tpu.memory_space<vmem_shared>> -> memref<128x128xf32, #tpu.memory_space<vmem_shared>>
      %dma_start3A_135 = arith.constant 0 : i32
      %dma_start3A_136 = tpu.memref_slice %arg13[%add3A_132, %dma_start3A_135] : memref<10008x128xf32, #tpu.memory_space<vmem_shared>> -> memref<128x128xf32, #tpu.memory_space<vmem_shared>>
      tpu.enqueue_dma source(%arg10 : memref<128x128xf32, #tpu.memory_space<vmem>>) target(%dma_start3A_136 : memref<128x128xf32, #tpu.memory_space<vmem_shared>>) target_semaphore(%arg17 : memref<!tpu.dma_semaphore, #tpu.memory_space<semaphore_mem>>)
      %mul3A_137 = arith.constant 1000 : i32
      %mul3A_138 = arith.muli %arg1, %mul3A_137 : i32
      %add3A_139 = arith.constant 896 : i32
      %add3A_140 = arith.addi %mul3A_138, %add3A_139 : i32
      %dma_start3A_141 = arith.constant 0 : i32
      %dma_start3A_142 = arith.constant 0 : i32
      %dma_start3A_143 = tpu.memref_slice %arg10[%dma_start3A_141, %dma_start3A_142] : memref<128x128xf32, #tpu.memory_space<vmem>> -> memref<104x128xf32, #tpu.memory_space<vmem>>
      %dma_start3A_144 = arith.constant 0 : i32
      %dma_start3A_145 = tpu.memref_slice %arg13[%add3A_140, %dma_start3A_144] : memref<10008x128xf32, #tpu.memory_space<vmem_shared>> -> memref<104x128xf32, #tpu.memory_space<vmem_shared>>
      %dma_start3A_146 = arith.constant 0 : i32
      %dma_start3A_147 = tpu.memref_slice %arg13[%add3A_140, %dma_start3A_146] : memref<10008x128xf32, #tpu.memory_space<vmem_shared>> -> memref<104x128xf32, #tpu.memory_space<vmem_shared>>
      %dma_start3A_148 = arith.constant 0 : i32
      %dma_start3A_149 = arith.constant 0 : i32
      %dma_start3A_150 = tpu.memref_slice %arg10[%dma_start3A_148, %dma_start3A_149] : memref<128x128xf32, #tpu.memory_space<vmem>> -> memref<104x128xf32, #tpu.memory_space<vmem>>
      tpu.enqueue_dma source(%dma_start3A_150 : memref<104x128xf32, #tpu.memory_space<vmem>>) target(%dma_start3A_147 : memref<104x128xf32, #tpu.memory_space<vmem_shared>>) target_semaphore(%arg17 : memref<!tpu.dma_semaphore, #tpu.memory_space<semaphore_mem>>)
    } else {
    }
    %eq3A = arith.constant 10 : i32
    %eq3A_10 = arith.cmpi eq, %arg1, %eq3A : i32
    %convert_element_type3A_11 = arith.extui %eq3A_10 : i1 to i32
    %cond3A_12 = arith.constant 0 : i32
    %cond3A_13 = arith.cmpi ne, %convert_element_type3A_11, %cond3A_12 : i32
    scf.if %cond3A_13 {
      %dma_start3A_81 = arith.constant 0 : i32
      %dma_start3A_82 = arith.constant 0 : i32
      %dma_start3A_83 = tpu.memref_slice %arg10[%dma_start3A_81, %dma_start3A_82] : memref<128x128xf32, #tpu.memory_space<vmem>> -> memref<8x128xf32, #tpu.memory_space<vmem>>
      %dma_start3A_84 = arith.constant 10000 : i32
      %dma_start3A_85 = arith.constant 0 : i32
      %dma_start3A_86 = tpu.memref_slice %arg13[%dma_start3A_84, %dma_start3A_85] : memref<10008x128xf32, #tpu.memory_space<vmem_shared>> -> memref<8x128xf32, #tpu.memory_space<vmem_shared>>
      %dma_start3A_87 = arith.constant 10000 : i32
      %dma_start3A_88 = arith.constant 0 : i32
      %dma_start3A_89 = tpu.memref_slice %arg13[%dma_start3A_87, %dma_start3A_88] : memref<10008x128xf32, #tpu.memory_space<vmem_shared>> -> memref<8x128xf32, #tpu.memory_space<vmem_shared>>
      %dma_start3A_90 = arith.constant 0 : i32
      %dma_start3A_91 = arith.constant 0 : i32
      %dma_start3A_92 = tpu.memref_slice %arg10[%dma_start3A_90, %dma_start3A_91] : memref<128x128xf32, #tpu.memory_space<vmem>> -> memref<8x128xf32, #tpu.memory_space<vmem>>
      tpu.enqueue_dma source(%dma_start3A_92 : memref<8x128xf32, #tpu.memory_space<vmem>>) target(%dma_start3A_89 : memref<8x128xf32, #tpu.memory_space<vmem_shared>>) target_semaphore(%arg17 : memref<!tpu.dma_semaphore, #tpu.memory_space<semaphore_mem>>)
    } else {
    }
    %mul3A_14 = arith.constant 20096 : i32
    %mul3A_15 = arith.muli %add3A, %mul3A_14 : i32
    "tpu.region"() ({
      %run_scoped3A = tpu.sem_alloc : memref<!tpu.dma_semaphore, #tpu.memory_space<semaphore_mem>>
      %dma_start3A_81 = tpu.memref_slice %arg2[%mul3A_15] : memref<643328xi32, #tpu.memory_space<hbm>> -> memref<384xi32, #tpu.memory_space<hbm>>
      %dma_start3A_82 = tpu.memref_slice %arg2[%mul3A_15] : memref<643328xi32, #tpu.memory_space<hbm>> -> memref<384xi32, #tpu.memory_space<hbm>>
      tpu.enqueue_dma source(%dma_start3A_82 : memref<384xi32, #tpu.memory_space<hbm>>) target(%arg6 : memref<384xi32, #tpu.memory_space<vmem>>) target_semaphore(%run_scoped3A : memref<!tpu.dma_semaphore, #tpu.memory_space<semaphore_mem>>)
      %dma_wait3A_83 = tpu.memref_slice %arg2[%mul3A_15] : memref<643328xi32, #tpu.memory_space<hbm>> -> memref<384xi32, #tpu.memory_space<hbm>>
      %dma_wait3A_84 = tpu.memref_slice %arg2[%mul3A_15] : memref<643328xi32, #tpu.memory_space<hbm>> -> memref<384xi32, #tpu.memory_space<hbm>>
      tpu.wait_dma2 semaphore(%run_scoped3A : memref<!tpu.dma_semaphore, #tpu.memory_space<semaphore_mem>>) src(%dma_wait3A_84 : memref<384xi32, #tpu.memory_space<hbm>>) dst(%arg6 : memref<384xi32, #tpu.memory_space<vmem>>)
      tpu.yield
    }) : () -> ()
    %mul3A_16 = arith.constant 20096 : i32
    %mul3A_17 = arith.muli %arg1, %mul3A_16 : i32
    "tpu.region"() ({
      %run_scoped3A = tpu.sem_alloc : memref<!tpu.dma_semaphore, #tpu.memory_space<semaphore_mem>>
      %dma_start3A_81 = tpu.memref_slice %arg3[%mul3A_17] : memref<321792xi32, #tpu.memory_space<hbm>> -> memref<384xi32, #tpu.memory_space<hbm>>
      %dma_start3A_82 = tpu.memref_slice %arg3[%mul3A_17] : memref<321792xi32, #tpu.memory_space<hbm>> -> memref<384xi32, #tpu.memory_space<hbm>>
      tpu.enqueue_dma source(%dma_start3A_82 : memref<384xi32, #tpu.memory_space<hbm>>) target(%arg7 : memref<384xi32, #tpu.memory_space<vmem>>) target_semaphore(%run_scoped3A : memref<!tpu.dma_semaphore, #tpu.memory_space<semaphore_mem>>)
      %dma_wait3A_83 = tpu.memref_slice %arg3[%mul3A_17] : memref<321792xi32, #tpu.memory_space<hbm>> -> memref<384xi32, #tpu.memory_space<hbm>>
      %dma_wait3A_84 = tpu.memref_slice %arg3[%mul3A_17] : memref<321792xi32, #tpu.memory_space<hbm>> -> memref<384xi32, #tpu.memory_space<hbm>>
      tpu.wait_dma2 semaphore(%run_scoped3A : memref<!tpu.dma_semaphore, #tpu.memory_space<semaphore_mem>>) src(%dma_wait3A_84 : memref<384xi32, #tpu.memory_space<hbm>>) dst(%arg7 : memref<384xi32, #tpu.memory_space<vmem>>)
      tpu.yield
    }) : () -> ()
    %mul3A_18 = arith.constant 20096 : i32
    %mul3A_19 = arith.muli %add3A, %mul3A_18 : i32
    %add3A_20 = arith.constant 384 : i32
    %add3A_21 = arith.addi %mul3A_19, %add3A_20 : i32
    %dma_start3A = tpu.memref_slice %arg2[%add3A_21] : memref<643328xi32, #tpu.memory_space<hbm>> -> memref<384xi32, #tpu.memory_space<hbm>>
    %dma_start3A_22 = tpu.memref_slice %arg2[%add3A_21] : memref<643328xi32, #tpu.memory_space<hbm>> -> memref<384xi32, #tpu.memory_space<hbm>>
    tpu.enqueue_dma source(%dma_start3A_22 : memref<384xi32, #tpu.memory_space<hbm>>) target(%arg8 : memref<384xi32, #tpu.memory_space<vmem>>) target_semaphore(%arg21 : memref<!tpu.dma_semaphore, #tpu.memory_space<semaphore_mem>>)
    %mul3A_23 = arith.constant 20096 : i32
    %mul3A_24 = arith.muli %arg1, %mul3A_23 : i32
    %add3A_25 = arith.constant 384 : i32
    %add3A_26 = arith.addi %mul3A_24, %add3A_25 : i32
    %dma_start3A_27 = tpu.memref_slice %arg3[%add3A_26] : memref<321792xi32, #tpu.memory_space<hbm>> -> memref<384xi32, #tpu.memory_space<hbm>>
    %dma_start3A_28 = tpu.memref_slice %arg3[%add3A_26] : memref<321792xi32, #tpu.memory_space<hbm>> -> memref<384xi32, #tpu.memory_space<hbm>>
    tpu.enqueue_dma source(%dma_start3A_28 : memref<384xi32, #tpu.memory_space<hbm>>) target(%arg9 : memref<384xi32, #tpu.memory_space<vmem>>) target_semaphore(%arg21 : memref<!tpu.dma_semaphore, #tpu.memory_space<semaphore_mem>>)
    %lt3A_29 = arith.constant 10 : i32
    %lt3A_30 = arith.cmpi slt, %arg1, %lt3A_29 : i32
    %convert_element_type3A_31 = arith.extui %lt3A_30 : i1 to i32
    %cond3A_32 = arith.constant 0 : i32
    %cond3A_33 = arith.cmpi ne, %convert_element_type3A_31, %cond3A_32 : i32
    scf.if %cond3A_33 {
      %mul3A_81 = arith.constant 1000 : i32
      %mul3A_82 = arith.muli %arg1, %mul3A_81 : i32
      %add3A_83 = arith.constant 0 : i32
      %add3A_84 = arith.addi %mul3A_82, %add3A_83 : i32
      %dma_wait3A_85 = arith.constant 0 : i32
      %dma_wait3A_86 = tpu.memref_slice %arg13[%add3A_84, %dma_wait3A_85] : memref<10008x128xf32, #tpu.memory_space<vmem_shared>> -> memref<128x128xf32, #tpu.memory_space<vmem_shared>>
      %dma_wait3A_87 = arith.constant 0 : i32
      %dma_wait3A_88 = tpu.memref_slice %arg13[%add3A_84, %dma_wait3A_87] : memref<10008x128xf32, #tpu.memory_space<vmem_shared>> -> memref<128x128xf32, #tpu.memory_space<vmem_shared>>
      tpu.wait_dma2 semaphore(%arg17 : memref<!tpu.dma_semaphore, #tpu.memory_space<semaphore_mem>>) src(%arg10 : memref<128x128xf32, #tpu.memory_space<vmem>>) dst(%dma_wait3A_88 : memref<128x128xf32, #tpu.memory_space<vmem_shared>>)
      %mul3A_89 = arith.constant 1000 : i32
      %mul3A_90 = arith.muli %arg1, %mul3A_89 : i32
      %add3A_91 = arith.constant 128 : i32
      %add3A_92 = arith.addi %mul3A_90, %add3A_91 : i32
      %dma_wait3A_93 = arith.constant 0 : i32
      %dma_wait3A_94 = tpu.memref_slice %arg13[%add3A_92, %dma_wait3A_93] : memref<10008x128xf32, #tpu.memory_space<vmem_shared>> -> memref<128x128xf32, #tpu.memory_space<vmem_shared>>
      %dma_wait3A_95 = arith.constant 0 : i32
      %dma_wait3A_96 = tpu.memref_slice %arg13[%add3A_92, %dma_wait3A_95] : memref<10008x128xf32, #tpu.memory_space<vmem_shared>> -> memref<128x128xf32, #tpu.memory_space<vmem_shared>>
      tpu.wait_dma2 semaphore(%arg17 : memref<!tpu.dma_semaphore, #tpu.memory_space<semaphore_mem>>) src(%arg10 : memref<128x128xf32, #tpu.memory_space<vmem>>) dst(%dma_wait3A_96 : memref<128x128xf32, #tpu.memory_space<vmem_shared>>)
      %mul3A_97 = arith.constant 1000 : i32
      %mul3A_98 = arith.muli %arg1, %mul3A_97 : i32
      %add3A_99 = arith.constant 256 : i32
      %add3A_100 = arith.addi %mul3A_98, %add3A_99 : i32
      %dma_wait3A_101 = arith.constant 0 : i32
      %dma_wait3A_102 = tpu.memref_slice %arg13[%add3A_100, %dma_wait3A_101] : memref<10008x128xf32, #tpu.memory_space<vmem_shared>> -> memref<128x128xf32, #tpu.memory_space<vmem_shared>>
      %dma_wait3A_103 = arith.constant 0 : i32
      %dma_wait3A_104 = tpu.memref_slice %arg13[%add3A_100, %dma_wait3A_103] : memref<10008x128xf32, #tpu.memory_space<vmem_shared>> -> memref<128x128xf32, #tpu.memory_space<vmem_shared>>
      tpu.wait_dma2 semaphore(%arg17 : memref<!tpu.dma_semaphore, #tpu.memory_space<semaphore_mem>>) src(%arg10 : memref<128x128xf32, #tpu.memory_space<vmem>>) dst(%dma_wait3A_104 : memref<128x128xf32, #tpu.memory_space<vmem_shared>>)
      %mul3A_105 = arith.constant 1000 : i32
      %mul3A_106 = arith.muli %arg1, %mul3A_105 : i32
      %add3A_107 = arith.constant 384 : i32
      %add3A_108 = arith.addi %mul3A_106, %add3A_107 : i32
      %dma_wait3A_109 = arith.constant 0 : i32
      %dma_wait3A_110 = tpu.memref_slice %arg13[%add3A_108, %dma_wait3A_109] : memref<10008x128xf32, #tpu.memory_space<vmem_shared>> -> memref<128x128xf32, #tpu.memory_space<vmem_shared>>
      %dma_wait3A_111 = arith.constant 0 : i32
      %dma_wait3A_112 = tpu.memref_slice %arg13[%add3A_108, %dma_wait3A_111] : memref<10008x128xf32, #tpu.memory_space<vmem_shared>> -> memref<128x128xf32, #tpu.memory_space<vmem_shared>>
      tpu.wait_dma2 semaphore(%arg17 : memref<!tpu.dma_semaphore, #tpu.memory_space<semaphore_mem>>) src(%arg10 : memref<128x128xf32, #tpu.memory_space<vmem>>) dst(%dma_wait3A_112 : memref<128x128xf32, #tpu.memory_space<vmem_shared>>)
      %mul3A_113 = arith.constant 1000 : i32
      %mul3A_114 = arith.muli %arg1, %mul3A_113 : i32
      %add3A_115 = arith.constant 512 : i32
      %add3A_116 = arith.addi %mul3A_114, %add3A_115 : i32
      %dma_wait3A_117 = arith.constant 0 : i32
      %dma_wait3A_118 = tpu.memref_slice %arg13[%add3A_116, %dma_wait3A_117] : memref<10008x128xf32, #tpu.memory_space<vmem_shared>> -> memref<128x128xf32, #tpu.memory_space<vmem_shared>>
      %dma_wait3A_119 = arith.constant 0 : i32
      %dma_wait3A_120 = tpu.memref_slice %arg13[%add3A_116, %dma_wait3A_119] : memref<10008x128xf32, #tpu.memory_space<vmem_shared>> -> memref<128x128xf32, #tpu.memory_space<vmem_shared>>
      tpu.wait_dma2 semaphore(%arg17 : memref<!tpu.dma_semaphore, #tpu.memory_space<semaphore_mem>>) src(%arg10 : memref<128x128xf32, #tpu.memory_space<vmem>>) dst(%dma_wait3A_120 : memref<128x128xf32, #tpu.memory_space<vmem_shared>>)
      %mul3A_121 = arith.constant 1000 : i32
      %mul3A_122 = arith.muli %arg1, %mul3A_121 : i32
      %add3A_123 = arith.constant 640 : i32
      %add3A_124 = arith.addi %mul3A_122, %add3A_123 : i32
      %dma_wait3A_125 = arith.constant 0 : i32
      %dma_wait3A_126 = tpu.memref_slice %arg13[%add3A_124, %dma_wait3A_125] : memref<10008x128xf32, #tpu.memory_space<vmem_shared>> -> memref<128x128xf32, #tpu.memory_space<vmem_shared>>
      %dma_wait3A_127 = arith.constant 0 : i32
      %dma_wait3A_128 = tpu.memref_slice %arg13[%add3A_124, %dma_wait3A_127] : memref<10008x128xf32, #tpu.memory_space<vmem_shared>> -> memref<128x128xf32, #tpu.memory_space<vmem_shared>>
      tpu.wait_dma2 semaphore(%arg17 : memref<!tpu.dma_semaphore, #tpu.memory_space<semaphore_mem>>) src(%arg10 : memref<128x128xf32, #tpu.memory_space<vmem>>) dst(%dma_wait3A_128 : memref<128x128xf32, #tpu.memory_space<vmem_shared>>)
      %mul3A_129 = arith.constant 1000 : i32
      %mul3A_130 = arith.muli %arg1, %mul3A_129 : i32
      %add3A_131 = arith.constant 768 : i32
      %add3A_132 = arith.addi %mul3A_130, %add3A_131 : i32
      %dma_wait3A_133 = arith.constant 0 : i32
      %dma_wait3A_134 = tpu.memref_slice %arg13[%add3A_132, %dma_wait3A_133] : memref<10008x128xf32, #tpu.memory_space<vmem_shared>> -> memref<128x128xf32, #tpu.memory_space<vmem_shared>>
      %dma_wait3A_135 = arith.constant 0 : i32
      %dma_wait3A_136 = tpu.memref_slice %arg13[%add3A_132, %dma_wait3A_135] : memref<10008x128xf32, #tpu.memory_space<vmem_shared>> -> memref<128x128xf32, #tpu.memory_space<vmem_shared>>
      tpu.wait_dma2 semaphore(%arg17 : memref<!tpu.dma_semaphore, #tpu.memory_space<semaphore_mem>>) src(%arg10 : memref<128x128xf32, #tpu.memory_space<vmem>>) dst(%dma_wait3A_136 : memref<128x128xf32, #tpu.memory_space<vmem_shared>>)
      %mul3A_137 = arith.constant 1000 : i32
      %mul3A_138 = arith.muli %arg1, %mul3A_137 : i32
      %add3A_139 = arith.constant 896 : i32
      %add3A_140 = arith.addi %mul3A_138, %add3A_139 : i32
      %dma_wait3A_141 = arith.constant 0 : i32
      %dma_wait3A_142 = arith.constant 0 : i32
      %dma_wait3A_143 = tpu.memref_slice %arg10[%dma_wait3A_141, %dma_wait3A_142] : memref<128x128xf32, #tpu.memory_space<vmem>> -> memref<104x128xf32, #tpu.memory_space<vmem>>
      %dma_wait3A_144 = arith.constant 0 : i32
      %dma_wait3A_145 = tpu.memref_slice %arg13[%add3A_140, %dma_wait3A_144] : memref<10008x128xf32, #tpu.memory_space<vmem_shared>> -> memref<104x128xf32, #tpu.memory_space<vmem_shared>>
      %dma_wait3A_146 = arith.constant 0 : i32
      %dma_wait3A_147 = tpu.memref_slice %arg13[%add3A_140, %dma_wait3A_146] : memref<10008x128xf32, #tpu.memory_space<vmem_shared>> -> memref<104x128xf32, #tpu.memory_space<vmem_shared>>
      %dma_wait3A_148 = arith.constant 0 : i32
      %dma_wait3A_149 = arith.constant 0 : i32
      %dma_wait3A_150 = tpu.memref_slice %arg10[%dma_wait3A_148, %dma_wait3A_149] : memref<128x128xf32, #tpu.memory_space<vmem>> -> memref<104x128xf32, #tpu.memory_space<vmem>>
      tpu.wait_dma2 semaphore(%arg17 : memref<!tpu.dma_semaphore, #tpu.memory_space<semaphore_mem>>) src(%dma_wait3A_150 : memref<104x128xf32, #tpu.memory_space<vmem>>) dst(%dma_wait3A_147 : memref<104x128xf32, #tpu.memory_space<vmem_shared>>)
    } else {
    }
    %eq3A_34 = arith.constant 10 : i32
    %eq3A_35 = arith.cmpi eq, %arg1, %eq3A_34 : i32
    %convert_element_type3A_36 = arith.extui %eq3A_35 : i1 to i32
    %cond3A_37 = arith.constant 0 : i32
    %cond3A_38 = arith.cmpi ne, %convert_element_type3A_36, %cond3A_37 : i32
    scf.if %cond3A_38 {
      %dma_wait3A_81 = arith.constant 0 : i32
      %dma_wait3A_82 = arith.constant 0 : i32
      %dma_wait3A_83 = tpu.memref_slice %arg10[%dma_wait3A_81, %dma_wait3A_82] : memref<128x128xf32, #tpu.memory_space<vmem>> -> memref<8x128xf32, #tpu.memory_space<vmem>>
      %dma_wait3A_84 = arith.constant 10000 : i32
      %dma_wait3A_85 = arith.constant 0 : i32
      %dma_wait3A_86 = tpu.memref_slice %arg13[%dma_wait3A_84, %dma_wait3A_85] : memref<10008x128xf32, #tpu.memory_space<vmem_shared>> -> memref<8x128xf32, #tpu.memory_space<vmem_shared>>
      %dma_wait3A_87 = arith.constant 10000 : i32
      %dma_wait3A_88 = arith.constant 0 : i32
      %dma_wait3A_89 = tpu.memref_slice %arg13[%dma_wait3A_87, %dma_wait3A_88] : memref<10008x128xf32, #tpu.memory_space<vmem_shared>> -> memref<8x128xf32, #tpu.memory_space<vmem_shared>>
      %dma_wait3A_90 = arith.constant 0 : i32
      %dma_wait3A_91 = arith.constant 0 : i32
      %dma_wait3A_92 = tpu.memref_slice %arg10[%dma_wait3A_90, %dma_wait3A_91] : memref<128x128xf32, #tpu.memory_space<vmem>> -> memref<8x128xf32, #tpu.memory_space<vmem>>
      tpu.wait_dma2 semaphore(%arg17 : memref<!tpu.dma_semaphore, #tpu.memory_space<semaphore_mem>>) src(%dma_wait3A_92 : memref<8x128xf32, #tpu.memory_space<vmem>>) dst(%dma_wait3A_89 : memref<8x128xf32, #tpu.memory_space<vmem_shared>>)
    } else {
    }
    %barrier3A = arith.constant 0 : index
    tpu.barrier barrier_id(%barrier3A)
    %dma_start3A_39 = arith.constant 0 : i32
    %dma_start3A_40 = tpu.memref_slice %arg6[%dma_start3A_39] : memref<384xi32, #tpu.memory_space<vmem>> -> memref<128xi32, #tpu.memory_space<vmem>>
    %dma_start3A_41 = arith.constant 0 : i32
    %dma_start3A_42 = arith.constant 0 : i32
    %dma_start3A_43 = tpu.memref_slice %arg4[%dma_start3A_41, %dma_start3A_42] : memref<20000x128xf32, #tpu.memory_space<hbm>> -> memref<20000x128xf32, #tpu.memory_space<hbm>>
    tpu.enqueue_indirect_dma source(%dma_start3A_43 : memref<20000x128xf32, #tpu.memory_space<hbm>>) target(%arg10 : memref<128x128xf32, #tpu.memory_space<vmem>>) offsets(%dma_start3A_40 : memref<128xi32, #tpu.memory_space<vmem>>) semaphore(%arg14 : memref<!tpu.dma_semaphore, #tpu.memory_space<semaphore_mem>>)
    %dma_start3A_44 = arith.constant 128 : i32
    %dma_start3A_45 = tpu.memref_slice %arg6[%dma_start3A_44] : memref<384xi32, #tpu.memory_space<vmem>> -> memref<128xi32, #tpu.memory_space<vmem>>
    %dma_start3A_46 = arith.constant 0 : i32
    %dma_start3A_47 = arith.constant 0 : i32
    %dma_start3A_48 = tpu.memref_slice %arg4[%dma_start3A_46, %dma_start3A_47] : memref<20000x128xf32, #tpu.memory_space<hbm>> -> memref<20000x128xf32, #tpu.memory_space<hbm>>
    tpu.enqueue_indirect_dma source(%dma_start3A_48 : memref<20000x128xf32, #tpu.memory_space<hbm>>) target(%arg11 : memref<128x128xf32, #tpu.memory_space<vmem>>) offsets(%dma_start3A_45 : memref<128xi32, #tpu.memory_space<vmem>>) semaphore(%arg15 : memref<!tpu.dma_semaphore, #tpu.memory_space<semaphore_mem>>)
    %scan3A_49 = arith.constant 0 : i32
    %scan3A_50 = arith.constant 0 : i32
    %scan3A_51 = arith.constant 26 : i32
    %scan3A_52 = arith.addi %scan3A_50, %scan3A_51 : i32
    %scan3A_53 = arith.constant 1 : i32
    %scan3A_54 = scf.for %scan3A_81 = %scan3A_50 to %scan3A_52 step %scan3A_53 iter_args(%scan3A_82 = %scan3A_49) -> (i32)  : i32 {
      %mul3A_83 = arith.constant 6 : i32
      %mul3A_84 = arith.muli %mul3A_83, %scan3A_81 : i32
      %dma_wait3A_85 = arith.constant 0 : i32
      %dma_wait3A_86 = tpu.memref_slice %arg6[%dma_wait3A_85] : memref<384xi32, #tpu.memory_space<vmem>> -> memref<128xi32, #tpu.memory_space<vmem>>
      %dma_wait3A_87 = arith.constant 0 : i32
      %dma_wait3A_88 = arith.constant 0 : i32
      %dma_wait3A_89 = tpu.memref_slice %arg4[%dma_wait3A_87, %dma_wait3A_88] : memref<20000x128xf32, #tpu.memory_space<hbm>> -> memref<20000x128xf32, #tpu.memory_space<hbm>>
      tpu.wait_indirect_dma semaphore(%arg14 : memref<!tpu.dma_semaphore, #tpu.memory_space<semaphore_mem>>) src(%dma_wait3A_89 : memref<20000x128xf32, #tpu.memory_space<hbm>>) dst(%arg10 : memref<128x128xf32, #tpu.memory_space<vmem>>)
      %dma_start3A_90 = arith.constant 0 : i32
      %dma_start3A_91 = tpu.memref_slice %arg7[%dma_start3A_90] : memref<384xi32, #tpu.memory_space<vmem>> -> memref<128xi32, #tpu.memory_space<vmem>>
      %dma_start3A_92 = arith.constant 0 : i32
      %dma_start3A_93 = arith.constant 0 : i32
      %dma_start3A_94 = tpu.memref_slice %arg13[%dma_start3A_92, %dma_start3A_93] : memref<10008x128xf32, #tpu.memory_space<vmem_shared>> -> memref<10008x128xf32, #tpu.memory_space<vmem_shared>>
      tpu.enqueue_indirect_dma source(%arg10 : memref<128x128xf32, #tpu.memory_space<vmem>>) target(%dma_start3A_94 : memref<10008x128xf32, #tpu.memory_space<vmem_shared>>) offsets(%dma_start3A_91 : memref<128xi32, #tpu.memory_space<vmem>>) semaphore(%arg17 : memref<!tpu.dma_semaphore, #tpu.memory_space<semaphore_mem>>) {add = true}
      %add3A_95 = arith.constant 3 : i32
      %add3A_96 = arith.addi %mul3A_84, %add3A_95 : i32
      %mul3A_97 = arith.constant 128 : i32
      %mul3A_98 = arith.muli %add3A_96, %mul3A_97 : i32
      %mul3A_99 = arith.constant 20096 : i32
      %mul3A_100 = arith.muli %add3A, %mul3A_99 : i32
      %add3A_101 = arith.addi %mul3A_100, %mul3A_98 : i32
      %dma_wait3A_102 = tpu.memref_slice %arg2[%add3A_101] : memref<643328xi32, #tpu.memory_space<hbm>> -> memref<384xi32, #tpu.memory_space<hbm>>
      %dma_wait3A_103 = tpu.memref_slice %arg2[%add3A_101] : memref<643328xi32, #tpu.memory_space<hbm>> -> memref<384xi32, #tpu.memory_space<hbm>>
      tpu.wait_dma2 semaphore(%arg21 : memref<!tpu.dma_semaphore, #tpu.memory_space<semaphore_mem>>) src(%dma_wait3A_103 : memref<384xi32, #tpu.memory_space<hbm>>) dst(%arg8 : memref<384xi32, #tpu.memory_space<vmem>>)
      %mul3A_104 = arith.constant 20096 : i32
      %mul3A_105 = arith.muli %arg1, %mul3A_104 : i32
      %add3A_106 = arith.addi %mul3A_105, %mul3A_98 : i32
      %dma_wait3A_107 = tpu.memref_slice %arg3[%add3A_106] : memref<321792xi32, #tpu.memory_space<hbm>> -> memref<384xi32, #tpu.memory_space<hbm>>
      %dma_wait3A_108 = tpu.memref_slice %arg3[%add3A_106] : memref<321792xi32, #tpu.memory_space<hbm>> -> memref<384xi32, #tpu.memory_space<hbm>>
      tpu.wait_dma2 semaphore(%arg21 : memref<!tpu.dma_semaphore, #tpu.memory_space<semaphore_mem>>) src(%dma_wait3A_108 : memref<384xi32, #tpu.memory_space<hbm>>) dst(%arg9 : memref<384xi32, #tpu.memory_space<vmem>>)
      %gt3A = arith.constant 0 : i32
      %gt3A_109 = arith.cmpi sgt, %mul3A_84, %gt3A : i32
      %convert_element_type3A_110 = arith.extui %gt3A_109 : i1 to i32
      %cond3A_111 = arith.constant 0 : i32
      %cond3A_112 = arith.cmpi ne, %convert_element_type3A_110, %cond3A_111 : i32
      scf.if %cond3A_112 {
        %dma_wait3A_250 = arith.constant 256 : i32
        %dma_wait3A_251 = tpu.memref_slice %arg9[%dma_wait3A_250] : memref<384xi32, #tpu.memory_space<vmem>> -> memref<128xi32, #tpu.memory_space<vmem>>
        %dma_wait3A_252 = arith.constant 0 : i32
        %dma_wait3A_253 = arith.constant 0 : i32
        %dma_wait3A_254 = tpu.memref_slice %arg13[%dma_wait3A_252, %dma_wait3A_253] : memref<10008x128xf32, #tpu.memory_space<vmem_shared>> -> memref<10008x128xf32, #tpu.memory_space<vmem_shared>>
        tpu.wait_indirect_dma semaphore(%arg19 : memref<!tpu.dma_semaphore, #tpu.memory_space<semaphore_mem>>) src(%arg12 : memref<128x128xf32, #tpu.memory_space<vmem>>) dst(%dma_wait3A_254 : memref<10008x128xf32, #tpu.memory_space<vmem_shared>>)
      } else {
      }
      %dma_start3A_113 = arith.constant 256 : i32
      %dma_start3A_114 = tpu.memref_slice %arg6[%dma_start3A_113] : memref<384xi32, #tpu.memory_space<vmem>> -> memref<128xi32, #tpu.memory_space<vmem>>
      %dma_start3A_115 = arith.constant 0 : i32
      %dma_start3A_116 = arith.constant 0 : i32
      %dma_start3A_117 = tpu.memref_slice %arg4[%dma_start3A_115, %dma_start3A_116] : memref<20000x128xf32, #tpu.memory_space<hbm>> -> memref<20000x128xf32, #tpu.memory_space<hbm>>
      tpu.enqueue_indirect_dma source(%dma_start3A_117 : memref<20000x128xf32, #tpu.memory_space<hbm>>) target(%arg12 : memref<128x128xf32, #tpu.memory_space<vmem>>) offsets(%dma_start3A_114 : memref<128xi32, #tpu.memory_space<vmem>>) semaphore(%arg16 : memref<!tpu.dma_semaphore, #tpu.memory_space<semaphore_mem>>)
      %dma_wait3A_118 = arith.constant 128 : i32
      %dma_wait3A_119 = tpu.memref_slice %arg6[%dma_wait3A_118] : memref<384xi32, #tpu.memory_space<vmem>> -> memref<128xi32, #tpu.memory_space<vmem>>
      %dma_wait3A_120 = arith.constant 0 : i32
      %dma_wait3A_121 = arith.constant 0 : i32
      %dma_wait3A_122 = tpu.memref_slice %arg4[%dma_wait3A_120, %dma_wait3A_121] : memref<20000x128xf32, #tpu.memory_space<hbm>> -> memref<20000x128xf32, #tpu.memory_space<hbm>>
      tpu.wait_indirect_dma semaphore(%arg15 : memref<!tpu.dma_semaphore, #tpu.memory_space<semaphore_mem>>) src(%dma_wait3A_122 : memref<20000x128xf32, #tpu.memory_space<hbm>>) dst(%arg11 : memref<128x128xf32, #tpu.memory_space<vmem>>)
      %dma_start3A_123 = arith.constant 128 : i32
      %dma_start3A_124 = tpu.memref_slice %arg7[%dma_start3A_123] : memref<384xi32, #tpu.memory_space<vmem>> -> memref<128xi32, #tpu.memory_space<vmem>>
      %dma_start3A_125 = arith.constant 0 : i32
      %dma_start3A_126 = arith.constant 0 : i32
      %dma_start3A_127 = tpu.memref_slice %arg13[%dma_start3A_125, %dma_start3A_126] : memref<10008x128xf32, #tpu.memory_space<vmem_shared>> -> memref<10008x128xf32, #tpu.memory_space<vmem_shared>>
      tpu.enqueue_indirect_dma source(%arg11 : memref<128x128xf32, #tpu.memory_space<vmem>>) target(%dma_start3A_127 : memref<10008x128xf32, #tpu.memory_space<vmem_shared>>) offsets(%dma_start3A_124 : memref<128xi32, #tpu.memory_space<vmem>>) semaphore(%arg18 : memref<!tpu.dma_semaphore, #tpu.memory_space<semaphore_mem>>) {add = true}
      %dma_wait3A_128 = arith.constant 0 : i32
      %dma_wait3A_129 = tpu.memref_slice %arg7[%dma_wait3A_128] : memref<384xi32, #tpu.memory_space<vmem>> -> memref<128xi32, #tpu.memory_space<vmem>>
      %dma_wait3A_130 = arith.constant 0 : i32
      %dma_wait3A_131 = arith.constant 0 : i32
      %dma_wait3A_132 = tpu.memref_slice %arg13[%dma_wait3A_130, %dma_wait3A_131] : memref<10008x128xf32, #tpu.memory_space<vmem_shared>> -> memref<10008x128xf32, #tpu.memory_space<vmem_shared>>
      tpu.wait_indirect_dma semaphore(%arg17 : memref<!tpu.dma_semaphore, #tpu.memory_space<semaphore_mem>>) src(%arg10 : memref<128x128xf32, #tpu.memory_space<vmem>>) dst(%dma_wait3A_132 : memref<10008x128xf32, #tpu.memory_space<vmem_shared>>)
      %dma_start3A_133 = arith.constant 0 : i32
      %dma_start3A_134 = tpu.memref_slice %arg8[%dma_start3A_133] : memref<384xi32, #tpu.memory_space<vmem>> -> memref<128xi32, #tpu.memory_space<vmem>>
      %dma_start3A_135 = arith.constant 0 : i32
      %dma_start3A_136 = arith.constant 0 : i32
      %dma_start3A_137 = tpu.memref_slice %arg4[%dma_start3A_135, %dma_start3A_136] : memref<20000x128xf32, #tpu.memory_space<hbm>> -> memref<20000x128xf32, #tpu.memory_space<hbm>>
      tpu.enqueue_indirect_dma source(%dma_start3A_137 : memref<20000x128xf32, #tpu.memory_space<hbm>>) target(%arg10 : memref<128x128xf32, #tpu.memory_space<vmem>>) offsets(%dma_start3A_134 : memref<128xi32, #tpu.memory_space<vmem>>) semaphore(%arg14 : memref<!tpu.dma_semaphore, #tpu.memory_space<semaphore_mem>>)
      %dma_wait3A_138 = arith.constant 256 : i32
      %dma_wait3A_139 = tpu.memref_slice %arg6[%dma_wait3A_138] : memref<384xi32, #tpu.memory_space<vmem>> -> memref<128xi32, #tpu.memory_space<vmem>>
      %dma_wait3A_140 = arith.constant 0 : i32
      %dma_wait3A_141 = arith.constant 0 : i32
      %dma_wait3A_142 = tpu.memref_slice %arg4[%dma_wait3A_140, %dma_wait3A_141] : memref<20000x128xf32, #tpu.memory_space<hbm>> -> memref<20000x128xf32, #tpu.memory_space<hbm>>
      tpu.wait_indirect_dma semaphore(%arg16 : memref<!tpu.dma_semaphore, #tpu.memory_space<semaphore_mem>>) src(%dma_wait3A_142 : memref<20000x128xf32, #tpu.memory_space<hbm>>) dst(%arg12 : memref<128x128xf32, #tpu.memory_space<vmem>>)
      %dma_start3A_143 = arith.constant 256 : i32
      %dma_start3A_144 = tpu.memref_slice %arg7[%dma_start3A_143] : memref<384xi32, #tpu.memory_space<vmem>> -> memref<128xi32, #tpu.memory_space<vmem>>
      %dma_start3A_145 = arith.constant 0 : i32
      %dma_start3A_146 = arith.constant 0 : i32
      %dma_start3A_147 = tpu.memref_slice %arg13[%dma_start3A_145, %dma_start3A_146] : memref<10008x128xf32, #tpu.memory_space<vmem_shared>> -> memref<10008x128xf32, #tpu.memory_space<vmem_shared>>
      tpu.enqueue_indirect_dma source(%arg12 : memref<128x128xf32, #tpu.memory_space<vmem>>) target(%dma_start3A_147 : memref<10008x128xf32, #tpu.memory_space<vmem_shared>>) offsets(%dma_start3A_144 : memref<128xi32, #tpu.memory_space<vmem>>) semaphore(%arg19 : memref<!tpu.dma_semaphore, #tpu.memory_space<semaphore_mem>>) {add = true}
      %dma_wait3A_148 = arith.constant 128 : i32
      %dma_wait3A_149 = tpu.memref_slice %arg7[%dma_wait3A_148] : memref<384xi32, #tpu.memory_space<vmem>> -> memref<128xi32, #tpu.memory_space<vmem>>
      %dma_wait3A_150 = arith.constant 0 : i32
      %dma_wait3A_151 = arith.constant 0 : i32
      %dma_wait3A_152 = tpu.memref_slice %arg13[%dma_wait3A_150, %dma_wait3A_151] : memref<10008x128xf32, #tpu.memory_space<vmem_shared>> -> memref<10008x128xf32, #tpu.memory_space<vmem_shared>>
      tpu.wait_indirect_dma semaphore(%arg18 : memref<!tpu.dma_semaphore, #tpu.memory_space<semaphore_mem>>) src(%arg11 : memref<128x128xf32, #tpu.memory_space<vmem>>) dst(%dma_wait3A_152 : memref<10008x128xf32, #tpu.memory_space<vmem_shared>>)
      %add3A_153 = arith.constant 4 : i32
      %add3A_154 = arith.addi %mul3A_84, %add3A_153 : i32
      %le3A = arith.constant 156 : i32
      %le3A_155 = arith.cmpi sle, %add3A_154, %le3A : i32
      %convert_element_type3A_156 = arith.extui %le3A_155 : i1 to i32
      %cond3A_157 = arith.constant 0 : i32
      %cond3A_158 = arith.cmpi ne, %convert_element_type3A_156, %cond3A_157 : i32
      scf.if %cond3A_158 {
        %dma_start3A_250 = arith.constant 128 : i32
        %dma_start3A_251 = tpu.memref_slice %arg8[%dma_start3A_250] : memref<384xi32, #tpu.memory_space<vmem>> -> memref<128xi32, #tpu.memory_space<vmem>>
        %dma_start3A_252 = arith.constant 0 : i32
        %dma_start3A_253 = arith.constant 0 : i32
        %dma_start3A_254 = tpu.memref_slice %arg4[%dma_start3A_252, %dma_start3A_253] : memref<20000x128xf32, #tpu.memory_space<hbm>> -> memref<20000x128xf32, #tpu.memory_space<hbm>>
        tpu.enqueue_indirect_dma source(%dma_start3A_254 : memref<20000x128xf32, #tpu.memory_space<hbm>>) target(%arg11 : memref<128x128xf32, #tpu.memory_space<vmem>>) offsets(%dma_start3A_251 : memref<128xi32, #tpu.memory_space<vmem>>) semaphore(%arg15 : memref<!tpu.dma_semaphore, #tpu.memory_space<semaphore_mem>>)
      } else {
      }
      %le3A_159 = arith.constant 150 : i32
      %le3A_160 = arith.cmpi sle, %mul3A_84, %le3A_159 : i32
      %convert_element_type3A_161 = arith.extui %le3A_160 : i1 to i32
      %cond3A_162 = arith.constant 0 : i32
      %cond3A_163 = arith.cmpi ne, %convert_element_type3A_161, %cond3A_162 : i32
      scf.if %cond3A_163 {
        %add3A_250 = arith.constant 6 : i32
        %add3A_251 = arith.addi %mul3A_84, %add3A_250 : i32
        %mul3A_252 = arith.constant 128 : i32
        %mul3A_253 = arith.muli %add3A_251, %mul3A_252 : i32
        %mul3A_254 = arith.constant 20096 : i32
        %mul3A_255 = arith.muli %add3A, %mul3A_254 : i32
        %add3A_256 = arith.addi %mul3A_255, %mul3A_253 : i32
        %dma_start3A_257 = tpu.memref_slice %arg2[%add3A_256] : memref<643328xi32, #tpu.memory_space<hbm>> -> memref<384xi32, #tpu.memory_space<hbm>>
        %dma_start3A_258 = tpu.memref_slice %arg2[%add3A_256] : memref<643328xi32, #tpu.memory_space<hbm>> -> memref<384xi32, #tpu.memory_space<hbm>>
        tpu.enqueue_dma source(%dma_start3A_258 : memref<384xi32, #tpu.memory_space<hbm>>) target(%arg6 : memref<384xi32, #tpu.memory_space<vmem>>) target_semaphore(%arg20 : memref<!tpu.dma_semaphore, #tpu.memory_space<semaphore_mem>>)
        %mul3A_259 = arith.constant 20096 : i32
        %mul3A_260 = arith.muli %arg1, %mul3A_259 : i32
        %add3A_261 = arith.addi %mul3A_260, %mul3A_253 : i32
        %dma_start3A_262 = tpu.memref_slice %arg3[%add3A_261] : memref<321792xi32, #tpu.memory_space<hbm>> -> memref<384xi32, #tpu.memory_space<hbm>>
        %dma_start3A_263 = tpu.memref_slice %arg3[%add3A_261] : memref<321792xi32, #tpu.memory_space<hbm>> -> memref<384xi32, #tpu.memory_space<hbm>>
        tpu.enqueue_dma source(%dma_start3A_263 : memref<384xi32, #tpu.memory_space<hbm>>) target(%arg7 : memref<384xi32, #tpu.memory_space<vmem>>) target_semaphore(%arg20 : memref<!tpu.dma_semaphore, #tpu.memory_space<semaphore_mem>>)
      } else {
      }
      %mul3A_164 = arith.constant 6 : i32
      %mul3A_165 = arith.muli %mul3A_164, %scan3A_81 : i32
      %add3A_166 = arith.constant 3 : i32
      %add3A_167 = arith.addi %mul3A_165, %add3A_166 : i32
      %dma_wait3A_168 = arith.constant 0 : i32
      %dma_wait3A_169 = tpu.memref_slice %arg8[%dma_wait3A_168] : memref<384xi32, #tpu.memory_space<vmem>> -> memref<128xi32, #tpu.memory_space<vmem>>
      %dma_wait3A_170 = arith.constant 0 : i32
      %dma_wait3A_171 = arith.constant 0 : i32
      %dma_wait3A_172 = tpu.memref_slice %arg4[%dma_wait3A_170, %dma_wait3A_171] : memref<20000x128xf32, #tpu.memory_space<hbm>> -> memref<20000x128xf32, #tpu.memory_space<hbm>>
      tpu.wait_indirect_dma semaphore(%arg14 : memref<!tpu.dma_semaphore, #tpu.memory_space<semaphore_mem>>) src(%dma_wait3A_172 : memref<20000x128xf32, #tpu.memory_space<hbm>>) dst(%arg10 : memref<128x128xf32, #tpu.memory_space<vmem>>)
      %dma_start3A_173 = arith.constant 0 : i32
      %dma_start3A_174 = tpu.memref_slice %arg9[%dma_start3A_173] : memref<384xi32, #tpu.memory_space<vmem>> -> memref<128xi32, #tpu.memory_space<vmem>>
      %dma_start3A_175 = arith.constant 0 : i32
      %dma_start3A_176 = arith.constant 0 : i32
      %dma_start3A_177 = tpu.memref_slice %arg13[%dma_start3A_175, %dma_start3A_176] : memref<10008x128xf32, #tpu.memory_space<vmem_shared>> -> memref<10008x128xf32, #tpu.memory_space<vmem_shared>>
      tpu.enqueue_indirect_dma source(%arg10 : memref<128x128xf32, #tpu.memory_space<vmem>>) target(%dma_start3A_177 : memref<10008x128xf32, #tpu.memory_space<vmem_shared>>) offsets(%dma_start3A_174 : memref<128xi32, #tpu.memory_space<vmem>>) semaphore(%arg17 : memref<!tpu.dma_semaphore, #tpu.memory_space<semaphore_mem>>) {add = true}
      %add3A_178 = arith.constant 3 : i32
      %add3A_179 = arith.addi %add3A_167, %add3A_178 : i32
      %mul3A_180 = arith.constant 128 : i32
      %mul3A_181 = arith.muli %add3A_179, %mul3A_180 : i32
      %mul3A_182 = arith.constant 20096 : i32
      %mul3A_183 = arith.muli %add3A, %mul3A_182 : i32
      %add3A_184 = arith.addi %mul3A_183, %mul3A_181 : i32
      %dma_wait3A_185 = tpu.memref_slice %arg2[%add3A_184] : memref<643328xi32, #tpu.memory_space<hbm>> -> memref<384xi32, #tpu.memory_space<hbm>>
      %dma_wait3A_186 = tpu.memref_slice %arg2[%add3A_184] : memref<643328xi32, #tpu.memory_space<hbm>> -> memref<384xi32, #tpu.memory_space<hbm>>
      tpu.wait_dma2 semaphore(%arg20 : memref<!tpu.dma_semaphore, #tpu.memory_space<semaphore_mem>>) src(%dma_wait3A_186 : memref<384xi32, #tpu.memory_space<hbm>>) dst(%arg6 : memref<384xi32, #tpu.memory_space<vmem>>)
      %mul3A_187 = arith.constant 20096 : i32
      %mul3A_188 = arith.muli %arg1, %mul3A_187 : i32
      %add3A_189 = arith.addi %mul3A_188, %mul3A_181 : i32
      %dma_wait3A_190 = tpu.memref_slice %arg3[%add3A_189] : memref<321792xi32, #tpu.memory_space<hbm>> -> memref<384xi32, #tpu.memory_space<hbm>>
      %dma_wait3A_191 = tpu.memref_slice %arg3[%add3A_189] : memref<321792xi32, #tpu.memory_space<hbm>> -> memref<384xi32, #tpu.memory_space<hbm>>
      tpu.wait_dma2 semaphore(%arg20 : memref<!tpu.dma_semaphore, #tpu.memory_space<semaphore_mem>>) src(%dma_wait3A_191 : memref<384xi32, #tpu.memory_space<hbm>>) dst(%arg7 : memref<384xi32, #tpu.memory_space<vmem>>)
      %gt3A_192 = arith.constant 0 : i32
      %gt3A_193 = arith.cmpi sgt, %add3A_167, %gt3A_192 : i32
      %convert_element_type3A_194 = arith.extui %gt3A_193 : i1 to i32
      %cond3A_195 = arith.constant 0 : i32
      %cond3A_196 = arith.cmpi ne, %convert_element_type3A_194, %cond3A_195 : i32
      scf.if %cond3A_196 {
        %dma_wait3A_250 = arith.constant 256 : i32
        %dma_wait3A_251 = tpu.memref_slice %arg7[%dma_wait3A_250] : memref<384xi32, #tpu.memory_space<vmem>> -> memref<128xi32, #tpu.memory_space<vmem>>
        %dma_wait3A_252 = arith.constant 0 : i32
        %dma_wait3A_253 = arith.constant 0 : i32
        %dma_wait3A_254 = tpu.memref_slice %arg13[%dma_wait3A_252, %dma_wait3A_253] : memref<10008x128xf32, #tpu.memory_space<vmem_shared>> -> memref<10008x128xf32, #tpu.memory_space<vmem_shared>>
        tpu.wait_indirect_dma semaphore(%arg19 : memref<!tpu.dma_semaphore, #tpu.memory_space<semaphore_mem>>) src(%arg12 : memref<128x128xf32, #tpu.memory_space<vmem>>) dst(%dma_wait3A_254 : memref<10008x128xf32, #tpu.memory_space<vmem_shared>>)
      } else {
      }
      %dma_start3A_197 = arith.constant 256 : i32
      %dma_start3A_198 = tpu.memref_slice %arg8[%dma_start3A_197] : memref<384xi32, #tpu.memory_space<vmem>> -> memref<128xi32, #tpu.memory_space<vmem>>
      %dma_start3A_199 = arith.constant 0 : i32
      %dma_start3A_200 = arith.constant 0 : i32
      %dma_start3A_201 = tpu.memref_slice %arg4[%dma_start3A_199, %dma_start3A_200] : memref<20000x128xf32, #tpu.memory_space<hbm>> -> memref<20000x128xf32, #tpu.memory_space<hbm>>
      tpu.enqueue_indirect_dma source(%dma_start3A_201 : memref<20000x128xf32, #tpu.memory_space<hbm>>) target(%arg12 : memref<128x128xf32, #tpu.memory_space<vmem>>) offsets(%dma_start3A_198 : memref<128xi32, #tpu.memory_space<vmem>>) semaphore(%arg16 : memref<!tpu.dma_semaphore, #tpu.memory_space<semaphore_mem>>)
      %dma_wait3A_202 = arith.constant 128 : i32
      %dma_wait3A_203 = tpu.memref_slice %arg8[%dma_wait3A_202] : memref<384xi32, #tpu.memory_space<vmem>> -> memref<128xi32, #tpu.memory_space<vmem>>
      %dma_wait3A_204 = arith.constant 0 : i32
      %dma_wait3A_205 = arith.constant 0 : i32
      %dma_wait3A_206 = tpu.memref_slice %arg4[%dma_wait3A_204, %dma_wait3A_205] : memref<20000x128xf32, #tpu.memory_space<hbm>> -> memref<20000x128xf32, #tpu.memory_space<hbm>>
      tpu.wait_indirect_dma semaphore(%arg15 : memref<!tpu.dma_semaphore, #tpu.memory_space<semaphore_mem>>) src(%dma_wait3A_206 : memref<20000x128xf32, #tpu.memory_space<hbm>>) dst(%arg11 : memref<128x128xf32, #tpu.memory_space<vmem>>)
      %dma_start3A_207 = arith.constant 128 : i32
      %dma_start3A_208 = tpu.memref_slice %arg9[%dma_start3A_207] : memref<384xi32, #tpu.memory_space<vmem>> -> memref<128xi32, #tpu.memory_space<vmem>>
      %dma_start3A_209 = arith.constant 0 : i32
      %dma_start3A_210 = arith.constant 0 : i32
      %dma_start3A_211 = tpu.memref_slice %arg13[%dma_start3A_209, %dma_start3A_210] : memref<10008x128xf32, #tpu.memory_space<vmem_shared>> -> memref<10008x128xf32, #tpu.memory_space<vmem_shared>>
      tpu.enqueue_indirect_dma source(%arg11 : memref<128x128xf32, #tpu.memory_space<vmem>>) target(%dma_start3A_211 : memref<10008x128xf32, #tpu.memory_space<vmem_shared>>) offsets(%dma_start3A_208 : memref<128xi32, #tpu.memory_space<vmem>>) semaphore(%arg18 : memref<!tpu.dma_semaphore, #tpu.memory_space<semaphore_mem>>) {add = true}
      %dma_wait3A_212 = arith.constant 0 : i32
      %dma_wait3A_213 = tpu.memref_slice %arg9[%dma_wait3A_212] : memref<384xi32, #tpu.memory_space<vmem>> -> memref<128xi32, #tpu.memory_space<vmem>>
      %dma_wait3A_214 = arith.constant 0 : i32
      %dma_wait3A_215 = arith.constant 0 : i32
      %dma_wait3A_216 = tpu.memref_slice %arg13[%dma_wait3A_214, %dma_wait3A_215] : memref<10008x128xf32, #tpu.memory_space<vmem_shared>> -> memref<10008x128xf32, #tpu.memory_space<vmem_shared>>
      tpu.wait_indirect_dma semaphore(%arg17 : memref<!tpu.dma_semaphore, #tpu.memory_space<semaphore_mem>>) src(%arg10 : memref<128x128xf32, #tpu.memory_space<vmem>>) dst(%dma_wait3A_216 : memref<10008x128xf32, #tpu.memory_space<vmem_shared>>)
      %dma_start3A_217 = arith.constant 0 : i32
      %dma_start3A_218 = tpu.memref_slice %arg6[%dma_start3A_217] : memref<384xi32, #tpu.memory_space<vmem>> -> memref<128xi32, #tpu.memory_space<vmem>>
      %dma_start3A_219 = arith.constant 0 : i32
      %dma_start3A_220 = arith.constant 0 : i32
      %dma_start3A_221 = tpu.memref_slice %arg4[%dma_start3A_219, %dma_start3A_220] : memref<20000x128xf32, #tpu.memory_space<hbm>> -> memref<20000x128xf32, #tpu.memory_space<hbm>>
      tpu.enqueue_indirect_dma source(%dma_start3A_221 : memref<20000x128xf32, #tpu.memory_space<hbm>>) target(%arg10 : memref<128x128xf32, #tpu.memory_space<vmem>>) offsets(%dma_start3A_218 : memref<128xi32, #tpu.memory_space<vmem>>) semaphore(%arg14 : memref<!tpu.dma_semaphore, #tpu.memory_space<semaphore_mem>>)
      %dma_wait3A_222 = arith.constant 256 : i32
      %dma_wait3A_223 = tpu.memref_slice %arg8[%dma_wait3A_222] : memref<384xi32, #tpu.memory_space<vmem>> -> memref<128xi32, #tpu.memory_space<vmem>>
      %dma_wait3A_224 = arith.constant 0 : i32
      %dma_wait3A_225 = arith.constant 0 : i32
      %dma_wait3A_226 = tpu.memref_slice %arg4[%dma_wait3A_224, %dma_wait3A_225] : memref<20000x128xf32, #tpu.memory_space<hbm>> -> memref<20000x128xf32, #tpu.memory_space<hbm>>
      tpu.wait_indirect_dma semaphore(%arg16 : memref<!tpu.dma_semaphore, #tpu.memory_space<semaphore_mem>>) src(%dma_wait3A_226 : memref<20000x128xf32, #tpu.memory_space<hbm>>) dst(%arg12 : memref<128x128xf32, #tpu.memory_space<vmem>>)
      %dma_start3A_227 = arith.constant 256 : i32
      %dma_start3A_228 = tpu.memref_slice %arg9[%dma_start3A_227] : memref<384xi32, #tpu.memory_space<vmem>> -> memref<128xi32, #tpu.memory_space<vmem>>
      %dma_start3A_229 = arith.constant 0 : i32
      %dma_start3A_230 = arith.constant 0 : i32
      %dma_start3A_231 = tpu.memref_slice %arg13[%dma_start3A_229, %dma_start3A_230] : memref<10008x128xf32, #tpu.memory_space<vmem_shared>> -> memref<10008x128xf32, #tpu.memory_space<vmem_shared>>
      tpu.enqueue_indirect_dma source(%arg12 : memref<128x128xf32, #tpu.memory_space<vmem>>) target(%dma_start3A_231 : memref<10008x128xf32, #tpu.memory_space<vmem_shared>>) offsets(%dma_start3A_228 : memref<128xi32, #tpu.memory_space<vmem>>) semaphore(%arg19 : memref<!tpu.dma_semaphore, #tpu.memory_space<semaphore_mem>>) {add = true}
      %dma_wait3A_232 = arith.constant 128 : i32
      %dma_wait3A_233 = tpu.memref_slice %arg9[%dma_wait3A_232] : memref<384xi32, #tpu.memory_space<vmem>> -> memref<128xi32, #tpu.memory_space<vmem>>
      %dma_wait3A_234 = arith.constant 0 : i32
      %dma_wait3A_235 = arith.constant 0 : i32
      %dma_wait3A_236 = tpu.memref_slice %arg13[%dma_wait3A_234, %dma_wait3A_235] : memref<10008x128xf32, #tpu.memory_space<vmem_shared>> -> memref<10008x128xf32, #tpu.memory_space<vmem_shared>>
      tpu.wait_indirect_dma semaphore(%arg18 : memref<!tpu.dma_semaphore, #tpu.memory_space<semaphore_mem>>) src(%arg11 : memref<128x128xf32, #tpu.memory_space<vmem>>) dst(%dma_wait3A_236 : memref<10008x128xf32, #tpu.memory_space<vmem_shared>>)
      %add3A_237 = arith.constant 4 : i32
      %add3A_238 = arith.addi %add3A_167, %add3A_237 : i32
      %le3A_239 = arith.constant 156 : i32
      %le3A_240 = arith.cmpi sle, %add3A_238, %le3A_239 : i32
      %convert_element_type3A_241 = arith.extui %le3A_240 : i1 to i32
      %cond3A_242 = arith.constant 0 : i32
      %cond3A_243 = arith.cmpi ne, %convert_element_type3A_241, %cond3A_242 : i32
      scf.if %cond3A_243 {
        %dma_start3A_250 = arith.constant 128 : i32
        %dma_start3A_251 = tpu.memref_slice %arg6[%dma_start3A_250] : memref<384xi32, #tpu.memory_space<vmem>> -> memref<128xi32, #tpu.memory_space<vmem>>
        %dma_start3A_252 = arith.constant 0 : i32
        %dma_start3A_253 = arith.constant 0 : i32
        %dma_start3A_254 = tpu.memref_slice %arg4[%dma_start3A_252, %dma_start3A_253] : memref<20000x128xf32, #tpu.memory_space<hbm>> -> memref<20000x128xf32, #tpu.memory_space<hbm>>
        tpu.enqueue_indirect_dma source(%dma_start3A_254 : memref<20000x128xf32, #tpu.memory_space<hbm>>) target(%arg11 : memref<128x128xf32, #tpu.memory_space<vmem>>) offsets(%dma_start3A_251 : memref<128xi32, #tpu.memory_space<vmem>>) semaphore(%arg15 : memref<!tpu.dma_semaphore, #tpu.memory_space<semaphore_mem>>)
      } else {
      }
      %le3A_244 = arith.constant 150 : i32
      %le3A_245 = arith.cmpi sle, %add3A_167, %le3A_244 : i32
      %convert_element_type3A_246 = arith.extui %le3A_245 : i1 to i32
      %cond3A_247 = arith.constant 0 : i32
      %cond3A_248 = arith.cmpi ne, %convert_element_type3A_246, %cond3A_247 : i32
      scf.if %cond3A_248 {
        %add3A_250 = arith.constant 6 : i32
        %add3A_251 = arith.addi %add3A_167, %add3A_250 : i32
        %mul3A_252 = arith.constant 128 : i32
        %mul3A_253 = arith.muli %add3A_251, %mul3A_252 : i32
        %mul3A_254 = arith.constant 20096 : i32
        %mul3A_255 = arith.muli %add3A, %mul3A_254 : i32
        %add3A_256 = arith.addi %mul3A_255, %mul3A_253 : i32
        %dma_start3A_257 = tpu.memref_slice %arg2[%add3A_256] : memref<643328xi32, #tpu.memory_space<hbm>> -> memref<384xi32, #tpu.memory_space<hbm>>
        %dma_start3A_258 = tpu.memref_slice %arg2[%add3A_256] : memref<643328xi32, #tpu.memory_space<hbm>> -> memref<384xi32, #tpu.memory_space<hbm>>
        tpu.enqueue_dma source(%dma_start3A_258 : memref<384xi32, #tpu.memory_space<hbm>>) target(%arg8 : memref<384xi32, #tpu.memory_space<vmem>>) target_semaphore(%arg21 : memref<!tpu.dma_semaphore, #tpu.memory_space<semaphore_mem>>)
        %mul3A_259 = arith.constant 20096 : i32
        %mul3A_260 = arith.muli %arg1, %mul3A_259 : i32
        %add3A_261 = arith.addi %mul3A_260, %mul3A_253 : i32
        %dma_start3A_262 = tpu.memref_slice %arg3[%add3A_261] : memref<321792xi32, #tpu.memory_space<hbm>> -> memref<384xi32, #tpu.memory_space<hbm>>
        %dma_start3A_263 = tpu.memref_slice %arg3[%add3A_261] : memref<321792xi32, #tpu.memory_space<hbm>> -> memref<384xi32, #tpu.memory_space<hbm>>
        tpu.enqueue_dma source(%dma_start3A_263 : memref<384xi32, #tpu.memory_space<hbm>>) target(%arg9 : memref<384xi32, #tpu.memory_space<vmem>>) target_semaphore(%arg21 : memref<!tpu.dma_semaphore, #tpu.memory_space<semaphore_mem>>)
      } else {
      }
      %scan3A_249 = arith.constant 0 : i32
      scf.yield %scan3A_249 : i32
    }
    %scan3A_55 = arith.constant 26 : i32
    %dma_wait3A = arith.constant 0 : i32
    %dma_wait3A_56 = tpu.memref_slice %arg6[%dma_wait3A] : memref<384xi32, #tpu.memory_space<vmem>> -> memref<128xi32, #tpu.memory_space<vmem>>
    %dma_wait3A_57 = arith.constant 0 : i32
    %dma_wait3A_58 = arith.constant 0 : i32
    %dma_wait3A_59 = tpu.memref_slice %arg4[%dma_wait3A_57, %dma_wait3A_58] : memref<20000x128xf32, #tpu.memory_space<hbm>> -> memref<20000x128xf32, #tpu.memory_space<hbm>>
    tpu.wait_indirect_dma semaphore(%arg14 : memref<!tpu.dma_semaphore, #tpu.memory_space<semaphore_mem>>) src(%dma_wait3A_59 : memref<20000x128xf32, #tpu.memory_space<hbm>>) dst(%arg10 : memref<128x128xf32, #tpu.memory_space<vmem>>)
    %dma_start3A_60 = arith.constant 0 : i32
    %dma_start3A_61 = tpu.memref_slice %arg7[%dma_start3A_60] : memref<384xi32, #tpu.memory_space<vmem>> -> memref<128xi32, #tpu.memory_space<vmem>>
    %dma_start3A_62 = arith.constant 0 : i32
    %dma_start3A_63 = arith.constant 0 : i32
    %dma_start3A_64 = tpu.memref_slice %arg13[%dma_start3A_62, %dma_start3A_63] : memref<10008x128xf32, #tpu.memory_space<vmem_shared>> -> memref<10008x128xf32, #tpu.memory_space<vmem_shared>>
    tpu.enqueue_indirect_dma source(%arg10 : memref<128x128xf32, #tpu.memory_space<vmem>>) target(%dma_start3A_64 : memref<10008x128xf32, #tpu.memory_space<vmem_shared>>) offsets(%dma_start3A_61 : memref<128xi32, #tpu.memory_space<vmem>>) semaphore(%arg17 : memref<!tpu.dma_semaphore, #tpu.memory_space<semaphore_mem>>) {add = true}
    %dma_wait3A_65 = arith.constant 256 : i32
    %dma_wait3A_66 = tpu.memref_slice %arg9[%dma_wait3A_65] : memref<384xi32, #tpu.memory_space<vmem>> -> memref<128xi32, #tpu.memory_space<vmem>>
    %dma_wait3A_67 = arith.constant 0 : i32
    %dma_wait3A_68 = arith.constant 0 : i32
    %dma_wait3A_69 = tpu.memref_slice %arg13[%dma_wait3A_67, %dma_wait3A_68] : memref<10008x128xf32, #tpu.memory_space<vmem_shared>> -> memref<10008x128xf32, #tpu.memory_space<vmem_shared>>
    tpu.wait_indirect_dma semaphore(%arg19 : memref<!tpu.dma_semaphore, #tpu.memory_space<semaphore_mem>>) src(%arg12 : memref<128x128xf32, #tpu.memory_space<vmem>>) dst(%dma_wait3A_69 : memref<10008x128xf32, #tpu.memory_space<vmem_shared>>)
    %dma_wait3A_70 = arith.constant 0 : i32
    %dma_wait3A_71 = tpu.memref_slice %arg7[%dma_wait3A_70] : memref<384xi32, #tpu.memory_space<vmem>> -> memref<128xi32, #tpu.memory_space<vmem>>
    %dma_wait3A_72 = arith.constant 0 : i32
    %dma_wait3A_73 = arith.constant 0 : i32
    %dma_wait3A_74 = tpu.memref_slice %arg13[%dma_wait3A_72, %dma_wait3A_73] : memref<10008x128xf32, #tpu.memory_space<vmem_shared>> -> memref<10008x128xf32, #tpu.memory_space<vmem_shared>>
    tpu.wait_indirect_dma semaphore(%arg17 : memref<!tpu.dma_semaphore, #tpu.memory_space<semaphore_mem>>) src(%arg10 : memref<128x128xf32, #tpu.memory_space<vmem>>) dst(%dma_wait3A_74 : memref<10008x128xf32, #tpu.memory_space<vmem_shared>>)
    %barrier3A_75 = arith.constant 0 : index
    tpu.barrier barrier_id(%barrier3A_75)
    %lt3A_76 = arith.constant 10 : i32
    %lt3A_77 = arith.cmpi slt, %arg1, %lt3A_76 : i32
    %convert_element_type3A_78 = arith.extui %lt3A_77 : i1 to i32
    %cond3A_79 = arith.constant 0 : i32
    %cond3A_80 = arith.cmpi ne, %convert_element_type3A_78, %cond3A_79 : i32
    scf.if %cond3A_80 {
      %mul3A_81 = arith.constant 1000 : i32
      %mul3A_82 = arith.muli %arg1, %mul3A_81 : i32
      %add3A_83 = arith.constant 0 : i32
      %add3A_84 = arith.addi %mul3A_82, %add3A_83 : i32
      "tpu.region"() ({
        %run_scoped3A = tpu.sem_alloc : memref<!tpu.dma_semaphore, #tpu.memory_space<semaphore_mem>>
        %dma_start3A_295 = arith.constant 0 : i32
        %dma_start3A_296 = arith.constant 0 : i32
        %dma_start3A_297 = tpu.memref_slice %arg10[%dma_start3A_295, %dma_start3A_296] : memref<128x128xf32, #tpu.memory_space<vmem>> -> memref<128x128xf32, #tpu.memory_space<vmem>>
        %dma_start3A_298 = arith.constant 0 : i32
        %dma_start3A_299 = tpu.memref_slice %arg13[%add3A_84, %dma_start3A_298] : memref<10008x128xf32, #tpu.memory_space<vmem_shared>> -> memref<128x128xf32, #tpu.memory_space<vmem_shared>>
        %dma_start3A_300 = arith.constant 0 : i32
        %dma_start3A_301 = arith.constant 0 : i32
        %dma_start3A_302 = tpu.memref_slice %arg10[%dma_start3A_300, %dma_start3A_301] : memref<128x128xf32, #tpu.memory_space<vmem>> -> memref<128x128xf32, #tpu.memory_space<vmem>>
        %dma_start3A_303 = arith.constant 0 : i32
        %dma_start3A_304 = tpu.memref_slice %arg13[%add3A_84, %dma_start3A_303] : memref<10008x128xf32, #tpu.memory_space<vmem_shared>> -> memref<128x128xf32, #tpu.memory_space<vmem_shared>>
        tpu.enqueue_dma source(%dma_start3A_304 : memref<128x128xf32, #tpu.memory_space<vmem_shared>>) target(%dma_start3A_302 : memref<128x128xf32, #tpu.memory_space<vmem>>) target_semaphore(%run_scoped3A : memref<!tpu.dma_semaphore, #tpu.memory_space<semaphore_mem>>)
        %dma_wait3A_305 = arith.constant 0 : i32
        %dma_wait3A_306 = arith.constant 0 : i32
        %dma_wait3A_307 = tpu.memref_slice %arg10[%dma_wait3A_305, %dma_wait3A_306] : memref<128x128xf32, #tpu.memory_space<vmem>> -> memref<128x128xf32, #tpu.memory_space<vmem>>
        %dma_wait3A_308 = arith.constant 0 : i32
        %dma_wait3A_309 = tpu.memref_slice %arg13[%add3A_84, %dma_wait3A_308] : memref<10008x128xf32, #tpu.memory_space<vmem_shared>> -> memref<128x128xf32, #tpu.memory_space<vmem_shared>>
        %dma_wait3A_310 = arith.constant 0 : i32
        %dma_wait3A_311 = arith.constant 0 : i32
        %dma_wait3A_312 = tpu.memref_slice %arg10[%dma_wait3A_310, %dma_wait3A_311] : memref<128x128xf32, #tpu.memory_space<vmem>> -> memref<128x128xf32, #tpu.memory_space<vmem>>
        %dma_wait3A_313 = arith.constant 0 : i32
        %dma_wait3A_314 = tpu.memref_slice %arg13[%add3A_84, %dma_wait3A_313] : memref<10008x128xf32, #tpu.memory_space<vmem_shared>> -> memref<128x128xf32, #tpu.memory_space<vmem_shared>>
        tpu.wait_dma2 semaphore(%run_scoped3A : memref<!tpu.dma_semaphore, #tpu.memory_space<semaphore_mem>>) src(%dma_wait3A_314 : memref<128x128xf32, #tpu.memory_space<vmem_shared>>) dst(%dma_wait3A_312 : memref<128x128xf32, #tpu.memory_space<vmem>>)
        tpu.yield
      }) : () -> ()
      %dma_start3A_85 = arith.constant 0 : i32
      %dma_start3A_86 = arith.constant 0 : i32
      %dma_start3A_87 = tpu.memref_slice %arg10[%dma_start3A_85, %dma_start3A_86] : memref<128x128xf32, #tpu.memory_space<vmem>> -> memref<128x128xf32, #tpu.memory_space<vmem>>
      %dma_start3A_88 = arith.constant 0 : i32
      %dma_start3A_89 = tpu.memref_slice %arg5[%arg0, %add3A_84, %dma_start3A_88] : memref<2x10000x128xf32, #tpu.memory_space<hbm>> -> memref<1x128x128xf32, #tpu.memory_space<hbm>>
      %dma_start3A_90 = tpu.memref_squeeze %dma_start3A_89 : memref<1x128x128xf32, #tpu.memory_space<hbm>> -> memref<128x128xf32, #tpu.memory_space<hbm>>
      %dma_start3A_91 = arith.constant 0 : i32
      %dma_start3A_92 = tpu.memref_slice %arg5[%arg0, %add3A_84, %dma_start3A_91] : memref<2x10000x128xf32, #tpu.memory_space<hbm>> -> memref<1x128x128xf32, #tpu.memory_space<hbm>>
      %dma_start3A_93 = tpu.memref_squeeze %dma_start3A_92 : memref<1x128x128xf32, #tpu.memory_space<hbm>> -> memref<128x128xf32, #tpu.memory_space<hbm>>
      %dma_start3A_94 = arith.constant 0 : i32
      %dma_start3A_95 = arith.constant 0 : i32
      %dma_start3A_96 = tpu.memref_slice %arg10[%dma_start3A_94, %dma_start3A_95] : memref<128x128xf32, #tpu.memory_space<vmem>> -> memref<128x128xf32, #tpu.memory_space<vmem>>
      tpu.enqueue_dma source(%dma_start3A_96 : memref<128x128xf32, #tpu.memory_space<vmem>>) target(%dma_start3A_93 : memref<128x128xf32, #tpu.memory_space<hbm>>) target_semaphore(%arg14 : memref<!tpu.dma_semaphore, #tpu.memory_space<semaphore_mem>>)
      %mul3A_97 = arith.constant 1000 : i32
      %mul3A_98 = arith.muli %arg1, %mul3A_97 : i32
      %add3A_99 = arith.constant 128 : i32
      %add3A_100 = arith.addi %mul3A_98, %add3A_99 : i32
      "tpu.region"() ({
        %run_scoped3A = tpu.sem_alloc : memref<!tpu.dma_semaphore, #tpu.memory_space<semaphore_mem>>
        %dma_start3A_295 = arith.constant 0 : i32
        %dma_start3A_296 = arith.constant 0 : i32
        %dma_start3A_297 = tpu.memref_slice %arg11[%dma_start3A_295, %dma_start3A_296] : memref<128x128xf32, #tpu.memory_space<vmem>> -> memref<128x128xf32, #tpu.memory_space<vmem>>
        %dma_start3A_298 = arith.constant 0 : i32
        %dma_start3A_299 = tpu.memref_slice %arg13[%add3A_100, %dma_start3A_298] : memref<10008x128xf32, #tpu.memory_space<vmem_shared>> -> memref<128x128xf32, #tpu.memory_space<vmem_shared>>
        %dma_start3A_300 = arith.constant 0 : i32
        %dma_start3A_301 = arith.constant 0 : i32
        %dma_start3A_302 = tpu.memref_slice %arg11[%dma_start3A_300, %dma_start3A_301] : memref<128x128xf32, #tpu.memory_space<vmem>> -> memref<128x128xf32, #tpu.memory_space<vmem>>
        %dma_start3A_303 = arith.constant 0 : i32
        %dma_start3A_304 = tpu.memref_slice %arg13[%add3A_100, %dma_start3A_303] : memref<10008x128xf32, #tpu.memory_space<vmem_shared>> -> memref<128x128xf32, #tpu.memory_space<vmem_shared>>
        tpu.enqueue_dma source(%dma_start3A_304 : memref<128x128xf32, #tpu.memory_space<vmem_shared>>) target(%dma_start3A_302 : memref<128x128xf32, #tpu.memory_space<vmem>>) target_semaphore(%run_scoped3A : memref<!tpu.dma_semaphore, #tpu.memory_space<semaphore_mem>>)
        %dma_wait3A_305 = arith.constant 0 : i32
        %dma_wait3A_306 = arith.constant 0 : i32
        %dma_wait3A_307 = tpu.memref_slice %arg11[%dma_wait3A_305, %dma_wait3A_306] : memref<128x128xf32, #tpu.memory_space<vmem>> -> memref<128x128xf32, #tpu.memory_space<vmem>>
        %dma_wait3A_308 = arith.constant 0 : i32
        %dma_wait3A_309 = tpu.memref_slice %arg13[%add3A_100, %dma_wait3A_308] : memref<10008x128xf32, #tpu.memory_space<vmem_shared>> -> memref<128x128xf32, #tpu.memory_space<vmem_shared>>
        %dma_wait3A_310 = arith.constant 0 : i32
        %dma_wait3A_311 = arith.constant 0 : i32
        %dma_wait3A_312 = tpu.memref_slice %arg11[%dma_wait3A_310, %dma_wait3A_311] : memref<128x128xf32, #tpu.memory_space<vmem>> -> memref<128x128xf32, #tpu.memory_space<vmem>>
        %dma_wait3A_313 = arith.constant 0 : i32
        %dma_wait3A_314 = tpu.memref_slice %arg13[%add3A_100, %dma_wait3A_313] : memref<10008x128xf32, #tpu.memory_space<vmem_shared>> -> memref<128x128xf32, #tpu.memory_space<vmem_shared>>
        tpu.wait_dma2 semaphore(%run_scoped3A : memref<!tpu.dma_semaphore, #tpu.memory_space<semaphore_mem>>) src(%dma_wait3A_314 : memref<128x128xf32, #tpu.memory_space<vmem_shared>>) dst(%dma_wait3A_312 : memref<128x128xf32, #tpu.memory_space<vmem>>)
        tpu.yield
      }) : () -> ()
      %dma_start3A_101 = arith.constant 0 : i32
      %dma_start3A_102 = arith.constant 0 : i32
      %dma_start3A_103 = tpu.memref_slice %arg11[%dma_start3A_101, %dma_start3A_102] : memref<128x128xf32, #tpu.memory_space<vmem>> -> memref<128x128xf32, #tpu.memory_space<vmem>>
      %dma_start3A_104 = arith.constant 0 : i32
      %dma_start3A_105 = tpu.memref_slice %arg5[%arg0, %add3A_100, %dma_start3A_104] : memref<2x10000x128xf32, #tpu.memory_space<hbm>> -> memref<1x128x128xf32, #tpu.memory_space<hbm>>
      %dma_start3A_106 = tpu.memref_squeeze %dma_start3A_105 : memref<1x128x128xf32, #tpu.memory_space<hbm>> -> memref<128x128xf32, #tpu.memory_space<hbm>>
      %dma_start3A_107 = arith.constant 0 : i32
      %dma_start3A_108 = tpu.memref_slice %arg5[%arg0, %add3A_100, %dma_start3A_107] : memref<2x10000x128xf32, #tpu.memory_space<hbm>> -> memref<1x128x128xf32, #tpu.memory_space<hbm>>
      %dma_start3A_109 = tpu.memref_squeeze %dma_start3A_108 : memref<1x128x128xf32, #tpu.memory_space<hbm>> -> memref<128x128xf32, #tpu.memory_space<hbm>>
      %dma_start3A_110 = arith.constant 0 : i32
      %dma_start3A_111 = arith.constant 0 : i32
      %dma_start3A_112 = tpu.memref_slice %arg11[%dma_start3A_110, %dma_start3A_111] : memref<128x128xf32, #tpu.memory_space<vmem>> -> memref<128x128xf32, #tpu.memory_space<vmem>>
      tpu.enqueue_dma source(%dma_start3A_112 : memref<128x128xf32, #tpu.memory_space<vmem>>) target(%dma_start3A_109 : memref<128x128xf32, #tpu.memory_space<hbm>>) target_semaphore(%arg15 : memref<!tpu.dma_semaphore, #tpu.memory_space<semaphore_mem>>)
      %mul3A_113 = arith.constant 1000 : i32
      %mul3A_114 = arith.muli %arg1, %mul3A_113 : i32
      %add3A_115 = arith.constant 256 : i32
      %add3A_116 = arith.addi %mul3A_114, %add3A_115 : i32
      %mul3A_117 = arith.constant 1000 : i32
      %mul3A_118 = arith.muli %arg1, %mul3A_117 : i32
      %add3A_119 = arith.constant 0 : i32
      %add3A_120 = arith.addi %mul3A_118, %add3A_119 : i32
      %dma_wait3A_121 = arith.constant 0 : i32
      %dma_wait3A_122 = tpu.memref_slice %arg5[%arg0, %add3A_120, %dma_wait3A_121] : memref<2x10000x128xf32, #tpu.memory_space<hbm>> -> memref<1x128x128xf32, #tpu.memory_space<hbm>>
      %dma_wait3A_123 = tpu.memref_squeeze %dma_wait3A_122 : memref<1x128x128xf32, #tpu.memory_space<hbm>> -> memref<128x128xf32, #tpu.memory_space<hbm>>
      %dma_wait3A_124 = arith.constant 0 : i32
      %dma_wait3A_125 = tpu.memref_slice %arg5[%arg0, %add3A_120, %dma_wait3A_124] : memref<2x10000x128xf32, #tpu.memory_space<hbm>> -> memref<1x128x128xf32, #tpu.memory_space<hbm>>
      %dma_wait3A_126 = tpu.memref_squeeze %dma_wait3A_125 : memref<1x128x128xf32, #tpu.memory_space<hbm>> -> memref<128x128xf32, #tpu.memory_space<hbm>>
      tpu.wait_dma2 semaphore(%arg14 : memref<!tpu.dma_semaphore, #tpu.memory_space<semaphore_mem>>) src(%arg10 : memref<128x128xf32, #tpu.memory_space<vmem>>) dst(%dma_wait3A_126 : memref<128x128xf32, #tpu.memory_space<hbm>>)
      "tpu.region"() ({
        %run_scoped3A = tpu.sem_alloc : memref<!tpu.dma_semaphore, #tpu.memory_space<semaphore_mem>>
        %dma_start3A_295 = arith.constant 0 : i32
        %dma_start3A_296 = arith.constant 0 : i32
        %dma_start3A_297 = tpu.memref_slice %arg10[%dma_start3A_295, %dma_start3A_296] : memref<128x128xf32, #tpu.memory_space<vmem>> -> memref<128x128xf32, #tpu.memory_space<vmem>>
        %dma_start3A_298 = arith.constant 0 : i32
        %dma_start3A_299 = tpu.memref_slice %arg13[%add3A_116, %dma_start3A_298] : memref<10008x128xf32, #tpu.memory_space<vmem_shared>> -> memref<128x128xf32, #tpu.memory_space<vmem_shared>>
        %dma_start3A_300 = arith.constant 0 : i32
        %dma_start3A_301 = arith.constant 0 : i32
        %dma_start3A_302 = tpu.memref_slice %arg10[%dma_start3A_300, %dma_start3A_301] : memref<128x128xf32, #tpu.memory_space<vmem>> -> memref<128x128xf32, #tpu.memory_space<vmem>>
        %dma_start3A_303 = arith.constant 0 : i32
        %dma_start3A_304 = tpu.memref_slice %arg13[%add3A_116, %dma_start3A_303] : memref<10008x128xf32, #tpu.memory_space<vmem_shared>> -> memref<128x128xf32, #tpu.memory_space<vmem_shared>>
        tpu.enqueue_dma source(%dma_start3A_304 : memref<128x128xf32, #tpu.memory_space<vmem_shared>>) target(%dma_start3A_302 : memref<128x128xf32, #tpu.memory_space<vmem>>) target_semaphore(%run_scoped3A : memref<!tpu.dma_semaphore, #tpu.memory_space<semaphore_mem>>)
        %dma_wait3A_305 = arith.constant 0 : i32
        %dma_wait3A_306 = arith.constant 0 : i32
        %dma_wait3A_307 = tpu.memref_slice %arg10[%dma_wait3A_305, %dma_wait3A_306] : memref<128x128xf32, #tpu.memory_space<vmem>> -> memref<128x128xf32, #tpu.memory_space<vmem>>
        %dma_wait3A_308 = arith.constant 0 : i32
        %dma_wait3A_309 = tpu.memref_slice %arg13[%add3A_116, %dma_wait3A_308] : memref<10008x128xf32, #tpu.memory_space<vmem_shared>> -> memref<128x128xf32, #tpu.memory_space<vmem_shared>>
        %dma_wait3A_310 = arith.constant 0 : i32
        %dma_wait3A_311 = arith.constant 0 : i32
        %dma_wait3A_312 = tpu.memref_slice %arg10[%dma_wait3A_310, %dma_wait3A_311] : memref<128x128xf32, #tpu.memory_space<vmem>> -> memref<128x128xf32, #tpu.memory_space<vmem>>
        %dma_wait3A_313 = arith.constant 0 : i32
        %dma_wait3A_314 = tpu.memref_slice %arg13[%add3A_116, %dma_wait3A_313] : memref<10008x128xf32, #tpu.memory_space<vmem_shared>> -> memref<128x128xf32, #tpu.memory_space<vmem_shared>>
        tpu.wait_dma2 semaphore(%run_scoped3A : memref<!tpu.dma_semaphore, #tpu.memory_space<semaphore_mem>>) src(%dma_wait3A_314 : memref<128x128xf32, #tpu.memory_space<vmem_shared>>) dst(%dma_wait3A_312 : memref<128x128xf32, #tpu.memory_space<vmem>>)
        tpu.yield
      }) : () -> ()
      %dma_start3A_127 = arith.constant 0 : i32
      %dma_start3A_128 = arith.constant 0 : i32
      %dma_start3A_129 = tpu.memref_slice %arg10[%dma_start3A_127, %dma_start3A_128] : memref<128x128xf32, #tpu.memory_space<vmem>> -> memref<128x128xf32, #tpu.memory_space<vmem>>
      %dma_start3A_130 = arith.constant 0 : i32
      %dma_start3A_131 = tpu.memref_slice %arg5[%arg0, %add3A_116, %dma_start3A_130] : memref<2x10000x128xf32, #tpu.memory_space<hbm>> -> memref<1x128x128xf32, #tpu.memory_space<hbm>>
      %dma_start3A_132 = tpu.memref_squeeze %dma_start3A_131 : memref<1x128x128xf32, #tpu.memory_space<hbm>> -> memref<128x128xf32, #tpu.memory_space<hbm>>
      %dma_start3A_133 = arith.constant 0 : i32
      %dma_start3A_134 = tpu.memref_slice %arg5[%arg0, %add3A_116, %dma_start3A_133] : memref<2x10000x128xf32, #tpu.memory_space<hbm>> -> memref<1x128x128xf32, #tpu.memory_space<hbm>>
      %dma_start3A_135 = tpu.memref_squeeze %dma_start3A_134 : memref<1x128x128xf32, #tpu.memory_space<hbm>> -> memref<128x128xf32, #tpu.memory_space<hbm>>
      %dma_start3A_136 = arith.constant 0 : i32
      %dma_start3A_137 = arith.constant 0 : i32
      %dma_start3A_138 = tpu.memref_slice %arg10[%dma_start3A_136, %dma_start3A_137] : memref<128x128xf32, #tpu.memory_space<vmem>> -> memref<128x128xf32, #tpu.memory_space<vmem>>
      tpu.enqueue_dma source(%dma_start3A_138 : memref<128x128xf32, #tpu.memory_space<vmem>>) target(%dma_start3A_135 : memref<128x128xf32, #tpu.memory_space<hbm>>) target_semaphore(%arg14 : memref<!tpu.dma_semaphore, #tpu.memory_space<semaphore_mem>>)
      %mul3A_139 = arith.constant 1000 : i32
      %mul3A_140 = arith.muli %arg1, %mul3A_139 : i32
      %add3A_141 = arith.constant 384 : i32
      %add3A_142 = arith.addi %mul3A_140, %add3A_141 : i32
      %mul3A_143 = arith.constant 1000 : i32
      %mul3A_144 = arith.muli %arg1, %mul3A_143 : i32
      %add3A_145 = arith.constant 128 : i32
      %add3A_146 = arith.addi %mul3A_144, %add3A_145 : i32
      %dma_wait3A_147 = arith.constant 0 : i32
      %dma_wait3A_148 = tpu.memref_slice %arg5[%arg0, %add3A_146, %dma_wait3A_147] : memref<2x10000x128xf32, #tpu.memory_space<hbm>> -> memref<1x128x128xf32, #tpu.memory_space<hbm>>
      %dma_wait3A_149 = tpu.memref_squeeze %dma_wait3A_148 : memref<1x128x128xf32, #tpu.memory_space<hbm>> -> memref<128x128xf32, #tpu.memory_space<hbm>>
      %dma_wait3A_150 = arith.constant 0 : i32
      %dma_wait3A_151 = tpu.memref_slice %arg5[%arg0, %add3A_146, %dma_wait3A_150] : memref<2x10000x128xf32, #tpu.memory_space<hbm>> -> memref<1x128x128xf32, #tpu.memory_space<hbm>>
      %dma_wait3A_152 = tpu.memref_squeeze %dma_wait3A_151 : memref<1x128x128xf32, #tpu.memory_space<hbm>> -> memref<128x128xf32, #tpu.memory_space<hbm>>
      tpu.wait_dma2 semaphore(%arg15 : memref<!tpu.dma_semaphore, #tpu.memory_space<semaphore_mem>>) src(%arg11 : memref<128x128xf32, #tpu.memory_space<vmem>>) dst(%dma_wait3A_152 : memref<128x128xf32, #tpu.memory_space<hbm>>)
      "tpu.region"() ({
        %run_scoped3A = tpu.sem_alloc : memref<!tpu.dma_semaphore, #tpu.memory_space<semaphore_mem>>
        %dma_start3A_295 = arith.constant 0 : i32
        %dma_start3A_296 = arith.constant 0 : i32
        %dma_start3A_297 = tpu.memref_slice %arg11[%dma_start3A_295, %dma_start3A_296] : memref<128x128xf32, #tpu.memory_space<vmem>> -> memref<128x128xf32, #tpu.memory_space<vmem>>
        %dma_start3A_298 = arith.constant 0 : i32
        %dma_start3A_299 = tpu.memref_slice %arg13[%add3A_142, %dma_start3A_298] : memref<10008x128xf32, #tpu.memory_space<vmem_shared>> -> memref<128x128xf32, #tpu.memory_space<vmem_shared>>
        %dma_start3A_300 = arith.constant 0 : i32
        %dma_start3A_301 = arith.constant 0 : i32
        %dma_start3A_302 = tpu.memref_slice %arg11[%dma_start3A_300, %dma_start3A_301] : memref<128x128xf32, #tpu.memory_space<vmem>> -> memref<128x128xf32, #tpu.memory_space<vmem>>
        %dma_start3A_303 = arith.constant 0 : i32
        %dma_start3A_304 = tpu.memref_slice %arg13[%add3A_142, %dma_start3A_303] : memref<10008x128xf32, #tpu.memory_space<vmem_shared>> -> memref<128x128xf32, #tpu.memory_space<vmem_shared>>
        tpu.enqueue_dma source(%dma_start3A_304 : memref<128x128xf32, #tpu.memory_space<vmem_shared>>) target(%dma_start3A_302 : memref<128x128xf32, #tpu.memory_space<vmem>>) target_semaphore(%run_scoped3A : memref<!tpu.dma_semaphore, #tpu.memory_space<semaphore_mem>>)
        %dma_wait3A_305 = arith.constant 0 : i32
        %dma_wait3A_306 = arith.constant 0 : i32
        %dma_wait3A_307 = tpu.memref_slice %arg11[%dma_wait3A_305, %dma_wait3A_306] : memref<128x128xf32, #tpu.memory_space<vmem>> -> memref<128x128xf32, #tpu.memory_space<vmem>>
        %dma_wait3A_308 = arith.constant 0 : i32
        %dma_wait3A_309 = tpu.memref_slice %arg13[%add3A_142, %dma_wait3A_308] : memref<10008x128xf32, #tpu.memory_space<vmem_shared>> -> memref<128x128xf32, #tpu.memory_space<vmem_shared>>
        %dma_wait3A_310 = arith.constant 0 : i32
        %dma_wait3A_311 = arith.constant 0 : i32
        %dma_wait3A_312 = tpu.memref_slice %arg11[%dma_wait3A_310, %dma_wait3A_311] : memref<128x128xf32, #tpu.memory_space<vmem>> -> memref<128x128xf32, #tpu.memory_space<vmem>>
        %dma_wait3A_313 = arith.constant 0 : i32
        %dma_wait3A_314 = tpu.memref_slice %arg13[%add3A_142, %dma_wait3A_313] : memref<10008x128xf32, #tpu.memory_space<vmem_shared>> -> memref<128x128xf32, #tpu.memory_space<vmem_shared>>
        tpu.wait_dma2 semaphore(%run_scoped3A : memref<!tpu.dma_semaphore, #tpu.memory_space<semaphore_mem>>) src(%dma_wait3A_314 : memref<128x128xf32, #tpu.memory_space<vmem_shared>>) dst(%dma_wait3A_312 : memref<128x128xf32, #tpu.memory_space<vmem>>)
        tpu.yield
      }) : () -> ()
      %dma_start3A_153 = arith.constant 0 : i32
      %dma_start3A_154 = arith.constant 0 : i32
      %dma_start3A_155 = tpu.memref_slice %arg11[%dma_start3A_153, %dma_start3A_154] : memref<128x128xf32, #tpu.memory_space<vmem>> -> memref<128x128xf32, #tpu.memory_space<vmem>>
      %dma_start3A_156 = arith.constant 0 : i32
      %dma_start3A_157 = tpu.memref_slice %arg5[%arg0, %add3A_142, %dma_start3A_156] : memref<2x10000x128xf32, #tpu.memory_space<hbm>> -> memref<1x128x128xf32, #tpu.memory_space<hbm>>
      %dma_start3A_158 = tpu.memref_squeeze %dma_start3A_157 : memref<1x128x128xf32, #tpu.memory_space<hbm>> -> memref<128x128xf32, #tpu.memory_space<hbm>>
      %dma_start3A_159 = arith.constant 0 : i32
      %dma_start3A_160 = tpu.memref_slice %arg5[%arg0, %add3A_142, %dma_start3A_159] : memref<2x10000x128xf32, #tpu.memory_space<hbm>> -> memref<1x128x128xf32, #tpu.memory_space<hbm>>
      %dma_start3A_161 = tpu.memref_squeeze %dma_start3A_160 : memref<1x128x128xf32, #tpu.memory_space<hbm>> -> memref<128x128xf32, #tpu.memory_space<hbm>>
      %dma_start3A_162 = arith.constant 0 : i32
      %dma_start3A_163 = arith.constant 0 : i32
      %dma_start3A_164 = tpu.memref_slice %arg11[%dma_start3A_162, %dma_start3A_163] : memref<128x128xf32, #tpu.memory_space<vmem>> -> memref<128x128xf32, #tpu.memory_space<vmem>>
      tpu.enqueue_dma source(%dma_start3A_164 : memref<128x128xf32, #tpu.memory_space<vmem>>) target(%dma_start3A_161 : memref<128x128xf32, #tpu.memory_space<hbm>>) target_semaphore(%arg15 : memref<!tpu.dma_semaphore, #tpu.memory_space<semaphore_mem>>)
      %mul3A_165 = arith.constant 1000 : i32
      %mul3A_166 = arith.muli %arg1, %mul3A_165 : i32
      %add3A_167 = arith.constant 512 : i32
      %add3A_168 = arith.addi %mul3A_166, %add3A_167 : i32
      %mul3A_169 = arith.constant 1000 : i32
      %mul3A_170 = arith.muli %arg1, %mul3A_169 : i32
      %add3A_171 = arith.constant 256 : i32
      %add3A_172 = arith.addi %mul3A_170, %add3A_171 : i32
      %dma_wait3A_173 = arith.constant 0 : i32
      %dma_wait3A_174 = tpu.memref_slice %arg5[%arg0, %add3A_172, %dma_wait3A_173] : memref<2x10000x128xf32, #tpu.memory_space<hbm>> -> memref<1x128x128xf32, #tpu.memory_space<hbm>>
      %dma_wait3A_175 = tpu.memref_squeeze %dma_wait3A_174 : memref<1x128x128xf32, #tpu.memory_space<hbm>> -> memref<128x128xf32, #tpu.memory_space<hbm>>
      %dma_wait3A_176 = arith.constant 0 : i32
      %dma_wait3A_177 = tpu.memref_slice %arg5[%arg0, %add3A_172, %dma_wait3A_176] : memref<2x10000x128xf32, #tpu.memory_space<hbm>> -> memref<1x128x128xf32, #tpu.memory_space<hbm>>
      %dma_wait3A_178 = tpu.memref_squeeze %dma_wait3A_177 : memref<1x128x128xf32, #tpu.memory_space<hbm>> -> memref<128x128xf32, #tpu.memory_space<hbm>>
      tpu.wait_dma2 semaphore(%arg14 : memref<!tpu.dma_semaphore, #tpu.memory_space<semaphore_mem>>) src(%arg10 : memref<128x128xf32, #tpu.memory_space<vmem>>) dst(%dma_wait3A_178 : memref<128x128xf32, #tpu.memory_space<hbm>>)
      "tpu.region"() ({
        %run_scoped3A = tpu.sem_alloc : memref<!tpu.dma_semaphore, #tpu.memory_space<semaphore_mem>>
        %dma_start3A_295 = arith.constant 0 : i32
        %dma_start3A_296 = arith.constant 0 : i32
        %dma_start3A_297 = tpu.memref_slice %arg10[%dma_start3A_295, %dma_start3A_296] : memref<128x128xf32, #tpu.memory_space<vmem>> -> memref<128x128xf32, #tpu.memory_space<vmem>>
        %dma_start3A_298 = arith.constant 0 : i32
        %dma_start3A_299 = tpu.memref_slice %arg13[%add3A_168, %dma_start3A_298] : memref<10008x128xf32, #tpu.memory_space<vmem_shared>> -> memref<128x128xf32, #tpu.memory_space<vmem_shared>>
        %dma_start3A_300 = arith.constant 0 : i32
        %dma_start3A_301 = arith.constant 0 : i32
        %dma_start3A_302 = tpu.memref_slice %arg10[%dma_start3A_300, %dma_start3A_301] : memref<128x128xf32, #tpu.memory_space<vmem>> -> memref<128x128xf32, #tpu.memory_space<vmem>>
        %dma_start3A_303 = arith.constant 0 : i32
        %dma_start3A_304 = tpu.memref_slice %arg13[%add3A_168, %dma_start3A_303] : memref<10008x128xf32, #tpu.memory_space<vmem_shared>> -> memref<128x128xf32, #tpu.memory_space<vmem_shared>>
        tpu.enqueue_dma source(%dma_start3A_304 : memref<128x128xf32, #tpu.memory_space<vmem_shared>>) target(%dma_start3A_302 : memref<128x128xf32, #tpu.memory_space<vmem>>) target_semaphore(%run_scoped3A : memref<!tpu.dma_semaphore, #tpu.memory_space<semaphore_mem>>)
        %dma_wait3A_305 = arith.constant 0 : i32
        %dma_wait3A_306 = arith.constant 0 : i32
        %dma_wait3A_307 = tpu.memref_slice %arg10[%dma_wait3A_305, %dma_wait3A_306] : memref<128x128xf32, #tpu.memory_space<vmem>> -> memref<128x128xf32, #tpu.memory_space<vmem>>
        %dma_wait3A_308 = arith.constant 0 : i32
        %dma_wait3A_309 = tpu.memref_slice %arg13[%add3A_168, %dma_wait3A_308] : memref<10008x128xf32, #tpu.memory_space<vmem_shared>> -> memref<128x128xf32, #tpu.memory_space<vmem_shared>>
        %dma_wait3A_310 = arith.constant 0 : i32
        %dma_wait3A_311 = arith.constant 0 : i32
        %dma_wait3A_312 = tpu.memref_slice %arg10[%dma_wait3A_310, %dma_wait3A_311] : memref<128x128xf32, #tpu.memory_space<vmem>> -> memref<128x128xf32, #tpu.memory_space<vmem>>
        %dma_wait3A_313 = arith.constant 0 : i32
        %dma_wait3A_314 = tpu.memref_slice %arg13[%add3A_168, %dma_wait3A_313] : memref<10008x128xf32, #tpu.memory_space<vmem_shared>> -> memref<128x128xf32, #tpu.memory_space<vmem_shared>>
        tpu.wait_dma2 semaphore(%run_scoped3A : memref<!tpu.dma_semaphore, #tpu.memory_space<semaphore_mem>>) src(%dma_wait3A_314 : memref<128x128xf32, #tpu.memory_space<vmem_shared>>) dst(%dma_wait3A_312 : memref<128x128xf32, #tpu.memory_space<vmem>>)
        tpu.yield
      }) : () -> ()
      %dma_start3A_179 = arith.constant 0 : i32
      %dma_start3A_180 = arith.constant 0 : i32
      %dma_start3A_181 = tpu.memref_slice %arg10[%dma_start3A_179, %dma_start3A_180] : memref<128x128xf32, #tpu.memory_space<vmem>> -> memref<128x128xf32, #tpu.memory_space<vmem>>
      %dma_start3A_182 = arith.constant 0 : i32
      %dma_start3A_183 = tpu.memref_slice %arg5[%arg0, %add3A_168, %dma_start3A_182] : memref<2x10000x128xf32, #tpu.memory_space<hbm>> -> memref<1x128x128xf32, #tpu.memory_space<hbm>>
      %dma_start3A_184 = tpu.memref_squeeze %dma_start3A_183 : memref<1x128x128xf32, #tpu.memory_space<hbm>> -> memref<128x128xf32, #tpu.memory_space<hbm>>
      %dma_start3A_185 = arith.constant 0 : i32
      %dma_start3A_186 = tpu.memref_slice %arg5[%arg0, %add3A_168, %dma_start3A_185] : memref<2x10000x128xf32, #tpu.memory_space<hbm>> -> memref<1x128x128xf32, #tpu.memory_space<hbm>>
      %dma_start3A_187 = tpu.memref_squeeze %dma_start3A_186 : memref<1x128x128xf32, #tpu.memory_space<hbm>> -> memref<128x128xf32, #tpu.memory_space<hbm>>
      %dma_start3A_188 = arith.constant 0 : i32
      %dma_start3A_189 = arith.constant 0 : i32
      %dma_start3A_190 = tpu.memref_slice %arg10[%dma_start3A_188, %dma_start3A_189] : memref<128x128xf32, #tpu.memory_space<vmem>> -> memref<128x128xf32, #tpu.memory_space<vmem>>
      tpu.enqueue_dma source(%dma_start3A_190 : memref<128x128xf32, #tpu.memory_space<vmem>>) target(%dma_start3A_187 : memref<128x128xf32, #tpu.memory_space<hbm>>) target_semaphore(%arg14 : memref<!tpu.dma_semaphore, #tpu.memory_space<semaphore_mem>>)
      %mul3A_191 = arith.constant 1000 : i32
      %mul3A_192 = arith.muli %arg1, %mul3A_191 : i32
      %add3A_193 = arith.constant 640 : i32
      %add3A_194 = arith.addi %mul3A_192, %add3A_193 : i32
      %mul3A_195 = arith.constant 1000 : i32
      %mul3A_196 = arith.muli %arg1, %mul3A_195 : i32
      %add3A_197 = arith.constant 384 : i32
      %add3A_198 = arith.addi %mul3A_196, %add3A_197 : i32
      %dma_wait3A_199 = arith.constant 0 : i32
      %dma_wait3A_200 = tpu.memref_slice %arg5[%arg0, %add3A_198, %dma_wait3A_199] : memref<2x10000x128xf32, #tpu.memory_space<hbm>> -> memref<1x128x128xf32, #tpu.memory_space<hbm>>
      %dma_wait3A_201 = tpu.memref_squeeze %dma_wait3A_200 : memref<1x128x128xf32, #tpu.memory_space<hbm>> -> memref<128x128xf32, #tpu.memory_space<hbm>>
      %dma_wait3A_202 = arith.constant 0 : i32
      %dma_wait3A_203 = tpu.memref_slice %arg5[%arg0, %add3A_198, %dma_wait3A_202] : memref<2x10000x128xf32, #tpu.memory_space<hbm>> -> memref<1x128x128xf32, #tpu.memory_space<hbm>>
      %dma_wait3A_204 = tpu.memref_squeeze %dma_wait3A_203 : memref<1x128x128xf32, #tpu.memory_space<hbm>> -> memref<128x128xf32, #tpu.memory_space<hbm>>
      tpu.wait_dma2 semaphore(%arg15 : memref<!tpu.dma_semaphore, #tpu.memory_space<semaphore_mem>>) src(%arg11 : memref<128x128xf32, #tpu.memory_space<vmem>>) dst(%dma_wait3A_204 : memref<128x128xf32, #tpu.memory_space<hbm>>)
      "tpu.region"() ({
        %run_scoped3A = tpu.sem_alloc : memref<!tpu.dma_semaphore, #tpu.memory_space<semaphore_mem>>
        %dma_start3A_295 = arith.constant 0 : i32
        %dma_start3A_296 = arith.constant 0 : i32
        %dma_start3A_297 = tpu.memref_slice %arg11[%dma_start3A_295, %dma_start3A_296] : memref<128x128xf32, #tpu.memory_space<vmem>> -> memref<128x128xf32, #tpu.memory_space<vmem>>
        %dma_start3A_298 = arith.constant 0 : i32
        %dma_start3A_299 = tpu.memref_slice %arg13[%add3A_194, %dma_start3A_298] : memref<10008x128xf32, #tpu.memory_space<vmem_shared>> -> memref<128x128xf32, #tpu.memory_space<vmem_shared>>
        %dma_start3A_300 = arith.constant 0 : i32
        %dma_start3A_301 = arith.constant 0 : i32
        %dma_start3A_302 = tpu.memref_slice %arg11[%dma_start3A_300, %dma_start3A_301] : memref<128x128xf32, #tpu.memory_space<vmem>> -> memref<128x128xf32, #tpu.memory_space<vmem>>
        %dma_start3A_303 = arith.constant 0 : i32
        %dma_start3A_304 = tpu.memref_slice %arg13[%add3A_194, %dma_start3A_303] : memref<10008x128xf32, #tpu.memory_space<vmem_shared>> -> memref<128x128xf32, #tpu.memory_space<vmem_shared>>
        tpu.enqueue_dma source(%dma_start3A_304 : memref<128x128xf32, #tpu.memory_space<vmem_shared>>) target(%dma_start3A_302 : memref<128x128xf32, #tpu.memory_space<vmem>>) target_semaphore(%run_scoped3A : memref<!tpu.dma_semaphore, #tpu.memory_space<semaphore_mem>>)
        %dma_wait3A_305 = arith.constant 0 : i32
        %dma_wait3A_306 = arith.constant 0 : i32
        %dma_wait3A_307 = tpu.memref_slice %arg11[%dma_wait3A_305, %dma_wait3A_306] : memref<128x128xf32, #tpu.memory_space<vmem>> -> memref<128x128xf32, #tpu.memory_space<vmem>>
        %dma_wait3A_308 = arith.constant 0 : i32
        %dma_wait3A_309 = tpu.memref_slice %arg13[%add3A_194, %dma_wait3A_308] : memref<10008x128xf32, #tpu.memory_space<vmem_shared>> -> memref<128x128xf32, #tpu.memory_space<vmem_shared>>
        %dma_wait3A_310 = arith.constant 0 : i32
        %dma_wait3A_311 = arith.constant 0 : i32
        %dma_wait3A_312 = tpu.memref_slice %arg11[%dma_wait3A_310, %dma_wait3A_311] : memref<128x128xf32, #tpu.memory_space<vmem>> -> memref<128x128xf32, #tpu.memory_space<vmem>>
        %dma_wait3A_313 = arith.constant 0 : i32
        %dma_wait3A_314 = tpu.memref_slice %arg13[%add3A_194, %dma_wait3A_313] : memref<10008x128xf32, #tpu.memory_space<vmem_shared>> -> memref<128x128xf32, #tpu.memory_space<vmem_shared>>
        tpu.wait_dma2 semaphore(%run_scoped3A : memref<!tpu.dma_semaphore, #tpu.memory_space<semaphore_mem>>) src(%dma_wait3A_314 : memref<128x128xf32, #tpu.memory_space<vmem_shared>>) dst(%dma_wait3A_312 : memref<128x128xf32, #tpu.memory_space<vmem>>)
        tpu.yield
      }) : () -> ()
      %dma_start3A_205 = arith.constant 0 : i32
      %dma_start3A_206 = arith.constant 0 : i32
      %dma_start3A_207 = tpu.memref_slice %arg11[%dma_start3A_205, %dma_start3A_206] : memref<128x128xf32, #tpu.memory_space<vmem>> -> memref<128x128xf32, #tpu.memory_space<vmem>>
      %dma_start3A_208 = arith.constant 0 : i32
      %dma_start3A_209 = tpu.memref_slice %arg5[%arg0, %add3A_194, %dma_start3A_208] : memref<2x10000x128xf32, #tpu.memory_space<hbm>> -> memref<1x128x128xf32, #tpu.memory_space<hbm>>
      %dma_start3A_210 = tpu.memref_squeeze %dma_start3A_209 : memref<1x128x128xf32, #tpu.memory_space<hbm>> -> memref<128x128xf32, #tpu.memory_space<hbm>>
      %dma_start3A_211 = arith.constant 0 : i32
      %dma_start3A_212 = tpu.memref_slice %arg5[%arg0, %add3A_194, %dma_start3A_211] : memref<2x10000x128xf32, #tpu.memory_space<hbm>> -> memref<1x128x128xf32, #tpu.memory_space<hbm>>
      %dma_start3A_213 = tpu.memref_squeeze %dma_start3A_212 : memref<1x128x128xf32, #tpu.memory_space<hbm>> -> memref<128x128xf32, #tpu.memory_space<hbm>>
      %dma_start3A_214 = arith.constant 0 : i32
      %dma_start3A_215 = arith.constant 0 : i32
      %dma_start3A_216 = tpu.memref_slice %arg11[%dma_start3A_214, %dma_start3A_215] : memref<128x128xf32, #tpu.memory_space<vmem>> -> memref<128x128xf32, #tpu.memory_space<vmem>>
      tpu.enqueue_dma source(%dma_start3A_216 : memref<128x128xf32, #tpu.memory_space<vmem>>) target(%dma_start3A_213 : memref<128x128xf32, #tpu.memory_space<hbm>>) target_semaphore(%arg15 : memref<!tpu.dma_semaphore, #tpu.memory_space<semaphore_mem>>)
      %mul3A_217 = arith.constant 1000 : i32
      %mul3A_218 = arith.muli %arg1, %mul3A_217 : i32
      %add3A_219 = arith.constant 768 : i32
      %add3A_220 = arith.addi %mul3A_218, %add3A_219 : i32
      %mul3A_221 = arith.constant 1000 : i32
      %mul3A_222 = arith.muli %arg1, %mul3A_221 : i32
      %add3A_223 = arith.constant 512 : i32
      %add3A_224 = arith.addi %mul3A_222, %add3A_223 : i32
      %dma_wait3A_225 = arith.constant 0 : i32
      %dma_wait3A_226 = tpu.memref_slice %arg5[%arg0, %add3A_224, %dma_wait3A_225] : memref<2x10000x128xf32, #tpu.memory_space<hbm>> -> memref<1x128x128xf32, #tpu.memory_space<hbm>>
      %dma_wait3A_227 = tpu.memref_squeeze %dma_wait3A_226 : memref<1x128x128xf32, #tpu.memory_space<hbm>> -> memref<128x128xf32, #tpu.memory_space<hbm>>
      %dma_wait3A_228 = arith.constant 0 : i32
      %dma_wait3A_229 = tpu.memref_slice %arg5[%arg0, %add3A_224, %dma_wait3A_228] : memref<2x10000x128xf32, #tpu.memory_space<hbm>> -> memref<1x128x128xf32, #tpu.memory_space<hbm>>
      %dma_wait3A_230 = tpu.memref_squeeze %dma_wait3A_229 : memref<1x128x128xf32, #tpu.memory_space<hbm>> -> memref<128x128xf32, #tpu.memory_space<hbm>>
      tpu.wait_dma2 semaphore(%arg14 : memref<!tpu.dma_semaphore, #tpu.memory_space<semaphore_mem>>) src(%arg10 : memref<128x128xf32, #tpu.memory_space<vmem>>) dst(%dma_wait3A_230 : memref<128x128xf32, #tpu.memory_space<hbm>>)
      "tpu.region"() ({
        %run_scoped3A = tpu.sem_alloc : memref<!tpu.dma_semaphore, #tpu.memory_space<semaphore_mem>>
        %dma_start3A_295 = arith.constant 0 : i32
        %dma_start3A_296 = arith.constant 0 : i32
        %dma_start3A_297 = tpu.memref_slice %arg10[%dma_start3A_295, %dma_start3A_296] : memref<128x128xf32, #tpu.memory_space<vmem>> -> memref<128x128xf32, #tpu.memory_space<vmem>>
        %dma_start3A_298 = arith.constant 0 : i32
        %dma_start3A_299 = tpu.memref_slice %arg13[%add3A_220, %dma_start3A_298] : memref<10008x128xf32, #tpu.memory_space<vmem_shared>> -> memref<128x128xf32, #tpu.memory_space<vmem_shared>>
        %dma_start3A_300 = arith.constant 0 : i32
        %dma_start3A_301 = arith.constant 0 : i32
        %dma_start3A_302 = tpu.memref_slice %arg10[%dma_start3A_300, %dma_start3A_301] : memref<128x128xf32, #tpu.memory_space<vmem>> -> memref<128x128xf32, #tpu.memory_space<vmem>>
        %dma_start3A_303 = arith.constant 0 : i32
        %dma_start3A_304 = tpu.memref_slice %arg13[%add3A_220, %dma_start3A_303] : memref<10008x128xf32, #tpu.memory_space<vmem_shared>> -> memref<128x128xf32, #tpu.memory_space<vmem_shared>>
        tpu.enqueue_dma source(%dma_start3A_304 : memref<128x128xf32, #tpu.memory_space<vmem_shared>>) target(%dma_start3A_302 : memref<128x128xf32, #tpu.memory_space<vmem>>) target_semaphore(%run_scoped3A : memref<!tpu.dma_semaphore, #tpu.memory_space<semaphore_mem>>)
        %dma_wait3A_305 = arith.constant 0 : i32
        %dma_wait3A_306 = arith.constant 0 : i32
        %dma_wait3A_307 = tpu.memref_slice %arg10[%dma_wait3A_305, %dma_wait3A_306] : memref<128x128xf32, #tpu.memory_space<vmem>> -> memref<128x128xf32, #tpu.memory_space<vmem>>
        %dma_wait3A_308 = arith.constant 0 : i32
        %dma_wait3A_309 = tpu.memref_slice %arg13[%add3A_220, %dma_wait3A_308] : memref<10008x128xf32, #tpu.memory_space<vmem_shared>> -> memref<128x128xf32, #tpu.memory_space<vmem_shared>>
        %dma_wait3A_310 = arith.constant 0 : i32
        %dma_wait3A_311 = arith.constant 0 : i32
        %dma_wait3A_312 = tpu.memref_slice %arg10[%dma_wait3A_310, %dma_wait3A_311] : memref<128x128xf32, #tpu.memory_space<vmem>> -> memref<128x128xf32, #tpu.memory_space<vmem>>
        %dma_wait3A_313 = arith.constant 0 : i32
        %dma_wait3A_314 = tpu.memref_slice %arg13[%add3A_220, %dma_wait3A_313] : memref<10008x128xf32, #tpu.memory_space<vmem_shared>> -> memref<128x128xf32, #tpu.memory_space<vmem_shared>>
        tpu.wait_dma2 semaphore(%run_scoped3A : memref<!tpu.dma_semaphore, #tpu.memory_space<semaphore_mem>>) src(%dma_wait3A_314 : memref<128x128xf32, #tpu.memory_space<vmem_shared>>) dst(%dma_wait3A_312 : memref<128x128xf32, #tpu.memory_space<vmem>>)
        tpu.yield
      }) : () -> ()
      %dma_start3A_231 = arith.constant 0 : i32
      %dma_start3A_232 = arith.constant 0 : i32
      %dma_start3A_233 = tpu.memref_slice %arg10[%dma_start3A_231, %dma_start3A_232] : memref<128x128xf32, #tpu.memory_space<vmem>> -> memref<128x128xf32, #tpu.memory_space<vmem>>
      %dma_start3A_234 = arith.constant 0 : i32
      %dma_start3A_235 = tpu.memref_slice %arg5[%arg0, %add3A_220, %dma_start3A_234] : memref<2x10000x128xf32, #tpu.memory_space<hbm>> -> memref<1x128x128xf32, #tpu.memory_space<hbm>>
      %dma_start3A_236 = tpu.memref_squeeze %dma_start3A_235 : memref<1x128x128xf32, #tpu.memory_space<hbm>> -> memref<128x128xf32, #tpu.memory_space<hbm>>
      %dma_start3A_237 = arith.constant 0 : i32
      %dma_start3A_238 = tpu.memref_slice %arg5[%arg0, %add3A_220, %dma_start3A_237] : memref<2x10000x128xf32, #tpu.memory_space<hbm>> -> memref<1x128x128xf32, #tpu.memory_space<hbm>>
      %dma_start3A_239 = tpu.memref_squeeze %dma_start3A_238 : memref<1x128x128xf32, #tpu.memory_space<hbm>> -> memref<128x128xf32, #tpu.memory_space<hbm>>
      %dma_start3A_240 = arith.constant 0 : i32
      %dma_start3A_241 = arith.constant 0 : i32
      %dma_start3A_242 = tpu.memref_slice %arg10[%dma_start3A_240, %dma_start3A_241] : memref<128x128xf32, #tpu.memory_space<vmem>> -> memref<128x128xf32, #tpu.memory_space<vmem>>
      tpu.enqueue_dma source(%dma_start3A_242 : memref<128x128xf32, #tpu.memory_space<vmem>>) target(%dma_start3A_239 : memref<128x128xf32, #tpu.memory_space<hbm>>) target_semaphore(%arg14 : memref<!tpu.dma_semaphore, #tpu.memory_space<semaphore_mem>>)
      %mul3A_243 = arith.constant 1000 : i32
      %mul3A_244 = arith.muli %arg1, %mul3A_243 : i32
      %add3A_245 = arith.constant 896 : i32
      %add3A_246 = arith.addi %mul3A_244, %add3A_245 : i32
      %mul3A_247 = arith.constant 1000 : i32
      %mul3A_248 = arith.muli %arg1, %mul3A_247 : i32
      %add3A_249 = arith.constant 640 : i32
      %add3A_250 = arith.addi %mul3A_248, %add3A_249 : i32
      %dma_wait3A_251 = arith.constant 0 : i32
      %dma_wait3A_252 = tpu.memref_slice %arg5[%arg0, %add3A_250, %dma_wait3A_251] : memref<2x10000x128xf32, #tpu.memory_space<hbm>> -> memref<1x128x128xf32, #tpu.memory_space<hbm>>
      %dma_wait3A_253 = tpu.memref_squeeze %dma_wait3A_252 : memref<1x128x128xf32, #tpu.memory_space<hbm>> -> memref<128x128xf32, #tpu.memory_space<hbm>>
      %dma_wait3A_254 = arith.constant 0 : i32
      %dma_wait3A_255 = tpu.memref_slice %arg5[%arg0, %add3A_250, %dma_wait3A_254] : memref<2x10000x128xf32, #tpu.memory_space<hbm>> -> memref<1x128x128xf32, #tpu.memory_space<hbm>>
      %dma_wait3A_256 = tpu.memref_squeeze %dma_wait3A_255 : memref<1x128x128xf32, #tpu.memory_space<hbm>> -> memref<128x128xf32, #tpu.memory_space<hbm>>
      tpu.wait_dma2 semaphore(%arg15 : memref<!tpu.dma_semaphore, #tpu.memory_space<semaphore_mem>>) src(%arg11 : memref<128x128xf32, #tpu.memory_space<vmem>>) dst(%dma_wait3A_256 : memref<128x128xf32, #tpu.memory_space<hbm>>)
      "tpu.region"() ({
        %run_scoped3A = tpu.sem_alloc : memref<!tpu.dma_semaphore, #tpu.memory_space<semaphore_mem>>
        %dma_start3A_295 = arith.constant 0 : i32
        %dma_start3A_296 = arith.constant 0 : i32
        %dma_start3A_297 = tpu.memref_slice %arg11[%dma_start3A_295, %dma_start3A_296] : memref<128x128xf32, #tpu.memory_space<vmem>> -> memref<104x128xf32, #tpu.memory_space<vmem>>
        %dma_start3A_298 = arith.constant 0 : i32
        %dma_start3A_299 = tpu.memref_slice %arg13[%add3A_246, %dma_start3A_298] : memref<10008x128xf32, #tpu.memory_space<vmem_shared>> -> memref<104x128xf32, #tpu.memory_space<vmem_shared>>
        %dma_start3A_300 = arith.constant 0 : i32
        %dma_start3A_301 = arith.constant 0 : i32
        %dma_start3A_302 = tpu.memref_slice %arg11[%dma_start3A_300, %dma_start3A_301] : memref<128x128xf32, #tpu.memory_space<vmem>> -> memref<104x128xf32, #tpu.memory_space<vmem>>
        %dma_start3A_303 = arith.constant 0 : i32
        %dma_start3A_304 = tpu.memref_slice %arg13[%add3A_246, %dma_start3A_303] : memref<10008x128xf32, #tpu.memory_space<vmem_shared>> -> memref<104x128xf32, #tpu.memory_space<vmem_shared>>
        tpu.enqueue_dma source(%dma_start3A_304 : memref<104x128xf32, #tpu.memory_space<vmem_shared>>) target(%dma_start3A_302 : memref<104x128xf32, #tpu.memory_space<vmem>>) target_semaphore(%run_scoped3A : memref<!tpu.dma_semaphore, #tpu.memory_space<semaphore_mem>>)
        %dma_wait3A_305 = arith.constant 0 : i32
        %dma_wait3A_306 = arith.constant 0 : i32
        %dma_wait3A_307 = tpu.memref_slice %arg11[%dma_wait3A_305, %dma_wait3A_306] : memref<128x128xf32, #tpu.memory_space<vmem>> -> memref<104x128xf32, #tpu.memory_space<vmem>>
        %dma_wait3A_308 = arith.constant 0 : i32
        %dma_wait3A_309 = tpu.memref_slice %arg13[%add3A_246, %dma_wait3A_308] : memref<10008x128xf32, #tpu.memory_space<vmem_shared>> -> memref<104x128xf32, #tpu.memory_space<vmem_shared>>
        %dma_wait3A_310 = arith.constant 0 : i32
        %dma_wait3A_311 = arith.constant 0 : i32
        %dma_wait3A_312 = tpu.memref_slice %arg11[%dma_wait3A_310, %dma_wait3A_311] : memref<128x128xf32, #tpu.memory_space<vmem>> -> memref<104x128xf32, #tpu.memory_space<vmem>>
        %dma_wait3A_313 = arith.constant 0 : i32
        %dma_wait3A_314 = tpu.memref_slice %arg13[%add3A_246, %dma_wait3A_313] : memref<10008x128xf32, #tpu.memory_space<vmem_shared>> -> memref<104x128xf32, #tpu.memory_space<vmem_shared>>
        tpu.wait_dma2 semaphore(%run_scoped3A : memref<!tpu.dma_semaphore, #tpu.memory_space<semaphore_mem>>) src(%dma_wait3A_314 : memref<104x128xf32, #tpu.memory_space<vmem_shared>>) dst(%dma_wait3A_312 : memref<104x128xf32, #tpu.memory_space<vmem>>)
        tpu.yield
      }) : () -> ()
      %dma_start3A_257 = arith.constant 0 : i32
      %dma_start3A_258 = arith.constant 0 : i32
      %dma_start3A_259 = tpu.memref_slice %arg11[%dma_start3A_257, %dma_start3A_258] : memref<128x128xf32, #tpu.memory_space<vmem>> -> memref<104x128xf32, #tpu.memory_space<vmem>>
      %dma_start3A_260 = arith.constant 0 : i32
      %dma_start3A_261 = tpu.memref_slice %arg5[%arg0, %add3A_246, %dma_start3A_260] : memref<2x10000x128xf32, #tpu.memory_space<hbm>> -> memref<1x104x128xf32, #tpu.memory_space<hbm>>
      %dma_start3A_262 = tpu.memref_squeeze %dma_start3A_261 : memref<1x104x128xf32, #tpu.memory_space<hbm>> -> memref<104x128xf32, #tpu.memory_space<hbm>>
      %dma_start3A_263 = arith.constant 0 : i32
      %dma_start3A_264 = tpu.memref_slice %arg5[%arg0, %add3A_246, %dma_start3A_263] : memref<2x10000x128xf32, #tpu.memory_space<hbm>> -> memref<1x104x128xf32, #tpu.memory_space<hbm>>
      %dma_start3A_265 = tpu.memref_squeeze %dma_start3A_264 : memref<1x104x128xf32, #tpu.memory_space<hbm>> -> memref<104x128xf32, #tpu.memory_space<hbm>>
      %dma_start3A_266 = arith.constant 0 : i32
      %dma_start3A_267 = arith.constant 0 : i32
      %dma_start3A_268 = tpu.memref_slice %arg11[%dma_start3A_266, %dma_start3A_267] : memref<128x128xf32, #tpu.memory_space<vmem>> -> memref<104x128xf32, #tpu.memory_space<vmem>>
      tpu.enqueue_dma source(%dma_start3A_268 : memref<104x128xf32, #tpu.memory_space<vmem>>) target(%dma_start3A_265 : memref<104x128xf32, #tpu.memory_space<hbm>>) target_semaphore(%arg15 : memref<!tpu.dma_semaphore, #tpu.memory_space<semaphore_mem>>)
      %mul3A_269 = arith.constant 1000 : i32
      %mul3A_270 = arith.muli %arg1, %mul3A_269 : i32
      %add3A_271 = arith.constant 768 : i32
      %add3A_272 = arith.addi %mul3A_270, %add3A_271 : i32
      %dma_wait3A_273 = arith.constant 0 : i32
      %dma_wait3A_274 = tpu.memref_slice %arg5[%arg0, %add3A_272, %dma_wait3A_273] : memref<2x10000x128xf32, #tpu.memory_space<hbm>> -> memref<1x128x128xf32, #tpu.memory_space<hbm>>
      %dma_wait3A_275 = tpu.memref_squeeze %dma_wait3A_274 : memref<1x128x128xf32, #tpu.memory_space<hbm>> -> memref<128x128xf32, #tpu.memory_space<hbm>>
      %dma_wait3A_276 = arith.constant 0 : i32
      %dma_wait3A_277 = tpu.memref_slice %arg5[%arg0, %add3A_272, %dma_wait3A_276] : memref<2x10000x128xf32, #tpu.memory_space<hbm>> -> memref<1x128x128xf32, #tpu.memory_space<hbm>>
      %dma_wait3A_278 = tpu.memref_squeeze %dma_wait3A_277 : memref<1x128x128xf32, #tpu.memory_space<hbm>> -> memref<128x128xf32, #tpu.memory_space<hbm>>
      tpu.wait_dma2 semaphore(%arg14 : memref<!tpu.dma_semaphore, #tpu.memory_space<semaphore_mem>>) src(%arg10 : memref<128x128xf32, #tpu.memory_space<vmem>>) dst(%dma_wait3A_278 : memref<128x128xf32, #tpu.memory_space<hbm>>)
      %mul3A_279 = arith.constant 1000 : i32
      %mul3A_280 = arith.muli %arg1, %mul3A_279 : i32
      %add3A_281 = arith.constant 896 : i32
      %add3A_282 = arith.addi %mul3A_280, %add3A_281 : i32
      %dma_wait3A_283 = arith.constant 0 : i32
      %dma_wait3A_284 = arith.constant 0 : i32
      %dma_wait3A_285 = tpu.memref_slice %arg11[%dma_wait3A_283, %dma_wait3A_284] : memref<128x128xf32, #tpu.memory_space<vmem>> -> memref<104x128xf32, #tpu.memory_space<vmem>>
      %dma_wait3A_286 = arith.constant 0 : i32
      %dma_wait3A_287 = tpu.memref_slice %arg5[%arg0, %add3A_282, %dma_wait3A_286] : memref<2x10000x128xf32, #tpu.memory_space<hbm>> -> memref<1x104x128xf32, #tpu.memory_space<hbm>>
      %dma_wait3A_288 = tpu.memref_squeeze %dma_wait3A_287 : memref<1x104x128xf32, #tpu.memory_space<hbm>> -> memref<104x128xf32, #tpu.memory_space<hbm>>
      %dma_wait3A_289 = arith.constant 0 : i32
      %dma_wait3A_290 = tpu.memref_slice %arg5[%arg0, %add3A_282, %dma_wait3A_289] : memref<2x10000x128xf32, #tpu.memory_space<hbm>> -> memref<1x104x128xf32, #tpu.memory_space<hbm>>
      %dma_wait3A_291 = tpu.memref_squeeze %dma_wait3A_290 : memref<1x104x128xf32, #tpu.memory_space<hbm>> -> memref<104x128xf32, #tpu.memory_space<hbm>>
      %dma_wait3A_292 = arith.constant 0 : i32
      %dma_wait3A_293 = arith.constant 0 : i32
      %dma_wait3A_294 = tpu.memref_slice %arg11[%dma_wait3A_292, %dma_wait3A_293] : memref<128x128xf32, #tpu.memory_space<vmem>> -> memref<104x128xf32, #tpu.memory_space<vmem>>
      tpu.wait_dma2 semaphore(%arg15 : memref<!tpu.dma_semaphore, #tpu.memory_space<semaphore_mem>>) src(%dma_wait3A_294 : memref<104x128xf32, #tpu.memory_space<vmem>>) dst(%dma_wait3A_291 : memref<104x128xf32, #tpu.memory_space<hbm>>)
    } else {
    }
    return
  }
}

#map = affine_map<(d0, d1) -> (0)>
#map1 = affine_map<(d0, d1) -> (0, 0)>
#map2 = affine_map<(d0, d1) -> (0, 0, 0)>
module attributes {stable_mosaic.version = 14 : i64} {
  func.func @_agg_kernel(%arg0: i32, %arg1: i32, %arg2: memref<643328xi32, #tpu.memory_space<hbm>>, %arg3: memref<321792xi32, #tpu.memory_space<hbm>>, %arg4: memref<20000x128xf32, #tpu.memory_space<hbm>>, %arg5: memref<2x10000x128xf32, #tpu.memory_space<hbm>>, %arg6: memref<384xi32, #tpu.memory_space<vmem>>, %arg7: memref<384xi32, #tpu.memory_space<vmem>>, %arg8: memref<384xi32, #tpu.memory_space<vmem>>, %arg9: memref<384xi32, #tpu.memory_space<vmem>>, %arg10: memref<128x128xf32, #tpu.memory_space<vmem>>, %arg11: memref<128x128xf32, #tpu.memory_space<vmem>>, %arg12: memref<128x128xf32, #tpu.memory_space<vmem>>, %arg13: memref<10008x128xf32, #tpu.memory_space<vmem_shared>>, %arg14: memref<!tpu.dma_semaphore, #tpu.memory_space<semaphore_mem>>, %arg15: memref<!tpu.dma_semaphore, #tpu.memory_space<semaphore_mem>>, %arg16: memref<!tpu.dma_semaphore, #tpu.memory_space<semaphore_mem>>, %arg17: memref<!tpu.dma_semaphore, #tpu.memory_space<semaphore_mem>>, %arg18: memref<!tpu.dma_semaphore, #tpu.memory_space<semaphore_mem>>, %arg19: memref<!tpu.dma_semaphore, #tpu.memory_space<semaphore_mem>>, %arg20: memref<!tpu.dma_semaphore, #tpu.memory_space<semaphore_mem>>, %arg21: memref<!tpu.dma_semaphore, #tpu.memory_space<semaphore_mem>>) attributes {dimension_semantics = [#tpu.dimension_semantics<core_parallel>, #tpu.dimension_semantics<subcore_parallel>], iteration_bounds = array<i64: 2, 16>, scalar_prefetch = 0 : i64, scratch_operands = 16 : i64, tpu.core_type = #tpu.core_type<sc_vector_subcore>, window_params = [{transform_indices = #map}, {transform_indices = #map}, {transform_indices = #map1}, {transform_indices = #map2}]} {
    %mul3A = arith.constant 16 : i32
    %mul3A_0 = arith.muli %arg0, %mul3A : i32
    %add3A = arith.addi %mul3A_0, %arg1 : i32
    %broadcast_in_dim3A = arith.constant 0.000000e+00 : f32
    %broadcast_in_dim3A_1 = vector.broadcast %broadcast_in_dim3A : f32 to vector<16xf32>
    %scan3A = arith.constant 0 : i32
    %scan3A_2 = arith.constant 0 : i32
    %scan3A_3 = arith.constant 128 : i32
    %scan3A_4 = arith.addi %scan3A_2, %scan3A_3 : i32
    %scan3A_5 = arith.constant 1 : i32
    %scan3A_6 = scf.for %scan3A_81 = %scan3A_2 to %scan3A_4 step %scan3A_5 iter_args(%scan3A_82 = %scan3A) -> (i32)  : i32 {
      %swap3A = arith.index_cast %scan3A_81 : i32 to index
      %swap3A_83 = arith.constant 0 : index
      %swap3A_84 = tpu.vector_load %arg10[%swap3A, %swap3A_83] {strides = array<i32>} : memref<128x128xf32, #tpu.memory_space<vmem>>, vector<1x16xf32>,
      %swap3A_85 = vector.shape_cast %swap3A_84 : vector<1x16xf32> to vector<16xf32>
      %swap3A_86 = vector.shape_cast %broadcast_in_dim3A_1 : vector<16xf32> to vector<1x16xf32>
      tpu.vector_store %arg10[%swap3A, %swap3A_83], %swap3A_86 {strides = array<i32>} : memref<128x128xf32, #tpu.memory_space<vmem>>, vector<1x16xf32>,
      %swap3A_87 = arith.index_cast %scan3A_81 : i32 to index
      %swap3A_88 = arith.constant 16 : index
      %swap3A_89 = tpu.vector_load %arg10[%swap3A_87, %swap3A_88] {strides = array<i32>} : memref<128x128xf32, #tpu.memory_space<vmem>>, vector<1x16xf32>,
      %swap3A_90 = vector.shape_cast %swap3A_89 : vector<1x16xf32> to vector<16xf32>
      %swap3A_91 = vector.shape_cast %broadcast_in_dim3A_1 : vector<16xf32> to vector<1x16xf32>
      tpu.vector_store %arg10[%swap3A_87, %swap3A_88], %swap3A_91 {strides = array<i32>} : memref<128x128xf32, #tpu.memory_space<vmem>>, vector<1x16xf32>,
      %swap3A_92 = arith.index_cast %scan3A_81 : i32 to index
      %swap3A_93 = arith.constant 32 : index
      %swap3A_94 = tpu.vector_load %arg10[%swap3A_92, %swap3A_93] {strides = array<i32>} : memref<128x128xf32, #tpu.memory_space<vmem>>, vector<1x16xf32>,
      %swap3A_95 = vector.shape_cast %swap3A_94 : vector<1x16xf32> to vector<16xf32>
      %swap3A_96 = vector.shape_cast %broadcast_in_dim3A_1 : vector<16xf32> to vector<1x16xf32>
      tpu.vector_store %arg10[%swap3A_92, %swap3A_93], %swap3A_96 {strides = array<i32>} : memref<128x128xf32, #tpu.memory_space<vmem>>, vector<1x16xf32>,
      %swap3A_97 = arith.index_cast %scan3A_81 : i32 to index
      %swap3A_98 = arith.constant 48 : index
      %swap3A_99 = tpu.vector_load %arg10[%swap3A_97, %swap3A_98] {strides = array<i32>} : memref<128x128xf32, #tpu.memory_space<vmem>>, vector<1x16xf32>,
      %swap3A_100 = vector.shape_cast %swap3A_99 : vector<1x16xf32> to vector<16xf32>
      %swap3A_101 = vector.shape_cast %broadcast_in_dim3A_1 : vector<16xf32> to vector<1x16xf32>
      tpu.vector_store %arg10[%swap3A_97, %swap3A_98], %swap3A_101 {strides = array<i32>} : memref<128x128xf32, #tpu.memory_space<vmem>>, vector<1x16xf32>,
      %swap3A_102 = arith.index_cast %scan3A_81 : i32 to index
      %swap3A_103 = arith.constant 64 : index
      %swap3A_104 = tpu.vector_load %arg10[%swap3A_102, %swap3A_103] {strides = array<i32>} : memref<128x128xf32, #tpu.memory_space<vmem>>, vector<1x16xf32>,
      %swap3A_105 = vector.shape_cast %swap3A_104 : vector<1x16xf32> to vector<16xf32>
      %swap3A_106 = vector.shape_cast %broadcast_in_dim3A_1 : vector<16xf32> to vector<1x16xf32>
      tpu.vector_store %arg10[%swap3A_102, %swap3A_103], %swap3A_106 {strides = array<i32>} : memref<128x128xf32, #tpu.memory_space<vmem>>, vector<1x16xf32>,
      %swap3A_107 = arith.index_cast %scan3A_81 : i32 to index
      %swap3A_108 = arith.constant 80 : index
      %swap3A_109 = tpu.vector_load %arg10[%swap3A_107, %swap3A_108] {strides = array<i32>} : memref<128x128xf32, #tpu.memory_space<vmem>>, vector<1x16xf32>,
      %swap3A_110 = vector.shape_cast %swap3A_109 : vector<1x16xf32> to vector<16xf32>
      %swap3A_111 = vector.shape_cast %broadcast_in_dim3A_1 : vector<16xf32> to vector<1x16xf32>
      tpu.vector_store %arg10[%swap3A_107, %swap3A_108], %swap3A_111 {strides = array<i32>} : memref<128x128xf32, #tpu.memory_space<vmem>>, vector<1x16xf32>,
      %swap3A_112 = arith.index_cast %scan3A_81 : i32 to index
      %swap3A_113 = arith.constant 96 : index
      %swap3A_114 = tpu.vector_load %arg10[%swap3A_112, %swap3A_113] {strides = array<i32>} : memref<128x128xf32, #tpu.memory_space<vmem>>, vector<1x16xf32>,
      %swap3A_115 = vector.shape_cast %swap3A_114 : vector<1x16xf32> to vector<16xf32>
      %swap3A_116 = vector.shape_cast %broadcast_in_dim3A_1 : vector<16xf32> to vector<1x16xf32>
      tpu.vector_store %arg10[%swap3A_112, %swap3A_113], %swap3A_116 {strides = array<i32>} : memref<128x128xf32, #tpu.memory_space<vmem>>, vector<1x16xf32>,
      %swap3A_117 = arith.index_cast %scan3A_81 : i32 to index
      %swap3A_118 = arith.constant 112 : index
      %swap3A_119 = tpu.vector_load %arg10[%swap3A_117, %swap3A_118] {strides = array<i32>} : memref<128x128xf32, #tpu.memory_space<vmem>>, vector<1x16xf32>,
      %swap3A_120 = vector.shape_cast %swap3A_119 : vector<1x16xf32> to vector<16xf32>
      %swap3A_121 = vector.shape_cast %broadcast_in_dim3A_1 : vector<16xf32> to vector<1x16xf32>
      tpu.vector_store %arg10[%swap3A_117, %swap3A_118], %swap3A_121 {strides = array<i32>} : memref<128x128xf32, #tpu.memory_space<vmem>>, vector<1x16xf32>,
      %scan3A_122 = arith.constant 0 : i32
      scf.yield %scan3A_122 : i32
    }
    %scan3A_7 = arith.constant 128 : i32
    %lt3A = arith.constant 10 : i32
    %lt3A_8 = arith.cmpi slt, %arg1, %lt3A : i32
    %convert_element_type3A = arith.extui %lt3A_8 : i1 to i32
    %cond3A = arith.constant 0 : i32
    %cond3A_9 = arith.cmpi ne, %convert_element_type3A, %cond3A : i32
    scf.if %cond3A_9 {
      %mul3A_81 = arith.constant 1000 : i32
      %mul3A_82 = arith.muli %arg1, %mul3A_81 : i32
      %add3A_83 = arith.constant 0 : i32
      %add3A_84 = arith.addi %mul3A_82, %add3A_83 : i32
      %dma_start3A_85 = arith.constant 0 : i32
      %dma_start3A_86 = tpu.memref_slice %arg13[%add3A_84, %dma_start3A_85] : memref<10008x128xf32, #tpu.memory_space<vmem_shared>> -> memref<128x128xf32, #tpu.memory_space<vmem_shared>>
      %dma_start3A_87 = arith.constant 0 : i32
      %dma_start3A_88 = tpu.memref_slice %arg13[%add3A_84, %dma_start3A_87] : memref<10008x128xf32, #tpu.memory_space<vmem_shared>> -> memref<128x128xf32, #tpu.memory_space<vmem_shared>>
      tpu.enqueue_dma source(%arg10 : memref<128x128xf32, #tpu.memory_space<vmem>>) target(%dma_start3A_88 : memref<128x128xf32, #tpu.memory_space<vmem_shared>>) target_semaphore(%arg17 : memref<!tpu.dma_semaphore, #tpu.memory_space<semaphore_mem>>)
      %mul3A_89 = arith.constant 1000 : i32
      %mul3A_90 = arith.muli %arg1, %mul3A_89 : i32
      %add3A_91 = arith.constant 128 : i32
      %add3A_92 = arith.addi %mul3A_90, %add3A_91 : i32
      %dma_start3A_93 = arith.constant 0 : i32
      %dma_start3A_94 = tpu.memref_slice %arg13[%add3A_92, %dma_start3A_93] : memref<10008x128xf32, #tpu.memory_space<vmem_shared>> -> memref<128x128xf32, #tpu.memory_space<vmem_shared>>
      %dma_start3A_95 = arith.constant 0 : i32
      %dma_start3A_96 = tpu.memref_slice %arg13[%add3A_92, %dma_start3A_95] : memref<10008x128xf32, #tpu.memory_space<vmem_shared>> -> memref<128x128xf32, #tpu.memory_space<vmem_shared>>
      tpu.enqueue_dma source(%arg10 : memref<128x128xf32, #tpu.memory_space<vmem>>) target(%dma_start3A_96 : memref<128x128xf32, #tpu.memory_space<vmem_shared>>) target_semaphore(%arg17 : memref<!tpu.dma_semaphore, #tpu.memory_space<semaphore_mem>>)
      %mul3A_97 = arith.constant 1000 : i32
      %mul3A_98 = arith.muli %arg1, %mul3A_97 : i32
      %add3A_99 = arith.constant 256 : i32
      %add3A_100 = arith.addi %mul3A_98, %add3A_99 : i32
      %dma_start3A_101 = arith.constant 0 : i32
      %dma_start3A_102 = tpu.memref_slice %arg13[%add3A_100, %dma_start3A_101] : memref<10008x128xf32, #tpu.memory_space<vmem_shared>> -> memref<128x128xf32, #tpu.memory_space<vmem_shared>>
      %dma_start3A_103 = arith.constant 0 : i32
      %dma_start3A_104 = tpu.memref_slice %arg13[%add3A_100, %dma_start3A_103] : memref<10008x128xf32, #tpu.memory_space<vmem_shared>> -> memref<128x128xf32, #tpu.memory_space<vmem_shared>>
      tpu.enqueue_dma source(%arg10 : memref<128x128xf32, #tpu.memory_space<vmem>>) target(%dma_start3A_104 : memref<128x128xf32, #tpu.memory_space<vmem_shared>>) target_semaphore(%arg17 : memref<!tpu.dma_semaphore, #tpu.memory_space<semaphore_mem>>)
      %mul3A_105 = arith.constant 1000 : i32
      %mul3A_106 = arith.muli %arg1, %mul3A_105 : i32
      %add3A_107 = arith.constant 384 : i32
      %add3A_108 = arith.addi %mul3A_106, %add3A_107 : i32
      %dma_start3A_109 = arith.constant 0 : i32
      %dma_start3A_110 = tpu.memref_slice %arg13[%add3A_108, %dma_start3A_109] : memref<10008x128xf32, #tpu.memory_space<vmem_shared>> -> memref<128x128xf32, #tpu.memory_space<vmem_shared>>
      %dma_start3A_111 = arith.constant 0 : i32
      %dma_start3A_112 = tpu.memref_slice %arg13[%add3A_108, %dma_start3A_111] : memref<10008x128xf32, #tpu.memory_space<vmem_shared>> -> memref<128x128xf32, #tpu.memory_space<vmem_shared>>
      tpu.enqueue_dma source(%arg10 : memref<128x128xf32, #tpu.memory_space<vmem>>) target(%dma_start3A_112 : memref<128x128xf32, #tpu.memory_space<vmem_shared>>) target_semaphore(%arg17 : memref<!tpu.dma_semaphore, #tpu.memory_space<semaphore_mem>>)
      %mul3A_113 = arith.constant 1000 : i32
      %mul3A_114 = arith.muli %arg1, %mul3A_113 : i32
      %add3A_115 = arith.constant 512 : i32
      %add3A_116 = arith.addi %mul3A_114, %add3A_115 : i32
      %dma_start3A_117 = arith.constant 0 : i32
      %dma_start3A_118 = tpu.memref_slice %arg13[%add3A_116, %dma_start3A_117] : memref<10008x128xf32, #tpu.memory_space<vmem_shared>> -> memref<128x128xf32, #tpu.memory_space<vmem_shared>>
      %dma_start3A_119 = arith.constant 0 : i32
      %dma_start3A_120 = tpu.memref_slice %arg13[%add3A_116, %dma_start3A_119] : memref<10008x128xf32, #tpu.memory_space<vmem_shared>> -> memref<128x128xf32, #tpu.memory_space<vmem_shared>>
      tpu.enqueue_dma source(%arg10 : memref<128x128xf32, #tpu.memory_space<vmem>>) target(%dma_start3A_120 : memref<128x128xf32, #tpu.memory_space<vmem_shared>>) target_semaphore(%arg17 : memref<!tpu.dma_semaphore, #tpu.memory_space<semaphore_mem>>)
      %mul3A_121 = arith.constant 1000 : i32
      %mul3A_122 = arith.muli %arg1, %mul3A_121 : i32
      %add3A_123 = arith.constant 640 : i32
      %add3A_124 = arith.addi %mul3A_122, %add3A_123 : i32
      %dma_start3A_125 = arith.constant 0 : i32
      %dma_start3A_126 = tpu.memref_slice %arg13[%add3A_124, %dma_start3A_125] : memref<10008x128xf32, #tpu.memory_space<vmem_shared>> -> memref<128x128xf32, #tpu.memory_space<vmem_shared>>
      %dma_start3A_127 = arith.constant 0 : i32
      %dma_start3A_128 = tpu.memref_slice %arg13[%add3A_124, %dma_start3A_127] : memref<10008x128xf32, #tpu.memory_space<vmem_shared>> -> memref<128x128xf32, #tpu.memory_space<vmem_shared>>
      tpu.enqueue_dma source(%arg10 : memref<128x128xf32, #tpu.memory_space<vmem>>) target(%dma_start3A_128 : memref<128x128xf32, #tpu.memory_space<vmem_shared>>) target_semaphore(%arg17 : memref<!tpu.dma_semaphore, #tpu.memory_space<semaphore_mem>>)
      %mul3A_129 = arith.constant 1000 : i32
      %mul3A_130 = arith.muli %arg1, %mul3A_129 : i32
      %add3A_131 = arith.constant 768 : i32
      %add3A_132 = arith.addi %mul3A_130, %add3A_131 : i32
      %dma_start3A_133 = arith.constant 0 : i32
      %dma_start3A_134 = tpu.memref_slice %arg13[%add3A_132, %dma_start3A_133] : memref<10008x128xf32, #tpu.memory_space<vmem_shared>> -> memref<128x128xf32, #tpu.memory_space<vmem_shared>>
      %dma_start3A_135 = arith.constant 0 : i32
      %dma_start3A_136 = tpu.memref_slice %arg13[%add3A_132, %dma_start3A_135] : memref<10008x128xf32, #tpu.memory_space<vmem_shared>> -> memref<128x128xf32, #tpu.memory_space<vmem_shared>>
      tpu.enqueue_dma source(%arg10 : memref<128x128xf32, #tpu.memory_space<vmem>>) target(%dma_start3A_136 : memref<128x128xf32, #tpu.memory_space<vmem_shared>>) target_semaphore(%arg17 : memref<!tpu.dma_semaphore, #tpu.memory_space<semaphore_mem>>)
      %mul3A_137 = arith.constant 1000 : i32
      %mul3A_138 = arith.muli %arg1, %mul3A_137 : i32
      %add3A_139 = arith.constant 896 : i32
      %add3A_140 = arith.addi %mul3A_138, %add3A_139 : i32
      %dma_start3A_141 = arith.constant 0 : i32
      %dma_start3A_142 = arith.constant 0 : i32
      %dma_start3A_143 = tpu.memref_slice %arg10[%dma_start3A_141, %dma_start3A_142] : memref<128x128xf32, #tpu.memory_space<vmem>> -> memref<104x128xf32, #tpu.memory_space<vmem>>
      %dma_start3A_144 = arith.constant 0 : i32
      %dma_start3A_145 = tpu.memref_slice %arg13[%add3A_140, %dma_start3A_144] : memref<10008x128xf32, #tpu.memory_space<vmem_shared>> -> memref<104x128xf32, #tpu.memory_space<vmem_shared>>
      %dma_start3A_146 = arith.constant 0 : i32
      %dma_start3A_147 = tpu.memref_slice %arg13[%add3A_140, %dma_start3A_146] : memref<10008x128xf32, #tpu.memory_space<vmem_shared>> -> memref<104x128xf32, #tpu.memory_space<vmem_shared>>
      %dma_start3A_148 = arith.constant 0 : i32
      %dma_start3A_149 = arith.constant 0 : i32
      %dma_start3A_150 = tpu.memref_slice %arg10[%dma_start3A_148, %dma_start3A_149] : memref<128x128xf32, #tpu.memory_space<vmem>> -> memref<104x128xf32, #tpu.memory_space<vmem>>
      tpu.enqueue_dma source(%dma_start3A_150 : memref<104x128xf32, #tpu.memory_space<vmem>>) target(%dma_start3A_147 : memref<104x128xf32, #tpu.memory_space<vmem_shared>>) target_semaphore(%arg17 : memref<!tpu.dma_semaphore, #tpu.memory_space<semaphore_mem>>)
    } else {
    }
    %eq3A = arith.constant 10 : i32
    %eq3A_10 = arith.cmpi eq, %arg1, %eq3A : i32
    %convert_element_type3A_11 = arith.extui %eq3A_10 : i1 to i32
    %cond3A_12 = arith.constant 0 : i32
    %cond3A_13 = arith.cmpi ne, %convert_element_type3A_11, %cond3A_12 : i32
    scf.if %cond3A_13 {
      %dma_start3A_81 = arith.constant 0 : i32
      %dma_start3A_82 = arith.constant 0 : i32
      %dma_start3A_83 = tpu.memref_slice %arg10[%dma_start3A_81, %dma_start3A_82] : memref<128x128xf32, #tpu.memory_space<vmem>> -> memref<8x128xf32, #tpu.memory_space<vmem>>
      %dma_start3A_84 = arith.constant 10000 : i32
      %dma_start3A_85 = arith.constant 0 : i32
      %dma_start3A_86 = tpu.memref_slice %arg13[%dma_start3A_84, %dma_start3A_85] : memref<10008x128xf32, #tpu.memory_space<vmem_shared>> -> memref<8x128xf32, #tpu.memory_space<vmem_shared>>
      %dma_start3A_87 = arith.constant 10000 : i32
      %dma_start3A_88 = arith.constant 0 : i32
      %dma_start3A_89 = tpu.memref_slice %arg13[%dma_start3A_87, %dma_start3A_88] : memref<10008x128xf32, #tpu.memory_space<vmem_shared>> -> memref<8x128xf32, #tpu.memory_space<vmem_shared>>
      %dma_start3A_90 = arith.constant 0 : i32
      %dma_start3A_91 = arith.constant 0 : i32
      %dma_start3A_92 = tpu.memref_slice %arg10[%dma_start3A_90, %dma_start3A_91] : memref<128x128xf32, #tpu.memory_space<vmem>> -> memref<8x128xf32, #tpu.memory_space<vmem>>
      tpu.enqueue_dma source(%dma_start3A_92 : memref<8x128xf32, #tpu.memory_space<vmem>>) target(%dma_start3A_89 : memref<8x128xf32, #tpu.memory_space<vmem_shared>>) target_semaphore(%arg17 : memref<!tpu.dma_semaphore, #tpu.memory_space<semaphore_mem>>)
    } else {
    }
    %mul3A_14 = arith.constant 20096 : i32
    %mul3A_15 = arith.muli %add3A, %mul3A_14 : i32
    "tpu.region"() ({
      %run_scoped3A = tpu.sem_alloc : memref<!tpu.dma_semaphore, #tpu.memory_space<semaphore_mem>>
      %dma_start3A_81 = tpu.memref_slice %arg2[%mul3A_15] : memref<643328xi32, #tpu.memory_space<hbm>> -> memref<384xi32, #tpu.memory_space<hbm>>
      %dma_start3A_82 = tpu.memref_slice %arg2[%mul3A_15] : memref<643328xi32, #tpu.memory_space<hbm>> -> memref<384xi32, #tpu.memory_space<hbm>>
      tpu.enqueue_dma source(%dma_start3A_82 : memref<384xi32, #tpu.memory_space<hbm>>) target(%arg6 : memref<384xi32, #tpu.memory_space<vmem>>) target_semaphore(%run_scoped3A : memref<!tpu.dma_semaphore, #tpu.memory_space<semaphore_mem>>)
      %dma_wait3A_83 = tpu.memref_slice %arg2[%mul3A_15] : memref<643328xi32, #tpu.memory_space<hbm>> -> memref<384xi32, #tpu.memory_space<hbm>>
      %dma_wait3A_84 = tpu.memref_slice %arg2[%mul3A_15] : memref<643328xi32, #tpu.memory_space<hbm>> -> memref<384xi32, #tpu.memory_space<hbm>>
      tpu.wait_dma2 semaphore(%run_scoped3A : memref<!tpu.dma_semaphore, #tpu.memory_space<semaphore_mem>>) src(%dma_wait3A_84 : memref<384xi32, #tpu.memory_space<hbm>>) dst(%arg6 : memref<384xi32, #tpu.memory_space<vmem>>)
      tpu.yield
    }) : () -> ()
    %mul3A_16 = arith.constant 20096 : i32
    %mul3A_17 = arith.muli %arg1, %mul3A_16 : i32
    "tpu.region"() ({
      %run_scoped3A = tpu.sem_alloc : memref<!tpu.dma_semaphore, #tpu.memory_space<semaphore_mem>>
      %dma_start3A_81 = tpu.memref_slice %arg3[%mul3A_17] : memref<321792xi32, #tpu.memory_space<hbm>> -> memref<384xi32, #tpu.memory_space<hbm>>
      %dma_start3A_82 = tpu.memref_slice %arg3[%mul3A_17] : memref<321792xi32, #tpu.memory_space<hbm>> -> memref<384xi32, #tpu.memory_space<hbm>>
      tpu.enqueue_dma source(%dma_start3A_82 : memref<384xi32, #tpu.memory_space<hbm>>) target(%arg7 : memref<384xi32, #tpu.memory_space<vmem>>) target_semaphore(%run_scoped3A : memref<!tpu.dma_semaphore, #tpu.memory_space<semaphore_mem>>)
      %dma_wait3A_83 = tpu.memref_slice %arg3[%mul3A_17] : memref<321792xi32, #tpu.memory_space<hbm>> -> memref<384xi32, #tpu.memory_space<hbm>>
      %dma_wait3A_84 = tpu.memref_slice %arg3[%mul3A_17] : memref<321792xi32, #tpu.memory_space<hbm>> -> memref<384xi32, #tpu.memory_space<hbm>>
      tpu.wait_dma2 semaphore(%run_scoped3A : memref<!tpu.dma_semaphore, #tpu.memory_space<semaphore_mem>>) src(%dma_wait3A_84 : memref<384xi32, #tpu.memory_space<hbm>>) dst(%arg7 : memref<384xi32, #tpu.memory_space<vmem>>)
      tpu.yield
    }) : () -> ()
    %mul3A_18 = arith.constant 20096 : i32
    %mul3A_19 = arith.muli %add3A, %mul3A_18 : i32
    %add3A_20 = arith.constant 384 : i32
    %add3A_21 = arith.addi %mul3A_19, %add3A_20 : i32
    %dma_start3A = tpu.memref_slice %arg2[%add3A_21] : memref<643328xi32, #tpu.memory_space<hbm>> -> memref<384xi32, #tpu.memory_space<hbm>>
    %dma_start3A_22 = tpu.memref_slice %arg2[%add3A_21] : memref<643328xi32, #tpu.memory_space<hbm>> -> memref<384xi32, #tpu.memory_space<hbm>>
    tpu.enqueue_dma source(%dma_start3A_22 : memref<384xi32, #tpu.memory_space<hbm>>) target(%arg8 : memref<384xi32, #tpu.memory_space<vmem>>) target_semaphore(%arg21 : memref<!tpu.dma_semaphore, #tpu.memory_space<semaphore_mem>>)
    %mul3A_23 = arith.constant 20096 : i32
    %mul3A_24 = arith.muli %arg1, %mul3A_23 : i32
    %add3A_25 = arith.constant 384 : i32
    %add3A_26 = arith.addi %mul3A_24, %add3A_25 : i32
    %dma_start3A_27 = tpu.memref_slice %arg3[%add3A_26] : memref<321792xi32, #tpu.memory_space<hbm>> -> memref<384xi32, #tpu.memory_space<hbm>>
    %dma_start3A_28 = tpu.memref_slice %arg3[%add3A_26] : memref<321792xi32, #tpu.memory_space<hbm>> -> memref<384xi32, #tpu.memory_space<hbm>>
    tpu.enqueue_dma source(%dma_start3A_28 : memref<384xi32, #tpu.memory_space<hbm>>) target(%arg9 : memref<384xi32, #tpu.memory_space<vmem>>) target_semaphore(%arg21 : memref<!tpu.dma_semaphore, #tpu.memory_space<semaphore_mem>>)
    %lt3A_29 = arith.constant 10 : i32
    %lt3A_30 = arith.cmpi slt, %arg1, %lt3A_29 : i32
    %convert_element_type3A_31 = arith.extui %lt3A_30 : i1 to i32
    %cond3A_32 = arith.constant 0 : i32
    %cond3A_33 = arith.cmpi ne, %convert_element_type3A_31, %cond3A_32 : i32
    scf.if %cond3A_33 {
      %mul3A_81 = arith.constant 1000 : i32
      %mul3A_82 = arith.muli %arg1, %mul3A_81 : i32
      %add3A_83 = arith.constant 0 : i32
      %add3A_84 = arith.addi %mul3A_82, %add3A_83 : i32
      %dma_wait3A_85 = arith.constant 0 : i32
      %dma_wait3A_86 = tpu.memref_slice %arg13[%add3A_84, %dma_wait3A_85] : memref<10008x128xf32, #tpu.memory_space<vmem_shared>> -> memref<128x128xf32, #tpu.memory_space<vmem_shared>>
      %dma_wait3A_87 = arith.constant 0 : i32
      %dma_wait3A_88 = tpu.memref_slice %arg13[%add3A_84, %dma_wait3A_87] : memref<10008x128xf32, #tpu.memory_space<vmem_shared>> -> memref<128x128xf32, #tpu.memory_space<vmem_shared>>
      tpu.wait_dma2 semaphore(%arg17 : memref<!tpu.dma_semaphore, #tpu.memory_space<semaphore_mem>>) src(%arg10 : memref<128x128xf32, #tpu.memory_space<vmem>>) dst(%dma_wait3A_88 : memref<128x128xf32, #tpu.memory_space<vmem_shared>>)
      %mul3A_89 = arith.constant 1000 : i32
      %mul3A_90 = arith.muli %arg1, %mul3A_89 : i32
      %add3A_91 = arith.constant 128 : i32
      %add3A_92 = arith.addi %mul3A_90, %add3A_91 : i32
      %dma_wait3A_93 = arith.constant 0 : i32
      %dma_wait3A_94 = tpu.memref_slice %arg13[%add3A_92, %dma_wait3A_93] : memref<10008x128xf32, #tpu.memory_space<vmem_shared>> -> memref<128x128xf32, #tpu.memory_space<vmem_shared>>
      %dma_wait3A_95 = arith.constant 0 : i32
      %dma_wait3A_96 = tpu.memref_slice %arg13[%add3A_92, %dma_wait3A_95] : memref<10008x128xf32, #tpu.memory_space<vmem_shared>> -> memref<128x128xf32, #tpu.memory_space<vmem_shared>>
      tpu.wait_dma2 semaphore(%arg17 : memref<!tpu.dma_semaphore, #tpu.memory_space<semaphore_mem>>) src(%arg10 : memref<128x128xf32, #tpu.memory_space<vmem>>) dst(%dma_wait3A_96 : memref<128x128xf32, #tpu.memory_space<vmem_shared>>)
      %mul3A_97 = arith.constant 1000 : i32
      %mul3A_98 = arith.muli %arg1, %mul3A_97 : i32
      %add3A_99 = arith.constant 256 : i32
      %add3A_100 = arith.addi %mul3A_98, %add3A_99 : i32
      %dma_wait3A_101 = arith.constant 0 : i32
      %dma_wait3A_102 = tpu.memref_slice %arg13[%add3A_100, %dma_wait3A_101] : memref<10008x128xf32, #tpu.memory_space<vmem_shared>> -> memref<128x128xf32, #tpu.memory_space<vmem_shared>>
      %dma_wait3A_103 = arith.constant 0 : i32
      %dma_wait3A_104 = tpu.memref_slice %arg13[%add3A_100, %dma_wait3A_103] : memref<10008x128xf32, #tpu.memory_space<vmem_shared>> -> memref<128x128xf32, #tpu.memory_space<vmem_shared>>
      tpu.wait_dma2 semaphore(%arg17 : memref<!tpu.dma_semaphore, #tpu.memory_space<semaphore_mem>>) src(%arg10 : memref<128x128xf32, #tpu.memory_space<vmem>>) dst(%dma_wait3A_104 : memref<128x128xf32, #tpu.memory_space<vmem_shared>>)
      %mul3A_105 = arith.constant 1000 : i32
      %mul3A_106 = arith.muli %arg1, %mul3A_105 : i32
      %add3A_107 = arith.constant 384 : i32
      %add3A_108 = arith.addi %mul3A_106, %add3A_107 : i32
      %dma_wait3A_109 = arith.constant 0 : i32
      %dma_wait3A_110 = tpu.memref_slice %arg13[%add3A_108, %dma_wait3A_109] : memref<10008x128xf32, #tpu.memory_space<vmem_shared>> -> memref<128x128xf32, #tpu.memory_space<vmem_shared>>
      %dma_wait3A_111 = arith.constant 0 : i32
      %dma_wait3A_112 = tpu.memref_slice %arg13[%add3A_108, %dma_wait3A_111] : memref<10008x128xf32, #tpu.memory_space<vmem_shared>> -> memref<128x128xf32, #tpu.memory_space<vmem_shared>>
      tpu.wait_dma2 semaphore(%arg17 : memref<!tpu.dma_semaphore, #tpu.memory_space<semaphore_mem>>) src(%arg10 : memref<128x128xf32, #tpu.memory_space<vmem>>) dst(%dma_wait3A_112 : memref<128x128xf32, #tpu.memory_space<vmem_shared>>)
      %mul3A_113 = arith.constant 1000 : i32
      %mul3A_114 = arith.muli %arg1, %mul3A_113 : i32
      %add3A_115 = arith.constant 512 : i32
      %add3A_116 = arith.addi %mul3A_114, %add3A_115 : i32
      %dma_wait3A_117 = arith.constant 0 : i32
      %dma_wait3A_118 = tpu.memref_slice %arg13[%add3A_116, %dma_wait3A_117] : memref<10008x128xf32, #tpu.memory_space<vmem_shared>> -> memref<128x128xf32, #tpu.memory_space<vmem_shared>>
      %dma_wait3A_119 = arith.constant 0 : i32
      %dma_wait3A_120 = tpu.memref_slice %arg13[%add3A_116, %dma_wait3A_119] : memref<10008x128xf32, #tpu.memory_space<vmem_shared>> -> memref<128x128xf32, #tpu.memory_space<vmem_shared>>
      tpu.wait_dma2 semaphore(%arg17 : memref<!tpu.dma_semaphore, #tpu.memory_space<semaphore_mem>>) src(%arg10 : memref<128x128xf32, #tpu.memory_space<vmem>>) dst(%dma_wait3A_120 : memref<128x128xf32, #tpu.memory_space<vmem_shared>>)
      %mul3A_121 = arith.constant 1000 : i32
      %mul3A_122 = arith.muli %arg1, %mul3A_121 : i32
      %add3A_123 = arith.constant 640 : i32
      %add3A_124 = arith.addi %mul3A_122, %add3A_123 : i32
      %dma_wait3A_125 = arith.constant 0 : i32
      %dma_wait3A_126 = tpu.memref_slice %arg13[%add3A_124, %dma_wait3A_125] : memref<10008x128xf32, #tpu.memory_space<vmem_shared>> -> memref<128x128xf32, #tpu.memory_space<vmem_shared>>
      %dma_wait3A_127 = arith.constant 0 : i32
      %dma_wait3A_128 = tpu.memref_slice %arg13[%add3A_124, %dma_wait3A_127] : memref<10008x128xf32, #tpu.memory_space<vmem_shared>> -> memref<128x128xf32, #tpu.memory_space<vmem_shared>>
      tpu.wait_dma2 semaphore(%arg17 : memref<!tpu.dma_semaphore, #tpu.memory_space<semaphore_mem>>) src(%arg10 : memref<128x128xf32, #tpu.memory_space<vmem>>) dst(%dma_wait3A_128 : memref<128x128xf32, #tpu.memory_space<vmem_shared>>)
      %mul3A_129 = arith.constant 1000 : i32
      %mul3A_130 = arith.muli %arg1, %mul3A_129 : i32
      %add3A_131 = arith.constant 768 : i32
      %add3A_132 = arith.addi %mul3A_130, %add3A_131 : i32
      %dma_wait3A_133 = arith.constant 0 : i32
      %dma_wait3A_134 = tpu.memref_slice %arg13[%add3A_132, %dma_wait3A_133] : memref<10008x128xf32, #tpu.memory_space<vmem_shared>> -> memref<128x128xf32, #tpu.memory_space<vmem_shared>>
      %dma_wait3A_135 = arith.constant 0 : i32
      %dma_wait3A_136 = tpu.memref_slice %arg13[%add3A_132, %dma_wait3A_135] : memref<10008x128xf32, #tpu.memory_space<vmem_shared>> -> memref<128x128xf32, #tpu.memory_space<vmem_shared>>
      tpu.wait_dma2 semaphore(%arg17 : memref<!tpu.dma_semaphore, #tpu.memory_space<semaphore_mem>>) src(%arg10 : memref<128x128xf32, #tpu.memory_space<vmem>>) dst(%dma_wait3A_136 : memref<128x128xf32, #tpu.memory_space<vmem_shared>>)
      %mul3A_137 = arith.constant 1000 : i32
      %mul3A_138 = arith.muli %arg1, %mul3A_137 : i32
      %add3A_139 = arith.constant 896 : i32
      %add3A_140 = arith.addi %mul3A_138, %add3A_139 : i32
      %dma_wait3A_141 = arith.constant 0 : i32
      %dma_wait3A_142 = arith.constant 0 : i32
      %dma_wait3A_143 = tpu.memref_slice %arg10[%dma_wait3A_141, %dma_wait3A_142] : memref<128x128xf32, #tpu.memory_space<vmem>> -> memref<104x128xf32, #tpu.memory_space<vmem>>
      %dma_wait3A_144 = arith.constant 0 : i32
      %dma_wait3A_145 = tpu.memref_slice %arg13[%add3A_140, %dma_wait3A_144] : memref<10008x128xf32, #tpu.memory_space<vmem_shared>> -> memref<104x128xf32, #tpu.memory_space<vmem_shared>>
      %dma_wait3A_146 = arith.constant 0 : i32
      %dma_wait3A_147 = tpu.memref_slice %arg13[%add3A_140, %dma_wait3A_146] : memref<10008x128xf32, #tpu.memory_space<vmem_shared>> -> memref<104x128xf32, #tpu.memory_space<vmem_shared>>
      %dma_wait3A_148 = arith.constant 0 : i32
      %dma_wait3A_149 = arith.constant 0 : i32
      %dma_wait3A_150 = tpu.memref_slice %arg10[%dma_wait3A_148, %dma_wait3A_149] : memref<128x128xf32, #tpu.memory_space<vmem>> -> memref<104x128xf32, #tpu.memory_space<vmem>>
      tpu.wait_dma2 semaphore(%arg17 : memref<!tpu.dma_semaphore, #tpu.memory_space<semaphore_mem>>) src(%dma_wait3A_150 : memref<104x128xf32, #tpu.memory_space<vmem>>) dst(%dma_wait3A_147 : memref<104x128xf32, #tpu.memory_space<vmem_shared>>)
    } else {
    }
    %eq3A_34 = arith.constant 10 : i32
    %eq3A_35 = arith.cmpi eq, %arg1, %eq3A_34 : i32
    %convert_element_type3A_36 = arith.extui %eq3A_35 : i1 to i32
    %cond3A_37 = arith.constant 0 : i32
    %cond3A_38 = arith.cmpi ne, %convert_element_type3A_36, %cond3A_37 : i32
    scf.if %cond3A_38 {
      %dma_wait3A_81 = arith.constant 0 : i32
      %dma_wait3A_82 = arith.constant 0 : i32
      %dma_wait3A_83 = tpu.memref_slice %arg10[%dma_wait3A_81, %dma_wait3A_82] : memref<128x128xf32, #tpu.memory_space<vmem>> -> memref<8x128xf32, #tpu.memory_space<vmem>>
      %dma_wait3A_84 = arith.constant 10000 : i32
      %dma_wait3A_85 = arith.constant 0 : i32
      %dma_wait3A_86 = tpu.memref_slice %arg13[%dma_wait3A_84, %dma_wait3A_85] : memref<10008x128xf32, #tpu.memory_space<vmem_shared>> -> memref<8x128xf32, #tpu.memory_space<vmem_shared>>
      %dma_wait3A_87 = arith.constant 10000 : i32
      %dma_wait3A_88 = arith.constant 0 : i32
      %dma_wait3A_89 = tpu.memref_slice %arg13[%dma_wait3A_87, %dma_wait3A_88] : memref<10008x128xf32, #tpu.memory_space<vmem_shared>> -> memref<8x128xf32, #tpu.memory_space<vmem_shared>>
      %dma_wait3A_90 = arith.constant 0 : i32
      %dma_wait3A_91 = arith.constant 0 : i32
      %dma_wait3A_92 = tpu.memref_slice %arg10[%dma_wait3A_90, %dma_wait3A_91] : memref<128x128xf32, #tpu.memory_space<vmem>> -> memref<8x128xf32, #tpu.memory_space<vmem>>
      tpu.wait_dma2 semaphore(%arg17 : memref<!tpu.dma_semaphore, #tpu.memory_space<semaphore_mem>>) src(%dma_wait3A_92 : memref<8x128xf32, #tpu.memory_space<vmem>>) dst(%dma_wait3A_89 : memref<8x128xf32, #tpu.memory_space<vmem_shared>>)
    } else {
    }
    %barrier3A = arith.constant 0 : index
    tpu.barrier barrier_id(%barrier3A)
    %dma_start3A_39 = arith.constant 0 : i32
    %dma_start3A_40 = tpu.memref_slice %arg6[%dma_start3A_39] : memref<384xi32, #tpu.memory_space<vmem>> -> memref<128xi32, #tpu.memory_space<vmem>>
    %dma_start3A_41 = arith.constant 0 : i32
    %dma_start3A_42 = arith.constant 0 : i32
    %dma_start3A_43 = tpu.memref_slice %arg4[%dma_start3A_41, %dma_start3A_42] : memref<20000x128xf32, #tpu.memory_space<hbm>> -> memref<20000x128xf32, #tpu.memory_space<hbm>>
    tpu.enqueue_indirect_dma source(%dma_start3A_43 : memref<20000x128xf32, #tpu.memory_space<hbm>>) target(%arg10 : memref<128x128xf32, #tpu.memory_space<vmem>>) offsets(%dma_start3A_40 : memref<128xi32, #tpu.memory_space<vmem>>) semaphore(%arg14 : memref<!tpu.dma_semaphore, #tpu.memory_space<semaphore_mem>>)
    %dma_start3A_44 = arith.constant 128 : i32
    %dma_start3A_45 = tpu.memref_slice %arg6[%dma_start3A_44] : memref<384xi32, #tpu.memory_space<vmem>> -> memref<128xi32, #tpu.memory_space<vmem>>
    %dma_start3A_46 = arith.constant 0 : i32
    %dma_start3A_47 = arith.constant 0 : i32
    %dma_start3A_48 = tpu.memref_slice %arg4[%dma_start3A_46, %dma_start3A_47] : memref<20000x128xf32, #tpu.memory_space<hbm>> -> memref<20000x128xf32, #tpu.memory_space<hbm>>
    tpu.enqueue_indirect_dma source(%dma_start3A_48 : memref<20000x128xf32, #tpu.memory_space<hbm>>) target(%arg11 : memref<128x128xf32, #tpu.memory_space<vmem>>) offsets(%dma_start3A_45 : memref<128xi32, #tpu.memory_space<vmem>>) semaphore(%arg15 : memref<!tpu.dma_semaphore, #tpu.memory_space<semaphore_mem>>)
    %scan3A_49 = arith.constant 0 : i32
    %scan3A_50 = arith.constant 0 : i32
    %scan3A_51 = arith.constant 26 : i32
    %scan3A_52 = arith.addi %scan3A_50, %scan3A_51 : i32
    %scan3A_53 = arith.constant 1 : i32
    %scan3A_54 = scf.for %scan3A_81 = %scan3A_50 to %scan3A_52 step %scan3A_53 iter_args(%scan3A_82 = %scan3A_49) -> (i32)  : i32 {
      %mul3A_83 = arith.constant 6 : i32
      %mul3A_84 = arith.muli %mul3A_83, %scan3A_81 : i32
      %dma_wait3A_85 = arith.constant 0 : i32
      %dma_wait3A_86 = tpu.memref_slice %arg6[%dma_wait3A_85] : memref<384xi32, #tpu.memory_space<vmem>> -> memref<128xi32, #tpu.memory_space<vmem>>
      %dma_wait3A_87 = arith.constant 0 : i32
      %dma_wait3A_88 = arith.constant 0 : i32
      %dma_wait3A_89 = tpu.memref_slice %arg4[%dma_wait3A_87, %dma_wait3A_88] : memref<20000x128xf32, #tpu.memory_space<hbm>> -> memref<20000x128xf32, #tpu.memory_space<hbm>>
      tpu.wait_indirect_dma semaphore(%arg14 : memref<!tpu.dma_semaphore, #tpu.memory_space<semaphore_mem>>) src(%dma_wait3A_89 : memref<20000x128xf32, #tpu.memory_space<hbm>>) dst(%arg10 : memref<128x128xf32, #tpu.memory_space<vmem>>)
      %dma_start3A_90 = arith.constant 0 : i32
      %dma_start3A_91 = tpu.memref_slice %arg7[%dma_start3A_90] : memref<384xi32, #tpu.memory_space<vmem>> -> memref<128xi32, #tpu.memory_space<vmem>>
      %dma_start3A_92 = arith.constant 0 : i32
      %dma_start3A_93 = arith.constant 0 : i32
      %dma_start3A_94 = tpu.memref_slice %arg13[%dma_start3A_92, %dma_start3A_93] : memref<10008x128xf32, #tpu.memory_space<vmem_shared>> -> memref<10008x128xf32, #tpu.memory_space<vmem_shared>>
      tpu.enqueue_indirect_dma source(%arg10 : memref<128x128xf32, #tpu.memory_space<vmem>>) target(%dma_start3A_94 : memref<10008x128xf32, #tpu.memory_space<vmem_shared>>) offsets(%dma_start3A_91 : memref<128xi32, #tpu.memory_space<vmem>>) semaphore(%arg17 : memref<!tpu.dma_semaphore, #tpu.memory_space<semaphore_mem>>) {add = true}
      %add3A_95 = arith.constant 3 : i32
      %add3A_96 = arith.addi %mul3A_84, %add3A_95 : i32
      %mul3A_97 = arith.constant 128 : i32
      %mul3A_98 = arith.muli %add3A_96, %mul3A_97 : i32
      %mul3A_99 = arith.constant 20096 : i32
      %mul3A_100 = arith.muli %add3A, %mul3A_99 : i32
      %add3A_101 = arith.addi %mul3A_100, %mul3A_98 : i32
      %dma_wait3A_102 = tpu.memref_slice %arg2[%add3A_101] : memref<643328xi32, #tpu.memory_space<hbm>> -> memref<384xi32, #tpu.memory_space<hbm>>
      %dma_wait3A_103 = tpu.memref_slice %arg2[%add3A_101] : memref<643328xi32, #tpu.memory_space<hbm>> -> memref<384xi32, #tpu.memory_space<hbm>>
      tpu.wait_dma2 semaphore(%arg21 : memref<!tpu.dma_semaphore, #tpu.memory_space<semaphore_mem>>) src(%dma_wait3A_103 : memref<384xi32, #tpu.memory_space<hbm>>) dst(%arg8 : memref<384xi32, #tpu.memory_space<vmem>>)
      %mul3A_104 = arith.constant 20096 : i32
      %mul3A_105 = arith.muli %arg1, %mul3A_104 : i32
      %add3A_106 = arith.addi %mul3A_105, %mul3A_98 : i32
      %dma_wait3A_107 = tpu.memref_slice %arg3[%add3A_106] : memref<321792xi32, #tpu.memory_space<hbm>> -> memref<384xi32, #tpu.memory_space<hbm>>
      %dma_wait3A_108 = tpu.memref_slice %arg3[%add3A_106] : memref<321792xi32, #tpu.memory_space<hbm>> -> memref<384xi32, #tpu.memory_space<hbm>>
      tpu.wait_dma2 semaphore(%arg21 : memref<!tpu.dma_semaphore, #tpu.memory_space<semaphore_mem>>) src(%dma_wait3A_108 : memref<384xi32, #tpu.memory_space<hbm>>) dst(%arg9 : memref<384xi32, #tpu.memory_space<vmem>>)
      %gt3A = arith.constant 0 : i32
      %gt3A_109 = arith.cmpi sgt, %mul3A_84, %gt3A : i32
      %convert_element_type3A_110 = arith.extui %gt3A_109 : i1 to i32
      %cond3A_111 = arith.constant 0 : i32
      %cond3A_112 = arith.cmpi ne, %convert_element_type3A_110, %cond3A_111 : i32
      scf.if %cond3A_112 {
        %dma_wait3A_250 = arith.constant 256 : i32
        %dma_wait3A_251 = tpu.memref_slice %arg9[%dma_wait3A_250] : memref<384xi32, #tpu.memory_space<vmem>> -> memref<128xi32, #tpu.memory_space<vmem>>
        %dma_wait3A_252 = arith.constant 0 : i32
        %dma_wait3A_253 = arith.constant 0 : i32
        %dma_wait3A_254 = tpu.memref_slice %arg13[%dma_wait3A_252, %dma_wait3A_253] : memref<10008x128xf32, #tpu.memory_space<vmem_shared>> -> memref<10008x128xf32, #tpu.memory_space<vmem_shared>>
        tpu.wait_indirect_dma semaphore(%arg19 : memref<!tpu.dma_semaphore, #tpu.memory_space<semaphore_mem>>) src(%arg12 : memref<128x128xf32, #tpu.memory_space<vmem>>) dst(%dma_wait3A_254 : memref<10008x128xf32, #tpu.memory_space<vmem_shared>>)
      } else {
      }
      %dma_start3A_113 = arith.constant 256 : i32
      %dma_start3A_114 = tpu.memref_slice %arg6[%dma_start3A_113] : memref<384xi32, #tpu.memory_space<vmem>> -> memref<128xi32, #tpu.memory_space<vmem>>
      %dma_start3A_115 = arith.constant 0 : i32
      %dma_start3A_116 = arith.constant 0 : i32
      %dma_start3A_117 = tpu.memref_slice %arg4[%dma_start3A_115, %dma_start3A_116] : memref<20000x128xf32, #tpu.memory_space<hbm>> -> memref<20000x128xf32, #tpu.memory_space<hbm>>
      tpu.enqueue_indirect_dma source(%dma_start3A_117 : memref<20000x128xf32, #tpu.memory_space<hbm>>) target(%arg12 : memref<128x128xf32, #tpu.memory_space<vmem>>) offsets(%dma_start3A_114 : memref<128xi32, #tpu.memory_space<vmem>>) semaphore(%arg16 : memref<!tpu.dma_semaphore, #tpu.memory_space<semaphore_mem>>)
      %dma_wait3A_118 = arith.constant 128 : i32
      %dma_wait3A_119 = tpu.memref_slice %arg6[%dma_wait3A_118] : memref<384xi32, #tpu.memory_space<vmem>> -> memref<128xi32, #tpu.memory_space<vmem>>
      %dma_wait3A_120 = arith.constant 0 : i32
      %dma_wait3A_121 = arith.constant 0 : i32
      %dma_wait3A_122 = tpu.memref_slice %arg4[%dma_wait3A_120, %dma_wait3A_121] : memref<20000x128xf32, #tpu.memory_space<hbm>> -> memref<20000x128xf32, #tpu.memory_space<hbm>>
      tpu.wait_indirect_dma semaphore(%arg15 : memref<!tpu.dma_semaphore, #tpu.memory_space<semaphore_mem>>) src(%dma_wait3A_122 : memref<20000x128xf32, #tpu.memory_space<hbm>>) dst(%arg11 : memref<128x128xf32, #tpu.memory_space<vmem>>)
      %dma_start3A_123 = arith.constant 128 : i32
      %dma_start3A_124 = tpu.memref_slice %arg7[%dma_start3A_123] : memref<384xi32, #tpu.memory_space<vmem>> -> memref<128xi32, #tpu.memory_space<vmem>>
      %dma_start3A_125 = arith.constant 0 : i32
      %dma_start3A_126 = arith.constant 0 : i32
      %dma_start3A_127 = tpu.memref_slice %arg13[%dma_start3A_125, %dma_start3A_126] : memref<10008x128xf32, #tpu.memory_space<vmem_shared>> -> memref<10008x128xf32, #tpu.memory_space<vmem_shared>>
      tpu.enqueue_indirect_dma source(%arg11 : memref<128x128xf32, #tpu.memory_space<vmem>>) target(%dma_start3A_127 : memref<10008x128xf32, #tpu.memory_space<vmem_shared>>) offsets(%dma_start3A_124 : memref<128xi32, #tpu.memory_space<vmem>>) semaphore(%arg18 : memref<!tpu.dma_semaphore, #tpu.memory_space<semaphore_mem>>) {add = true}
      %dma_wait3A_128 = arith.constant 0 : i32
      %dma_wait3A_129 = tpu.memref_slice %arg7[%dma_wait3A_128] : memref<384xi32, #tpu.memory_space<vmem>> -> memref<128xi32, #tpu.memory_space<vmem>>
      %dma_wait3A_130 = arith.constant 0 : i32
      %dma_wait3A_131 = arith.constant 0 : i32
      %dma_wait3A_132 = tpu.memref_slice %arg13[%dma_wait3A_130, %dma_wait3A_131] : memref<10008x128xf32, #tpu.memory_space<vmem_shared>> -> memref<10008x128xf32, #tpu.memory_space<vmem_shared>>
      tpu.wait_indirect_dma semaphore(%arg17 : memref<!tpu.dma_semaphore, #tpu.memory_space<semaphore_mem>>) src(%arg10 : memref<128x128xf32, #tpu.memory_space<vmem>>) dst(%dma_wait3A_132 : memref<10008x128xf32, #tpu.memory_space<vmem_shared>>)
      %dma_start3A_133 = arith.constant 0 : i32
      %dma_start3A_134 = tpu.memref_slice %arg8[%dma_start3A_133] : memref<384xi32, #tpu.memory_space<vmem>> -> memref<128xi32, #tpu.memory_space<vmem>>
      %dma_start3A_135 = arith.constant 0 : i32
      %dma_start3A_136 = arith.constant 0 : i32
      %dma_start3A_137 = tpu.memref_slice %arg4[%dma_start3A_135, %dma_start3A_136] : memref<20000x128xf32, #tpu.memory_space<hbm>> -> memref<20000x128xf32, #tpu.memory_space<hbm>>
      tpu.enqueue_indirect_dma source(%dma_start3A_137 : memref<20000x128xf32, #tpu.memory_space<hbm>>) target(%arg10 : memref<128x128xf32, #tpu.memory_space<vmem>>) offsets(%dma_start3A_134 : memref<128xi32, #tpu.memory_space<vmem>>) semaphore(%arg14 : memref<!tpu.dma_semaphore, #tpu.memory_space<semaphore_mem>>)
      %dma_wait3A_138 = arith.constant 256 : i32
      %dma_wait3A_139 = tpu.memref_slice %arg6[%dma_wait3A_138] : memref<384xi32, #tpu.memory_space<vmem>> -> memref<128xi32, #tpu.memory_space<vmem>>
      %dma_wait3A_140 = arith.constant 0 : i32
      %dma_wait3A_141 = arith.constant 0 : i32
      %dma_wait3A_142 = tpu.memref_slice %arg4[%dma_wait3A_140, %dma_wait3A_141] : memref<20000x128xf32, #tpu.memory_space<hbm>> -> memref<20000x128xf32, #tpu.memory_space<hbm>>
      tpu.wait_indirect_dma semaphore(%arg16 : memref<!tpu.dma_semaphore, #tpu.memory_space<semaphore_mem>>) src(%dma_wait3A_142 : memref<20000x128xf32, #tpu.memory_space<hbm>>) dst(%arg12 : memref<128x128xf32, #tpu.memory_space<vmem>>)
      %dma_start3A_143 = arith.constant 256 : i32
      %dma_start3A_144 = tpu.memref_slice %arg7[%dma_start3A_143] : memref<384xi32, #tpu.memory_space<vmem>> -> memref<128xi32, #tpu.memory_space<vmem>>
      %dma_start3A_145 = arith.constant 0 : i32
      %dma_start3A_146 = arith.constant 0 : i32
      %dma_start3A_147 = tpu.memref_slice %arg13[%dma_start3A_145, %dma_start3A_146] : memref<10008x128xf32, #tpu.memory_space<vmem_shared>> -> memref<10008x128xf32, #tpu.memory_space<vmem_shared>>
      tpu.enqueue_indirect_dma source(%arg12 : memref<128x128xf32, #tpu.memory_space<vmem>>) target(%dma_start3A_147 : memref<10008x128xf32, #tpu.memory_space<vmem_shared>>) offsets(%dma_start3A_144 : memref<128xi32, #tpu.memory_space<vmem>>) semaphore(%arg19 : memref<!tpu.dma_semaphore, #tpu.memory_space<semaphore_mem>>) {add = true}
      %dma_wait3A_148 = arith.constant 128 : i32
      %dma_wait3A_149 = tpu.memref_slice %arg7[%dma_wait3A_148] : memref<384xi32, #tpu.memory_space<vmem>> -> memref<128xi32, #tpu.memory_space<vmem>>
      %dma_wait3A_150 = arith.constant 0 : i32
      %dma_wait3A_151 = arith.constant 0 : i32
      %dma_wait3A_152 = tpu.memref_slice %arg13[%dma_wait3A_150, %dma_wait3A_151] : memref<10008x128xf32, #tpu.memory_space<vmem_shared>> -> memref<10008x128xf32, #tpu.memory_space<vmem_shared>>
      tpu.wait_indirect_dma semaphore(%arg18 : memref<!tpu.dma_semaphore, #tpu.memory_space<semaphore_mem>>) src(%arg11 : memref<128x128xf32, #tpu.memory_space<vmem>>) dst(%dma_wait3A_152 : memref<10008x128xf32, #tpu.memory_space<vmem_shared>>)
      %add3A_153 = arith.constant 4 : i32
      %add3A_154 = arith.addi %mul3A_84, %add3A_153 : i32
      %le3A = arith.constant 156 : i32
      %le3A_155 = arith.cmpi sle, %add3A_154, %le3A : i32
      %convert_element_type3A_156 = arith.extui %le3A_155 : i1 to i32
      %cond3A_157 = arith.constant 0 : i32
      %cond3A_158 = arith.cmpi ne, %convert_element_type3A_156, %cond3A_157 : i32
      scf.if %cond3A_158 {
        %dma_start3A_250 = arith.constant 128 : i32
        %dma_start3A_251 = tpu.memref_slice %arg8[%dma_start3A_250] : memref<384xi32, #tpu.memory_space<vmem>> -> memref<128xi32, #tpu.memory_space<vmem>>
        %dma_start3A_252 = arith.constant 0 : i32
        %dma_start3A_253 = arith.constant 0 : i32
        %dma_start3A_254 = tpu.memref_slice %arg4[%dma_start3A_252, %dma_start3A_253] : memref<20000x128xf32, #tpu.memory_space<hbm>> -> memref<20000x128xf32, #tpu.memory_space<hbm>>
        tpu.enqueue_indirect_dma source(%dma_start3A_254 : memref<20000x128xf32, #tpu.memory_space<hbm>>) target(%arg11 : memref<128x128xf32, #tpu.memory_space<vmem>>) offsets(%dma_start3A_251 : memref<128xi32, #tpu.memory_space<vmem>>) semaphore(%arg15 : memref<!tpu.dma_semaphore, #tpu.memory_space<semaphore_mem>>)
      } else {
      }
      %le3A_159 = arith.constant 150 : i32
      %le3A_160 = arith.cmpi sle, %mul3A_84, %le3A_159 : i32
      %convert_element_type3A_161 = arith.extui %le3A_160 : i1 to i32
      %cond3A_162 = arith.constant 0 : i32
      %cond3A_163 = arith.cmpi ne, %convert_element_type3A_161, %cond3A_162 : i32
      scf.if %cond3A_163 {
        %add3A_250 = arith.constant 6 : i32
        %add3A_251 = arith.addi %mul3A_84, %add3A_250 : i32
        %mul3A_252 = arith.constant 128 : i32
        %mul3A_253 = arith.muli %add3A_251, %mul3A_252 : i32
        %mul3A_254 = arith.constant 20096 : i32
        %mul3A_255 = arith.muli %add3A, %mul3A_254 : i32
        %add3A_256 = arith.addi %mul3A_255, %mul3A_253 : i32
        %dma_start3A_257 = tpu.memref_slice %arg2[%add3A_256] : memref<643328xi32, #tpu.memory_space<hbm>> -> memref<384xi32, #tpu.memory_space<hbm>>
        %dma_start3A_258 = tpu.memref_slice %arg2[%add3A_256] : memref<643328xi32, #tpu.memory_space<hbm>> -> memref<384xi32, #tpu.memory_space<hbm>>
        tpu.enqueue_dma source(%dma_start3A_258 : memref<384xi32, #tpu.memory_space<hbm>>) target(%arg6 : memref<384xi32, #tpu.memory_space<vmem>>) target_semaphore(%arg20 : memref<!tpu.dma_semaphore, #tpu.memory_space<semaphore_mem>>)
        %mul3A_259 = arith.constant 20096 : i32
        %mul3A_260 = arith.muli %arg1, %mul3A_259 : i32
        %add3A_261 = arith.addi %mul3A_260, %mul3A_253 : i32
        %dma_start3A_262 = tpu.memref_slice %arg3[%add3A_261] : memref<321792xi32, #tpu.memory_space<hbm>> -> memref<384xi32, #tpu.memory_space<hbm>>
        %dma_start3A_263 = tpu.memref_slice %arg3[%add3A_261] : memref<321792xi32, #tpu.memory_space<hbm>> -> memref<384xi32, #tpu.memory_space<hbm>>
        tpu.enqueue_dma source(%dma_start3A_263 : memref<384xi32, #tpu.memory_space<hbm>>) target(%arg7 : memref<384xi32, #tpu.memory_space<vmem>>) target_semaphore(%arg20 : memref<!tpu.dma_semaphore, #tpu.memory_space<semaphore_mem>>)
      } else {
      }
      %mul3A_164 = arith.constant 6 : i32
      %mul3A_165 = arith.muli %mul3A_164, %scan3A_81 : i32
      %add3A_166 = arith.constant 3 : i32
      %add3A_167 = arith.addi %mul3A_165, %add3A_166 : i32
      %dma_wait3A_168 = arith.constant 0 : i32
      %dma_wait3A_169 = tpu.memref_slice %arg8[%dma_wait3A_168] : memref<384xi32, #tpu.memory_space<vmem>> -> memref<128xi32, #tpu.memory_space<vmem>>
      %dma_wait3A_170 = arith.constant 0 : i32
      %dma_wait3A_171 = arith.constant 0 : i32
      %dma_wait3A_172 = tpu.memref_slice %arg4[%dma_wait3A_170, %dma_wait3A_171] : memref<20000x128xf32, #tpu.memory_space<hbm>> -> memref<20000x128xf32, #tpu.memory_space<hbm>>
      tpu.wait_indirect_dma semaphore(%arg14 : memref<!tpu.dma_semaphore, #tpu.memory_space<semaphore_mem>>) src(%dma_wait3A_172 : memref<20000x128xf32, #tpu.memory_space<hbm>>) dst(%arg10 : memref<128x128xf32, #tpu.memory_space<vmem>>)
      %dma_start3A_173 = arith.constant 0 : i32
      %dma_start3A_174 = tpu.memref_slice %arg9[%dma_start3A_173] : memref<384xi32, #tpu.memory_space<vmem>> -> memref<128xi32, #tpu.memory_space<vmem>>
      %dma_start3A_175 = arith.constant 0 : i32
      %dma_start3A_176 = arith.constant 0 : i32
      %dma_start3A_177 = tpu.memref_slice %arg13[%dma_start3A_175, %dma_start3A_176] : memref<10008x128xf32, #tpu.memory_space<vmem_shared>> -> memref<10008x128xf32, #tpu.memory_space<vmem_shared>>
      tpu.enqueue_indirect_dma source(%arg10 : memref<128x128xf32, #tpu.memory_space<vmem>>) target(%dma_start3A_177 : memref<10008x128xf32, #tpu.memory_space<vmem_shared>>) offsets(%dma_start3A_174 : memref<128xi32, #tpu.memory_space<vmem>>) semaphore(%arg17 : memref<!tpu.dma_semaphore, #tpu.memory_space<semaphore_mem>>) {add = true}
      %add3A_178 = arith.constant 3 : i32
      %add3A_179 = arith.addi %add3A_167, %add3A_178 : i32
      %mul3A_180 = arith.constant 128 : i32
      %mul3A_181 = arith.muli %add3A_179, %mul3A_180 : i32
      %mul3A_182 = arith.constant 20096 : i32
      %mul3A_183 = arith.muli %add3A, %mul3A_182 : i32
      %add3A_184 = arith.addi %mul3A_183, %mul3A_181 : i32
      %dma_wait3A_185 = tpu.memref_slice %arg2[%add3A_184] : memref<643328xi32, #tpu.memory_space<hbm>> -> memref<384xi32, #tpu.memory_space<hbm>>
      %dma_wait3A_186 = tpu.memref_slice %arg2[%add3A_184] : memref<643328xi32, #tpu.memory_space<hbm>> -> memref<384xi32, #tpu.memory_space<hbm>>
      tpu.wait_dma2 semaphore(%arg20 : memref<!tpu.dma_semaphore, #tpu.memory_space<semaphore_mem>>) src(%dma_wait3A_186 : memref<384xi32, #tpu.memory_space<hbm>>) dst(%arg6 : memref<384xi32, #tpu.memory_space<vmem>>)
      %mul3A_187 = arith.constant 20096 : i32
      %mul3A_188 = arith.muli %arg1, %mul3A_187 : i32
      %add3A_189 = arith.addi %mul3A_188, %mul3A_181 : i32
      %dma_wait3A_190 = tpu.memref_slice %arg3[%add3A_189] : memref<321792xi32, #tpu.memory_space<hbm>> -> memref<384xi32, #tpu.memory_space<hbm>>
      %dma_wait3A_191 = tpu.memref_slice %arg3[%add3A_189] : memref<321792xi32, #tpu.memory_space<hbm>> -> memref<384xi32, #tpu.memory_space<hbm>>
      tpu.wait_dma2 semaphore(%arg20 : memref<!tpu.dma_semaphore, #tpu.memory_space<semaphore_mem>>) src(%dma_wait3A_191 : memref<384xi32, #tpu.memory_space<hbm>>) dst(%arg7 : memref<384xi32, #tpu.memory_space<vmem>>)
      %gt3A_192 = arith.constant 0 : i32
      %gt3A_193 = arith.cmpi sgt, %add3A_167, %gt3A_192 : i32
      %convert_element_type3A_194 = arith.extui %gt3A_193 : i1 to i32
      %cond3A_195 = arith.constant 0 : i32
      %cond3A_196 = arith.cmpi ne, %convert_element_type3A_194, %cond3A_195 : i32
      scf.if %cond3A_196 {
        %dma_wait3A_250 = arith.constant 256 : i32
        %dma_wait3A_251 = tpu.memref_slice %arg7[%dma_wait3A_250] : memref<384xi32, #tpu.memory_space<vmem>> -> memref<128xi32, #tpu.memory_space<vmem>>
        %dma_wait3A_252 = arith.constant 0 : i32
        %dma_wait3A_253 = arith.constant 0 : i32
        %dma_wait3A_254 = tpu.memref_slice %arg13[%dma_wait3A_252, %dma_wait3A_253] : memref<10008x128xf32, #tpu.memory_space<vmem_shared>> -> memref<10008x128xf32, #tpu.memory_space<vmem_shared>>
        tpu.wait_indirect_dma semaphore(%arg19 : memref<!tpu.dma_semaphore, #tpu.memory_space<semaphore_mem>>) src(%arg12 : memref<128x128xf32, #tpu.memory_space<vmem>>) dst(%dma_wait3A_254 : memref<10008x128xf32, #tpu.memory_space<vmem_shared>>)
      } else {
      }
      %dma_start3A_197 = arith.constant 256 : i32
      %dma_start3A_198 = tpu.memref_slice %arg8[%dma_start3A_197] : memref<384xi32, #tpu.memory_space<vmem>> -> memref<128xi32, #tpu.memory_space<vmem>>
      %dma_start3A_199 = arith.constant 0 : i32
      %dma_start3A_200 = arith.constant 0 : i32
      %dma_start3A_201 = tpu.memref_slice %arg4[%dma_start3A_199, %dma_start3A_200] : memref<20000x128xf32, #tpu.memory_space<hbm>> -> memref<20000x128xf32, #tpu.memory_space<hbm>>
      tpu.enqueue_indirect_dma source(%dma_start3A_201 : memref<20000x128xf32, #tpu.memory_space<hbm>>) target(%arg12 : memref<128x128xf32, #tpu.memory_space<vmem>>) offsets(%dma_start3A_198 : memref<128xi32, #tpu.memory_space<vmem>>) semaphore(%arg16 : memref<!tpu.dma_semaphore, #tpu.memory_space<semaphore_mem>>)
      %dma_wait3A_202 = arith.constant 128 : i32
      %dma_wait3A_203 = tpu.memref_slice %arg8[%dma_wait3A_202] : memref<384xi32, #tpu.memory_space<vmem>> -> memref<128xi32, #tpu.memory_space<vmem>>
      %dma_wait3A_204 = arith.constant 0 : i32
      %dma_wait3A_205 = arith.constant 0 : i32
      %dma_wait3A_206 = tpu.memref_slice %arg4[%dma_wait3A_204, %dma_wait3A_205] : memref<20000x128xf32, #tpu.memory_space<hbm>> -> memref<20000x128xf32, #tpu.memory_space<hbm>>
      tpu.wait_indirect_dma semaphore(%arg15 : memref<!tpu.dma_semaphore, #tpu.memory_space<semaphore_mem>>) src(%dma_wait3A_206 : memref<20000x128xf32, #tpu.memory_space<hbm>>) dst(%arg11 : memref<128x128xf32, #tpu.memory_space<vmem>>)
      %dma_start3A_207 = arith.constant 128 : i32
      %dma_start3A_208 = tpu.memref_slice %arg9[%dma_start3A_207] : memref<384xi32, #tpu.memory_space<vmem>> -> memref<128xi32, #tpu.memory_space<vmem>>
      %dma_start3A_209 = arith.constant 0 : i32
      %dma_start3A_210 = arith.constant 0 : i32
      %dma_start3A_211 = tpu.memref_slice %arg13[%dma_start3A_209, %dma_start3A_210] : memref<10008x128xf32, #tpu.memory_space<vmem_shared>> -> memref<10008x128xf32, #tpu.memory_space<vmem_shared>>
      tpu.enqueue_indirect_dma source(%arg11 : memref<128x128xf32, #tpu.memory_space<vmem>>) target(%dma_start3A_211 : memref<10008x128xf32, #tpu.memory_space<vmem_shared>>) offsets(%dma_start3A_208 : memref<128xi32, #tpu.memory_space<vmem>>) semaphore(%arg18 : memref<!tpu.dma_semaphore, #tpu.memory_space<semaphore_mem>>) {add = true}
      %dma_wait3A_212 = arith.constant 0 : i32
      %dma_wait3A_213 = tpu.memref_slice %arg9[%dma_wait3A_212] : memref<384xi32, #tpu.memory_space<vmem>> -> memref<128xi32, #tpu.memory_space<vmem>>
      %dma_wait3A_214 = arith.constant 0 : i32
      %dma_wait3A_215 = arith.constant 0 : i32
      %dma_wait3A_216 = tpu.memref_slice %arg13[%dma_wait3A_214, %dma_wait3A_215] : memref<10008x128xf32, #tpu.memory_space<vmem_shared>> -> memref<10008x128xf32, #tpu.memory_space<vmem_shared>>
      tpu.wait_indirect_dma semaphore(%arg17 : memref<!tpu.dma_semaphore, #tpu.memory_space<semaphore_mem>>) src(%arg10 : memref<128x128xf32, #tpu.memory_space<vmem>>) dst(%dma_wait3A_216 : memref<10008x128xf32, #tpu.memory_space<vmem_shared>>)
      %dma_start3A_217 = arith.constant 0 : i32
      %dma_start3A_218 = tpu.memref_slice %arg6[%dma_start3A_217] : memref<384xi32, #tpu.memory_space<vmem>> -> memref<128xi32, #tpu.memory_space<vmem>>
      %dma_start3A_219 = arith.constant 0 : i32
      %dma_start3A_220 = arith.constant 0 : i32
      %dma_start3A_221 = tpu.memref_slice %arg4[%dma_start3A_219, %dma_start3A_220] : memref<20000x128xf32, #tpu.memory_space<hbm>> -> memref<20000x128xf32, #tpu.memory_space<hbm>>
      tpu.enqueue_indirect_dma source(%dma_start3A_221 : memref<20000x128xf32, #tpu.memory_space<hbm>>) target(%arg10 : memref<128x128xf32, #tpu.memory_space<vmem>>) offsets(%dma_start3A_218 : memref<128xi32, #tpu.memory_space<vmem>>) semaphore(%arg14 : memref<!tpu.dma_semaphore, #tpu.memory_space<semaphore_mem>>)
      %dma_wait3A_222 = arith.constant 256 : i32
      %dma_wait3A_223 = tpu.memref_slice %arg8[%dma_wait3A_222] : memref<384xi32, #tpu.memory_space<vmem>> -> memref<128xi32, #tpu.memory_space<vmem>>
      %dma_wait3A_224 = arith.constant 0 : i32
      %dma_wait3A_225 = arith.constant 0 : i32
      %dma_wait3A_226 = tpu.memref_slice %arg4[%dma_wait3A_224, %dma_wait3A_225] : memref<20000x128xf32, #tpu.memory_space<hbm>> -> memref<20000x128xf32, #tpu.memory_space<hbm>>
      tpu.wait_indirect_dma semaphore(%arg16 : memref<!tpu.dma_semaphore, #tpu.memory_space<semaphore_mem>>) src(%dma_wait3A_226 : memref<20000x128xf32, #tpu.memory_space<hbm>>) dst(%arg12 : memref<128x128xf32, #tpu.memory_space<vmem>>)
      %dma_start3A_227 = arith.constant 256 : i32
      %dma_start3A_228 = tpu.memref_slice %arg9[%dma_start3A_227] : memref<384xi32, #tpu.memory_space<vmem>> -> memref<128xi32, #tpu.memory_space<vmem>>
      %dma_start3A_229 = arith.constant 0 : i32
      %dma_start3A_230 = arith.constant 0 : i32
      %dma_start3A_231 = tpu.memref_slice %arg13[%dma_start3A_229, %dma_start3A_230] : memref<10008x128xf32, #tpu.memory_space<vmem_shared>> -> memref<10008x128xf32, #tpu.memory_space<vmem_shared>>
      tpu.enqueue_indirect_dma source(%arg12 : memref<128x128xf32, #tpu.memory_space<vmem>>) target(%dma_start3A_231 : memref<10008x128xf32, #tpu.memory_space<vmem_shared>>) offsets(%dma_start3A_228 : memref<128xi32, #tpu.memory_space<vmem>>) semaphore(%arg19 : memref<!tpu.dma_semaphore, #tpu.memory_space<semaphore_mem>>) {add = true}
      %dma_wait3A_232 = arith.constant 128 : i32
      %dma_wait3A_233 = tpu.memref_slice %arg9[%dma_wait3A_232] : memref<384xi32, #tpu.memory_space<vmem>> -> memref<128xi32, #tpu.memory_space<vmem>>
      %dma_wait3A_234 = arith.constant 0 : i32
      %dma_wait3A_235 = arith.constant 0 : i32
      %dma_wait3A_236 = tpu.memref_slice %arg13[%dma_wait3A_234, %dma_wait3A_235] : memref<10008x128xf32, #tpu.memory_space<vmem_shared>> -> memref<10008x128xf32, #tpu.memory_space<vmem_shared>>
      tpu.wait_indirect_dma semaphore(%arg18 : memref<!tpu.dma_semaphore, #tpu.memory_space<semaphore_mem>>) src(%arg11 : memref<128x128xf32, #tpu.memory_space<vmem>>) dst(%dma_wait3A_236 : memref<10008x128xf32, #tpu.memory_space<vmem_shared>>)
      %add3A_237 = arith.constant 4 : i32
      %add3A_238 = arith.addi %add3A_167, %add3A_237 : i32
      %le3A_239 = arith.constant 156 : i32
      %le3A_240 = arith.cmpi sle, %add3A_238, %le3A_239 : i32
      %convert_element_type3A_241 = arith.extui %le3A_240 : i1 to i32
      %cond3A_242 = arith.constant 0 : i32
      %cond3A_243 = arith.cmpi ne, %convert_element_type3A_241, %cond3A_242 : i32
      scf.if %cond3A_243 {
        %dma_start3A_250 = arith.constant 128 : i32
        %dma_start3A_251 = tpu.memref_slice %arg6[%dma_start3A_250] : memref<384xi32, #tpu.memory_space<vmem>> -> memref<128xi32, #tpu.memory_space<vmem>>
        %dma_start3A_252 = arith.constant 0 : i32
        %dma_start3A_253 = arith.constant 0 : i32
        %dma_start3A_254 = tpu.memref_slice %arg4[%dma_start3A_252, %dma_start3A_253] : memref<20000x128xf32, #tpu.memory_space<hbm>> -> memref<20000x128xf32, #tpu.memory_space<hbm>>
        tpu.enqueue_indirect_dma source(%dma_start3A_254 : memref<20000x128xf32, #tpu.memory_space<hbm>>) target(%arg11 : memref<128x128xf32, #tpu.memory_space<vmem>>) offsets(%dma_start3A_251 : memref<128xi32, #tpu.memory_space<vmem>>) semaphore(%arg15 : memref<!tpu.dma_semaphore, #tpu.memory_space<semaphore_mem>>)
      } else {
      }
      %le3A_244 = arith.constant 150 : i32
      %le3A_245 = arith.cmpi sle, %add3A_167, %le3A_244 : i32
      %convert_element_type3A_246 = arith.extui %le3A_245 : i1 to i32
      %cond3A_247 = arith.constant 0 : i32
      %cond3A_248 = arith.cmpi ne, %convert_element_type3A_246, %cond3A_247 : i32
      scf.if %cond3A_248 {
        %add3A_250 = arith.constant 6 : i32
        %add3A_251 = arith.addi %add3A_167, %add3A_250 : i32
        %mul3A_252 = arith.constant 128 : i32
        %mul3A_253 = arith.muli %add3A_251, %mul3A_252 : i32
        %mul3A_254 = arith.constant 20096 : i32
        %mul3A_255 = arith.muli %add3A, %mul3A_254 : i32
        %add3A_256 = arith.addi %mul3A_255, %mul3A_253 : i32
        %dma_start3A_257 = tpu.memref_slice %arg2[%add3A_256] : memref<643328xi32, #tpu.memory_space<hbm>> -> memref<384xi32, #tpu.memory_space<hbm>>
        %dma_start3A_258 = tpu.memref_slice %arg2[%add3A_256] : memref<643328xi32, #tpu.memory_space<hbm>> -> memref<384xi32, #tpu.memory_space<hbm>>
        tpu.enqueue_dma source(%dma_start3A_258 : memref<384xi32, #tpu.memory_space<hbm>>) target(%arg8 : memref<384xi32, #tpu.memory_space<vmem>>) target_semaphore(%arg21 : memref<!tpu.dma_semaphore, #tpu.memory_space<semaphore_mem>>)
        %mul3A_259 = arith.constant 20096 : i32
        %mul3A_260 = arith.muli %arg1, %mul3A_259 : i32
        %add3A_261 = arith.addi %mul3A_260, %mul3A_253 : i32
        %dma_start3A_262 = tpu.memref_slice %arg3[%add3A_261] : memref<321792xi32, #tpu.memory_space<hbm>> -> memref<384xi32, #tpu.memory_space<hbm>>
        %dma_start3A_263 = tpu.memref_slice %arg3[%add3A_261] : memref<321792xi32, #tpu.memory_space<hbm>> -> memref<384xi32, #tpu.memory_space<hbm>>
        tpu.enqueue_dma source(%dma_start3A_263 : memref<384xi32, #tpu.memory_space<hbm>>) target(%arg9 : memref<384xi32, #tpu.memory_space<vmem>>) target_semaphore(%arg21 : memref<!tpu.dma_semaphore, #tpu.memory_space<semaphore_mem>>)
      } else {
      }
      %scan3A_249 = arith.constant 0 : i32
      scf.yield %scan3A_249 : i32
    }
    %scan3A_55 = arith.constant 26 : i32
    %dma_wait3A = arith.constant 0 : i32
    %dma_wait3A_56 = tpu.memref_slice %arg6[%dma_wait3A] : memref<384xi32, #tpu.memory_space<vmem>> -> memref<128xi32, #tpu.memory_space<vmem>>
    %dma_wait3A_57 = arith.constant 0 : i32
    %dma_wait3A_58 = arith.constant 0 : i32
    %dma_wait3A_59 = tpu.memref_slice %arg4[%dma_wait3A_57, %dma_wait3A_58] : memref<20000x128xf32, #tpu.memory_space<hbm>> -> memref<20000x128xf32, #tpu.memory_space<hbm>>
    tpu.wait_indirect_dma semaphore(%arg14 : memref<!tpu.dma_semaphore, #tpu.memory_space<semaphore_mem>>) src(%dma_wait3A_59 : memref<20000x128xf32, #tpu.memory_space<hbm>>) dst(%arg10 : memref<128x128xf32, #tpu.memory_space<vmem>>)
    %dma_start3A_60 = arith.constant 0 : i32
    %dma_start3A_61 = tpu.memref_slice %arg7[%dma_start3A_60] : memref<384xi32, #tpu.memory_space<vmem>> -> memref<128xi32, #tpu.memory_space<vmem>>
    %dma_start3A_62 = arith.constant 0 : i32
    %dma_start3A_63 = arith.constant 0 : i32
    %dma_start3A_64 = tpu.memref_slice %arg13[%dma_start3A_62, %dma_start3A_63] : memref<10008x128xf32, #tpu.memory_space<vmem_shared>> -> memref<10008x128xf32, #tpu.memory_space<vmem_shared>>
    tpu.enqueue_indirect_dma source(%arg10 : memref<128x128xf32, #tpu.memory_space<vmem>>) target(%dma_start3A_64 : memref<10008x128xf32, #tpu.memory_space<vmem_shared>>) offsets(%dma_start3A_61 : memref<128xi32, #tpu.memory_space<vmem>>) semaphore(%arg17 : memref<!tpu.dma_semaphore, #tpu.memory_space<semaphore_mem>>) {add = true}
    %dma_wait3A_65 = arith.constant 256 : i32
    %dma_wait3A_66 = tpu.memref_slice %arg9[%dma_wait3A_65] : memref<384xi32, #tpu.memory_space<vmem>> -> memref<128xi32, #tpu.memory_space<vmem>>
    %dma_wait3A_67 = arith.constant 0 : i32
    %dma_wait3A_68 = arith.constant 0 : i32
    %dma_wait3A_69 = tpu.memref_slice %arg13[%dma_wait3A_67, %dma_wait3A_68] : memref<10008x128xf32, #tpu.memory_space<vmem_shared>> -> memref<10008x128xf32, #tpu.memory_space<vmem_shared>>
    tpu.wait_indirect_dma semaphore(%arg19 : memref<!tpu.dma_semaphore, #tpu.memory_space<semaphore_mem>>) src(%arg12 : memref<128x128xf32, #tpu.memory_space<vmem>>) dst(%dma_wait3A_69 : memref<10008x128xf32, #tpu.memory_space<vmem_shared>>)
    %dma_wait3A_70 = arith.constant 0 : i32
    %dma_wait3A_71 = tpu.memref_slice %arg7[%dma_wait3A_70] : memref<384xi32, #tpu.memory_space<vmem>> -> memref<128xi32, #tpu.memory_space<vmem>>
    %dma_wait3A_72 = arith.constant 0 : i32
    %dma_wait3A_73 = arith.constant 0 : i32
    %dma_wait3A_74 = tpu.memref_slice %arg13[%dma_wait3A_72, %dma_wait3A_73] : memref<10008x128xf32, #tpu.memory_space<vmem_shared>> -> memref<10008x128xf32, #tpu.memory_space<vmem_shared>>
    tpu.wait_indirect_dma semaphore(%arg17 : memref<!tpu.dma_semaphore, #tpu.memory_space<semaphore_mem>>) src(%arg10 : memref<128x128xf32, #tpu.memory_space<vmem>>) dst(%dma_wait3A_74 : memref<10008x128xf32, #tpu.memory_space<vmem_shared>>)
    %barrier3A_75 = arith.constant 0 : index
    tpu.barrier barrier_id(%barrier3A_75)
    %lt3A_76 = arith.constant 10 : i32
    %lt3A_77 = arith.cmpi slt, %arg1, %lt3A_76 : i32
    %convert_element_type3A_78 = arith.extui %lt3A_77 : i1 to i32
    %cond3A_79 = arith.constant 0 : i32
    %cond3A_80 = arith.cmpi ne, %convert_element_type3A_78, %cond3A_79 : i32
    scf.if %cond3A_80 {
      %mul3A_81 = arith.constant 1000 : i32
      %mul3A_82 = arith.muli %arg1, %mul3A_81 : i32
      %add3A_83 = arith.constant 0 : i32
      %add3A_84 = arith.addi %mul3A_82, %add3A_83 : i32
      "tpu.region"() ({
        %run_scoped3A = tpu.sem_alloc : memref<!tpu.dma_semaphore, #tpu.memory_space<semaphore_mem>>
        %dma_start3A_295 = arith.constant 0 : i32
        %dma_start3A_296 = arith.constant 0 : i32
        %dma_start3A_297 = tpu.memref_slice %arg10[%dma_start3A_295, %dma_start3A_296] : memref<128x128xf32, #tpu.memory_space<vmem>> -> memref<128x128xf32, #tpu.memory_space<vmem>>
        %dma_start3A_298 = arith.constant 0 : i32
        %dma_start3A_299 = tpu.memref_slice %arg13[%add3A_84, %dma_start3A_298] : memref<10008x128xf32, #tpu.memory_space<vmem_shared>> -> memref<128x128xf32, #tpu.memory_space<vmem_shared>>
        %dma_start3A_300 = arith.constant 0 : i32
        %dma_start3A_301 = arith.constant 0 : i32
        %dma_start3A_302 = tpu.memref_slice %arg10[%dma_start3A_300, %dma_start3A_301] : memref<128x128xf32, #tpu.memory_space<vmem>> -> memref<128x128xf32, #tpu.memory_space<vmem>>
        %dma_start3A_303 = arith.constant 0 : i32
        %dma_start3A_304 = tpu.memref_slice %arg13[%add3A_84, %dma_start3A_303] : memref<10008x128xf32, #tpu.memory_space<vmem_shared>> -> memref<128x128xf32, #tpu.memory_space<vmem_shared>>
        tpu.enqueue_dma source(%dma_start3A_304 : memref<128x128xf32, #tpu.memory_space<vmem_shared>>) target(%dma_start3A_302 : memref<128x128xf32, #tpu.memory_space<vmem>>) target_semaphore(%run_scoped3A : memref<!tpu.dma_semaphore, #tpu.memory_space<semaphore_mem>>)
        %dma_wait3A_305 = arith.constant 0 : i32
        %dma_wait3A_306 = arith.constant 0 : i32
        %dma_wait3A_307 = tpu.memref_slice %arg10[%dma_wait3A_305, %dma_wait3A_306] : memref<128x128xf32, #tpu.memory_space<vmem>> -> memref<128x128xf32, #tpu.memory_space<vmem>>
        %dma_wait3A_308 = arith.constant 0 : i32
        %dma_wait3A_309 = tpu.memref_slice %arg13[%add3A_84, %dma_wait3A_308] : memref<10008x128xf32, #tpu.memory_space<vmem_shared>> -> memref<128x128xf32, #tpu.memory_space<vmem_shared>>
        %dma_wait3A_310 = arith.constant 0 : i32
        %dma_wait3A_311 = arith.constant 0 : i32
        %dma_wait3A_312 = tpu.memref_slice %arg10[%dma_wait3A_310, %dma_wait3A_311] : memref<128x128xf32, #tpu.memory_space<vmem>> -> memref<128x128xf32, #tpu.memory_space<vmem>>
        %dma_wait3A_313 = arith.constant 0 : i32
        %dma_wait3A_314 = tpu.memref_slice %arg13[%add3A_84, %dma_wait3A_313] : memref<10008x128xf32, #tpu.memory_space<vmem_shared>> -> memref<128x128xf32, #tpu.memory_space<vmem_shared>>
        tpu.wait_dma2 semaphore(%run_scoped3A : memref<!tpu.dma_semaphore, #tpu.memory_space<semaphore_mem>>) src(%dma_wait3A_314 : memref<128x128xf32, #tpu.memory_space<vmem_shared>>) dst(%dma_wait3A_312 : memref<128x128xf32, #tpu.memory_space<vmem>>)
        tpu.yield
      }) : () -> ()
      %dma_start3A_85 = arith.constant 0 : i32
      %dma_start3A_86 = arith.constant 0 : i32
      %dma_start3A_87 = tpu.memref_slice %arg10[%dma_start3A_85, %dma_start3A_86] : memref<128x128xf32, #tpu.memory_space<vmem>> -> memref<128x128xf32, #tpu.memory_space<vmem>>
      %dma_start3A_88 = arith.constant 0 : i32
      %dma_start3A_89 = tpu.memref_slice %arg5[%arg0, %add3A_84, %dma_start3A_88] : memref<2x10000x128xf32, #tpu.memory_space<hbm>> -> memref<1x128x128xf32, #tpu.memory_space<hbm>>
      %dma_start3A_90 = tpu.memref_squeeze %dma_start3A_89 : memref<1x128x128xf32, #tpu.memory_space<hbm>> -> memref<128x128xf32, #tpu.memory_space<hbm>>
      %dma_start3A_91 = arith.constant 0 : i32
      %dma_start3A_92 = tpu.memref_slice %arg5[%arg0, %add3A_84, %dma_start3A_91] : memref<2x10000x128xf32, #tpu.memory_space<hbm>> -> memref<1x128x128xf32, #tpu.memory_space<hbm>>
      %dma_start3A_93 = tpu.memref_squeeze %dma_start3A_92 : memref<1x128x128xf32, #tpu.memory_space<hbm>> -> memref<128x128xf32, #tpu.memory_space<hbm>>
      %dma_start3A_94 = arith.constant 0 : i32
      %dma_start3A_95 = arith.constant 0 : i32
      %dma_start3A_96 = tpu.memref_slice %arg10[%dma_start3A_94, %dma_start3A_95] : memref<128x128xf32, #tpu.memory_space<vmem>> -> memref<128x128xf32, #tpu.memory_space<vmem>>
      tpu.enqueue_dma source(%dma_start3A_96 : memref<128x128xf32, #tpu.memory_space<vmem>>) target(%dma_start3A_93 : memref<128x128xf32, #tpu.memory_space<hbm>>) target_semaphore(%arg14 : memref<!tpu.dma_semaphore, #tpu.memory_space<semaphore_mem>>)
      %mul3A_97 = arith.constant 1000 : i32
      %mul3A_98 = arith.muli %arg1, %mul3A_97 : i32
      %add3A_99 = arith.constant 128 : i32
      %add3A_100 = arith.addi %mul3A_98, %add3A_99 : i32
      "tpu.region"() ({
        %run_scoped3A = tpu.sem_alloc : memref<!tpu.dma_semaphore, #tpu.memory_space<semaphore_mem>>
        %dma_start3A_295 = arith.constant 0 : i32
        %dma_start3A_296 = arith.constant 0 : i32
        %dma_start3A_297 = tpu.memref_slice %arg11[%dma_start3A_295, %dma_start3A_296] : memref<128x128xf32, #tpu.memory_space<vmem>> -> memref<128x128xf32, #tpu.memory_space<vmem>>
        %dma_start3A_298 = arith.constant 0 : i32
        %dma_start3A_299 = tpu.memref_slice %arg13[%add3A_100, %dma_start3A_298] : memref<10008x128xf32, #tpu.memory_space<vmem_shared>> -> memref<128x128xf32, #tpu.memory_space<vmem_shared>>
        %dma_start3A_300 = arith.constant 0 : i32
        %dma_start3A_301 = arith.constant 0 : i32
        %dma_start3A_302 = tpu.memref_slice %arg11[%dma_start3A_300, %dma_start3A_301] : memref<128x128xf32, #tpu.memory_space<vmem>> -> memref<128x128xf32, #tpu.memory_space<vmem>>
        %dma_start3A_303 = arith.constant 0 : i32
        %dma_start3A_304 = tpu.memref_slice %arg13[%add3A_100, %dma_start3A_303] : memref<10008x128xf32, #tpu.memory_space<vmem_shared>> -> memref<128x128xf32, #tpu.memory_space<vmem_shared>>
        tpu.enqueue_dma source(%dma_start3A_304 : memref<128x128xf32, #tpu.memory_space<vmem_shared>>) target(%dma_start3A_302 : memref<128x128xf32, #tpu.memory_space<vmem>>) target_semaphore(%run_scoped3A : memref<!tpu.dma_semaphore, #tpu.memory_space<semaphore_mem>>)
        %dma_wait3A_305 = arith.constant 0 : i32
        %dma_wait3A_306 = arith.constant 0 : i32
        %dma_wait3A_307 = tpu.memref_slice %arg11[%dma_wait3A_305, %dma_wait3A_306] : memref<128x128xf32, #tpu.memory_space<vmem>> -> memref<128x128xf32, #tpu.memory_space<vmem>>
        %dma_wait3A_308 = arith.constant 0 : i32
        %dma_wait3A_309 = tpu.memref_slice %arg13[%add3A_100, %dma_wait3A_308] : memref<10008x128xf32, #tpu.memory_space<vmem_shared>> -> memref<128x128xf32, #tpu.memory_space<vmem_shared>>
        %dma_wait3A_310 = arith.constant 0 : i32
        %dma_wait3A_311 = arith.constant 0 : i32
        %dma_wait3A_312 = tpu.memref_slice %arg11[%dma_wait3A_310, %dma_wait3A_311] : memref<128x128xf32, #tpu.memory_space<vmem>> -> memref<128x128xf32, #tpu.memory_space<vmem>>
        %dma_wait3A_313 = arith.constant 0 : i32
        %dma_wait3A_314 = tpu.memref_slice %arg13[%add3A_100, %dma_wait3A_313] : memref<10008x128xf32, #tpu.memory_space<vmem_shared>> -> memref<128x128xf32, #tpu.memory_space<vmem_shared>>
        tpu.wait_dma2 semaphore(%run_scoped3A : memref<!tpu.dma_semaphore, #tpu.memory_space<semaphore_mem>>) src(%dma_wait3A_314 : memref<128x128xf32, #tpu.memory_space<vmem_shared>>) dst(%dma_wait3A_312 : memref<128x128xf32, #tpu.memory_space<vmem>>)
        tpu.yield
      }) : () -> ()
      %dma_start3A_101 = arith.constant 0 : i32
      %dma_start3A_102 = arith.constant 0 : i32
      %dma_start3A_103 = tpu.memref_slice %arg11[%dma_start3A_101, %dma_start3A_102] : memref<128x128xf32, #tpu.memory_space<vmem>> -> memref<128x128xf32, #tpu.memory_space<vmem>>
      %dma_start3A_104 = arith.constant 0 : i32
      %dma_start3A_105 = tpu.memref_slice %arg5[%arg0, %add3A_100, %dma_start3A_104] : memref<2x10000x128xf32, #tpu.memory_space<hbm>> -> memref<1x128x128xf32, #tpu.memory_space<hbm>>
      %dma_start3A_106 = tpu.memref_squeeze %dma_start3A_105 : memref<1x128x128xf32, #tpu.memory_space<hbm>> -> memref<128x128xf32, #tpu.memory_space<hbm>>
      %dma_start3A_107 = arith.constant 0 : i32
      %dma_start3A_108 = tpu.memref_slice %arg5[%arg0, %add3A_100, %dma_start3A_107] : memref<2x10000x128xf32, #tpu.memory_space<hbm>> -> memref<1x128x128xf32, #tpu.memory_space<hbm>>
      %dma_start3A_109 = tpu.memref_squeeze %dma_start3A_108 : memref<1x128x128xf32, #tpu.memory_space<hbm>> -> memref<128x128xf32, #tpu.memory_space<hbm>>
      %dma_start3A_110 = arith.constant 0 : i32
      %dma_start3A_111 = arith.constant 0 : i32
      %dma_start3A_112 = tpu.memref_slice %arg11[%dma_start3A_110, %dma_start3A_111] : memref<128x128xf32, #tpu.memory_space<vmem>> -> memref<128x128xf32, #tpu.memory_space<vmem>>
      tpu.enqueue_dma source(%dma_start3A_112 : memref<128x128xf32, #tpu.memory_space<vmem>>) target(%dma_start3A_109 : memref<128x128xf32, #tpu.memory_space<hbm>>) target_semaphore(%arg15 : memref<!tpu.dma_semaphore, #tpu.memory_space<semaphore_mem>>)
      %mul3A_113 = arith.constant 1000 : i32
      %mul3A_114 = arith.muli %arg1, %mul3A_113 : i32
      %add3A_115 = arith.constant 256 : i32
      %add3A_116 = arith.addi %mul3A_114, %add3A_115 : i32
      %mul3A_117 = arith.constant 1000 : i32
      %mul3A_118 = arith.muli %arg1, %mul3A_117 : i32
      %add3A_119 = arith.constant 0 : i32
      %add3A_120 = arith.addi %mul3A_118, %add3A_119 : i32
      %dma_wait3A_121 = arith.constant 0 : i32
      %dma_wait3A_122 = tpu.memref_slice %arg5[%arg0, %add3A_120, %dma_wait3A_121] : memref<2x10000x128xf32, #tpu.memory_space<hbm>> -> memref<1x128x128xf32, #tpu.memory_space<hbm>>
      %dma_wait3A_123 = tpu.memref_squeeze %dma_wait3A_122 : memref<1x128x128xf32, #tpu.memory_space<hbm>> -> memref<128x128xf32, #tpu.memory_space<hbm>>
      %dma_wait3A_124 = arith.constant 0 : i32
      %dma_wait3A_125 = tpu.memref_slice %arg5[%arg0, %add3A_120, %dma_wait3A_124] : memref<2x10000x128xf32, #tpu.memory_space<hbm>> -> memref<1x128x128xf32, #tpu.memory_space<hbm>>
      %dma_wait3A_126 = tpu.memref_squeeze %dma_wait3A_125 : memref<1x128x128xf32, #tpu.memory_space<hbm>> -> memref<128x128xf32, #tpu.memory_space<hbm>>
      tpu.wait_dma2 semaphore(%arg14 : memref<!tpu.dma_semaphore, #tpu.memory_space<semaphore_mem>>) src(%arg10 : memref<128x128xf32, #tpu.memory_space<vmem>>) dst(%dma_wait3A_126 : memref<128x128xf32, #tpu.memory_space<hbm>>)
      "tpu.region"() ({
        %run_scoped3A = tpu.sem_alloc : memref<!tpu.dma_semaphore, #tpu.memory_space<semaphore_mem>>
        %dma_start3A_295 = arith.constant 0 : i32
        %dma_start3A_296 = arith.constant 0 : i32
        %dma_start3A_297 = tpu.memref_slice %arg10[%dma_start3A_295, %dma_start3A_296] : memref<128x128xf32, #tpu.memory_space<vmem>> -> memref<128x128xf32, #tpu.memory_space<vmem>>
        %dma_start3A_298 = arith.constant 0 : i32
        %dma_start3A_299 = tpu.memref_slice %arg13[%add3A_116, %dma_start3A_298] : memref<10008x128xf32, #tpu.memory_space<vmem_shared>> -> memref<128x128xf32, #tpu.memory_space<vmem_shared>>
        %dma_start3A_300 = arith.constant 0 : i32
        %dma_start3A_301 = arith.constant 0 : i32
        %dma_start3A_302 = tpu.memref_slice %arg10[%dma_start3A_300, %dma_start3A_301] : memref<128x128xf32, #tpu.memory_space<vmem>> -> memref<128x128xf32, #tpu.memory_space<vmem>>
        %dma_start3A_303 = arith.constant 0 : i32
        %dma_start3A_304 = tpu.memref_slice %arg13[%add3A_116, %dma_start3A_303] : memref<10008x128xf32, #tpu.memory_space<vmem_shared>> -> memref<128x128xf32, #tpu.memory_space<vmem_shared>>
        tpu.enqueue_dma source(%dma_start3A_304 : memref<128x128xf32, #tpu.memory_space<vmem_shared>>) target(%dma_start3A_302 : memref<128x128xf32, #tpu.memory_space<vmem>>) target_semaphore(%run_scoped3A : memref<!tpu.dma_semaphore, #tpu.memory_space<semaphore_mem>>)
        %dma_wait3A_305 = arith.constant 0 : i32
        %dma_wait3A_306 = arith.constant 0 : i32
        %dma_wait3A_307 = tpu.memref_slice %arg10[%dma_wait3A_305, %dma_wait3A_306] : memref<128x128xf32, #tpu.memory_space<vmem>> -> memref<128x128xf32, #tpu.memory_space<vmem>>
        %dma_wait3A_308 = arith.constant 0 : i32
        %dma_wait3A_309 = tpu.memref_slice %arg13[%add3A_116, %dma_wait3A_308] : memref<10008x128xf32, #tpu.memory_space<vmem_shared>> -> memref<128x128xf32, #tpu.memory_space<vmem_shared>>
        %dma_wait3A_310 = arith.constant 0 : i32
        %dma_wait3A_311 = arith.constant 0 : i32
        %dma_wait3A_312 = tpu.memref_slice %arg10[%dma_wait3A_310, %dma_wait3A_311] : memref<128x128xf32, #tpu.memory_space<vmem>> -> memref<128x128xf32, #tpu.memory_space<vmem>>
        %dma_wait3A_313 = arith.constant 0 : i32
        %dma_wait3A_314 = tpu.memref_slice %arg13[%add3A_116, %dma_wait3A_313] : memref<10008x128xf32, #tpu.memory_space<vmem_shared>> -> memref<128x128xf32, #tpu.memory_space<vmem_shared>>
        tpu.wait_dma2 semaphore(%run_scoped3A : memref<!tpu.dma_semaphore, #tpu.memory_space<semaphore_mem>>) src(%dma_wait3A_314 : memref<128x128xf32, #tpu.memory_space<vmem_shared>>) dst(%dma_wait3A_312 : memref<128x128xf32, #tpu.memory_space<vmem>>)
        tpu.yield
      }) : () -> ()
      %dma_start3A_127 = arith.constant 0 : i32
      %dma_start3A_128 = arith.constant 0 : i32
      %dma_start3A_129 = tpu.memref_slice %arg10[%dma_start3A_127, %dma_start3A_128] : memref<128x128xf32, #tpu.memory_space<vmem>> -> memref<128x128xf32, #tpu.memory_space<vmem>>
      %dma_start3A_130 = arith.constant 0 : i32
      %dma_start3A_131 = tpu.memref_slice %arg5[%arg0, %add3A_116, %dma_start3A_130] : memref<2x10000x128xf32, #tpu.memory_space<hbm>> -> memref<1x128x128xf32, #tpu.memory_space<hbm>>
      %dma_start3A_132 = tpu.memref_squeeze %dma_start3A_131 : memref<1x128x128xf32, #tpu.memory_space<hbm>> -> memref<128x128xf32, #tpu.memory_space<hbm>>
      %dma_start3A_133 = arith.constant 0 : i32
      %dma_start3A_134 = tpu.memref_slice %arg5[%arg0, %add3A_116, %dma_start3A_133] : memref<2x10000x128xf32, #tpu.memory_space<hbm>> -> memref<1x128x128xf32, #tpu.memory_space<hbm>>
      %dma_start3A_135 = tpu.memref_squeeze %dma_start3A_134 : memref<1x128x128xf32, #tpu.memory_space<hbm>> -> memref<128x128xf32, #tpu.memory_space<hbm>>
      %dma_start3A_136 = arith.constant 0 : i32
      %dma_start3A_137 = arith.constant 0 : i32
      %dma_start3A_138 = tpu.memref_slice %arg10[%dma_start3A_136, %dma_start3A_137] : memref<128x128xf32, #tpu.memory_space<vmem>> -> memref<128x128xf32, #tpu.memory_space<vmem>>
      tpu.enqueue_dma source(%dma_start3A_138 : memref<128x128xf32, #tpu.memory_space<vmem>>) target(%dma_start3A_135 : memref<128x128xf32, #tpu.memory_space<hbm>>) target_semaphore(%arg14 : memref<!tpu.dma_semaphore, #tpu.memory_space<semaphore_mem>>)
      %mul3A_139 = arith.constant 1000 : i32
      %mul3A_140 = arith.muli %arg1, %mul3A_139 : i32
      %add3A_141 = arith.constant 384 : i32
      %add3A_142 = arith.addi %mul3A_140, %add3A_141 : i32
      %mul3A_143 = arith.constant 1000 : i32
      %mul3A_144 = arith.muli %arg1, %mul3A_143 : i32
      %add3A_145 = arith.constant 128 : i32
      %add3A_146 = arith.addi %mul3A_144, %add3A_145 : i32
      %dma_wait3A_147 = arith.constant 0 : i32
      %dma_wait3A_148 = tpu.memref_slice %arg5[%arg0, %add3A_146, %dma_wait3A_147] : memref<2x10000x128xf32, #tpu.memory_space<hbm>> -> memref<1x128x128xf32, #tpu.memory_space<hbm>>
      %dma_wait3A_149 = tpu.memref_squeeze %dma_wait3A_148 : memref<1x128x128xf32, #tpu.memory_space<hbm>> -> memref<128x128xf32, #tpu.memory_space<hbm>>
      %dma_wait3A_150 = arith.constant 0 : i32
      %dma_wait3A_151 = tpu.memref_slice %arg5[%arg0, %add3A_146, %dma_wait3A_150] : memref<2x10000x128xf32, #tpu.memory_space<hbm>> -> memref<1x128x128xf32, #tpu.memory_space<hbm>>
      %dma_wait3A_152 = tpu.memref_squeeze %dma_wait3A_151 : memref<1x128x128xf32, #tpu.memory_space<hbm>> -> memref<128x128xf32, #tpu.memory_space<hbm>>
      tpu.wait_dma2 semaphore(%arg15 : memref<!tpu.dma_semaphore, #tpu.memory_space<semaphore_mem>>) src(%arg11 : memref<128x128xf32, #tpu.memory_space<vmem>>) dst(%dma_wait3A_152 : memref<128x128xf32, #tpu.memory_space<hbm>>)
      "tpu.region"() ({
        %run_scoped3A = tpu.sem_alloc : memref<!tpu.dma_semaphore, #tpu.memory_space<semaphore_mem>>
        %dma_start3A_295 = arith.constant 0 : i32
        %dma_start3A_296 = arith.constant 0 : i32
        %dma_start3A_297 = tpu.memref_slice %arg11[%dma_start3A_295, %dma_start3A_296] : memref<128x128xf32, #tpu.memory_space<vmem>> -> memref<128x128xf32, #tpu.memory_space<vmem>>
        %dma_start3A_298 = arith.constant 0 : i32
        %dma_start3A_299 = tpu.memref_slice %arg13[%add3A_142, %dma_start3A_298] : memref<10008x128xf32, #tpu.memory_space<vmem_shared>> -> memref<128x128xf32, #tpu.memory_space<vmem_shared>>
        %dma_start3A_300 = arith.constant 0 : i32
        %dma_start3A_301 = arith.constant 0 : i32
        %dma_start3A_302 = tpu.memref_slice %arg11[%dma_start3A_300, %dma_start3A_301] : memref<128x128xf32, #tpu.memory_space<vmem>> -> memref<128x128xf32, #tpu.memory_space<vmem>>
        %dma_start3A_303 = arith.constant 0 : i32
        %dma_start3A_304 = tpu.memref_slice %arg13[%add3A_142, %dma_start3A_303] : memref<10008x128xf32, #tpu.memory_space<vmem_shared>> -> memref<128x128xf32, #tpu.memory_space<vmem_shared>>
        tpu.enqueue_dma source(%dma_start3A_304 : memref<128x128xf32, #tpu.memory_space<vmem_shared>>) target(%dma_start3A_302 : memref<128x128xf32, #tpu.memory_space<vmem>>) target_semaphore(%run_scoped3A : memref<!tpu.dma_semaphore, #tpu.memory_space<semaphore_mem>>)
        %dma_wait3A_305 = arith.constant 0 : i32
        %dma_wait3A_306 = arith.constant 0 : i32
        %dma_wait3A_307 = tpu.memref_slice %arg11[%dma_wait3A_305, %dma_wait3A_306] : memref<128x128xf32, #tpu.memory_space<vmem>> -> memref<128x128xf32, #tpu.memory_space<vmem>>
        %dma_wait3A_308 = arith.constant 0 : i32
        %dma_wait3A_309 = tpu.memref_slice %arg13[%add3A_142, %dma_wait3A_308] : memref<10008x128xf32, #tpu.memory_space<vmem_shared>> -> memref<128x128xf32, #tpu.memory_space<vmem_shared>>
        %dma_wait3A_310 = arith.constant 0 : i32
        %dma_wait3A_311 = arith.constant 0 : i32
        %dma_wait3A_312 = tpu.memref_slice %arg11[%dma_wait3A_310, %dma_wait3A_311] : memref<128x128xf32, #tpu.memory_space<vmem>> -> memref<128x128xf32, #tpu.memory_space<vmem>>
        %dma_wait3A_313 = arith.constant 0 : i32
        %dma_wait3A_314 = tpu.memref_slice %arg13[%add3A_142, %dma_wait3A_313] : memref<10008x128xf32, #tpu.memory_space<vmem_shared>> -> memref<128x128xf32, #tpu.memory_space<vmem_shared>>
        tpu.wait_dma2 semaphore(%run_scoped3A : memref<!tpu.dma_semaphore, #tpu.memory_space<semaphore_mem>>) src(%dma_wait3A_314 : memref<128x128xf32, #tpu.memory_space<vmem_shared>>) dst(%dma_wait3A_312 : memref<128x128xf32, #tpu.memory_space<vmem>>)
        tpu.yield
      }) : () -> ()
      %dma_start3A_153 = arith.constant 0 : i32
      %dma_start3A_154 = arith.constant 0 : i32
      %dma_start3A_155 = tpu.memref_slice %arg11[%dma_start3A_153, %dma_start3A_154] : memref<128x128xf32, #tpu.memory_space<vmem>> -> memref<128x128xf32, #tpu.memory_space<vmem>>
      %dma_start3A_156 = arith.constant 0 : i32
      %dma_start3A_157 = tpu.memref_slice %arg5[%arg0, %add3A_142, %dma_start3A_156] : memref<2x10000x128xf32, #tpu.memory_space<hbm>> -> memref<1x128x128xf32, #tpu.memory_space<hbm>>
      %dma_start3A_158 = tpu.memref_squeeze %dma_start3A_157 : memref<1x128x128xf32, #tpu.memory_space<hbm>> -> memref<128x128xf32, #tpu.memory_space<hbm>>
      %dma_start3A_159 = arith.constant 0 : i32
      %dma_start3A_160 = tpu.memref_slice %arg5[%arg0, %add3A_142, %dma_start3A_159] : memref<2x10000x128xf32, #tpu.memory_space<hbm>> -> memref<1x128x128xf32, #tpu.memory_space<hbm>>
      %dma_start3A_161 = tpu.memref_squeeze %dma_start3A_160 : memref<1x128x128xf32, #tpu.memory_space<hbm>> -> memref<128x128xf32, #tpu.memory_space<hbm>>
      %dma_start3A_162 = arith.constant 0 : i32
      %dma_start3A_163 = arith.constant 0 : i32
      %dma_start3A_164 = tpu.memref_slice %arg11[%dma_start3A_162, %dma_start3A_163] : memref<128x128xf32, #tpu.memory_space<vmem>> -> memref<128x128xf32, #tpu.memory_space<vmem>>
      tpu.enqueue_dma source(%dma_start3A_164 : memref<128x128xf32, #tpu.memory_space<vmem>>) target(%dma_start3A_161 : memref<128x128xf32, #tpu.memory_space<hbm>>) target_semaphore(%arg15 : memref<!tpu.dma_semaphore, #tpu.memory_space<semaphore_mem>>)
      %mul3A_165 = arith.constant 1000 : i32
      %mul3A_166 = arith.muli %arg1, %mul3A_165 : i32
      %add3A_167 = arith.constant 512 : i32
      %add3A_168 = arith.addi %mul3A_166, %add3A_167 : i32
      %mul3A_169 = arith.constant 1000 : i32
      %mul3A_170 = arith.muli %arg1, %mul3A_169 : i32
      %add3A_171 = arith.constant 256 : i32
      %add3A_172 = arith.addi %mul3A_170, %add3A_171 : i32
      %dma_wait3A_173 = arith.constant 0 : i32
      %dma_wait3A_174 = tpu.memref_slice %arg5[%arg0, %add3A_172, %dma_wait3A_173] : memref<2x10000x128xf32, #tpu.memory_space<hbm>> -> memref<1x128x128xf32, #tpu.memory_space<hbm>>
      %dma_wait3A_175 = tpu.memref_squeeze %dma_wait3A_174 : memref<1x128x128xf32, #tpu.memory_space<hbm>> -> memref<128x128xf32, #tpu.memory_space<hbm>>
      %dma_wait3A_176 = arith.constant 0 : i32
      %dma_wait3A_177 = tpu.memref_slice %arg5[%arg0, %add3A_172, %dma_wait3A_176] : memref<2x10000x128xf32, #tpu.memory_space<hbm>> -> memref<1x128x128xf32, #tpu.memory_space<hbm>>
      %dma_wait3A_178 = tpu.memref_squeeze %dma_wait3A_177 : memref<1x128x128xf32, #tpu.memory_space<hbm>> -> memref<128x128xf32, #tpu.memory_space<hbm>>
      tpu.wait_dma2 semaphore(%arg14 : memref<!tpu.dma_semaphore, #tpu.memory_space<semaphore_mem>>) src(%arg10 : memref<128x128xf32, #tpu.memory_space<vmem>>) dst(%dma_wait3A_178 : memref<128x128xf32, #tpu.memory_space<hbm>>)
      "tpu.region"() ({
        %run_scoped3A = tpu.sem_alloc : memref<!tpu.dma_semaphore, #tpu.memory_space<semaphore_mem>>
        %dma_start3A_295 = arith.constant 0 : i32
        %dma_start3A_296 = arith.constant 0 : i32
        %dma_start3A_297 = tpu.memref_slice %arg10[%dma_start3A_295, %dma_start3A_296] : memref<128x128xf32, #tpu.memory_space<vmem>> -> memref<128x128xf32, #tpu.memory_space<vmem>>
        %dma_start3A_298 = arith.constant 0 : i32
        %dma_start3A_299 = tpu.memref_slice %arg13[%add3A_168, %dma_start3A_298] : memref<10008x128xf32, #tpu.memory_space<vmem_shared>> -> memref<128x128xf32, #tpu.memory_space<vmem_shared>>
        %dma_start3A_300 = arith.constant 0 : i32
        %dma_start3A_301 = arith.constant 0 : i32
        %dma_start3A_302 = tpu.memref_slice %arg10[%dma_start3A_300, %dma_start3A_301] : memref<128x128xf32, #tpu.memory_space<vmem>> -> memref<128x128xf32, #tpu.memory_space<vmem>>
        %dma_start3A_303 = arith.constant 0 : i32
        %dma_start3A_304 = tpu.memref_slice %arg13[%add3A_168, %dma_start3A_303] : memref<10008x128xf32, #tpu.memory_space<vmem_shared>> -> memref<128x128xf32, #tpu.memory_space<vmem_shared>>
        tpu.enqueue_dma source(%dma_start3A_304 : memref<128x128xf32, #tpu.memory_space<vmem_shared>>) target(%dma_start3A_302 : memref<128x128xf32, #tpu.memory_space<vmem>>) target_semaphore(%run_scoped3A : memref<!tpu.dma_semaphore, #tpu.memory_space<semaphore_mem>>)
        %dma_wait3A_305 = arith.constant 0 : i32
        %dma_wait3A_306 = arith.constant 0 : i32
        %dma_wait3A_307 = tpu.memref_slice %arg10[%dma_wait3A_305, %dma_wait3A_306] : memref<128x128xf32, #tpu.memory_space<vmem>> -> memref<128x128xf32, #tpu.memory_space<vmem>>
        %dma_wait3A_308 = arith.constant 0 : i32
        %dma_wait3A_309 = tpu.memref_slice %arg13[%add3A_168, %dma_wait3A_308] : memref<10008x128xf32, #tpu.memory_space<vmem_shared>> -> memref<128x128xf32, #tpu.memory_space<vmem_shared>>
        %dma_wait3A_310 = arith.constant 0 : i32
        %dma_wait3A_311 = arith.constant 0 : i32
        %dma_wait3A_312 = tpu.memref_slice %arg10[%dma_wait3A_310, %dma_wait3A_311] : memref<128x128xf32, #tpu.memory_space<vmem>> -> memref<128x128xf32, #tpu.memory_space<vmem>>
        %dma_wait3A_313 = arith.constant 0 : i32
        %dma_wait3A_314 = tpu.memref_slice %arg13[%add3A_168, %dma_wait3A_313] : memref<10008x128xf32, #tpu.memory_space<vmem_shared>> -> memref<128x128xf32, #tpu.memory_space<vmem_shared>>
        tpu.wait_dma2 semaphore(%run_scoped3A : memref<!tpu.dma_semaphore, #tpu.memory_space<semaphore_mem>>) src(%dma_wait3A_314 : memref<128x128xf32, #tpu.memory_space<vmem_shared>>) dst(%dma_wait3A_312 : memref<128x128xf32, #tpu.memory_space<vmem>>)
        tpu.yield
      }) : () -> ()
      %dma_start3A_179 = arith.constant 0 : i32
      %dma_start3A_180 = arith.constant 0 : i32
      %dma_start3A_181 = tpu.memref_slice %arg10[%dma_start3A_179, %dma_start3A_180] : memref<128x128xf32, #tpu.memory_space<vmem>> -> memref<128x128xf32, #tpu.memory_space<vmem>>
      %dma_start3A_182 = arith.constant 0 : i32
      %dma_start3A_183 = tpu.memref_slice %arg5[%arg0, %add3A_168, %dma_start3A_182] : memref<2x10000x128xf32, #tpu.memory_space<hbm>> -> memref<1x128x128xf32, #tpu.memory_space<hbm>>
      %dma_start3A_184 = tpu.memref_squeeze %dma_start3A_183 : memref<1x128x128xf32, #tpu.memory_space<hbm>> -> memref<128x128xf32, #tpu.memory_space<hbm>>
      %dma_start3A_185 = arith.constant 0 : i32
      %dma_start3A_186 = tpu.memref_slice %arg5[%arg0, %add3A_168, %dma_start3A_185] : memref<2x10000x128xf32, #tpu.memory_space<hbm>> -> memref<1x128x128xf32, #tpu.memory_space<hbm>>
      %dma_start3A_187 = tpu.memref_squeeze %dma_start3A_186 : memref<1x128x128xf32, #tpu.memory_space<hbm>> -> memref<128x128xf32, #tpu.memory_space<hbm>>
      %dma_start3A_188 = arith.constant 0 : i32
      %dma_start3A_189 = arith.constant 0 : i32
      %dma_start3A_190 = tpu.memref_slice %arg10[%dma_start3A_188, %dma_start3A_189] : memref<128x128xf32, #tpu.memory_space<vmem>> -> memref<128x128xf32, #tpu.memory_space<vmem>>
      tpu.enqueue_dma source(%dma_start3A_190 : memref<128x128xf32, #tpu.memory_space<vmem>>) target(%dma_start3A_187 : memref<128x128xf32, #tpu.memory_space<hbm>>) target_semaphore(%arg14 : memref<!tpu.dma_semaphore, #tpu.memory_space<semaphore_mem>>)
      %mul3A_191 = arith.constant 1000 : i32
      %mul3A_192 = arith.muli %arg1, %mul3A_191 : i32
      %add3A_193 = arith.constant 640 : i32
      %add3A_194 = arith.addi %mul3A_192, %add3A_193 : i32
      %mul3A_195 = arith.constant 1000 : i32
      %mul3A_196 = arith.muli %arg1, %mul3A_195 : i32
      %add3A_197 = arith.constant 384 : i32
      %add3A_198 = arith.addi %mul3A_196, %add3A_197 : i32
      %dma_wait3A_199 = arith.constant 0 : i32
      %dma_wait3A_200 = tpu.memref_slice %arg5[%arg0, %add3A_198, %dma_wait3A_199] : memref<2x10000x128xf32, #tpu.memory_space<hbm>> -> memref<1x128x128xf32, #tpu.memory_space<hbm>>
      %dma_wait3A_201 = tpu.memref_squeeze %dma_wait3A_200 : memref<1x128x128xf32, #tpu.memory_space<hbm>> -> memref<128x128xf32, #tpu.memory_space<hbm>>
      %dma_wait3A_202 = arith.constant 0 : i32
      %dma_wait3A_203 = tpu.memref_slice %arg5[%arg0, %add3A_198, %dma_wait3A_202] : memref<2x10000x128xf32, #tpu.memory_space<hbm>> -> memref<1x128x128xf32, #tpu.memory_space<hbm>>
      %dma_wait3A_204 = tpu.memref_squeeze %dma_wait3A_203 : memref<1x128x128xf32, #tpu.memory_space<hbm>> -> memref<128x128xf32, #tpu.memory_space<hbm>>
      tpu.wait_dma2 semaphore(%arg15 : memref<!tpu.dma_semaphore, #tpu.memory_space<semaphore_mem>>) src(%arg11 : memref<128x128xf32, #tpu.memory_space<vmem>>) dst(%dma_wait3A_204 : memref<128x128xf32, #tpu.memory_space<hbm>>)
      "tpu.region"() ({
        %run_scoped3A = tpu.sem_alloc : memref<!tpu.dma_semaphore, #tpu.memory_space<semaphore_mem>>
        %dma_start3A_295 = arith.constant 0 : i32
        %dma_start3A_296 = arith.constant 0 : i32
        %dma_start3A_297 = tpu.memref_slice %arg11[%dma_start3A_295, %dma_start3A_296] : memref<128x128xf32, #tpu.memory_space<vmem>> -> memref<128x128xf32, #tpu.memory_space<vmem>>
        %dma_start3A_298 = arith.constant 0 : i32
        %dma_start3A_299 = tpu.memref_slice %arg13[%add3A_194, %dma_start3A_298] : memref<10008x128xf32, #tpu.memory_space<vmem_shared>> -> memref<128x128xf32, #tpu.memory_space<vmem_shared>>
        %dma_start3A_300 = arith.constant 0 : i32
        %dma_start3A_301 = arith.constant 0 : i32
        %dma_start3A_302 = tpu.memref_slice %arg11[%dma_start3A_300, %dma_start3A_301] : memref<128x128xf32, #tpu.memory_space<vmem>> -> memref<128x128xf32, #tpu.memory_space<vmem>>
        %dma_start3A_303 = arith.constant 0 : i32
        %dma_start3A_304 = tpu.memref_slice %arg13[%add3A_194, %dma_start3A_303] : memref<10008x128xf32, #tpu.memory_space<vmem_shared>> -> memref<128x128xf32, #tpu.memory_space<vmem_shared>>
        tpu.enqueue_dma source(%dma_start3A_304 : memref<128x128xf32, #tpu.memory_space<vmem_shared>>) target(%dma_start3A_302 : memref<128x128xf32, #tpu.memory_space<vmem>>) target_semaphore(%run_scoped3A : memref<!tpu.dma_semaphore, #tpu.memory_space<semaphore_mem>>)
        %dma_wait3A_305 = arith.constant 0 : i32
        %dma_wait3A_306 = arith.constant 0 : i32
        %dma_wait3A_307 = tpu.memref_slice %arg11[%dma_wait3A_305, %dma_wait3A_306] : memref<128x128xf32, #tpu.memory_space<vmem>> -> memref<128x128xf32, #tpu.memory_space<vmem>>
        %dma_wait3A_308 = arith.constant 0 : i32
        %dma_wait3A_309 = tpu.memref_slice %arg13[%add3A_194, %dma_wait3A_308] : memref<10008x128xf32, #tpu.memory_space<vmem_shared>> -> memref<128x128xf32, #tpu.memory_space<vmem_shared>>
        %dma_wait3A_310 = arith.constant 0 : i32
        %dma_wait3A_311 = arith.constant 0 : i32
        %dma_wait3A_312 = tpu.memref_slice %arg11[%dma_wait3A_310, %dma_wait3A_311] : memref<128x128xf32, #tpu.memory_space<vmem>> -> memref<128x128xf32, #tpu.memory_space<vmem>>
        %dma_wait3A_313 = arith.constant 0 : i32
        %dma_wait3A_314 = tpu.memref_slice %arg13[%add3A_194, %dma_wait3A_313] : memref<10008x128xf32, #tpu.memory_space<vmem_shared>> -> memref<128x128xf32, #tpu.memory_space<vmem_shared>>
        tpu.wait_dma2 semaphore(%run_scoped3A : memref<!tpu.dma_semaphore, #tpu.memory_space<semaphore_mem>>) src(%dma_wait3A_314 : memref<128x128xf32, #tpu.memory_space<vmem_shared>>) dst(%dma_wait3A_312 : memref<128x128xf32, #tpu.memory_space<vmem>>)
        tpu.yield
      }) : () -> ()
      %dma_start3A_205 = arith.constant 0 : i32
      %dma_start3A_206 = arith.constant 0 : i32
      %dma_start3A_207 = tpu.memref_slice %arg11[%dma_start3A_205, %dma_start3A_206] : memref<128x128xf32, #tpu.memory_space<vmem>> -> memref<128x128xf32, #tpu.memory_space<vmem>>
      %dma_start3A_208 = arith.constant 0 : i32
      %dma_start3A_209 = tpu.memref_slice %arg5[%arg0, %add3A_194, %dma_start3A_208] : memref<2x10000x128xf32, #tpu.memory_space<hbm>> -> memref<1x128x128xf32, #tpu.memory_space<hbm>>
      %dma_start3A_210 = tpu.memref_squeeze %dma_start3A_209 : memref<1x128x128xf32, #tpu.memory_space<hbm>> -> memref<128x128xf32, #tpu.memory_space<hbm>>
      %dma_start3A_211 = arith.constant 0 : i32
      %dma_start3A_212 = tpu.memref_slice %arg5[%arg0, %add3A_194, %dma_start3A_211] : memref<2x10000x128xf32, #tpu.memory_space<hbm>> -> memref<1x128x128xf32, #tpu.memory_space<hbm>>
      %dma_start3A_213 = tpu.memref_squeeze %dma_start3A_212 : memref<1x128x128xf32, #tpu.memory_space<hbm>> -> memref<128x128xf32, #tpu.memory_space<hbm>>
      %dma_start3A_214 = arith.constant 0 : i32
      %dma_start3A_215 = arith.constant 0 : i32
      %dma_start3A_216 = tpu.memref_slice %arg11[%dma_start3A_214, %dma_start3A_215] : memref<128x128xf32, #tpu.memory_space<vmem>> -> memref<128x128xf32, #tpu.memory_space<vmem>>
      tpu.enqueue_dma source(%dma_start3A_216 : memref<128x128xf32, #tpu.memory_space<vmem>>) target(%dma_start3A_213 : memref<128x128xf32, #tpu.memory_space<hbm>>) target_semaphore(%arg15 : memref<!tpu.dma_semaphore, #tpu.memory_space<semaphore_mem>>)
      %mul3A_217 = arith.constant 1000 : i32
      %mul3A_218 = arith.muli %arg1, %mul3A_217 : i32
      %add3A_219 = arith.constant 768 : i32
      %add3A_220 = arith.addi %mul3A_218, %add3A_219 : i32
      %mul3A_221 = arith.constant 1000 : i32
      %mul3A_222 = arith.muli %arg1, %mul3A_221 : i32
      %add3A_223 = arith.constant 512 : i32
      %add3A_224 = arith.addi %mul3A_222, %add3A_223 : i32
      %dma_wait3A_225 = arith.constant 0 : i32
      %dma_wait3A_226 = tpu.memref_slice %arg5[%arg0, %add3A_224, %dma_wait3A_225] : memref<2x10000x128xf32, #tpu.memory_space<hbm>> -> memref<1x128x128xf32, #tpu.memory_space<hbm>>
      %dma_wait3A_227 = tpu.memref_squeeze %dma_wait3A_226 : memref<1x128x128xf32, #tpu.memory_space<hbm>> -> memref<128x128xf32, #tpu.memory_space<hbm>>
      %dma_wait3A_228 = arith.constant 0 : i32
      %dma_wait3A_229 = tpu.memref_slice %arg5[%arg0, %add3A_224, %dma_wait3A_228] : memref<2x10000x128xf32, #tpu.memory_space<hbm>> -> memref<1x128x128xf32, #tpu.memory_space<hbm>>
      %dma_wait3A_230 = tpu.memref_squeeze %dma_wait3A_229 : memref<1x128x128xf32, #tpu.memory_space<hbm>> -> memref<128x128xf32, #tpu.memory_space<hbm>>
      tpu.wait_dma2 semaphore(%arg14 : memref<!tpu.dma_semaphore, #tpu.memory_space<semaphore_mem>>) src(%arg10 : memref<128x128xf32, #tpu.memory_space<vmem>>) dst(%dma_wait3A_230 : memref<128x128xf32, #tpu.memory_space<hbm>>)
      "tpu.region"() ({
        %run_scoped3A = tpu.sem_alloc : memref<!tpu.dma_semaphore, #tpu.memory_space<semaphore_mem>>
        %dma_start3A_295 = arith.constant 0 : i32
        %dma_start3A_296 = arith.constant 0 : i32
        %dma_start3A_297 = tpu.memref_slice %arg10[%dma_start3A_295, %dma_start3A_296] : memref<128x128xf32, #tpu.memory_space<vmem>> -> memref<128x128xf32, #tpu.memory_space<vmem>>
        %dma_start3A_298 = arith.constant 0 : i32
        %dma_start3A_299 = tpu.memref_slice %arg13[%add3A_220, %dma_start3A_298] : memref<10008x128xf32, #tpu.memory_space<vmem_shared>> -> memref<128x128xf32, #tpu.memory_space<vmem_shared>>
        %dma_start3A_300 = arith.constant 0 : i32
        %dma_start3A_301 = arith.constant 0 : i32
        %dma_start3A_302 = tpu.memref_slice %arg10[%dma_start3A_300, %dma_start3A_301] : memref<128x128xf32, #tpu.memory_space<vmem>> -> memref<128x128xf32, #tpu.memory_space<vmem>>
        %dma_start3A_303 = arith.constant 0 : i32
        %dma_start3A_304 = tpu.memref_slice %arg13[%add3A_220, %dma_start3A_303] : memref<10008x128xf32, #tpu.memory_space<vmem_shared>> -> memref<128x128xf32, #tpu.memory_space<vmem_shared>>
        tpu.enqueue_dma source(%dma_start3A_304 : memref<128x128xf32, #tpu.memory_space<vmem_shared>>) target(%dma_start3A_302 : memref<128x128xf32, #tpu.memory_space<vmem>>) target_semaphore(%run_scoped3A : memref<!tpu.dma_semaphore, #tpu.memory_space<semaphore_mem>>)
        %dma_wait3A_305 = arith.constant 0 : i32
        %dma_wait3A_306 = arith.constant 0 : i32
        %dma_wait3A_307 = tpu.memref_slice %arg10[%dma_wait3A_305, %dma_wait3A_306] : memref<128x128xf32, #tpu.memory_space<vmem>> -> memref<128x128xf32, #tpu.memory_space<vmem>>
        %dma_wait3A_308 = arith.constant 0 : i32
        %dma_wait3A_309 = tpu.memref_slice %arg13[%add3A_220, %dma_wait3A_308] : memref<10008x128xf32, #tpu.memory_space<vmem_shared>> -> memref<128x128xf32, #tpu.memory_space<vmem_shared>>
        %dma_wait3A_310 = arith.constant 0 : i32
        %dma_wait3A_311 = arith.constant 0 : i32
        %dma_wait3A_312 = tpu.memref_slice %arg10[%dma_wait3A_310, %dma_wait3A_311] : memref<128x128xf32, #tpu.memory_space<vmem>> -> memref<128x128xf32, #tpu.memory_space<vmem>>
        %dma_wait3A_313 = arith.constant 0 : i32
        %dma_wait3A_314 = tpu.memref_slice %arg13[%add3A_220, %dma_wait3A_313] : memref<10008x128xf32, #tpu.memory_space<vmem_shared>> -> memref<128x128xf32, #tpu.memory_space<vmem_shared>>
        tpu.wait_dma2 semaphore(%run_scoped3A : memref<!tpu.dma_semaphore, #tpu.memory_space<semaphore_mem>>) src(%dma_wait3A_314 : memref<128x128xf32, #tpu.memory_space<vmem_shared>>) dst(%dma_wait3A_312 : memref<128x128xf32, #tpu.memory_space<vmem>>)
        tpu.yield
      }) : () -> ()
      %dma_start3A_231 = arith.constant 0 : i32
      %dma_start3A_232 = arith.constant 0 : i32
      %dma_start3A_233 = tpu.memref_slice %arg10[%dma_start3A_231, %dma_start3A_232] : memref<128x128xf32, #tpu.memory_space<vmem>> -> memref<128x128xf32, #tpu.memory_space<vmem>>
      %dma_start3A_234 = arith.constant 0 : i32
      %dma_start3A_235 = tpu.memref_slice %arg5[%arg0, %add3A_220, %dma_start3A_234] : memref<2x10000x128xf32, #tpu.memory_space<hbm>> -> memref<1x128x128xf32, #tpu.memory_space<hbm>>
      %dma_start3A_236 = tpu.memref_squeeze %dma_start3A_235 : memref<1x128x128xf32, #tpu.memory_space<hbm>> -> memref<128x128xf32, #tpu.memory_space<hbm>>
      %dma_start3A_237 = arith.constant 0 : i32
      %dma_start3A_238 = tpu.memref_slice %arg5[%arg0, %add3A_220, %dma_start3A_237] : memref<2x10000x128xf32, #tpu.memory_space<hbm>> -> memref<1x128x128xf32, #tpu.memory_space<hbm>>
      %dma_start3A_239 = tpu.memref_squeeze %dma_start3A_238 : memref<1x128x128xf32, #tpu.memory_space<hbm>> -> memref<128x128xf32, #tpu.memory_space<hbm>>
      %dma_start3A_240 = arith.constant 0 : i32
      %dma_start3A_241 = arith.constant 0 : i32
      %dma_start3A_242 = tpu.memref_slice %arg10[%dma_start3A_240, %dma_start3A_241] : memref<128x128xf32, #tpu.memory_space<vmem>> -> memref<128x128xf32, #tpu.memory_space<vmem>>
      tpu.enqueue_dma source(%dma_start3A_242 : memref<128x128xf32, #tpu.memory_space<vmem>>) target(%dma_start3A_239 : memref<128x128xf32, #tpu.memory_space<hbm>>) target_semaphore(%arg14 : memref<!tpu.dma_semaphore, #tpu.memory_space<semaphore_mem>>)
      %mul3A_243 = arith.constant 1000 : i32
      %mul3A_244 = arith.muli %arg1, %mul3A_243 : i32
      %add3A_245 = arith.constant 896 : i32
      %add3A_246 = arith.addi %mul3A_244, %add3A_245 : i32
      %mul3A_247 = arith.constant 1000 : i32
      %mul3A_248 = arith.muli %arg1, %mul3A_247 : i32
      %add3A_249 = arith.constant 640 : i32
      %add3A_250 = arith.addi %mul3A_248, %add3A_249 : i32
      %dma_wait3A_251 = arith.constant 0 : i32
      %dma_wait3A_252 = tpu.memref_slice %arg5[%arg0, %add3A_250, %dma_wait3A_251] : memref<2x10000x128xf32, #tpu.memory_space<hbm>> -> memref<1x128x128xf32, #tpu.memory_space<hbm>>
      %dma_wait3A_253 = tpu.memref_squeeze %dma_wait3A_252 : memref<1x128x128xf32, #tpu.memory_space<hbm>> -> memref<128x128xf32, #tpu.memory_space<hbm>>
      %dma_wait3A_254 = arith.constant 0 : i32
      %dma_wait3A_255 = tpu.memref_slice %arg5[%arg0, %add3A_250, %dma_wait3A_254] : memref<2x10000x128xf32, #tpu.memory_space<hbm>> -> memref<1x128x128xf32, #tpu.memory_space<hbm>>
      %dma_wait3A_256 = tpu.memref_squeeze %dma_wait3A_255 : memref<1x128x128xf32, #tpu.memory_space<hbm>> -> memref<128x128xf32, #tpu.memory_space<hbm>>
      tpu.wait_dma2 semaphore(%arg15 : memref<!tpu.dma_semaphore, #tpu.memory_space<semaphore_mem>>) src(%arg11 : memref<128x128xf32, #tpu.memory_space<vmem>>) dst(%dma_wait3A_256 : memref<128x128xf32, #tpu.memory_space<hbm>>)
      "tpu.region"() ({
        %run_scoped3A = tpu.sem_alloc : memref<!tpu.dma_semaphore, #tpu.memory_space<semaphore_mem>>
        %dma_start3A_295 = arith.constant 0 : i32
        %dma_start3A_296 = arith.constant 0 : i32
        %dma_start3A_297 = tpu.memref_slice %arg11[%dma_start3A_295, %dma_start3A_296] : memref<128x128xf32, #tpu.memory_space<vmem>> -> memref<104x128xf32, #tpu.memory_space<vmem>>
        %dma_start3A_298 = arith.constant 0 : i32
        %dma_start3A_299 = tpu.memref_slice %arg13[%add3A_246, %dma_start3A_298] : memref<10008x128xf32, #tpu.memory_space<vmem_shared>> -> memref<104x128xf32, #tpu.memory_space<vmem_shared>>
        %dma_start3A_300 = arith.constant 0 : i32
        %dma_start3A_301 = arith.constant 0 : i32
        %dma_start3A_302 = tpu.memref_slice %arg11[%dma_start3A_300, %dma_start3A_301] : memref<128x128xf32, #tpu.memory_space<vmem>> -> memref<104x128xf32, #tpu.memory_space<vmem>>
        %dma_start3A_303 = arith.constant 0 : i32
        %dma_start3A_304 = tpu.memref_slice %arg13[%add3A_246, %dma_start3A_303] : memref<10008x128xf32, #tpu.memory_space<vmem_shared>> -> memref<104x128xf32, #tpu.memory_space<vmem_shared>>
        tpu.enqueue_dma source(%dma_start3A_304 : memref<104x128xf32, #tpu.memory_space<vmem_shared>>) target(%dma_start3A_302 : memref<104x128xf32, #tpu.memory_space<vmem>>) target_semaphore(%run_scoped3A : memref<!tpu.dma_semaphore, #tpu.memory_space<semaphore_mem>>)
        %dma_wait3A_305 = arith.constant 0 : i32
        %dma_wait3A_306 = arith.constant 0 : i32
        %dma_wait3A_307 = tpu.memref_slice %arg11[%dma_wait3A_305, %dma_wait3A_306] : memref<128x128xf32, #tpu.memory_space<vmem>> -> memref<104x128xf32, #tpu.memory_space<vmem>>
        %dma_wait3A_308 = arith.constant 0 : i32
        %dma_wait3A_309 = tpu.memref_slice %arg13[%add3A_246, %dma_wait3A_308] : memref<10008x128xf32, #tpu.memory_space<vmem_shared>> -> memref<104x128xf32, #tpu.memory_space<vmem_shared>>
        %dma_wait3A_310 = arith.constant 0 : i32
        %dma_wait3A_311 = arith.constant 0 : i32
        %dma_wait3A_312 = tpu.memref_slice %arg11[%dma_wait3A_310, %dma_wait3A_311] : memref<128x128xf32, #tpu.memory_space<vmem>> -> memref<104x128xf32, #tpu.memory_space<vmem>>
        %dma_wait3A_313 = arith.constant 0 : i32
        %dma_wait3A_314 = tpu.memref_slice %arg13[%add3A_246, %dma_wait3A_313] : memref<10008x128xf32, #tpu.memory_space<vmem_shared>> -> memref<104x128xf32, #tpu.memory_space<vmem_shared>>
        tpu.wait_dma2 semaphore(%run_scoped3A : memref<!tpu.dma_semaphore, #tpu.memory_space<semaphore_mem>>) src(%dma_wait3A_314 : memref<104x128xf32, #tpu.memory_space<vmem_shared>>) dst(%dma_wait3A_312 : memref<104x128xf32, #tpu.memory_space<vmem>>)
        tpu.yield
      }) : () -> ()
      %dma_start3A_257 = arith.constant 0 : i32
      %dma_start3A_258 = arith.constant 0 : i32
      %dma_start3A_259 = tpu.memref_slice %arg11[%dma_start3A_257, %dma_start3A_258] : memref<128x128xf32, #tpu.memory_space<vmem>> -> memref<104x128xf32, #tpu.memory_space<vmem>>
      %dma_start3A_260 = arith.constant 0 : i32
      %dma_start3A_261 = tpu.memref_slice %arg5[%arg0, %add3A_246, %dma_start3A_260] : memref<2x10000x128xf32, #tpu.memory_space<hbm>> -> memref<1x104x128xf32, #tpu.memory_space<hbm>>
      %dma_start3A_262 = tpu.memref_squeeze %dma_start3A_261 : memref<1x104x128xf32, #tpu.memory_space<hbm>> -> memref<104x128xf32, #tpu.memory_space<hbm>>
      %dma_start3A_263 = arith.constant 0 : i32
      %dma_start3A_264 = tpu.memref_slice %arg5[%arg0, %add3A_246, %dma_start3A_263] : memref<2x10000x128xf32, #tpu.memory_space<hbm>> -> memref<1x104x128xf32, #tpu.memory_space<hbm>>
      %dma_start3A_265 = tpu.memref_squeeze %dma_start3A_264 : memref<1x104x128xf32, #tpu.memory_space<hbm>> -> memref<104x128xf32, #tpu.memory_space<hbm>>
      %dma_start3A_266 = arith.constant 0 : i32
      %dma_start3A_267 = arith.constant 0 : i32
      %dma_start3A_268 = tpu.memref_slice %arg11[%dma_start3A_266, %dma_start3A_267] : memref<128x128xf32, #tpu.memory_space<vmem>> -> memref<104x128xf32, #tpu.memory_space<vmem>>
      tpu.enqueue_dma source(%dma_start3A_268 : memref<104x128xf32, #tpu.memory_space<vmem>>) target(%dma_start3A_265 : memref<104x128xf32, #tpu.memory_space<hbm>>) target_semaphore(%arg15 : memref<!tpu.dma_semaphore, #tpu.memory_space<semaphore_mem>>)
      %mul3A_269 = arith.constant 1000 : i32
      %mul3A_270 = arith.muli %arg1, %mul3A_269 : i32
      %add3A_271 = arith.constant 768 : i32
      %add3A_272 = arith.addi %mul3A_270, %add3A_271 : i32
      %dma_wait3A_273 = arith.constant 0 : i32
      %dma_wait3A_274 = tpu.memref_slice %arg5[%arg0, %add3A_272, %dma_wait3A_273] : memref<2x10000x128xf32, #tpu.memory_space<hbm>> -> memref<1x128x128xf32, #tpu.memory_space<hbm>>
      %dma_wait3A_275 = tpu.memref_squeeze %dma_wait3A_274 : memref<1x128x128xf32, #tpu.memory_space<hbm>> -> memref<128x128xf32, #tpu.memory_space<hbm>>
      %dma_wait3A_276 = arith.constant 0 : i32
      %dma_wait3A_277 = tpu.memref_slice %arg5[%arg0, %add3A_272, %dma_wait3A_276] : memref<2x10000x128xf32, #tpu.memory_space<hbm>> -> memref<1x128x128xf32, #tpu.memory_space<hbm>>
      %dma_wait3A_278 = tpu.memref_squeeze %dma_wait3A_277 : memref<1x128x128xf32, #tpu.memory_space<hbm>> -> memref<128x128xf32, #tpu.memory_space<hbm>>
      tpu.wait_dma2 semaphore(%arg14 : memref<!tpu.dma_semaphore, #tpu.memory_space<semaphore_mem>>) src(%arg10 : memref<128x128xf32, #tpu.memory_space<vmem>>) dst(%dma_wait3A_278 : memref<128x128xf32, #tpu.memory_space<hbm>>)
      %mul3A_279 = arith.constant 1000 : i32
      %mul3A_280 = arith.muli %arg1, %mul3A_279 : i32
      %add3A_281 = arith.constant 896 : i32
      %add3A_282 = arith.addi %mul3A_280, %add3A_281 : i32
      %dma_wait3A_283 = arith.constant 0 : i32
      %dma_wait3A_284 = arith.constant 0 : i32
      %dma_wait3A_285 = tpu.memref_slice %arg11[%dma_wait3A_283, %dma_wait3A_284] : memref<128x128xf32, #tpu.memory_space<vmem>> -> memref<104x128xf32, #tpu.memory_space<vmem>>
      %dma_wait3A_286 = arith.constant 0 : i32
      %dma_wait3A_287 = tpu.memref_slice %arg5[%arg0, %add3A_282, %dma_wait3A_286] : memref<2x10000x128xf32, #tpu.memory_space<hbm>> -> memref<1x104x128xf32, #tpu.memory_space<hbm>>
      %dma_wait3A_288 = tpu.memref_squeeze %dma_wait3A_287 : memref<1x104x128xf32, #tpu.memory_space<hbm>> -> memref<104x128xf32, #tpu.memory_space<hbm>>
      %dma_wait3A_289 = arith.constant 0 : i32
      %dma_wait3A_290 = tpu.memref_slice %arg5[%arg0, %add3A_282, %dma_wait3A_289] : memref<2x10000x128xf32, #tpu.memory_space<hbm>> -> memref<1x104x128xf32, #tpu.memory_space<hbm>>
      %dma_wait3A_291 = tpu.memref_squeeze %dma_wait3A_290 : memref<1x104x128xf32, #tpu.memory_space<hbm>> -> memref<104x128xf32, #tpu.memory_space<hbm>>
      %dma_wait3A_292 = arith.constant 0 : i32
      %dma_wait3A_293 = arith.constant 0 : i32
      %dma_wait3A_294 = tpu.memref_slice %arg11[%dma_wait3A_292, %dma_wait3A_293] : memref<128x128xf32, #tpu.memory_space<vmem>> -> memref<104x128xf32, #tpu.memory_space<vmem>>
      tpu.wait_dma2 semaphore(%arg15 : memref<!tpu.dma_semaphore, #tpu.memory_space<semaphore_mem>>) src(%dma_wait3A_294 : memref<104x128xf32, #tpu.memory_space<vmem>>) dst(%dma_wait3A_291 : memref<104x128xf32, #tpu.memory_space<hbm>>)
    } else {
    }
    return
  }
}

module attributes {stable_mosaic.version = 14 : i64} {
  func.func @_mm1_body(%arg0: i32, %arg1: memref<1000x128xf32, #tpu.memory_space<vmem>>, %arg2: memref<1000x1xf32, #tpu.memory_space<vmem>>, %arg3: memref<2x128x128xf32, #tpu.memory_space<vmem>>, %arg4: memref<2x1000x128xf32, #tpu.memory_space<vmem>>) attributes {dimension_semantics = [#tpu.dimension_semantics<arbitrary>], iteration_bounds = array<i64: 10>, scalar_prefetch = 0 : i64, scratch_operands = 0 : i64, tpu.core_type = #tpu.core_type<tc>, window_params = [{transform_indices = @transform_0, window_bounds = array<i64: 1000, 128>}, {transform_indices = @transform_1, window_bounds = array<i64: 1000, 1>}, {pipeline_mode = #tpu.pipeline_mode<synchronous>, transform_indices = @transform_2, window_bounds = array<i64: 2, 128, 128>}, {transform_indices = @transform_3, window_bounds = array<i64: 2, 1000, 128>}]} {
    %get3A = arith.constant 0 : index
    %get3A_0 = arith.constant 0 : index
    %get3A_1 = vector.load %arg2[%get3A, %get3A_0] : memref<1000x1xf32, #tpu.memory_space<vmem>>, vector<1000x1xf32>
    %max3A = arith.constant 1.000000e+00 : f32
    %max3A_2 = vector.broadcast %max3A : f32 to vector<1000x1xf32>
    %max3A_3 = arith.maximumf %get3A_1, %max3A_2 : vector<1000x1xf32>
    %rsqrt3A = math.rsqrt %max3A_3 : vector<1000x1xf32>
    %get3A_4 = arith.constant 0 : index
    %get3A_5 = arith.constant 0 : index
    %get3A_6 = vector.load %arg1[%get3A_4, %get3A_5] : memref<1000x128xf32, #tpu.memory_space<vmem>>, vector<1000x128xf32>
    %get3A_7 = arith.constant 0 : index
    %get3A_8 = arith.constant 0 : index
    %get3A_9 = arith.constant 0 : index
    %get3A_10 = vector.load %arg3[%get3A_7, %get3A_8, %get3A_9] : memref<2x128x128xf32, #tpu.memory_space<vmem>>, vector<1x128x128xf32>
    %get3A_11 = vector.shape_cast %get3A_10 : vector<1x128x128xf32> to vector<128x128xf32>
    %dot_general3A = arith.constant dense<0.000000e+00> : vector<1000x128xf32>
    %dot_general3A_12 = tpu.matmul %get3A_6, %get3A_11, %dot_general3A {dimension_numbers = #tpu.dot_dimension_numbers<[1], [0], [0], [1], [0, 0, 1, 1], [], []>, transpose_lhs_hint = false} : vector<1000x128xf32>, vector<128x128xf32>, vector<1000x128xf32> -> vector<1000x128xf32>
    %mul3A = vector.broadcast %rsqrt3A : vector<1000x1xf32> to vector<1000x128xf32>
    %mul3A_13 = arith.mulf %dot_general3A_12, %mul3A : vector<1000x128xf32>
    %swap3A = arith.constant 0 : index
    %swap3A_14 = arith.constant 0 : index
    %swap3A_15 = arith.constant 0 : index
    %swap3A_16 = vector.load %arg4[%swap3A, %swap3A_14, %swap3A_15] : memref<2x1000x128xf32, #tpu.memory_space<vmem>>, vector<1x1000x128xf32>
    %swap3A_17 = vector.shape_cast %swap3A_16 : vector<1x1000x128xf32> to vector<1000x128xf32>
    %swap3A_18 = vector.shape_cast %mul3A_13 : vector<1000x128xf32> to vector<1x1000x128xf32>
    tpu.vector_store %arg4[%swap3A, %swap3A_14, %swap3A_15], %swap3A_18 {strides = array<i32>} : memref<2x1000x128xf32, #tpu.memory_space<vmem>>, vector<1x1000x128xf32>,
    %get3A_19 = arith.constant 1 : index
    %get3A_20 = arith.constant 0 : index
    %get3A_21 = arith.constant 0 : index
    %get3A_22 = vector.load %arg3[%get3A_19, %get3A_20, %get3A_21] : memref<2x128x128xf32, #tpu.memory_space<vmem>>, vector<1x128x128xf32>
    %get3A_23 = vector.shape_cast %get3A_22 : vector<1x128x128xf32> to vector<128x128xf32>
    %dot_general3A_24 = arith.constant dense<0.000000e+00> : vector<1000x128xf32>
    %dot_general3A_25 = tpu.matmul %get3A_6, %get3A_23, %dot_general3A_24 {dimension_numbers = #tpu.dot_dimension_numbers<[1], [0], [0], [1], [0, 0, 1, 1], [], []>, transpose_lhs_hint = false} : vector<1000x128xf32>, vector<128x128xf32>, vector<1000x128xf32> -> vector<1000x128xf32>
    %mul3A_26 = vector.broadcast %rsqrt3A : vector<1000x1xf32> to vector<1000x128xf32>
    %mul3A_27 = arith.mulf %dot_general3A_25, %mul3A_26 : vector<1000x128xf32>
    %swap3A_28 = arith.constant 1 : index
    %swap3A_29 = arith.constant 0 : index
    %swap3A_30 = arith.constant 0 : index
    %swap3A_31 = vector.load %arg4[%swap3A_28, %swap3A_29, %swap3A_30] : memref<2x1000x128xf32, #tpu.memory_space<vmem>>, vector<1x1000x128xf32>
    %swap3A_32 = vector.shape_cast %swap3A_31 : vector<1x1000x128xf32> to vector<1000x128xf32>
    %swap3A_33 = vector.shape_cast %mul3A_27 : vector<1000x128xf32> to vector<1x1000x128xf32>
    tpu.vector_store %arg4[%swap3A_28, %swap3A_29, %swap3A_30], %swap3A_33 {strides = array<i32>} : memref<2x1000x128xf32, #tpu.memory_space<vmem>>, vector<1x1000x128xf32>,
    return
  }
  func.func @transform_0(%arg0: i32) -> (i32, i32) {
    %c0_i32 = arith.constant 0 : i32
    %c0_i32_0 = arith.constant 0 : i32
    return %arg0, %c0_i32 : i32, i32
  }
  func.func @transform_1(%arg0: i32) -> (i32, i32) {
    %c0_i32 = arith.constant 0 : i32
    %c0_i32_0 = arith.constant 0 : i32
    return %arg0, %c0_i32 : i32, i32
  }
  func.func @transform_2(%arg0: i32) -> (i32, i32, i32) {
    %c0_i32 = arith.constant 0 : i32
    %c0_i32_0 = arith.constant 0 : i32
    %c0_i32_1 = arith.constant 0 : i32
    %c0_i32_2 = arith.constant 0 : i32
    return %c0_i32, %c0_i32_0, %c0_i32_1 : i32, i32, i32
  }
  func.func @transform_3(%arg0: i32) -> (i32, i32, i32) {
    %c0_i32 = arith.constant 0 : i32
    %c0_i32_0 = arith.constant 0 : i32
    %c0_i32_1 = arith.constant 0 : i32
    return %c0_i32, %arg0, %c0_i32_0 : i32, i32, i32
  }
}

module attributes {stable_mosaic.version = 14 : i64} {
  func.func @_mid_body(%arg0: i32, %arg1: memref<2x1000x128xf32, #tpu.memory_space<vmem>>, %arg2: memref<1000x1xf32, #tpu.memory_space<vmem>>, %arg3: memref<1000x1xf32, #tpu.memory_space<vmem>>, %arg4: memref<2x1x128xf32, #tpu.memory_space<vmem>>, %arg5: memref<2x128x128xf32, #tpu.memory_space<vmem>>, %arg6: memref<2x1000x128xf32, #tpu.memory_space<vmem>>) attributes {dimension_semantics = [#tpu.dimension_semantics<arbitrary>], iteration_bounds = array<i64: 10>, scalar_prefetch = 0 : i64, scratch_operands = 0 : i64, tpu.core_type = #tpu.core_type<tc>, window_params = [{transform_indices = @transform_0, window_bounds = array<i64: 2, 1000, 128>}, {transform_indices = @transform_1, window_bounds = array<i64: 1000, 1>}, {transform_indices = @transform_2, window_bounds = array<i64: 1000, 1>}, {pipeline_mode = #tpu.pipeline_mode<synchronous>, transform_indices = @transform_3, window_bounds = array<i64: 2, 1, 128>}, {pipeline_mode = #tpu.pipeline_mode<synchronous>, transform_indices = @transform_4, window_bounds = array<i64: 2, 128, 128>}, {transform_indices = @transform_5, window_bounds = array<i64: 2, 1000, 128>}]} {
    %get3A = arith.constant 0 : index
    %get3A_0 = arith.constant 0 : index
    %get3A_1 = vector.load %arg2[%get3A, %get3A_0] : memref<1000x1xf32, #tpu.memory_space<vmem>>, vector<1000x1xf32>
    %max3A = arith.constant 1.000000e+00 : f32
    %max3A_2 = vector.broadcast %max3A : f32 to vector<1000x1xf32>
    %max3A_3 = arith.maximumf %get3A_1, %max3A_2 : vector<1000x1xf32>
    %rsqrt3A = math.rsqrt %max3A_3 : vector<1000x1xf32>
    %get3A_4 = arith.constant 0 : index
    %get3A_5 = arith.constant 0 : index
    %get3A_6 = vector.load %arg3[%get3A_4, %get3A_5] : memref<1000x1xf32, #tpu.memory_space<vmem>>, vector<1000x1xf32>
    %max3A_7 = arith.constant 1.000000e+00 : f32
    %max3A_8 = vector.broadcast %max3A_7 : f32 to vector<1000x1xf32>
    %max3A_9 = arith.maximumf %get3A_6, %max3A_8 : vector<1000x1xf32>
    %rsqrt3A_10 = math.rsqrt %max3A_9 : vector<1000x1xf32>
    %get3A_11 = arith.constant 0 : index
    %get3A_12 = arith.constant 0 : index
    %get3A_13 = arith.constant 0 : index
    %get3A_14 = vector.load %arg1[%get3A_11, %get3A_12, %get3A_13] : memref<2x1000x128xf32, #tpu.memory_space<vmem>>, vector<1x1000x128xf32>
    %get3A_15 = vector.shape_cast %get3A_14 : vector<1x1000x128xf32> to vector<1000x128xf32>
    %mul3A = vector.broadcast %rsqrt3A : vector<1000x1xf32> to vector<1000x128xf32>
    %mul3A_16 = arith.mulf %get3A_15, %mul3A : vector<1000x128xf32>
    %get3A_17 = arith.constant 0 : index
    %get3A_18 = arith.constant 0 : index
    %get3A_19 = arith.constant 0 : index
    %get3A_20 = vector.load %arg4[%get3A_17, %get3A_18, %get3A_19] : memref<2x1x128xf32, #tpu.memory_space<vmem>>, vector<1x1x128xf32>
    %get3A_21 = vector.shape_cast %get3A_20 : vector<1x1x128xf32> to vector<1x128xf32>
    %add3A = vector.broadcast %get3A_21 : vector<1x128xf32> to vector<1000x128xf32>
    %add3A_22 = arith.addf %mul3A_16, %add3A : vector<1000x128xf32>
    %max3A_23 = arith.constant 0.000000e+00 : f32
    %max3A_24 = vector.broadcast %max3A_23 : f32 to vector<1000x128xf32>
    %max3A_25 = arith.maximumf %add3A_22, %max3A_24 : vector<1000x128xf32>
    %get3A_26 = arith.constant 0 : index
    %get3A_27 = arith.constant 0 : index
    %get3A_28 = arith.constant 0 : index
    %get3A_29 = vector.load %arg5[%get3A_26, %get3A_27, %get3A_28] : memref<2x128x128xf32, #tpu.memory_space<vmem>>, vector<1x128x128xf32>
    %get3A_30 = vector.shape_cast %get3A_29 : vector<1x128x128xf32> to vector<128x128xf32>
    %dot_general3A = arith.constant dense<0.000000e+00> : vector<1000x128xf32>
    %dot_general3A_31 = tpu.matmul %max3A_25, %get3A_30, %dot_general3A {dimension_numbers = #tpu.dot_dimension_numbers<[1], [0], [0], [1], [0, 0, 1, 1], [], []>, transpose_lhs_hint = false} : vector<1000x128xf32>, vector<128x128xf32>, vector<1000x128xf32> -> vector<1000x128xf32>
    %mul3A_32 = vector.broadcast %rsqrt3A_10 : vector<1000x1xf32> to vector<1000x128xf32>
    %mul3A_33 = arith.mulf %dot_general3A_31, %mul3A_32 : vector<1000x128xf32>
    %swap3A = arith.constant 0 : index
    %swap3A_34 = arith.constant 0 : index
    %swap3A_35 = arith.constant 0 : index
    %swap3A_36 = vector.load %arg6[%swap3A, %swap3A_34, %swap3A_35] : memref<2x1000x128xf32, #tpu.memory_space<vmem>>, vector<1x1000x128xf32>
    %swap3A_37 = vector.shape_cast %swap3A_36 : vector<1x1000x128xf32> to vector<1000x128xf32>
    %swap3A_38 = vector.shape_cast %mul3A_33 : vector<1000x128xf32> to vector<1x1000x128xf32>
    tpu.vector_store %arg6[%swap3A, %swap3A_34, %swap3A_35], %swap3A_38 {strides = array<i32>} : memref<2x1000x128xf32, #tpu.memory_space<vmem>>, vector<1x1000x128xf32>,
    %get3A_39 = arith.constant 1 : index
    %get3A_40 = arith.constant 0 : index
    %get3A_41 = arith.constant 0 : index
    %get3A_42 = vector.load %arg1[%get3A_39, %get3A_40, %get3A_41] : memref<2x1000x128xf32, #tpu.memory_space<vmem>>, vector<1x1000x128xf32>
    %get3A_43 = vector.shape_cast %get3A_42 : vector<1x1000x128xf32> to vector<1000x128xf32>
    %mul3A_44 = vector.broadcast %rsqrt3A : vector<1000x1xf32> to vector<1000x128xf32>
    %mul3A_45 = arith.mulf %get3A_43, %mul3A_44 : vector<1000x128xf32>
    %get3A_46 = arith.constant 1 : index
    %get3A_47 = arith.constant 0 : index
    %get3A_48 = arith.constant 0 : index
    %get3A_49 = vector.load %arg4[%get3A_46, %get3A_47, %get3A_48] : memref<2x1x128xf32, #tpu.memory_space<vmem>>, vector<1x1x128xf32>
    %get3A_50 = vector.shape_cast %get3A_49 : vector<1x1x128xf32> to vector<1x128xf32>
    %add3A_51 = vector.broadcast %get3A_50 : vector<1x128xf32> to vector<1000x128xf32>
    %add3A_52 = arith.addf %mul3A_45, %add3A_51 : vector<1000x128xf32>
    %max3A_53 = arith.constant 0.000000e+00 : f32
    %max3A_54 = vector.broadcast %max3A_53 : f32 to vector<1000x128xf32>
    %max3A_55 = arith.maximumf %add3A_52, %max3A_54 : vector<1000x128xf32>
    %get3A_56 = arith.constant 1 : index
    %get3A_57 = arith.constant 0 : index
    %get3A_58 = arith.constant 0 : index
    %get3A_59 = vector.load %arg5[%get3A_56, %get3A_57, %get3A_58] : memref<2x128x128xf32, #tpu.memory_space<vmem>>, vector<1x128x128xf32>
    %get3A_60 = vector.shape_cast %get3A_59 : vector<1x128x128xf32> to vector<128x128xf32>
    %dot_general3A_61 = arith.constant dense<0.000000e+00> : vector<1000x128xf32>
    %dot_general3A_62 = tpu.matmul %max3A_55, %get3A_60, %dot_general3A_61 {dimension_numbers = #tpu.dot_dimension_numbers<[1], [0], [0], [1], [0, 0, 1, 1], [], []>, transpose_lhs_hint = false} : vector<1000x128xf32>, vector<128x128xf32>, vector<1000x128xf32> -> vector<1000x128xf32>
    %mul3A_63 = vector.broadcast %rsqrt3A_10 : vector<1000x1xf32> to vector<1000x128xf32>
    %mul3A_64 = arith.mulf %dot_general3A_62, %mul3A_63 : vector<1000x128xf32>
    %swap3A_65 = arith.constant 1 : index
    %swap3A_66 = arith.constant 0 : index
    %swap3A_67 = arith.constant 0 : index
    %swap3A_68 = vector.load %arg6[%swap3A_65, %swap3A_66, %swap3A_67] : memref<2x1000x128xf32, #tpu.memory_space<vmem>>, vector<1x1000x128xf32>
    %swap3A_69 = vector.shape_cast %swap3A_68 : vector<1x1000x128xf32> to vector<1000x128xf32>
    %swap3A_70 = vector.shape_cast %mul3A_64 : vector<1000x128xf32> to vector<1x1000x128xf32>
    tpu.vector_store %arg6[%swap3A_65, %swap3A_66, %swap3A_67], %swap3A_70 {strides = array<i32>} : memref<2x1000x128xf32, #tpu.memory_space<vmem>>, vector<1x1000x128xf32>,
    return
  }
  func.func @transform_0(%arg0: i32) -> (i32, i32, i32) {
    %c0_i32 = arith.constant 0 : i32
    %c0_i32_0 = arith.constant 0 : i32
    %c0_i32_1 = arith.constant 0 : i32
    return %c0_i32, %arg0, %c0_i32_0 : i32, i32, i32
  }
  func.func @transform_1(%arg0: i32) -> (i32, i32) {
    %c0_i32 = arith.constant 0 : i32
    %c0_i32_0 = arith.constant 0 : i32
    return %arg0, %c0_i32 : i32, i32
  }
  func.func @transform_2(%arg0: i32) -> (i32, i32) {
    %c0_i32 = arith.constant 0 : i32
    %c0_i32_0 = arith.constant 0 : i32
    return %arg0, %c0_i32 : i32, i32
  }
  func.func @transform_3(%arg0: i32) -> (i32, i32, i32) {
    %c0_i32 = arith.constant 0 : i32
    %c0_i32_0 = arith.constant 0 : i32
    %c0_i32_1 = arith.constant 0 : i32
    %c0_i32_2 = arith.constant 0 : i32
    return %c0_i32, %c0_i32_0, %c0_i32_1 : i32, i32, i32
  }
  func.func @transform_4(%arg0: i32) -> (i32, i32, i32) {
    %c0_i32 = arith.constant 0 : i32
    %c0_i32_0 = arith.constant 0 : i32
    %c0_i32_1 = arith.constant 0 : i32
    %c0_i32_2 = arith.constant 0 : i32
    return %c0_i32, %c0_i32_0, %c0_i32_1 : i32, i32, i32
  }
  func.func @transform_5(%arg0: i32) -> (i32, i32, i32) {
    %c0_i32 = arith.constant 0 : i32
    %c0_i32_0 = arith.constant 0 : i32
    %c0_i32_1 = arith.constant 0 : i32
    return %c0_i32, %arg0, %c0_i32_0 : i32, i32, i32
  }
}

module attributes {stable_mosaic.version = 14 : i64} {
  func.func @_head_body(%arg0: i32, %arg1: memref<2x1000x128xf32, #tpu.memory_space<vmem>>, %arg2: memref<1000x1xf32, #tpu.memory_space<vmem>>, %arg3: memref<2x1x128xf32, #tpu.memory_space<vmem>>, %arg4: memref<2x128x1xf32, #tpu.memory_space<vmem>>, %arg5: memref<2x1x1xf32, #tpu.memory_space<vmem>>, %arg6: memref<1000x1xf32, #tpu.memory_space<vmem>>, %arg7: memref<1000x1xf32, #tpu.memory_space<vmem>>) attributes {dimension_semantics = [#tpu.dimension_semantics<arbitrary>], iteration_bounds = array<i64: 10>, scalar_prefetch = 0 : i64, scratch_operands = 0 : i64, tpu.core_type = #tpu.core_type<tc>, window_params = [{transform_indices = @transform_0, window_bounds = array<i64: 2, 1000, 128>}, {transform_indices = @transform_1, window_bounds = array<i64: 1000, 1>}, {pipeline_mode = #tpu.pipeline_mode<synchronous>, transform_indices = @transform_2, window_bounds = array<i64: 2, 1, 128>}, {pipeline_mode = #tpu.pipeline_mode<synchronous>, transform_indices = @transform_3, window_bounds = array<i64: 2, 128, 1>}, {pipeline_mode = #tpu.pipeline_mode<synchronous>, transform_indices = @transform_4, window_bounds = array<i64: 2, 1, 1>}, {transform_indices = @transform_5, window_bounds = array<i64: 1000, 1>}, {transform_indices = @transform_6, window_bounds = array<i64: 1000, 1>}]} {
    %get3A = arith.constant 0 : index
    %get3A_0 = arith.constant 0 : index
    %get3A_1 = vector.load %arg2[%get3A, %get3A_0] : memref<1000x1xf32, #tpu.memory_space<vmem>>, vector<1000x1xf32>
    %max3A = arith.constant 1.000000e+00 : f32
    %max3A_2 = vector.broadcast %max3A : f32 to vector<1000x1xf32>
    %max3A_3 = arith.maximumf %get3A_1, %max3A_2 : vector<1000x1xf32>
    %rsqrt3A = math.rsqrt %max3A_3 : vector<1000x1xf32>
    %get3A_4 = arith.constant 0 : index
    %get3A_5 = arith.constant 0 : index
    %get3A_6 = arith.constant 0 : index
    %get3A_7 = vector.load %arg1[%get3A_4, %get3A_5, %get3A_6] : memref<2x1000x128xf32, #tpu.memory_space<vmem>>, vector<1x1000x128xf32>
    %get3A_8 = vector.shape_cast %get3A_7 : vector<1x1000x128xf32> to vector<1000x128xf32>
    %mul3A = vector.broadcast %rsqrt3A : vector<1000x1xf32> to vector<1000x128xf32>
    %mul3A_9 = arith.mulf %get3A_8, %mul3A : vector<1000x128xf32>
    %get3A_10 = arith.constant 0 : index
    %get3A_11 = arith.constant 0 : index
    %get3A_12 = arith.constant 0 : index
    %get3A_13 = vector.load %arg3[%get3A_10, %get3A_11, %get3A_12] : memref<2x1x128xf32, #tpu.memory_space<vmem>>, vector<1x1x128xf32>
    %get3A_14 = vector.shape_cast %get3A_13 : vector<1x1x128xf32> to vector<1x128xf32>
    %add3A = vector.broadcast %get3A_14 : vector<1x128xf32> to vector<1000x128xf32>
    %add3A_15 = arith.addf %mul3A_9, %add3A : vector<1000x128xf32>
    %get3A_16 = arith.constant 0 : index
    %get3A_17 = arith.constant 0 : index
    %get3A_18 = arith.constant 0 : index
    %get3A_19 = vector.load %arg4[%get3A_16, %get3A_17, %get3A_18] : memref<2x128x1xf32, #tpu.memory_space<vmem>>, vector<1x128x1xf32>
    %get3A_20 = vector.shape_cast %get3A_19 : vector<1x128x1xf32> to vector<128x1xf32>
    %dot_general3A = arith.constant dense<0.000000e+00> : vector<1000x1xf32>
    %dot_general3A_21 = tpu.matmul %add3A_15, %get3A_20, %dot_general3A {dimension_numbers = #tpu.dot_dimension_numbers<[1], [0], [0], [1], [0, 0, 1, 1], [], []>, transpose_lhs_hint = false} : vector<1000x128xf32>, vector<128x1xf32>, vector<1000x1xf32> -> vector<1000x1xf32>
    %get3A_22 = arith.constant 0 : index
    %get3A_23 = arith.constant 0 : index
    %get3A_24 = arith.constant 0 : index
    %get3A_25 = vector.load %arg5[%get3A_22, %get3A_23, %get3A_24] : memref<2x1x1xf32, #tpu.memory_space<vmem>>, vector<1x1x1xf32>
    %get3A_26 = vector.shape_cast %get3A_25 : vector<1x1x1xf32> to vector<1x1xf32>
    %add3A_27 = vector.broadcast %get3A_26 : vector<1x1xf32> to vector<1000x1xf32>
    %add3A_28 = arith.addf %dot_general3A_21, %add3A_27 : vector<1000x1xf32>
    %swap3A = arith.constant 0 : index
    %swap3A_29 = arith.constant 0 : index
    %swap3A_30 = vector.load %arg7[%swap3A, %swap3A_29] : memref<1000x1xf32, #tpu.memory_space<vmem>>, vector<1000x1xf32>
    tpu.vector_store %arg7[%swap3A, %swap3A_29], %add3A_28 {strides = array<i32>} : memref<1000x1xf32, #tpu.memory_space<vmem>>, vector<1000x1xf32>,
    %get3A_31 = arith.constant 1 : index
    %get3A_32 = arith.constant 0 : index
    %get3A_33 = arith.constant 0 : index
    %get3A_34 = vector.load %arg1[%get3A_31, %get3A_32, %get3A_33] : memref<2x1000x128xf32, #tpu.memory_space<vmem>>, vector<1x1000x128xf32>
    %get3A_35 = vector.shape_cast %get3A_34 : vector<1x1000x128xf32> to vector<1000x128xf32>
    %mul3A_36 = vector.broadcast %rsqrt3A : vector<1000x1xf32> to vector<1000x128xf32>
    %mul3A_37 = arith.mulf %get3A_35, %mul3A_36 : vector<1000x128xf32>
    %get3A_38 = arith.constant 1 : index
    %get3A_39 = arith.constant 0 : index
    %get3A_40 = arith.constant 0 : index
    %get3A_41 = vector.load %arg3[%get3A_38, %get3A_39, %get3A_40] : memref<2x1x128xf32, #tpu.memory_space<vmem>>, vector<1x1x128xf32>
    %get3A_42 = vector.shape_cast %get3A_41 : vector<1x1x128xf32> to vector<1x128xf32>
    %add3A_43 = vector.broadcast %get3A_42 : vector<1x128xf32> to vector<1000x128xf32>
    %add3A_44 = arith.addf %mul3A_37, %add3A_43 : vector<1000x128xf32>
    %get3A_45 = arith.constant 1 : index
    %get3A_46 = arith.constant 0 : index
    %get3A_47 = arith.constant 0 : index
    %get3A_48 = vector.load %arg4[%get3A_45, %get3A_46, %get3A_47] : memref<2x128x1xf32, #tpu.memory_space<vmem>>, vector<1x128x1xf32>
    %get3A_49 = vector.shape_cast %get3A_48 : vector<1x128x1xf32> to vector<128x1xf32>
    %dot_general3A_50 = arith.constant dense<0.000000e+00> : vector<1000x1xf32>
    %dot_general3A_51 = tpu.matmul %add3A_44, %get3A_49, %dot_general3A_50 {dimension_numbers = #tpu.dot_dimension_numbers<[1], [0], [0], [1], [0, 0, 1, 1], [], []>, transpose_lhs_hint = false} : vector<1000x128xf32>, vector<128x1xf32>, vector<1000x1xf32> -> vector<1000x1xf32>
    %get3A_52 = arith.constant 1 : index
    %get3A_53 = arith.constant 0 : index
    %get3A_54 = arith.constant 0 : index
    %get3A_55 = vector.load %arg5[%get3A_52, %get3A_53, %get3A_54] : memref<2x1x1xf32, #tpu.memory_space<vmem>>, vector<1x1x1xf32>
    %get3A_56 = vector.shape_cast %get3A_55 : vector<1x1x1xf32> to vector<1x1xf32>
    %add3A_57 = vector.broadcast %get3A_56 : vector<1x1xf32> to vector<1000x1xf32>
    %add3A_58 = arith.addf %dot_general3A_51, %add3A_57 : vector<1000x1xf32>
    %swap3A_59 = arith.constant 0 : index
    %swap3A_60 = arith.constant 0 : index
    %swap3A_61 = vector.load %arg6[%swap3A_59, %swap3A_60] : memref<1000x1xf32, #tpu.memory_space<vmem>>, vector<1000x1xf32>
    tpu.vector_store %arg6[%swap3A_59, %swap3A_60], %add3A_58 {strides = array<i32>} : memref<1000x1xf32, #tpu.memory_space<vmem>>, vector<1000x1xf32>,
    return
  }
  func.func @transform_0(%arg0: i32) -> (i32, i32, i32) {
    %c0_i32 = arith.constant 0 : i32
    %c0_i32_0 = arith.constant 0 : i32
    %c0_i32_1 = arith.constant 0 : i32
    return %c0_i32, %arg0, %c0_i32_0 : i32, i32, i32
  }
  func.func @transform_1(%arg0: i32) -> (i32, i32) {
    %c0_i32 = arith.constant 0 : i32
    %c0_i32_0 = arith.constant 0 : i32
    return %arg0, %c0_i32 : i32, i32
  }
  func.func @transform_2(%arg0: i32) -> (i32, i32, i32) {
    %c0_i32 = arith.constant 0 : i32
    %c0_i32_0 = arith.constant 0 : i32
    %c0_i32_1 = arith.constant 0 : i32
    %c0_i32_2 = arith.constant 0 : i32
    return %c0_i32, %c0_i32_0, %c0_i32_1 : i32, i32, i32
  }
  func.func @transform_3(%arg0: i32) -> (i32, i32, i32) {
    %c0_i32 = arith.constant 0 : i32
    %c0_i32_0 = arith.constant 0 : i32
    %c0_i32_1 = arith.constant 0 : i32
    %c0_i32_2 = arith.constant 0 : i32
    return %c0_i32, %c0_i32_0, %c0_i32_1 : i32, i32, i32
  }
  func.func @transform_4(%arg0: i32) -> (i32, i32, i32) {
    %c0_i32 = arith.constant 0 : i32
    %c0_i32_0 = arith.constant 0 : i32
    %c0_i32_1 = arith.constant 0 : i32
    %c0_i32_2 = arith.constant 0 : i32
    return %c0_i32, %c0_i32_0, %c0_i32_1 : i32, i32, i32
  }
  func.func @transform_5(%arg0: i32) -> (i32, i32) {
    %c0_i32 = arith.constant 0 : i32
    %c0_i32_0 = arith.constant 0 : i32
    return %arg0, %c0_i32 : i32, i32
  }
  func.func @transform_6(%arg0: i32) -> (i32, i32) {
    %c0_i32 = arith.constant 0 : i32
    %c0_i32_0 = arith.constant 0 : i32
    return %arg0, %c0_i32 : i32, i32
  }
}

</mosaic_0001>

<sc_bundles>
// kernel: kernel.11.cloned.1.call-start
scs
__scs_entry_jumppad:
0x0: {  	(pc) =	sbr.rel $0x88, $3  }
0x1: {  	(tag) =	ssettag $0x0;
	lr =	simm.s32 $0x1  }
0x2: {  	[smem:$0x3F93] =	sst lr;
	_ =	strace $0xD0000000  }
0x3: {  	_ = 	snop  }
0x4: {  	_ = 	snop  }
0x5: {  	_ = 	snop  }
0x6: {  	_ = 	snop  }
0x7: {  	_ = 	snop  }
__scs_overlays_trampoline_lowered:
0x8: {  	[smem:$0x3FA2] =	sst s0  }
0x9: {  	[smem:$0x3FA3] =	sst s1  }
0xa: {  	[smem:$0x3FA4] =	sst s2  }
0xb: {  	[smem:$0x3FA5] =	sst s3  }
0xc: {  	[smem:$0x3FA6] =	sst s4  }
0xd: {  	[smem:$0x3FA7] =	sst s5  }
0xe: {  	[smem:$0x3FA8] =	sst s6  }
0xf: {  	[smem:$0x3FA9] =	sst s7  }
0x10: {  	[smem:$0x3FAA] =	sst s8  }
0x11: {  	[smem:$0x3FAB] =	sst s9;
	s0 =	simm.s32 @!p0 $0x0  }
0x12: {  	s1 =	sld [smem:$0x3F91];
	s0 =	simm.s32 @p0 $0x1  }
0x13: {  	[smem:$0x3FAC] =	sst s0;
	s0 =	simm.s32 @!p1 $0x0  }
0x14: {  	s2 =	sld [smem:$0x3F90];
	s0 =	simm.s32 @p1 $0x1  }
0x15: {  	[smem:$0x3FAD] =	sst s0;
	s0 =	simm.s32 @!p2 $0x0  }
0x16: {  	s3 =	sld [smem:$0x3FDB];
	s0 =	simm.s32 @p2 $0x1  }
0x17: {  	s4 =	simm.s32 $0x1BF5;
	[smem:$0x3FAF] =	sst s0  }
0x18: {  	s0 =	sld [smem:$0x3F92];
	_ =	swait.ge [sflag:s4], $0x0  }
0x19: {  	s7 =	sld [smem:$0x3F93]  }
0x1a: {  	s8 =	sadd.s32 $0xFFFFE003, lr  }
0x1b: {  	s9 =	sadd.s32 $0xFFFFFEF7, lr;
	s5 =	simm.s32 $0xFFFFFFFF;
	p2 =	slt.u32 s8, $0xFFFFF086  }
0x1c: {  	p1 =	slt.u32 s9, $0xF7A;
	s5 =	simm.s32 @!p2 $0x0  }
0x1d: {  	s5 =	simm.s32 @p1 $0x1;
	p0 =	seq.s32 s7, s2  }
0x1e: {  	s7 =	smul.u32 @!p0 $0xF7A, s2;
	p2 =	seq.s32 @!p0 s5, $0x0  }
0x1f: {  	s9 =	smul.u32 $0xF7A, s1;
	s8 =	simm.s32 @!p0 $0x1BF5;
	p2 =	por !p2, p0  }
0x20: {  	[sflag:s8] =	ssyncset.s32 @!p0 $0xFFFFF086;
	s6 =	sadd.s32 @!p0 s3, s7;
	s7 =	simm.s32 @!p0 $0x108  }
0x21: {  	s3 =	sadd.s32 s3, s9;
	s6 =	sadd.s32 @!p0 $0x88, s6;
	s7 =	simm.s32 @p2 $0x1082  }
0x22: {  	[simem:s7], [sflag:s8] =	dma.local @!p0 [hbm:s6], $0xF7A  }
0x23: {  	s9 =	sor.u32 $0xD0000000, s2;
	s6 =	simm.s32 $0x108;
	_ =	swait.ge @!p0 [sflag:s8], $0x0  }
0x24: {  	s3 =	sadd.s32 $0x88, s3;
	s6 =	simm.s32 @!p1 $0x1082;
	[sflag:s4] =	ssyncset.s32 $0xFFFFF086  }
0x25: {  	[simem:s6], [sflag:s4] =	dma.local [hbm:s3], $0xF7A  }
0x26: {  	[smem:$0x3F93] =	sst s1;
	(tag) =	ssettag s2;
	_ =	strace s9  }
0x27: {  	s1 =	sld [smem:$0x3FA3]  }
0x28: {  	s2 =	sld [smem:$0x3FA4]  }
0x29: {  	s4 =	sld [smem:$0x3FA6]  }
0x2a: {  	p0 =	seq.s32 s5, $0x0;
	s5 =	sld [smem:$0x3FA7]  }
0x2b: {  	s6 =	sld [smem:$0x3FA8]  }
0x2c: {  	s7 =	sld [smem:$0x3FA9]  }
0x2d: {  	s3 =	simm.s32 $0x108;
	s8 =	sld [smem:$0x3FAA]  }
0x2e: {  	s3 =	simm.s32 @!p0 $0x1082;
	s9 =	sld [smem:$0x3FAB]  }
0x2f: {  	lr =	sadd.s32 s0, s3;
	s0 =	sld [smem:$0x3FA2]  }
0x30: {  	s3 =	sld [smem:$0x3FA5]  }
0x31: {  	[smem:$0x3FAE] =	sst s10  }
0x32: {  	s10 =	sld [smem:$0x3FAC];
	_ =	sdelay $0x3  }
0x33: {  	p0 =	seq.s32 s10, $0x1;
	s10 =	sld [smem:$0x3FAE];
	_ =	sdelay $0x3  }
0x34: {  	[smem:$0x3FAE] =	sst s10  }
0x35: {  	s10 =	sld [smem:$0x3FAD];
	_ =	sdelay $0x3  }
0x36: {  	p1 =	seq.s32 s10, $0x1;
	s10 =	sld [smem:$0x3FAE];
	_ =	sdelay $0x3  }
0x37: {  	[smem:$0x3FAE] =	sst s10  }
0x38: {  	s10 =	sld [smem:$0x3FAF]  }
0x39: {  	_ = 	snop;
	(pc) =	sbr.ind lr, $3  }
0x3a: {  	_ = 	snop  }
0x3b: {  	_ = 	snop  }
0x3c: {  	p2 =	seq.s32 s10, $0x1;
	s10 =	sld [smem:$0x3FAE]  }
0x3d: {  	_ =	shalt  }
0x3e: {  	_ =	shalt  }
0x3f: {  	_ =	shalt  }
0x40: {  	_ =	shalt  }
0x41: {  	_ =	shalt  }
0x42: {  	_ =	shalt  }
0x43: {  	_ =	shalt  }
0x44: {  	_ =	shalt  }
0x45: {  	_ =	shalt  }
0x46: {  	_ =	shalt  }
0x47: {  	_ =	shalt  }
0x48: {  	_ =	shalt  }
0x49: {  	_ =	shalt  }
0x4a: {  	_ =	shalt  }
0x4b: {  	_ =	shalt  }
0x4c: {  	_ =	shalt  }
0x4d: {  	_ =	shalt  }
0x4e: {  	_ =	shalt  }
0x4f: {  	_ =	shalt  }
0x50: {  	_ =	shalt  }
0x51: {  	_ =	shalt  }
0x52: {  	_ =	shalt  }
0x53: {  	_ =	shalt  }
0x54: {  	_ =	shalt  }
0x55: {  	_ =	shalt  }
0x56: {  	_ =	shalt  }
0x57: {  	_ =	shalt  }
0x58: {  	_ =	shalt  }
0x59: {  	_ =	shalt  }
0x5a: {  	_ =	shalt  }
0x5b: {  	_ =	shalt  }
0x5c: {  	_ =	shalt  }
0x5d: {  	_ =	shalt  }
0x5e: {  	_ =	shalt  }
0x5f: {  	_ =	shalt  }
0x60: {  	_ =	shalt  }
0x61: {  	_ =	shalt  }
0x62: {  	_ =	shalt  }
0x63: {  	_ =	shalt  }
0x64: {  	_ =	shalt  }
0x65: {  	_ =	shalt  }
0x66: {  	_ =	shalt  }
0x67: {  	_ =	shalt  }
0x68: {  	_ =	shalt  }
0x69: {  	_ =	shalt  }
0x6a: {  	_ =	shalt  }
0x6b: {  	_ =	shalt  }
0x6c: {  	_ =	shalt  }
0x6d: {  	_ =	shalt  }
0x6e: {  	_ =	shalt  }
0x6f: {  	_ =	shalt  }
0x70: {  	_ =	shalt  }
0x71: {  	_ =	shalt  }
0x72: {  	_ =	shalt  }
0x73: {  	_ =	shalt  }
0x74: {  	_ =	shalt  }
0x75: {  	_ =	shalt  }
0x76: {  	_ =	shalt  }
0x77: {  	_ =	shalt  }
0x78: {  	_ =	shalt  }
0x79: {  	_ =	shalt  }
0x7a: {  	_ =	shalt  }
0x7b: {  	_ =	shalt  }
0x7c: {  	_ =	shalt  }
0x7d: {  	_ =	shalt  }
0x7e: {  	_ =	shalt  }
0x7f: {  	_ =	shalt  }
0x80: {  	_ =	shalt  }
0x81: {  	_ =	shalt  }
0x82: {  	_ =	shalt  }
0x83: {  	_ =	shalt  }
0x84: {  	_ =	shalt  }
0x85: {  	_ =	shalt  }
0x86: {  	_ =	shalt  }
0x87: {  	_ =	shalt  }
.Lfunc_end0:
.L_simem_size_0:
called_computation.1_lowered:
.L_overlay_start_0:
0x88: {  	s2 =	sld [smem:$0x3FD9]  }
0x89: {  	s3 =	sld [smem:$0x3FFE];
	_ =	sdelay $0x1  }
0x8a: {  	s1 =	srdreg.scid  }
0x8b: {  	s0 =	sand.u32 $0x1, s1  }
0x8c: {  	s16 =	sshll.u32 s0, $0xA;
	s2 =	sadd.s32 s3, s2  }
0x8d: {  	s2 =	sadd.s32 s2, s16  }
0x8e: {  	[smem:$0x3FBA] =	sst s2  }
0x8f: {  	_ = 	snop  }
0x90: {  	(tm) =	ssettm $0x1  }
0x91: {  	s17 =	sld [smem:$0x3FFB];
	_ =	sdelay $0x3  }
0x92: {  	_ =	strace s17  }
0x93: {  	s2 =	sld [smem:$0x3FFC];
	_ =	sdelay $0x3  }
0x94: {  	_ =	strace s2  }
0x95: {  	s2 =	sld [smem:$0x3FFD];
	_ =	sdelay $0x3  }
0x96: {  	_ =	strace s2  }
0x97: {  	_ =	strace $0x8FFFFFFF  }
0x98: {  	s18 =	sld [smem:$0x3FDB];
	_ =	sdelay $0x1  }
0x99: {  	s19 =	simm.s32 $_scs_section_size  }
0x9a: {  	s4 =	simm.s32 $_size__tile_overlayer_lowered;
	s5 =	simm.s32 $_tile_overlayer_lowered  }
0x9b: {  	s22 =	simm.s32 $0x1BFF;
	s21 =	sshll.u32 s5, $0x1;
	s2 =	sadd.s32 s19, s18  }
0x9c: {  	s6 =	simm.s32 $0x0;
	s20 =	sshll.u32 s4, $0x1;
	s4 =	sadd.s32 s21, s2  }
0x9d: {  	[timem:s6], [sflag:s22] =	dma.local [hbm:s4], s20  }
0x9e: {  	_ =	swait.ge [sflag:s22], s20  }
0x9f: {  	s3 =	ssub.s32 $0x0, s20;
	[sflag:s22] =	ssyncset.done $0x0  }
0xa0: {  	[sflag:s22] =	ssyncadd.s32 s3;
	_ =	sdelay $0x1  }
0xa1: {  	s23 =	simm.s32 $0x1B8B  }
0xa2: {  	_ =	swait.ge [sflag:s23], $0x1  }
0xa3: {  	[sflag:s23] =	ssyncset.done $0x0  }
0xa4: {  	s25 =	simm.s32 $0x1B8E;
	s24 =	sld [smem:$0x3FFE];
	[sflag:s23] =	ssyncadd.s32 $0xFFFFFFFF  }
0xa5: {  	s26 =	simm.s32 $execute0_lowered;
	[smem:$0x3FD2] =	sst s25  }
0xa6: {  	s4 =	sshll.u32 s26, $0x1;
	_ =	strace $0x80000049;
	[dreg:$0x1] =	wrdreg $0xFFFFFFFF  }
0xa7: {  	s28 =	simm.s32 $_size_execute0_lowered;
	s2 =	sadd.s32 s2, s4;
	[dreg:$0x0] =	wrdreg $0x0  }
0xa8: {  	s4 =	sshll.u32 s28, $0x1;
	[dreg:$0x2] =	wrdreg s2  }
0xa9: {  	[dreg:$0x3] =	wrdreg s4  }
0xaa: {  	[dreg:$0x4] =	wrdreg $0xC0  }
0xab: {  	_ =	task [dreg:s6], $0x5FFFF  }
0xac: {  	[dreg:$0x1] =	wrdreg $0xFFFFFFFF  }
0xad: {  	[dreg:$0x0] =	wrdreg $0x60  }
0xae: {  	[dreg:$0x2] =	wrdreg s24  }
0xaf: {  	[dreg:$0x3] =	wrdreg $0xC6000  }
0xb0: {  	[dreg:$0x4] =	wrdreg $0x9  }
0xb1: {  	_ =	task.clear_ibuf [dreg:s6], $0x5FFFF;
	_ =	strace $0x90000049  }
0xb2: {  	s29 =	simm.s32 $0x9;
	_ =	strace $0x8000004B  }
0xb3: {  	_ =	swait.ge [sflag:s29], $0x1  }
0xb4: {  	[sflag:s29] =	ssyncadd.s32 $0xFFFFFFFF  }
0xb5: {  	_ =	strace $0x9000004B  }
0xb6: {  	_ =	sfence  }
0xb7: {  	s30 =	sld [smem:$0x0];
	_ =	sdelay $0x2  }
0xb8: {  	s31 =	sshll.u32 s1, $0xD;
	s1 =	sshrl.u32 s1, $0x2  }
0xb9: {  	s3 =	sand.u32 $0x4000, s31;
	s1 =	sadd.s32 s1, s30  }
0xba: {  	s0 =	sor.u32 s3, s0;
	s1 =	sshll.u32 s1, $0x11  }
0xbb: {  	s0 =	sor.u32 s1, s0  }
0xbc: {  	s0 =	sadd.s32 $0x8F2B, s0  }
0xbd: {  	[sflag:s0] =	ssyncadd.remote.s32 $0x1  }
0xbe: {  	_ =	sfence.sel $0xFFFF  }
0xbf: {  	[dreg:$0x0] =	wrdreg $0xFFFFFFFF;
	(pc) =	sbr.abs _section_cstart, $3  }
0xc0: {  	[dreg:$0x1] =	wrdreg $0xFFFFFFFF  }
0xc1: {  	_ =	task.clear_ibuf [dreg:s6], $0x2FFFF;
	_ =	strace $0x9FFFFFFF  }
0xc2: {  	(tm) =	ssettm $0x7FFFFFFF  }
0xc3: {  	_ =	shalt  }
tec
execute0_lowered:
.L_overlay_start_1:
0x0: {  	(tag) =	ssettag $0x1  }
0x1: {  	s0 =	rddreg [dreg:$0x0]  }
0x2: {  	s2 =	rddreg [dreg:$0x1]  }
0x3: {  	s1 =	srdreg.scid;
	s21 =	stileid.u32  }
0x4: {  	s13 =	simm.s32 $0x0;
	s28 =	simm.s32 $0x4;
	s29 =	simm.s32 $0x3  }
0x5: {  	s30 =	simm.s32 $0x280;
	s31 =	simm.s32 $0x5;
	s5 =	smul.u32 $0x1F400, s21  }
0x6: {  	s1 =	sand.u32 $0x1, s1;
	s3 =	sadd.s32 $0x16C00, s0;
	s10 =	smul.u32 $0x4E80, s21  }
0x7: {  	s6 =	sadd.s32 $0x82800, s0;
	s25 =	smul.u32 $0x9D0, s21;
	[smem:$0x7FF] =	sst s13  }
0x8: {  	s14 =	sadd.s32 $0x20A00, s0;
	p0 =	sgt.u32 s21, $0x9;
	s8 =	smul.u32 $0x138800, s1  }
0x9: {  	s4 =	ssub.s32 $0x2, s1;
	s15 =	sshll.u32 s1, $0x4;
	s1 =	smul.u32 $0x4E800, s1  }
0xa: {  	p2 =	sne.s32 @p0 s21, $0xA;
	s7 =	sshrl.u32 s4, $0x1;
	s9 =	sadd.s32 $0x4000, s5  }
0xb: {  	s16 =	sadd.s32 $0x8000, s5;
	s26 =	sshrl.u32 s10, $0x3;
	s11 =	sadd.s32 s5, s8  }
0xc: {  	p1 =	por p2, !p0;
	s12 =	sadd.s32 s8, s9;
	s11 =	sshrl.u32 s11, $0x3  }
0xd: {  	p2 =	por !p2, !p0;
	s12 =	sshrl.u32 s12, $0x3;
	s11 =	sadd.s32 s6, s11  }
0xe: {  	s18 =	sadd.s32 s8, s16;
	s17 =	sadd.s32 s6, s12;
	[dreg:$0x3] =	wrdreg s11  }
0xf: {  	s4 =	ssub.s32 s4, s7;
	[dreg:$0x4] =	wrdreg s17;
	s11 =	sshrl.u32 s18, $0x3  }
0x10: {  	s17 =	sadd.s32 $0xC000, s5;
	s18 =	sadd.s32 $0x10000, s5;
	s11 =	sadd.s32 s6, s11  }
0x11: {  	s19 =	sadd.s32 s8, s17;
	s20 =	sadd.s32 s8, s18;
	[dreg:$0x5] =	wrdreg s11  }
0x12: {  	s11 =	sshrl.u32 s19, $0x3;
	s12 =	sshrl.u32 s20, $0x3;
	s19 =	sadd.s32 $0x14000, s5  }
0x13: {  	s20 =	sadd.s32 $0x18000, s5;
	s11 =	sadd.s32 s6, s11;
	s23 =	sadd.s32 s8, s19  }
0x14: {  	s5 =	sadd.s32 $0x1C000, s5;
	[dreg:$0x6] =	wrdreg s11;
	s11 =	sshrl.u32 s23, $0x3  }
0x15: {  	s22 =	sadd.s32 s6, s12;
	s24 =	sadd.s32 s8, s20;
	s11 =	sadd.s32 s6, s11  }
0x16: {  	s8 =	sadd.s32 s8, s5;
	[dreg:$0x8] =	wrdreg s11;
	s11 =	sshrl.u32 s24, $0x3  }
0x17: {  	[dreg:$0x7] =	wrdreg s22;
	s8 =	sshrl.u32 s8, $0x3;
	s11 =	sadd.s32 s6, s11  }
0x18: {  	s7 =	smul.u32 $0x7D000, s21;
	s6 =	sadd.s32 s6, s8;
	[dreg:$0x9] =	wrdreg s11  }
0x19: {  	s1 =	sadd.s32 s10, s1;
	s22 =	sadd.s32 s9, s2;
	[dreg:$0xa] =	wrdreg s6  }
0x1a: {  	s23 =	sadd.s32 s16, s2;
	_ =	strace $0x8000004A;
	[dreg:$0xe] =	wrdreg s22  }
0x1b: {  	s10 =	sadd.s32 $0x480, s1;
	s24 =	sadd.s32 s17, s2;
	[dreg:$0xf] =	wrdreg s23  }
0x1c: {  	s12 =	sadd.s32 s25, s3;
	s25 =	sadd.s32 s18, s2;
	[dreg:$0x10] =	wrdreg s24  }
0x1d: {  	s8 =	sadd.s32 s3, s26;
	s26 =	sadd.s32 s19, s2;
	[dreg:$0x11] =	wrdreg s25  }
0x1e: {  	s4 =	smax.u32 s4, $0x1;
	s9 =	sadd.s32 s5, s2;
	[dreg:$0x12] =	wrdreg s26  }
0x1f: {  	s16 =	sadd.s32 $0x138800, s2;
	s5 =	simm.s32 $0x500;
	[dreg:$0x14] =	wrdreg s9  }
0x20: {  	s6 =	sor.u32 s21, s15;
	s15 =	sadd.s32 $0x34600, s0;
	[dreg:$0x15] =	wrdreg s4  }
0x21: {  	s0 =	sshrl.u32 s10, $0x3;
	s3 =	smul.u32 $0x4E80, s6;
	[dreg:$0x17] =	wrdreg s16  }
0x22: {  	s6 =	sshrl.u32 s7, $0x2;
	s7 =	sadd.s32 s20, s2;
	[dreg:$0xb] =	wrdreg s8  }
0x23: {  	s10 =	simm.s32 $0x300;
	s25 =	sadd.s32 $0x30, s8;
	[dreg:$0x13] =	wrdreg s7  }
0x24: {  	s26 =	sadd.s32 s0, s14;
	s6 =	sadd.s32 s6, s2;
	[smem:$0x7FD] =	sst s25  }
0x25: {  	s9 =	simm.s32 $0x180;
	s17 =	sadd.s32 $0x4000, s6;
	[dreg:$0xc] =	wrdreg s6  }
0x26: {  	s0 =	simm.s32 $0x380;
	s18 =	sadd.s32 $0x8000, s6;
	[dreg:$0x18] =	wrdreg s17  }
0x27: {  	s4 =	simm.s32 $0x400;
	s19 =	sadd.s32 $0xC000, s6;
	[dreg:$0x19] =	wrdreg s18  }
0x28: {  	s16 =	simm.s32 $0x0;
	s20 =	sadd.s32 $0x10000, s6;
	[dreg:$0x1a] =	wrdreg s19  }
0x29: {  	s25 =	simm.s32 $0x2;
	s21 =	sadd.s32 $0x14000, s6;
	[dreg:$0x1b] =	wrdreg s20  }
0x2a: {  	s11 =	sshrl.u32 s3, $0x3;
	s22 =	sadd.s32 $0x18000, s6;
	[dreg:$0x1c] =	wrdreg s21  }
0x2b: {  	s23 =	sadd.s32 $0x1C000, s6;
	s6 =	simm.s32 $0x580;
	[dreg:$0x1d] =	wrdreg s22  }
0x2c: {  	s3 =	sadd.s32 s14, s11;
	s11 =	sadd.s32 $0x300, s1;
	[dreg:$0x1e] =	wrdreg s23  }
.Ltmp0:
0x2d: {  	s18 =	simm.s32 $0x480;
	s19 =	simm.s32 $0x80;
	(pc) =	sbr.rel .LBB2_1-.Ltmp0, $4  }
0x2e: {  	s20 =	simm.s32 $0x600;
	s21 =	simm.s32 $0x4600;
	s22 =	simm.s32 $0x1  }
0x2f: {  	s23 =	simm.s32 $0x8;
	s17 =	simm.s32 $0x200;
	[dreg:$0x16] =	wrdreg s11  }
0x30: {  	s1 =	simm.s32 $0x7;
	[dreg:$0xd] =	wrdreg s3;
	s24 =	sadd.s32 $0x30, s3  }
0x31: {  	v0 =	vimm.f32 $0.0e+00;
	s11 =	simm.s32 $0x8600;
	s3 =	simm.s32 $0x6;
	[dreg:$0x1f] =	wrdreg s24  }
.LBB2_8:
0x32: {  	s16 =	sadd.s32 $0x1, s16;
	s7 =	rddreg [dreg:$0x15]  }
0x33: {  	p3 =	sne.s32 s16, s7  }
.Ltmp1:
0x34: {  	_ = 	snop;
	(pc) =	sbr.rel @!p3 .LBB2_9-.Ltmp1, $1  }
0x35: {  	_ =	sdelay $0x3  }
.LBB2_1:
0x36: {  	[smem:$0x7FC] =	sst s16;
	s7 =	simm.s32 $0x0;
	s8 =	simm.s32 $0x200  }
.LBB2_2:
0x37: {  	p3 =	sne.s32 s8, $0xFE00;
	[tilespmem:s7+$0x670] =	vst v0  }
0x38: {  	[tilespmem:s7+$0x600] =	vst v0  }
0x39: {  	[tilespmem:s7+$0x610] =	vst v0  }
.Ltmp2:
0x3a: {  	[tilespmem:s7+$0x620] =	vst v0;
	(pc) =	sbr.rel @p3 .LBB2_2-.Ltmp2, $4  }
0x3b: {  	[tilespmem:s7+$0x630] =	vst v0  }
0x3c: {  	[tilespmem:s7+$0x640] =	vst v0  }
0x3d: {  	[tilespmem:s7+$0x650] =	vst v0  }
0x3e: {  	[tilespmem:s7+$0x660] =	vst v0;
	s7 =	sshra.s32 s8, $0x2;
	s8 =	sadd.s32 $0x200, s8  }
0x3f: {  	[tilespmem:s7+$0x670] =	vst v0  }
0x40: {  	[tilespmem:s7+$0x600] =	vst v0  }
0x41: {  	[tilespmem:s7+$0x610] =	vst v0  }
0x42: {  	[tilespmem:s7+$0x620] =	vst v0  }
0x43: {  	[tilespmem:s7+$0x630] =	vst v0  }
0x44: {  	[tilespmem:s7+$0x640] =	vst v0  }
0x45: {  	[tilespmem:s7+$0x650] =	vst v0  }
0x46: {  	[tilespmem:s7+$0x660] =	vst v0;
	s7 =	simm.s32 @!p1 $0x600;
	s8 =	rddreg [dreg:$0x17]  }
0x47: {  	[spmem:s8] =	stream.linear.scatter @!p1 [tilespmem:s7], [sflag:$0x4], $0x400, $0x38;
	[tilespmem:$0x1FEC0] =	vst v63  }
0x48: {  	s7 =	simm.s32 @!p0 $0x600;
	s8 =	rddreg [dreg:$0xc]  }
0x49: {  	[spmem:s8] =	stream.linear.scatter @!p0 [tilespmem:s7], [sflag:$0x4], $0x4000, $0x38;
	[tilespmem:$0x1FEC0] =	vst v63  }
0x4a: {  	s8 =	rddreg [dreg:$0x18]  }
0x4b: {  	[spmem:s8] =	stream.linear.scatter @!p0 [tilespmem:s7], [sflag:$0x4], $0x4000, $0x38;
	[tilespmem:$0x1FEC0] =	vst v63  }
0x4c: {  	s8 =	rddreg [dreg:$0x19]  }
0x4d: {  	[spmem:s8] =	stream.linear.scatter @!p0 [tilespmem:s7], [sflag:$0x4], $0x4000, $0x38;
	[tilespmem:$0x1FEC0] =	vst v63  }
0x4e: {  	s8 =	rddreg [dreg:$0x1a]  }
0x4f: {  	[spmem:s8] =	stream.linear.scatter @!p0 [tilespmem:s7], [sflag:$0x4], $0x4000, $0x38;
	[tilespmem:$0x1FEC0] =	vst v63  }
0x50: {  	s8 =	rddreg [dreg:$0x1b]  }
0x51: {  	[spmem:s8] =	stream.linear.scatter @!p0 [tilespmem:s7], [sflag:$0x4], $0x4000, $0x38;
	[tilespmem:$0x1FEC0] =	vst v63  }
0x52: {  	s8 =	rddreg [dreg:$0x1c]  }
0x53: {  	[spmem:s8] =	stream.linear.scatter @!p0 [tilespmem:s7], [sflag:$0x4], $0x4000, $0x38;
	[tilespmem:$0x1FEC0] =	vst v63  }
0x54: {  	s8 =	rddreg [dreg:$0x1d]  }
0x55: {  	[spmem:s8] =	stream.linear.scatter @!p0 [tilespmem:s7], [sflag:$0x4], $0x4000, $0x38;
	[tilespmem:$0x1FEC0] =	vst v63  }
0x56: {  	s8 =	rddreg [dreg:$0x1e]  }
0x57: {  	[spmem:s8] =	stream.linear.scatter @!p0 [tilespmem:s7], [sflag:$0x4], $0x3400, $0x38;
	[tilespmem:$0x1FEC0] =	vst v63  }
0x58: {  	s16 =	simm.s32 $0x9;
	s8 =	rddreg [dreg:$0xd]  }
0x59: {  	[tilespmem:s13], [sflag:$0x9] =	stream.linear.gather [hbm4b:s8+s13], $0x180, $0x38;
	[tilespmem:$0x1FEC0] =	vst v63  }
0x5a: {  	_ =	swait.ge [sflag:s16], $0x180  }
0x5b: {  	[sflag:s16] =	ssyncset.done $0x0  }
0x5c: {  	s24 =	rddreg [dreg:$0xb];
	[sflag:s16] =	ssyncadd.s32 $0xFFFFFE80  }
0x5d: {  	[tilespmem:s9], [sflag:$0x9] =	stream.linear.gather [hbm4b:s24+s13], $0x180, $0x38;
	[tilespmem:$0x1FEC0] =	vst v63  }
0x5e: {  	_ =	swait.ge [sflag:s16], $0x180  }
0x5f: {  	[sflag:s16] =	ssyncset.done $0x0;
	s24 =	sld [smem:$0x7FD]  }
0x60: {  	[sflag:s16] =	ssyncadd.s32 $0xFFFFFE80;
	s16 =	rddreg [dreg:$0x1f]  }
0x61: {  	[tilespmem:s10], [sflag:$0x8] =	stream.linear.gather [hbm4b:s16+s13], $0x180, $0x38;
	[tilespmem:$0x1FEC0] =	vst v63  }
0x62: {  	s7 =	simm.s32 @!p0 $0x4  }
0x63: {  	[tilespmem:s18], [sflag:$0x8] =	stream.linear.gather [hbm4b:s24+s13], $0x180, $0x38;
	[tilespmem:$0x1FEC0] =	vst v63  }
0x64: {  	_ =	swait.ge @!p0 [sflag:s7], $0x4000  }
0x65: {  	[sflag:s7] =	ssyncset.done @!p0 $0x0  }
0x66: {  	[sflag:s7] =	ssyncadd.s32 @!p0 $0xFFFFC000  }
0x67: {  	_ =	swait.ge @!p0 [sflag:s7], $0x4000  }
0x68: {  	[sflag:s7] =	ssyncset.done @!p0 $0x0  }
0x69: {  	[sflag:s7] =	ssyncadd.s32 @!p0 $0xFFFFC000  }
0x6a: {  	_ =	swait.ge @!p0 [sflag:s7], $0x4000  }
0x6b: {  	[sflag:s7] =	ssyncset.done @!p0 $0x0  }
0x6c: {  	[sflag:s7] =	ssyncadd.s32 @!p0 $0xFFFFC000  }
0x6d: {  	_ =	swait.ge @!p0 [sflag:s7], $0x4000  }
0x6e: {  	[sflag:s7] =	ssyncset.done @!p0 $0x0  }
0x6f: {  	[sflag:s7] =	ssyncadd.s32 @!p0 $0xFFFFC000  }
0x70: {  	_ =	swait.ge @!p0 [sflag:s7], $0x4000  }
0x71: {  	[sflag:s7] =	ssyncset.done @!p0 $0x0  }
0x72: {  	[sflag:s7] =	ssyncadd.s32 @!p0 $0xFFFFC000  }
0x73: {  	_ =	swait.ge @!p0 [sflag:s7], $0x4000  }
0x74: {  	[sflag:s7] =	ssyncset.done @!p0 $0x0  }
0x75: {  	[sflag:s7] =	ssyncadd.s32 @!p0 $0xFFFFC000  }
0x76: {  	_ =	swait.ge @!p0 [sflag:s7], $0x4000  }
0x77: {  	[sflag:s7] =	ssyncset.done @!p0 $0x0  }
0x78: {  	p3 =	por @p0 $0x0, $0x0;
	p4 =	por @!p1 $0x1, $0x1;
	[sflag:s7] =	ssyncadd.s32 @!p0 $0xFFFFC000  }
0x79: {  	p4 =	por @!p2 p3, p3;
	p3 =	por @!p0 $0x0, $0x0;
	_ =	swait.ge @!p0 [sflag:s7], $0x3400  }
0x7a: {  	p4 =	por @!p0 p3, p3;
	[sflag:s7] =	ssyncset.done @!p0 $0x0  }
0x7b: {  	[sflag:s7] =	ssyncadd.s32 @!p0 $0xFFFFCC00;
	s7 =	simm.s32 @p4 $0x4  }
0x7c: {  	_ =	swait.ge @p4 [sflag:s7], $0x400  }
0x7d: {  	[sflag:s7] =	ssyncset.done @p4 $0x0  }
0x7e: {  	[sflag:s7] =	ssyncadd.s32 @p4 $0xFFFFFC00  }
0x7f: {  	s16 =	simm.s32 $0x0;
	[bflag:$0x0] =	sbarrier.arrive $0xFFFF  }
0x80: {  	[tilespmem:s20], [sflag:$0x1] =	stream.indirect.gather [hbm4b:s15+s19], $0x80, s16, s19, $0xb8;
	[tilespmem:$0x1FEC0] =	vst v63  }
0x81: {  	s7 =	rddreg [dreg:$0x16]  }
0x82: {  	[tilespmem:s21], [sflag:$0x2] =	stream.indirect.gather [hbm4b:s15+s19], $0x80, s19, s19, $0xb8;
	[tilespmem:$0x1FEC0] =	vst v63  }
.LBB2_4:
0x83: {  	_ =	swait.ge [sflag:s22], $0x4000  }
0x84: {  	[sflag:s22] =	ssyncset.done $0x0  }
0x85: {  	[sflag:s22] =	ssyncadd.s32 $0xFFFFC000  }
0x86: {  	[spmem:s2] =	stream.indirect.scatter.add.f32 [tilespmem:s20], [sflag:$0x4], $0x80, s9, s19, $0xb8;
	[tilespmem:$0x1FEC0] =	vst v63  }
0x87: {  	_ =	swait.ge [sflag:s23], $0x180  }
0x88: {  	[sflag:s23] =	ssyncset.done $0x0  }
0x89: {  	[sflag:s23] =	ssyncadd.s32 $0xFFFFFE80  }
0x8a: {  	_ =	swait.ge [sflag:s23], $0x180  }
0x8b: {  	p3 =	seq.s32 s16, $0x0;
	[sflag:s23] =	ssyncset.done $0x0  }
0x8c: {  	s8 =	simm.s32 @!p3 $0x6;
	[sflag:s23] =	ssyncadd.s32 $0xFFFFFE80  }
0x8d: {  	_ =	swait.ge @!p3 [sflag:s8], $0x4000  }
0x8e: {  	[sflag:s8] =	ssyncset.done @!p3 $0x0  }
0x8f: {  	s24 =	simm.s32 $0x100;
	[sflag:s8] =	ssyncadd.s32 @!p3 $0xFFFFC000  }
0x90: {  	[tilespmem:s11], [sflag:$0x3] =	stream.indirect.gather [hbm4b:s15+s19], $0x80, s24, s19, $0xb8;
	[tilespmem:$0x1FEC0] =	vst v63  }
0x91: {  	_ =	swait.ge [sflag:s25], $0x4000  }
0x92: {  	[sflag:s25] =	ssyncset.done $0x0  }
0x93: {  	[sflag:s25] =	ssyncadd.s32 $0xFFFFC000  }
0x94: {  	[spmem:s2] =	stream.indirect.scatter.add.f32 [tilespmem:s21], [sflag:$0x5], $0x80, s17, s19, $0xb8;
	[tilespmem:$0x1FEC0] =	vst v63  }
0x95: {  	_ =	swait.ge [sflag:s28], $0x4000  }
0x96: {  	[sflag:s28] =	ssyncset.done $0x0  }
0x97: {  	[sflag:s28] =	ssyncadd.s32 $0xFFFFC000  }
0x98: {  	[tilespmem:s20], [sflag:$0x1] =	stream.indirect.gather [hbm4b:s15+s19], $0x80, s10, s19, $0xb8;
	[tilespmem:$0x1FEC0] =	vst v63  }
0x99: {  	_ =	swait.ge [sflag:s29], $0x4000  }
0x9a: {  	[sflag:s29] =	ssyncset.done $0x0  }
0x9b: {  	[sflag:s29] =	ssyncadd.s32 $0xFFFFC000  }
0x9c: {  	[spmem:s2] =	stream.indirect.scatter.add.f32 [tilespmem:s11], [sflag:$0x6], $0x80, s30, s19, $0xb8;
	[tilespmem:$0x1FEC0] =	vst v63  }
0x9d: {  	_ =	swait.ge [sflag:s31], $0x4000  }
0x9e: {  	[sflag:s31] =	ssyncset.done $0x0  }
0x9f: {  	s24 =	sshrl.u32 s7, $0x3;
	[sflag:s31] =	ssyncadd.s32 $0xFFFFC000  }
0xa0: {  	[tilespmem:s21], [sflag:$0x2] =	stream.indirect.gather [hbm4b:s15+s19], $0x80, s0, s19, $0xb8;
	[tilespmem:$0x1FEC0] =	vst v63  }
0xa1: {  	s8 =	sadd.s32 s14, s24  }
0xa2: {  	[tilespmem:s13], [sflag:$0x7] =	stream.linear.gather [hbm4b:s8+s13], $0x180, $0x38;
	[tilespmem:$0x1FEC0] =	vst v63  }
0xa3: {  	s8 =	sadd.s32 s16, s12  }
0xa4: {  	s24 =	sadd.s32 $0x60, s8  }
0xa5: {  	[tilespmem:s9], [sflag:$0x7] =	stream.linear.gather [hbm4b:s24+s13], $0x180, $0x38;
	[tilespmem:$0x1FEC0] =	vst v63  }
0xa6: {  	_ =	swait.ge [sflag:s22], $0x4000  }
0xa7: {  	[sflag:s22] =	ssyncset.done $0x0  }
0xa8: {  	[sflag:s22] =	ssyncadd.s32 $0xFFFFC000  }
0xa9: {  	[spmem:s2] =	stream.indirect.scatter.add.f32 [tilespmem:s20], [sflag:$0x4], $0x80, s18, s19, $0xb8;
	[tilespmem:$0x1FEC0] =	vst v63  }
0xaa: {  	_ =	swait.ge [sflag:s1], $0x180  }
0xab: {  	[sflag:s1] =	ssyncset.done $0x0  }
0xac: {  	[sflag:s1] =	ssyncadd.s32 $0xFFFFFE80  }
0xad: {  	_ =	swait.ge [sflag:s1], $0x180  }
0xae: {  	[sflag:s1] =	ssyncset.done $0x0  }
0xaf: {  	[sflag:s1] =	ssyncadd.s32 $0xFFFFFE80  }
0xb0: {  	_ =	swait.ge [sflag:s3], $0x4000  }
0xb1: {  	[sflag:s3] =	ssyncset.done $0x0  }
0xb2: {  	[sflag:s3] =	ssyncadd.s32 $0xFFFFC000  }
0xb3: {  	[tilespmem:s11], [sflag:$0x3] =	stream.indirect.gather [hbm4b:s15+s19], $0x80, s4, s19, $0xb8;
	[tilespmem:$0x1FEC0] =	vst v63  }
0xb4: {  	_ =	swait.ge [sflag:s25], $0x4000  }
0xb5: {  	[sflag:s25] =	ssyncset.done $0x0  }
0xb6: {  	[sflag:s25] =	ssyncadd.s32 $0xFFFFC000  }
0xb7: {  	[spmem:s2] =	stream.indirect.scatter.add.f32 [tilespmem:s21], [sflag:$0x5], $0x80, s5, s19, $0xb8;
	[tilespmem:$0x1FEC0] =	vst v63  }
0xb8: {  	_ =	swait.ge [sflag:s28], $0x4000  }
0xb9: {  	[sflag:s28] =	ssyncset.done $0x0  }
0xba: {  	[sflag:s28] =	ssyncadd.s32 $0xFFFFC000  }
0xbb: {  	[tilespmem:s20], [sflag:$0x1] =	stream.indirect.gather [hbm4b:s15+s19], $0x80, s13, s19, $0xb8;
	[tilespmem:$0x1FEC0] =	vst v63  }
0xbc: {  	_ =	swait.ge [sflag:s29], $0x4000  }
0xbd: {  	p3 =	seq.s32 s16, $0x960;
	[sflag:s29] =	ssyncset.done $0x0  }
.Ltmp3:
0xbe: {  	[sflag:s29] =	ssyncadd.s32 $0xFFFFC000;
	(pc) =	sbr.rel @p3 .LBB2_6-.Ltmp3, $4  }
0xbf: {  	[spmem:s2] =	stream.indirect.scatter.add.f32 [tilespmem:s11], [sflag:$0x6], $0x80, s6, s19, $0xb8;
	[tilespmem:$0x1FEC0] =	vst v63  }
0xc0: {  	_ =	swait.ge [sflag:s31], $0x4000  }
0xc1: {  	[sflag:s31] =	ssyncset.done $0x0  }
0xc2: {  	[sflag:s31] =	ssyncadd.s32 $0xFFFFC000  }
0xc3: {  	[tilespmem:s21], [sflag:$0x2] =	stream.indirect.gather [hbm4b:s15+s19], $0x80, s19, s19, $0xb8;
	[tilespmem:$0x1FEC0] =	vst v63  }
.Ltmp4:
0xc4: {  	_ = 	snop;
	(pc) =	sbr.rel .LBB2_4-.Ltmp4, $4  }
0xc5: {  	s24 =	sadd.s32 s16, s26  }
0xc6: {  	[tilespmem:s10], [sflag:$0x8] =	stream.linear.gather [hbm4b:s24+s13], $0x180, $0x38;
	[tilespmem:$0x1FEC0] =	vst v63  }
0xc7: {  	s8 =	sadd.s32 $0x90, s8;
	s16 =	sadd.s32 $0x60, s16;
	s7 =	sadd.s32 $0x300, s7  }
0xc8: {  	[tilespmem:s18], [sflag:$0x8] =	stream.linear.gather [hbm4b:s8+s13], $0x180, $0x38;
	[tilespmem:$0x1FEC0] =	vst v63  }
.LBB2_6:
0xc9: {  	_ =	swait.ge [sflag:s22], $0x4000  }
0xca: {  	[sflag:s22] =	ssyncset.done $0x0  }
0xcb: {  	[sflag:s22] =	ssyncadd.s32 $0xFFFFC000  }
0xcc: {  	[spmem:s2] =	stream.indirect.scatter.add.f32 [tilespmem:s20], [sflag:$0x4], $0x80, s9, s19, $0xb8;
	[tilespmem:$0x1FEC0] =	vst v63  }
0xcd: {  	_ =	swait.ge [sflag:s3], $0x4000  }
0xce: {  	[sflag:s3] =	ssyncset.done $0x0  }
0xcf: {  	[sflag:s3] =	ssyncadd.s32 $0xFFFFC000  }
0xd0: {  	_ =	swait.ge [sflag:s28], $0x4000  }
0xd1: {  	[sflag:s28] =	ssyncset.done $0x0  }
.Ltmp5:
0xd2: {  	[sflag:s28] =	ssyncadd.s32 $0xFFFFC000;
	(pc) =	sbr.rel @p0 .LBB2_8-.Ltmp5, $2  }
0xd3: {  	[bflag:$0x0] =	sbarrier.arrive $0xFFFF  }
0xd4: {  	s16 =	sld [smem:$0x7FC];
	_ =	sdelay $0x2  }
0xd5: {  	s7 =	rddreg [dreg:$0xc];
	s8 =	simm.s32 $0x9  }
0xd6: {  	[tilespmem:s20], [sflag:$0x9] =	stream.linear.gather [spmem:s7], $0x4000, $0x38;
	[tilespmem:$0x1FEC0] =	vst v63  }
0xd7: {  	_ =	swait.ge [sflag:s8], $0x4000  }
0xd8: {  	[sflag:s8] =	ssyncset.done $0x0  }
0xd9: {  	s24 =	rddreg [dreg:$0x3];
	[sflag:s8] =	ssyncadd.s32 $0xFFFFC000  }
0xda: {  	[hbm4b:s24+s13] =	stream.linear.scatter [tilespmem:s20], [sflag:$0x1], $0x4000, $0x38;
	[tilespmem:$0x1FEC0] =	vst v63  }
0xdb: {  	s24 =	rddreg [dreg:$0xe]  }
0xdc: {  	[tilespmem:s21], [sflag:$0x9] =	stream.linear.gather [spmem:s24], $0x4000, $0x38;
	[tilespmem:$0x1FEC0] =	vst v63  }
0xdd: {  	_ =	swait.ge [sflag:s8], $0x4000  }
0xde: {  	[sflag:s8] =	ssyncset.done $0x0  }
0xdf: {  	s24 =	rddreg [dreg:$0x4];
	[sflag:s8] =	ssyncadd.s32 $0xFFFFC000  }
0xe0: {  	[hbm4b:s24+s13] =	stream.linear.scatter [tilespmem:s21], [sflag:$0x2], $0x4000, $0x38;
	[tilespmem:$0x1FEC0] =	vst v63  }
0xe1: {  	_ =	swait.ge [sflag:s22], $0x4000  }
0xe2: {  	[sflag:s22] =	ssyncset.done $0x0  }
0xe3: {  	s24 =	rddreg [dreg:$0xf];
	[sflag:s22] =	ssyncadd.s32 $0xFFFFC000  }
0xe4: {  	[tilespmem:s20], [sflag:$0x9] =	stream.linear.gather [spmem:s24], $0x4000, $0x38;
	[tilespmem:$0x1FEC0] =	vst v63  }
0xe5: {  	_ =	swait.ge [sflag:s8], $0x4000  }
0xe6: {  	[sflag:s8] =	ssyncset.done $0x0  }
0xe7: {  	s24 =	rddreg [dreg:$0x5];
	[sflag:s8] =	ssyncadd.s32 $0xFFFFC000  }
0xe8: {  	[hbm4b:s24+s13] =	stream.linear.scatter [tilespmem:s20], [sflag:$0x1], $0x4000, $0x38;
	[tilespmem:$0x1FEC0] =	vst v63  }
0xe9: {  	_ =	swait.ge [sflag:s25], $0x4000  }
0xea: {  	[sflag:s25] =	ssyncset.done $0x0  }
0xeb: {  	s24 =	rddreg [dreg:$0x10];
	[sflag:s25] =	ssyncadd.s32 $0xFFFFC000  }
0xec: {  	[tilespmem:s21], [sflag:$0x9] =	stream.linear.gather [spmem:s24], $0x4000, $0x38;
	[tilespmem:$0x1FEC0] =	vst v63  }
0xed: {  	_ =	swait.ge [sflag:s8], $0x4000  }
0xee: {  	[sflag:s8] =	ssyncset.done $0x0  }
0xef: {  	s24 =	rddreg [dreg:$0x6];
	[sflag:s8] =	ssyncadd.s32 $0xFFFFC000  }
0xf0: {  	[hbm4b:s24+s13] =	stream.linear.scatter [tilespmem:s21], [sflag:$0x2], $0x4000, $0x38;
	[tilespmem:$0x1FEC0] =	vst v63  }
0xf1: {  	_ =	swait.ge [sflag:s22], $0x4000  }
0xf2: {  	[sflag:s22] =	ssyncset.done $0x0  }
0xf3: {  	s24 =	rddreg [dreg:$0x11];
	[sflag:s22] =	ssyncadd.s32 $0xFFFFC000  }
0xf4: {  	[tilespmem:s20], [sflag:$0x9] =	stream.linear.gather [spmem:s24], $0x4000, $0x38;
	[tilespmem:$0x1FEC0] =	vst v63  }
0xf5: {  	_ =	swait.ge [sflag:s8], $0x4000  }
0xf6: {  	[sflag:s8] =	ssyncset.done $0x0  }
0xf7: {  	s24 =	rddreg [dreg:$0x7];
	[sflag:s8] =	ssyncadd.s32 $0xFFFFC000  }
0xf8: {  	[hbm4b:s24+s13] =	stream.linear.scatter [tilespmem:s20], [sflag:$0x1], $0x4000, $0x38;
	[tilespmem:$0x1FEC0] =	vst v63  }
0xf9: {  	_ =	swait.ge [sflag:s25], $0x4000  }
0xfa: {  	[sflag:s25] =	ssyncset.done $0x0  }
0xfb: {  	s24 =	rddreg [dreg:$0x12];
	[sflag:s25] =	ssyncadd.s32 $0xFFFFC000  }
0xfc: {  	[tilespmem:s21], [sflag:$0x9] =	stream.linear.gather [spmem:s24], $0x4000, $0x38;
	[tilespmem:$0x1FEC0] =	vst v63  }
0xfd: {  	_ =	swait.ge [sflag:s8], $0x4000  }
0xfe: {  	[sflag:s8] =	ssyncset.done $0x0  }
0xff: {  	s24 =	rddreg [dreg:$0x8];
	[sflag:s8] =	ssyncadd.s32 $0xFFFFC000  }
0x100: {  	[hbm4b:s24+s13] =	stream.linear.scatter [tilespmem:s21], [sflag:$0x2], $0x4000, $0x38;
	[tilespmem:$0x1FEC0] =	vst v63  }
0x101: {  	_ =	swait.ge [sflag:s22], $0x4000  }
0x102: {  	[sflag:s22] =	ssyncset.done $0x0  }
0x103: {  	s24 =	rddreg [dreg:$0x13];
	[sflag:s22] =	ssyncadd.s32 $0xFFFFC000  }
0x104: {  	[tilespmem:s20], [sflag:$0x9] =	stream.linear.gather [spmem:s24], $0x4000, $0x38;
	[tilespmem:$0x1FEC0] =	vst v63  }
0x105: {  	_ =	swait.ge [sflag:s8], $0x4000  }
0x106: {  	[sflag:s8] =	ssyncset.done $0x0  }
0x107: {  	s24 =	rddreg [dreg:$0x9];
	[sflag:s8] =	ssyncadd.s32 $0xFFFFC000  }
0x108: {  	[hbm4b:s24+s13] =	stream.linear.scatter [tilespmem:s20], [sflag:$0x1], $0x4000, $0x38;
	[tilespmem:$0x1FEC0] =	vst v63  }
0x109: {  	_ =	swait.ge [sflag:s25], $0x4000  }
0x10a: {  	[sflag:s25] =	ssyncset.done $0x0  }
0x10b: {  	s24 =	rddreg [dreg:$0x14];
	[sflag:s25] =	ssyncadd.s32 $0xFFFFC000  }
0x10c: {  	[tilespmem:s21], [sflag:$0x9] =	stream.linear.gather [spmem:s24], $0x3400, $0x38;
	[tilespmem:$0x1FEC0] =	vst v63  }
0x10d: {  	_ =	swait.ge [sflag:s8], $0x3400  }
0x10e: {  	[sflag:s8] =	ssyncset.done $0x0  }
0x10f: {  	s24 =	rddreg [dreg:$0xa];
	[sflag:s8] =	ssyncadd.s32 $0xFFFFCC00  }
0x110: {  	[hbm4b:s24+s13] =	stream.linear.scatter [tilespmem:s21], [sflag:$0x2], $0x3400, $0x38;
	[tilespmem:$0x1FEC0] =	vst v63  }
0x111: {  	_ =	swait.ge [sflag:s22], $0x4000  }
.Ltmp6:
0x112: {  	[sflag:s22] =	ssyncset.done $0x0;
	(pc) =	sbr.rel .LBB2_8-.Ltmp6, $4  }
0x113: {  	[sflag:s22] =	ssyncadd.s32 $0xFFFFC000  }
0x114: {  	_ =	swait.ge [sflag:s25], $0x3400  }
0x115: {  	[sflag:s25] =	ssyncset.done $0x0  }
0x116: {  	[sflag:s25] =	ssyncadd.s32 $0xFFFFCC00  }
.LBB2_9:
0x117: {  	_ =	sfence.sel $0x180000  }
0x118: {  	[bflag:$0x0] =	sbarrier.arrive $0xFFFF  }
0x119: {  	_ =	strace $0x9000004A  }
0x11a: {  	s0 =	stileid.u32;
	[bflag:$0x2] =	sbarrier.arrive $0xFFFF  }
0x11b: {  	p0 =	sne.s32 s0, $0x0;
	s0 =	rddreg [dreg:$0x2]  }
0x11c: {  	s0 =	sadd.s32 @!p0 $0x100000, s0  }
0x11d: {  	[sflag:s0] =	ssyncadd.tile.s32 @!p0 $0x1;
	_ =	shalt  }
.Lfunc_end2:
_tile_overlayer_lowered:
.L_overlay_start_2:
0x11e: {  	(tag) =	ssettag $0x2  }
0x11f: {  	s0 =	rddreg [dreg:$0x0];
	s2 =	stileid.u32  }
0x120: {  	s1 =	rddreg [dreg:$0x1];
	p0 =	sne.s32 s2, $0x0  }
0x121: {  	s3 =	rddreg [dreg:$0x2];
	[bflag:$0x3] =	sbarrier.arrive $0xFFFF;
	s2 =	simm.s32 @!p0 $0x1C09  }
0x122: {  	[timem:s3], [sflag:s2] =	dma.local @!p0 [hbm:s0], s1  }
0x123: {  	s0 =	simm.s32 @!p0 $0x9  }
0x124: {  	_ =	swait.ge @!p0 [sflag:s0], s1  }
0x125: {  	s1 =	ssub.s32 @!p0 $0x0, s1;
	[sflag:s0] =	ssyncset.done @!p0 $0x0  }
0x126: {  	[sflag:s0] =	ssyncadd.s32 @!p0 s1  }
0x127: {  	[bflag:$0x3] =	sbarrier.arrive $0xFFFF  }
0x128: {  	_ =	shalt  }

// kernel: kernel.14.cloned.1.call-start
scs
__scs_entry_jumppad:
0x0: {  	(pc) =	sbr.rel $0x88, $3  }
0x1: {  	(tag) =	ssettag $0x0;
	lr =	simm.s32 $0x1  }
0x2: {  	[smem:$0x3F93] =	sst lr;
	_ =	strace $0xD0000000  }
0x3: {  	_ = 	snop  }
0x4: {  	_ = 	snop  }
0x5: {  	_ = 	snop  }
0x6: {  	_ = 	snop  }
0x7: {  	_ = 	snop  }
__scs_overlays_trampoline_lowered:
0x8: {  	[smem:$0x3FA2] =	sst s0  }
0x9: {  	[smem:$0x3FA3] =	sst s1  }
0xa: {  	[smem:$0x3FA4] =	sst s2  }
0xb: {  	[smem:$0x3FA5] =	sst s3  }
0xc: {  	[smem:$0x3FA6] =	sst s4  }
0xd: {  	[smem:$0x3FA7] =	sst s5  }
0xe: {  	[smem:$0x3FA8] =	sst s6  }
0xf: {  	[smem:$0x3FA9] =	sst s7  }
0x10: {  	[smem:$0x3FAA] =	sst s8  }
0x11: {  	[smem:$0x3FAB] =	sst s9;
	s0 =	simm.s32 @!p0 $0x0  }
0x12: {  	s1 =	sld [smem:$0x3F91];
	s0 =	simm.s32 @p0 $0x1  }
0x13: {  	[smem:$0x3FAC] =	sst s0;
	s0 =	simm.s32 @!p1 $0x0  }
0x14: {  	s2 =	sld [smem:$0x3F90];
	s0 =	simm.s32 @p1 $0x1  }
0x15: {  	[smem:$0x3FAD] =	sst s0;
	s0 =	simm.s32 @!p2 $0x0  }
0x16: {  	s3 =	sld [smem:$0x3FDB];
	s0 =	simm.s32 @p2 $0x1  }
0x17: {  	s4 =	simm.s32 $0x1BF5;
	[smem:$0x3FAF] =	sst s0  }
0x18: {  	s0 =	sld [smem:$0x3F92];
	_ =	swait.ge [sflag:s4], $0x0  }
0x19: {  	s7 =	sld [smem:$0x3F93]  }
0x1a: {  	s8 =	sadd.s32 $0xFFFFE003, lr  }
0x1b: {  	s9 =	sadd.s32 $0xFFFFFEF7, lr;
	s5 =	simm.s32 $0xFFFFFFFF;
	p2 =	slt.u32 s8, $0xFFFFF086  }
0x1c: {  	p1 =	slt.u32 s9, $0xF7A;
	s5 =	simm.s32 @!p2 $0x0  }
0x1d: {  	s5 =	simm.s32 @p1 $0x1;
	p0 =	seq.s32 s7, s2  }
0x1e: {  	s7 =	smul.u32 @!p0 $0xF7A, s2;
	p2 =	seq.s32 @!p0 s5, $0x0  }
0x1f: {  	s9 =	smul.u32 $0xF7A, s1;
	s8 =	simm.s32 @!p0 $0x1BF5;
	p2 =	por !p2, p0  }
0x20: {  	[sflag:s8] =	ssyncset.s32 @!p0 $0xFFFFF086;
	s6 =	sadd.s32 @!p0 s3, s7;
	s7 =	simm.s32 @!p0 $0x108  }
0x21: {  	s3 =	sadd.s32 s3, s9;
	s6 =	sadd.s32 @!p0 $0x88, s6;
	s7 =	simm.s32 @p2 $0x1082  }
0x22: {  	[simem:s7], [sflag:s8] =	dma.local @!p0 [hbm:s6], $0xF7A  }
0x23: {  	s9 =	sor.u32 $0xD0000000, s2;
	s6 =	simm.s32 $0x108;
	_ =	swait.ge @!p0 [sflag:s8], $0x0  }
0x24: {  	s3 =	sadd.s32 $0x88, s3;
	s6 =	simm.s32 @!p1 $0x1082;
	[sflag:s4] =	ssyncset.s32 $0xFFFFF086  }
0x25: {  	[simem:s6], [sflag:s4] =	dma.local [hbm:s3], $0xF7A  }
0x26: {  	[smem:$0x3F93] =	sst s1;
	(tag) =	ssettag s2;
	_ =	strace s9  }
0x27: {  	s1 =	sld [smem:$0x3FA3]  }
0x28: {  	s2 =	sld [smem:$0x3FA4]  }
0x29: {  	s4 =	sld [smem:$0x3FA6]  }
0x2a: {  	p0 =	seq.s32 s5, $0x0;
	s5 =	sld [smem:$0x3FA7]  }
0x2b: {  	s6 =	sld [smem:$0x3FA8]  }
0x2c: {  	s7 =	sld [smem:$0x3FA9]  }
0x2d: {  	s3 =	simm.s32 $0x108;
	s8 =	sld [smem:$0x3FAA]  }
0x2e: {  	s3 =	simm.s32 @!p0 $0x1082;
	s9 =	sld [smem:$0x3FAB]  }
0x2f: {  	lr =	sadd.s32 s0, s3;
	s0 =	sld [smem:$0x3FA2]  }
0x30: {  	s3 =	sld [smem:$0x3FA5]  }
0x31: {  	[smem:$0x3FAE] =	sst s10  }
0x32: {  	s10 =	sld [smem:$0x3FAC];
	_ =	sdelay $0x3  }
0x33: {  	p0 =	seq.s32 s10, $0x1;
	s10 =	sld [smem:$0x3FAE];
	_ =	sdelay $0x3  }
0x34: {  	[smem:$0x3FAE] =	sst s10  }
0x35: {  	s10 =	sld [smem:$0x3FAD];
	_ =	sdelay $0x3  }
0x36: {  	p1 =	seq.s32 s10, $0x1;
	s10 =	sld [smem:$0x3FAE];
	_ =	sdelay $0x3  }
0x37: {  	[smem:$0x3FAE] =	sst s10  }
0x38: {  	s10 =	sld [smem:$0x3FAF]  }
0x39: {  	_ = 	snop;
	(pc) =	sbr.ind lr, $3  }
0x3a: {  	_ = 	snop  }
0x3b: {  	_ = 	snop  }
0x3c: {  	p2 =	seq.s32 s10, $0x1;
	s10 =	sld [smem:$0x3FAE]  }
0x3d: {  	_ =	shalt  }
0x3e: {  	_ =	shalt  }
0x3f: {  	_ =	shalt  }
0x40: {  	_ =	shalt  }
0x41: {  	_ =	shalt  }
0x42: {  	_ =	shalt  }
0x43: {  	_ =	shalt  }
0x44: {  	_ =	shalt  }
0x45: {  	_ =	shalt  }
0x46: {  	_ =	shalt  }
0x47: {  	_ =	shalt  }
0x48: {  	_ =	shalt  }
0x49: {  	_ =	shalt  }
0x4a: {  	_ =	shalt  }
0x4b: {  	_ =	shalt  }
0x4c: {  	_ =	shalt  }
0x4d: {  	_ =	shalt  }
0x4e: {  	_ =	shalt  }
0x4f: {  	_ =	shalt  }
0x50: {  	_ =	shalt  }
0x51: {  	_ =	shalt  }
0x52: {  	_ =	shalt  }
0x53: {  	_ =	shalt  }
0x54: {  	_ =	shalt  }
0x55: {  	_ =	shalt  }
0x56: {  	_ =	shalt  }
0x57: {  	_ =	shalt  }
0x58: {  	_ =	shalt  }
0x59: {  	_ =	shalt  }
0x5a: {  	_ =	shalt  }
0x5b: {  	_ =	shalt  }
0x5c: {  	_ =	shalt  }
0x5d: {  	_ =	shalt  }
0x5e: {  	_ =	shalt  }
0x5f: {  	_ =	shalt  }
0x60: {  	_ =	shalt  }
0x61: {  	_ =	shalt  }
0x62: {  	_ =	shalt  }
0x63: {  	_ =	shalt  }
0x64: {  	_ =	shalt  }
0x65: {  	_ =	shalt  }
0x66: {  	_ =	shalt  }
0x67: {  	_ =	shalt  }
0x68: {  	_ =	shalt  }
0x69: {  	_ =	shalt  }
0x6a: {  	_ =	shalt  }
0x6b: {  	_ =	shalt  }
0x6c: {  	_ =	shalt  }
0x6d: {  	_ =	shalt  }
0x6e: {  	_ =	shalt  }
0x6f: {  	_ =	shalt  }
0x70: {  	_ =	shalt  }
0x71: {  	_ =	shalt  }
0x72: {  	_ =	shalt  }
0x73: {  	_ =	shalt  }
0x74: {  	_ =	shalt  }
0x75: {  	_ =	shalt  }
0x76: {  	_ =	shalt  }
0x77: {  	_ =	shalt  }
0x78: {  	_ =	shalt  }
0x79: {  	_ =	shalt  }
0x7a: {  	_ =	shalt  }
0x7b: {  	_ =	shalt  }
0x7c: {  	_ =	shalt  }
0x7d: {  	_ =	shalt  }
0x7e: {  	_ =	shalt  }
0x7f: {  	_ =	shalt  }
0x80: {  	_ =	shalt  }
0x81: {  	_ =	shalt  }
0x82: {  	_ =	shalt  }
0x83: {  	_ =	shalt  }
0x84: {  	_ =	shalt  }
0x85: {  	_ =	shalt  }
0x86: {  	_ =	shalt  }
0x87: {  	_ =	shalt  }
.Lfunc_end0:
.L_simem_size_0:
called_computation.2_lowered:
.L_overlay_start_0:
0x88: {  	s2 =	sld [smem:$0x3FD9]  }
0x89: {  	s3 =	sld [smem:$0x3FFE];
	_ =	sdelay $0x1  }
0x8a: {  	s1 =	srdreg.scid  }
0x8b: {  	s0 =	sand.u32 $0x1, s1  }
0x8c: {  	s16 =	sshll.u32 s0, $0xA;
	s2 =	sadd.s32 s3, s2  }
0x8d: {  	s2 =	sadd.s32 s2, s16  }
0x8e: {  	[smem:$0x3FBA] =	sst s2  }
0x8f: {  	_ = 	snop  }
0x90: {  	(tm) =	ssettm $0x1  }
0x91: {  	s17 =	sld [smem:$0x3FFB];
	_ =	sdelay $0x3  }
0x92: {  	_ =	strace s17  }
0x93: {  	s2 =	sld [smem:$0x3FFC];
	_ =	sdelay $0x3  }
0x94: {  	_ =	strace s2  }
0x95: {  	s2 =	sld [smem:$0x3FFD];
	_ =	sdelay $0x3  }
0x96: {  	_ =	strace s2  }
0x97: {  	_ =	strace $0x8FFFFFFF  }
0x98: {  	s18 =	sld [smem:$0x3FDB];
	_ =	sdelay $0x1  }
0x99: {  	s19 =	simm.s32 $_scs_section_size  }
0x9a: {  	s4 =	simm.s32 $_size__tile_overlayer_lowered;
	s5 =	simm.s32 $_tile_overlayer_lowered  }
0x9b: {  	s22 =	simm.s32 $0x1BFF;
	s21 =	sshll.u32 s5, $0x1;
	s2 =	sadd.s32 s19, s18  }
0x9c: {  	s6 =	simm.s32 $0x0;
	s20 =	sshll.u32 s4, $0x1;
	s4 =	sadd.s32 s21, s2  }
0x9d: {  	[timem:s6], [sflag:s22] =	dma.local [hbm:s4], s20  }
0x9e: {  	_ =	swait.ge [sflag:s22], s20  }
0x9f: {  	s3 =	ssub.s32 $0x0, s20;
	[sflag:s22] =	ssyncset.done $0x0  }
0xa0: {  	[sflag:s22] =	ssyncadd.s32 s3;
	_ =	sdelay $0x1  }
0xa1: {  	s23 =	simm.s32 $0x1B8B  }
0xa2: {  	_ =	swait.ge [sflag:s23], $0x1  }
0xa3: {  	[sflag:s23] =	ssyncset.done $0x0  }
0xa4: {  	s25 =	simm.s32 $0x1B8E;
	s24 =	sld [smem:$0x3FFE];
	[sflag:s23] =	ssyncadd.s32 $0xFFFFFFFF  }
0xa5: {  	s26 =	simm.s32 $execute0_lowered;
	[smem:$0x3FD2] =	sst s25  }
0xa6: {  	s4 =	sshll.u32 s26, $0x1;
	_ =	strace $0x8000004C;
	[dreg:$0x1] =	wrdreg $0xFFFFFFFF  }
0xa7: {  	s28 =	simm.s32 $_size_execute0_lowered;
	s2 =	sadd.s32 s2, s4;
	[dreg:$0x0] =	wrdreg $0x0  }
0xa8: {  	s4 =	sshll.u32 s28, $0x1;
	[dreg:$0x2] =	wrdreg s2  }
0xa9: {  	[dreg:$0x3] =	wrdreg s4  }
0xaa: {  	[dreg:$0x4] =	wrdreg $0xC0  }
0xab: {  	_ =	task [dreg:s6], $0x5FFFF  }
0xac: {  	[dreg:$0x1] =	wrdreg $0xFFFFFFFF  }
0xad: {  	[dreg:$0x0] =	wrdreg $0x60  }
0xae: {  	[dreg:$0x2] =	wrdreg s24  }
0xaf: {  	[dreg:$0x3] =	wrdreg $0xC6000  }
0xb0: {  	[dreg:$0x4] =	wrdreg $0x9  }
0xb1: {  	_ =	task.clear_ibuf [dreg:s6], $0x5FFFF;
	_ =	strace $0x9000004C  }
0xb2: {  	s29 =	simm.s32 $0x9;
	_ =	strace $0x8000004E  }
0xb3: {  	_ =	swait.ge [sflag:s29], $0x1  }
0xb4: {  	[sflag:s29] =	ssyncadd.s32 $0xFFFFFFFF  }
0xb5: {  	_ =	strace $0x9000004E  }
0xb6: {  	_ =	sfence  }
0xb7: {  	s30 =	sld [smem:$0x0];
	_ =	sdelay $0x2  }
0xb8: {  	s31 =	sshll.u32 s1, $0xD;
	s1 =	sshrl.u32 s1, $0x2  }
0xb9: {  	s3 =	sand.u32 $0x4000, s31;
	s1 =	sadd.s32 s1, s30  }
0xba: {  	s0 =	sor.u32 s3, s0;
	s1 =	sshll.u32 s1, $0x11  }
0xbb: {  	s0 =	sor.u32 s1, s0  }
0xbc: {  	s0 =	sadd.s32 $0x8F2B, s0  }
0xbd: {  	[sflag:s0] =	ssyncadd.remote.s32 $0x1  }
0xbe: {  	_ =	sfence.sel $0xFFFF  }
0xbf: {  	[dreg:$0x0] =	wrdreg $0xFFFFFFFF;
	(pc) =	sbr.abs _section_cstart, $3  }
0xc0: {  	[dreg:$0x1] =	wrdreg $0xFFFFFFFF  }
0xc1: {  	_ =	task.clear_ibuf [dreg:s6], $0x2FFFF;
	_ =	strace $0x9FFFFFFF  }
0xc2: {  	(tm) =	ssettm $0x7FFFFFFF  }
0xc3: {  	_ =	shalt  }
tec
execute0_lowered:
.L_overlay_start_1:
0x0: {  	(tag) =	ssettag $0x1  }
0x1: {  	s0 =	rddreg [dreg:$0x0]  }
0x2: {  	s2 =	rddreg [dreg:$0x1]  }
0x3: {  	s1 =	srdreg.scid;
	s21 =	stileid.u32  }
0x4: {  	s13 =	simm.s32 $0x0;
	s28 =	simm.s32 $0x4;
	s29 =	simm.s32 $0x3  }
0x5: {  	s30 =	simm.s32 $0x280;
	s31 =	simm.s32 $0x5;
	s5 =	smul.u32 $0x1F400, s21  }
0x6: {  	s1 =	sand.u32 $0x1, s1;
	s3 =	sadd.s32 $0x16C00, s0;
	s10 =	smul.u32 $0x4E80, s21  }
0x7: {  	s6 =	sadd.s32 $0x82800, s0;
	s25 =	smul.u32 $0x9D0, s21;
	[smem:$0x7FF] =	sst s13  }
0x8: {  	s14 =	sadd.s32 $0x20A00, s0;
	p0 =	sgt.u32 s21, $0x9;
	s8 =	smul.u32 $0x138800, s1  }
0x9: {  	s4 =	ssub.s32 $0x2, s1;
	s15 =	sshll.u32 s1, $0x4;
	s1 =	smul.u32 $0x4E800, s1  }
0xa: {  	p2 =	sne.s32 @p0 s21, $0xA;
	s7 =	sshrl.u32 s4, $0x1;
	s9 =	sadd.s32 $0x4000, s5  }
0xb: {  	s16 =	sadd.s32 $0x8000, s5;
	s26 =	sshrl.u32 s10, $0x3;
	s11 =	sadd.s32 s5, s8  }
0xc: {  	p1 =	por p2, !p0;
	s12 =	sadd.s32 s8, s9;
	s11 =	sshrl.u32 s11, $0x3  }
0xd: {  	p2 =	por !p2, !p0;
	s12 =	sshrl.u32 s12, $0x3;
	s11 =	sadd.s32 s6, s11  }
0xe: {  	s18 =	sadd.s32 s8, s16;
	s17 =	sadd.s32 s6, s12;
	[dreg:$0x3] =	wrdreg s11  }
0xf: {  	s4 =	ssub.s32 s4, s7;
	[dreg:$0x4] =	wrdreg s17;
	s11 =	sshrl.u32 s18, $0x3  }
0x10: {  	s17 =	sadd.s32 $0xC000, s5;
	s18 =	sadd.s32 $0x10000, s5;
	s11 =	sadd.s32 s6, s11  }
0x11: {  	s19 =	sadd.s32 s8, s17;
	s20 =	sadd.s32 s8, s18;
	[dreg:$0x5] =	wrdreg s11  }
0x12: {  	s11 =	sshrl.u32 s19, $0x3;
	s12 =	sshrl.u32 s20, $0x3;
	s19 =	sadd.s32 $0x14000, s5  }
0x13: {  	s20 =	sadd.s32 $0x18000, s5;
	s11 =	sadd.s32 s6, s11;
	s23 =	sadd.s32 s8, s19  }
0x14: {  	s5 =	sadd.s32 $0x1C000, s5;
	[dreg:$0x6] =	wrdreg s11;
	s11 =	sshrl.u32 s23, $0x3  }
0x15: {  	s22 =	sadd.s32 s6, s12;
	s24 =	sadd.s32 s8, s20;
	s11 =	sadd.s32 s6, s11  }
0x16: {  	s8 =	sadd.s32 s8, s5;
	[dreg:$0x8] =	wrdreg s11;
	s11 =	sshrl.u32 s24, $0x3  }
0x17: {  	[dreg:$0x7] =	wrdreg s22;
	s8 =	sshrl.u32 s8, $0x3;
	s11 =	sadd.s32 s6, s11  }
0x18: {  	s7 =	smul.u32 $0x7D000, s21;
	s6 =	sadd.s32 s6, s8;
	[dreg:$0x9] =	wrdreg s11  }
0x19: {  	s1 =	sadd.s32 s10, s1;
	s22 =	sadd.s32 s9, s2;
	[dreg:$0xa] =	wrdreg s6  }
0x1a: {  	s23 =	sadd.s32 s16, s2;
	_ =	strace $0x8000004D;
	[dreg:$0xe] =	wrdreg s22  }
0x1b: {  	s10 =	sadd.s32 $0x480, s1;
	s24 =	sadd.s32 s17, s2;
	[dreg:$0xf] =	wrdreg s23  }
0x1c: {  	s12 =	sadd.s32 s25, s3;
	s25 =	sadd.s32 s18, s2;
	[dreg:$0x10] =	wrdreg s24  }
0x1d: {  	s8 =	sadd.s32 s3, s26;
	s26 =	sadd.s32 s19, s2;
	[dreg:$0x11] =	wrdreg s25  }
0x1e: {  	s4 =	smax.u32 s4, $0x1;
	s9 =	sadd.s32 s5, s2;
	[dreg:$0x12] =	wrdreg s26  }
0x1f: {  	s16 =	sadd.s32 $0x138800, s2;
	s5 =	simm.s32 $0x500;
	[dreg:$0x14] =	wrdreg s9  }
0x20: {  	s6 =	sor.u32 s21, s15;
	s15 =	sadd.s32 $0x34600, s0;
	[dreg:$0x15] =	wrdreg s4  }
0x21: {  	s0 =	sshrl.u32 s10, $0x3;
	s3 =	smul.u32 $0x4E80, s6;
	[dreg:$0x17] =	wrdreg s16  }
0x22: {  	s6 =	sshrl.u32 s7, $0x2;
	s7 =	sadd.s32 s20, s2;
	[dreg:$0xb] =	wrdreg s8  }
0x23: {  	s10 =	simm.s32 $0x300;
	s25 =	sadd.s32 $0x30, s8;
	[dreg:$0x13] =	wrdreg s7  }
0x24: {  	s26 =	sadd.s32 s0, s14;
	s6 =	sadd.s32 s6, s2;
	[smem:$0x7FD] =	sst s25  }
0x25: {  	s9 =	simm.s32 $0x180;
	s17 =	sadd.s32 $0x4000, s6;
	[dreg:$0xc] =	wrdreg s6  }
0x26: {  	s0 =	simm.s32 $0x380;
	s18 =	sadd.s32 $0x8000, s6;
	[dreg:$0x18] =	wrdreg s17  }
0x27: {  	s4 =	simm.s32 $0x400;
	s19 =	sadd.s32 $0xC000, s6;
	[dreg:$0x19] =	wrdreg s18  }
0x28: {  	s16 =	simm.s32 $0x0;
	s20 =	sadd.s32 $0x10000, s6;
	[dreg:$0x1a] =	wrdreg s19  }
0x29: {  	s25 =	simm.s32 $0x2;
	s21 =	sadd.s32 $0x14000, s6;
	[dreg:$0x1b] =	wrdreg s20  }
0x2a: {  	s11 =	sshrl.u32 s3, $0x3;
	s22 =	sadd.s32 $0x18000, s6;
	[dreg:$0x1c] =	wrdreg s21  }
0x2b: {  	s23 =	sadd.s32 $0x1C000, s6;
	s6 =	simm.s32 $0x580;
	[dreg:$0x1d] =	wrdreg s22  }
0x2c: {  	s3 =	sadd.s32 s14, s11;
	s11 =	sadd.s32 $0x300, s1;
	[dreg:$0x1e] =	wrdreg s23  }
.Ltmp0:
0x2d: {  	s18 =	simm.s32 $0x480;
	s19 =	simm.s32 $0x80;
	(pc) =	sbr.rel .LBB2_1-.Ltmp0, $4  }
0x2e: {  	s20 =	simm.s32 $0x600;
	s21 =	simm.s32 $0x4600;
	s22 =	simm.s32 $0x1  }
0x2f: {  	s23 =	simm.s32 $0x8;
	s17 =	simm.s32 $0x200;
	[dreg:$0x16] =	wrdreg s11  }
0x30: {  	s1 =	simm.s32 $0x7;
	[dreg:$0xd] =	wrdreg s3;
	s24 =	sadd.s32 $0x30, s3  }
0x31: {  	v0 =	vimm.f32 $0.0e+00;
	s11 =	simm.s32 $0x8600;
	s3 =	simm.s32 $0x6;
	[dreg:$0x1f] =	wrdreg s24  }
.LBB2_8:
0x32: {  	s16 =	sadd.s32 $0x1, s16;
	s7 =	rddreg [dreg:$0x15]  }
0x33: {  	p3 =	sne.s32 s16, s7  }
.Ltmp1:
0x34: {  	_ = 	snop;
	(pc) =	sbr.rel @!p3 .LBB2_9-.Ltmp1, $1  }
0x35: {  	_ =	sdelay $0x3  }
.LBB2_1:
0x36: {  	[smem:$0x7FC] =	sst s16;
	s7 =	simm.s32 $0x0;
	s8 =	simm.s32 $0x200  }
.LBB2_2:
0x37: {  	p3 =	sne.s32 s8, $0xFE00;
	[tilespmem:s7+$0x670] =	vst v0  }
0x38: {  	[tilespmem:s7+$0x600] =	vst v0  }
0x39: {  	[tilespmem:s7+$0x610] =	vst v0  }
.Ltmp2:
0x3a: {  	[tilespmem:s7+$0x620] =	vst v0;
	(pc) =	sbr.rel @p3 .LBB2_2-.Ltmp2, $4  }
0x3b: {  	[tilespmem:s7+$0x630] =	vst v0  }
0x3c: {  	[tilespmem:s7+$0x640] =	vst v0  }
0x3d: {  	[tilespmem:s7+$0x650] =	vst v0  }
0x3e: {  	[tilespmem:s7+$0x660] =	vst v0;
	s7 =	sshra.s32 s8, $0x2;
	s8 =	sadd.s32 $0x200, s8  }
0x3f: {  	[tilespmem:s7+$0x670] =	vst v0  }
0x40: {  	[tilespmem:s7+$0x600] =	vst v0  }
0x41: {  	[tilespmem:s7+$0x610] =	vst v0  }
0x42: {  	[tilespmem:s7+$0x620] =	vst v0  }
0x43: {  	[tilespmem:s7+$0x630] =	vst v0  }
0x44: {  	[tilespmem:s7+$0x640] =	vst v0  }
0x45: {  	[tilespmem:s7+$0x650] =	vst v0  }
0x46: {  	[tilespmem:s7+$0x660] =	vst v0;
	s7 =	simm.s32 @!p1 $0x600;
	s8 =	rddreg [dreg:$0x17]  }
0x47: {  	[spmem:s8] =	stream.linear.scatter @!p1 [tilespmem:s7], [sflag:$0x4], $0x400, $0x38;
	[tilespmem:$0x1FEC0] =	vst v63  }
0x48: {  	s7 =	simm.s32 @!p0 $0x600;
	s8 =	rddreg [dreg:$0xc]  }
0x49: {  	[spmem:s8] =	stream.linear.scatter @!p0 [tilespmem:s7], [sflag:$0x4], $0x4000, $0x38;
	[tilespmem:$0x1FEC0] =	vst v63  }
0x4a: {  	s8 =	rddreg [dreg:$0x18]  }
0x4b: {  	[spmem:s8] =	stream.linear.scatter @!p0 [tilespmem:s7], [sflag:$0x4], $0x4000, $0x38;
	[tilespmem:$0x1FEC0] =	vst v63  }
0x4c: {  	s8 =	rddreg [dreg:$0x19]  }
0x4d: {  	[spmem:s8] =	stream.linear.scatter @!p0 [tilespmem:s7], [sflag:$0x4], $0x4000, $0x38;
	[tilespmem:$0x1FEC0] =	vst v63  }
0x4e: {  	s8 =	rddreg [dreg:$0x1a]  }
0x4f: {  	[spmem:s8] =	stream.linear.scatter @!p0 [tilespmem:s7], [sflag:$0x4], $0x4000, $0x38;
	[tilespmem:$0x1FEC0] =	vst v63  }
0x50: {  	s8 =	rddreg [dreg:$0x1b]  }
0x51: {  	[spmem:s8] =	stream.linear.scatter @!p0 [tilespmem:s7], [sflag:$0x4], $0x4000, $0x38;
	[tilespmem:$0x1FEC0] =	vst v63  }
0x52: {  	s8 =	rddreg [dreg:$0x1c]  }
0x53: {  	[spmem:s8] =	stream.linear.scatter @!p0 [tilespmem:s7], [sflag:$0x4], $0x4000, $0x38;
	[tilespmem:$0x1FEC0] =	vst v63  }
0x54: {  	s8 =	rddreg [dreg:$0x1d]  }
0x55: {  	[spmem:s8] =	stream.linear.scatter @!p0 [tilespmem:s7], [sflag:$0x4], $0x4000, $0x38;
	[tilespmem:$0x1FEC0] =	vst v63  }
0x56: {  	s8 =	rddreg [dreg:$0x1e]  }
0x57: {  	[spmem:s8] =	stream.linear.scatter @!p0 [tilespmem:s7], [sflag:$0x4], $0x3400, $0x38;
	[tilespmem:$0x1FEC0] =	vst v63  }
0x58: {  	s16 =	simm.s32 $0x9;
	s8 =	rddreg [dreg:$0xd]  }
0x59: {  	[tilespmem:s13], [sflag:$0x9] =	stream.linear.gather [hbm4b:s8+s13], $0x180, $0x38;
	[tilespmem:$0x1FEC0] =	vst v63  }
0x5a: {  	_ =	swait.ge [sflag:s16], $0x180  }
0x5b: {  	[sflag:s16] =	ssyncset.done $0x0  }
0x5c: {  	s24 =	rddreg [dreg:$0xb];
	[sflag:s16] =	ssyncadd.s32 $0xFFFFFE80  }
0x5d: {  	[tilespmem:s9], [sflag:$0x9] =	stream.linear.gather [hbm4b:s24+s13], $0x180, $0x38;
	[tilespmem:$0x1FEC0] =	vst v63  }
0x5e: {  	_ =	swait.ge [sflag:s16], $0x180  }
0x5f: {  	[sflag:s16] =	ssyncset.done $0x0;
	s24 =	sld [smem:$0x7FD]  }
0x60: {  	[sflag:s16] =	ssyncadd.s32 $0xFFFFFE80;
	s16 =	rddreg [dreg:$0x1f]  }
0x61: {  	[tilespmem:s10], [sflag:$0x8] =	stream.linear.gather [hbm4b:s16+s13], $0x180, $0x38;
	[tilespmem:$0x1FEC0] =	vst v63  }
0x62: {  	s7 =	simm.s32 @!p0 $0x4  }
0x63: {  	[tilespmem:s18], [sflag:$0x8] =	stream.linear.gather [hbm4b:s24+s13], $0x180, $0x38;
	[tilespmem:$0x1FEC0] =	vst v63  }
0x64: {  	_ =	swait.ge @!p0 [sflag:s7], $0x4000  }
0x65: {  	[sflag:s7] =	ssyncset.done @!p0 $0x0  }
0x66: {  	[sflag:s7] =	ssyncadd.s32 @!p0 $0xFFFFC000  }
0x67: {  	_ =	swait.ge @!p0 [sflag:s7], $0x4000  }
0x68: {  	[sflag:s7] =	ssyncset.done @!p0 $0x0  }
0x69: {  	[sflag:s7] =	ssyncadd.s32 @!p0 $0xFFFFC000  }
0x6a: {  	_ =	swait.ge @!p0 [sflag:s7], $0x4000  }
0x6b: {  	[sflag:s7] =	ssyncset.done @!p0 $0x0  }
0x6c: {  	[sflag:s7] =	ssyncadd.s32 @!p0 $0xFFFFC000  }
0x6d: {  	_ =	swait.ge @!p0 [sflag:s7], $0x4000  }
0x6e: {  	[sflag:s7] =	ssyncset.done @!p0 $0x0  }
0x6f: {  	[sflag:s7] =	ssyncadd.s32 @!p0 $0xFFFFC000  }
0x70: {  	_ =	swait.ge @!p0 [sflag:s7], $0x4000  }
0x71: {  	[sflag:s7] =	ssyncset.done @!p0 $0x0  }
0x72: {  	[sflag:s7] =	ssyncadd.s32 @!p0 $0xFFFFC000  }
0x73: {  	_ =	swait.ge @!p0 [sflag:s7], $0x4000  }
0x74: {  	[sflag:s7] =	ssyncset.done @!p0 $0x0  }
0x75: {  	[sflag:s7] =	ssyncadd.s32 @!p0 $0xFFFFC000  }
0x76: {  	_ =	swait.ge @!p0 [sflag:s7], $0x4000  }
0x77: {  	[sflag:s7] =	ssyncset.done @!p0 $0x0  }
0x78: {  	p3 =	por @p0 $0x0, $0x0;
	p4 =	por @!p1 $0x1, $0x1;
	[sflag:s7] =	ssyncadd.s32 @!p0 $0xFFFFC000  }
0x79: {  	p4 =	por @!p2 p3, p3;
	p3 =	por @!p0 $0x0, $0x0;
	_ =	swait.ge @!p0 [sflag:s7], $0x3400  }
0x7a: {  	p4 =	por @!p0 p3, p3;
	[sflag:s7] =	ssyncset.done @!p0 $0x0  }
0x7b: {  	[sflag:s7] =	ssyncadd.s32 @!p0 $0xFFFFCC00;
	s7 =	simm.s32 @p4 $0x4  }
0x7c: {  	_ =	swait.ge @p4 [sflag:s7], $0x400  }
0x7d: {  	[sflag:s7] =	ssyncset.done @p4 $0x0  }
0x7e: {  	[sflag:s7] =	ssyncadd.s32 @p4 $0xFFFFFC00  }
0x7f: {  	s16 =	simm.s32 $0x0;
	[bflag:$0x0] =	sbarrier.arrive $0xFFFF  }
0x80: {  	[tilespmem:s20], [sflag:$0x1] =	stream.indirect.gather [hbm4b:s15+s19], $0x80, s16, s19, $0xb8;
	[tilespmem:$0x1FEC0] =	vst v63  }
0x81: {  	s7 =	rddreg [dreg:$0x16]  }
0x82: {  	[tilespmem:s21], [sflag:$0x2] =	stream.indirect.gather [hbm4b:s15+s19], $0x80, s19, s19, $0xb8;
	[tilespmem:$0x1FEC0] =	vst v63  }
.LBB2_4:
0x83: {  	_ =	swait.ge [sflag:s22], $0x4000  }
0x84: {  	[sflag:s22] =	ssyncset.done $0x0  }
0x85: {  	[sflag:s22] =	ssyncadd.s32 $0xFFFFC000  }
0x86: {  	[spmem:s2] =	stream.indirect.scatter.add.f32 [tilespmem:s20], [sflag:$0x4], $0x80, s9, s19, $0xb8;
	[tilespmem:$0x1FEC0] =	vst v63  }
0x87: {  	_ =	swait.ge [sflag:s23], $0x180  }
0x88: {  	[sflag:s23] =	ssyncset.done $0x0  }
0x89: {  	[sflag:s23] =	ssyncadd.s32 $0xFFFFFE80  }
0x8a: {  	_ =	swait.ge [sflag:s23], $0x180  }
0x8b: {  	p3 =	seq.s32 s16, $0x0;
	[sflag:s23] =	ssyncset.done $0x0  }
0x8c: {  	s8 =	simm.s32 @!p3 $0x6;
	[sflag:s23] =	ssyncadd.s32 $0xFFFFFE80  }
0x8d: {  	_ =	swait.ge @!p3 [sflag:s8], $0x4000  }
0x8e: {  	[sflag:s8] =	ssyncset.done @!p3 $0x0  }
0x8f: {  	s24 =	simm.s32 $0x100;
	[sflag:s8] =	ssyncadd.s32 @!p3 $0xFFFFC000  }
0x90: {  	[tilespmem:s11], [sflag:$0x3] =	stream.indirect.gather [hbm4b:s15+s19], $0x80, s24, s19, $0xb8;
	[tilespmem:$0x1FEC0] =	vst v63  }
0x91: {  	_ =	swait.ge [sflag:s25], $0x4000  }
0x92: {  	[sflag:s25] =	ssyncset.done $0x0  }
0x93: {  	[sflag:s25] =	ssyncadd.s32 $0xFFFFC000  }
0x94: {  	[spmem:s2] =	stream.indirect.scatter.add.f32 [tilespmem:s21], [sflag:$0x5], $0x80, s17, s19, $0xb8;
	[tilespmem:$0x1FEC0] =	vst v63  }
0x95: {  	_ =	swait.ge [sflag:s28], $0x4000  }
0x96: {  	[sflag:s28] =	ssyncset.done $0x0  }
0x97: {  	[sflag:s28] =	ssyncadd.s32 $0xFFFFC000  }
0x98: {  	[tilespmem:s20], [sflag:$0x1] =	stream.indirect.gather [hbm4b:s15+s19], $0x80, s10, s19, $0xb8;
	[tilespmem:$0x1FEC0] =	vst v63  }
0x99: {  	_ =	swait.ge [sflag:s29], $0x4000  }
0x9a: {  	[sflag:s29] =	ssyncset.done $0x0  }
0x9b: {  	[sflag:s29] =	ssyncadd.s32 $0xFFFFC000  }
0x9c: {  	[spmem:s2] =	stream.indirect.scatter.add.f32 [tilespmem:s11], [sflag:$0x6], $0x80, s30, s19, $0xb8;
	[tilespmem:$0x1FEC0] =	vst v63  }
0x9d: {  	_ =	swait.ge [sflag:s31], $0x4000  }
0x9e: {  	[sflag:s31] =	ssyncset.done $0x0  }
0x9f: {  	s24 =	sshrl.u32 s7, $0x3;
	[sflag:s31] =	ssyncadd.s32 $0xFFFFC000  }
0xa0: {  	[tilespmem:s21], [sflag:$0x2] =	stream.indirect.gather [hbm4b:s15+s19], $0x80, s0, s19, $0xb8;
	[tilespmem:$0x1FEC0] =	vst v63  }
0xa1: {  	s8 =	sadd.s32 s14, s24  }
0xa2: {  	[tilespmem:s13], [sflag:$0x7] =	stream.linear.gather [hbm4b:s8+s13], $0x180, $0x38;
	[tilespmem:$0x1FEC0] =	vst v63  }
0xa3: {  	s8 =	sadd.s32 s16, s12  }
0xa4: {  	s24 =	sadd.s32 $0x60, s8  }
0xa5: {  	[tilespmem:s9], [sflag:$0x7] =	stream.linear.gather [hbm4b:s24+s13], $0x180, $0x38;
	[tilespmem:$0x1FEC0] =	vst v63  }
0xa6: {  	_ =	swait.ge [sflag:s22], $0x4000  }
0xa7: {  	[sflag:s22] =	ssyncset.done $0x0  }
0xa8: {  	[sflag:s22] =	ssyncadd.s32 $0xFFFFC000  }
0xa9: {  	[spmem:s2] =	stream.indirect.scatter.add.f32 [tilespmem:s20], [sflag:$0x4], $0x80, s18, s19, $0xb8;
	[tilespmem:$0x1FEC0] =	vst v63  }
0xaa: {  	_ =	swait.ge [sflag:s1], $0x180  }
0xab: {  	[sflag:s1] =	ssyncset.done $0x0  }
0xac: {  	[sflag:s1] =	ssyncadd.s32 $0xFFFFFE80  }
0xad: {  	_ =	swait.ge [sflag:s1], $0x180  }
0xae: {  	[sflag:s1] =	ssyncset.done $0x0  }
0xaf: {  	[sflag:s1] =	ssyncadd.s32 $0xFFFFFE80  }
0xb0: {  	_ =	swait.ge [sflag:s3], $0x4000  }
0xb1: {  	[sflag:s3] =	ssyncset.done $0x0  }
0xb2: {  	[sflag:s3] =	ssyncadd.s32 $0xFFFFC000  }
0xb3: {  	[tilespmem:s11], [sflag:$0x3] =	stream.indirect.gather [hbm4b:s15+s19], $0x80, s4, s19, $0xb8;
	[tilespmem:$0x1FEC0] =	vst v63  }
0xb4: {  	_ =	swait.ge [sflag:s25], $0x4000  }
0xb5: {  	[sflag:s25] =	ssyncset.done $0x0  }
0xb6: {  	[sflag:s25] =	ssyncadd.s32 $0xFFFFC000  }
0xb7: {  	[spmem:s2] =	stream.indirect.scatter.add.f32 [tilespmem:s21], [sflag:$0x5], $0x80, s5, s19, $0xb8;
	[tilespmem:$0x1FEC0] =	vst v63  }
0xb8: {  	_ =	swait.ge [sflag:s28], $0x4000  }
0xb9: {  	[sflag:s28] =	ssyncset.done $0x0  }
0xba: {  	[sflag:s28] =	ssyncadd.s32 $0xFFFFC000  }
0xbb: {  	[tilespmem:s20], [sflag:$0x1] =	stream.indirect.gather [hbm4b:s15+s19], $0x80, s13, s19, $0xb8;
	[tilespmem:$0x1FEC0] =	vst v63  }
0xbc: {  	_ =	swait.ge [sflag:s29], $0x4000  }
0xbd: {  	p3 =	seq.s32 s16, $0x960;
	[sflag:s29] =	ssyncset.done $0x0  }
.Ltmp3:
0xbe: {  	[sflag:s29] =	ssyncadd.s32 $0xFFFFC000;
	(pc) =	sbr.rel @p3 .LBB2_6-.Ltmp3, $4  }
0xbf: {  	[spmem:s2] =	stream.indirect.scatter.add.f32 [tilespmem:s11], [sflag:$0x6], $0x80, s6, s19, $0xb8;
	[tilespmem:$0x1FEC0] =	vst v63  }
0xc0: {  	_ =	swait.ge [sflag:s31], $0x4000  }
0xc1: {  	[sflag:s31] =	ssyncset.done $0x0  }
0xc2: {  	[sflag:s31] =	ssyncadd.s32 $0xFFFFC000  }
0xc3: {  	[tilespmem:s21], [sflag:$0x2] =	stream.indirect.gather [hbm4b:s15+s19], $0x80, s19, s19, $0xb8;
	[tilespmem:$0x1FEC0] =	vst v63  }
.Ltmp4:
0xc4: {  	_ = 	snop;
	(pc) =	sbr.rel .LBB2_4-.Ltmp4, $4  }
0xc5: {  	s24 =	sadd.s32 s16, s26  }
0xc6: {  	[tilespmem:s10], [sflag:$0x8] =	stream.linear.gather [hbm4b:s24+s13], $0x180, $0x38;
	[tilespmem:$0x1FEC0] =	vst v63  }
0xc7: {  	s8 =	sadd.s32 $0x90, s8;
	s16 =	sadd.s32 $0x60, s16;
	s7 =	sadd.s32 $0x300, s7  }
0xc8: {  	[tilespmem:s18], [sflag:$0x8] =	stream.linear.gather [hbm4b:s8+s13], $0x180, $0x38;
	[tilespmem:$0x1FEC0] =	vst v63  }
.LBB2_6:
0xc9: {  	_ =	swait.ge [sflag:s22], $0x4000  }
0xca: {  	[sflag:s22] =	ssyncset.done $0x0  }
0xcb: {  	[sflag:s22] =	ssyncadd.s32 $0xFFFFC000  }
0xcc: {  	[spmem:s2] =	stream.indirect.scatter.add.f32 [tilespmem:s20], [sflag:$0x4], $0x80, s9, s19, $0xb8;
	[tilespmem:$0x1FEC0] =	vst v63  }
0xcd: {  	_ =	swait.ge [sflag:s3], $0x4000  }
0xce: {  	[sflag:s3] =	ssyncset.done $0x0  }
0xcf: {  	[sflag:s3] =	ssyncadd.s32 $0xFFFFC000  }
0xd0: {  	_ =	swait.ge [sflag:s28], $0x4000  }
0xd1: {  	[sflag:s28] =	ssyncset.done $0x0  }
.Ltmp5:
0xd2: {  	[sflag:s28] =	ssyncadd.s32 $0xFFFFC000;
	(pc) =	sbr.rel @p0 .LBB2_8-.Ltmp5, $2  }
0xd3: {  	[bflag:$0x0] =	sbarrier.arrive $0xFFFF  }
0xd4: {  	s16 =	sld [smem:$0x7FC];
	_ =	sdelay $0x2  }
0xd5: {  	s7 =	rddreg [dreg:$0xc];
	s8 =	simm.s32 $0x9  }
0xd6: {  	[tilespmem:s20], [sflag:$0x9] =	stream.linear.gather [spmem:s7], $0x4000, $0x38;
	[tilespmem:$0x1FEC0] =	vst v63  }
0xd7: {  	_ =	swait.ge [sflag:s8], $0x4000  }
0xd8: {  	[sflag:s8] =	ssyncset.done $0x0  }
0xd9: {  	s24 =	rddreg [dreg:$0x3];
	[sflag:s8] =	ssyncadd.s32 $0xFFFFC000  }
0xda: {  	[hbm4b:s24+s13] =	stream.linear.scatter [tilespmem:s20], [sflag:$0x1], $0x4000, $0x38;
	[tilespmem:$0x1FEC0] =	vst v63  }
0xdb: {  	s24 =	rddreg [dreg:$0xe]  }
0xdc: {  	[tilespmem:s21], [sflag:$0x9] =	stream.linear.gather [spmem:s24], $0x4000, $0x38;
	[tilespmem:$0x1FEC0] =	vst v63  }
0xdd: {  	_ =	swait.ge [sflag:s8], $0x4000  }
0xde: {  	[sflag:s8] =	ssyncset.done $0x0  }
0xdf: {  	s24 =	rddreg [dreg:$0x4];
	[sflag:s8] =	ssyncadd.s32 $0xFFFFC000  }
0xe0: {  	[hbm4b:s24+s13] =	stream.linear.scatter [tilespmem:s21], [sflag:$0x2], $0x4000, $0x38;
	[tilespmem:$0x1FEC0] =	vst v63  }
0xe1: {  	_ =	swait.ge [sflag:s22], $0x4000  }
0xe2: {  	[sflag:s22] =	ssyncset.done $0x0  }
0xe3: {  	s24 =	rddreg [dreg:$0xf];
	[sflag:s22] =	ssyncadd.s32 $0xFFFFC000  }
0xe4: {  	[tilespmem:s20], [sflag:$0x9] =	stream.linear.gather [spmem:s24], $0x4000, $0x38;
	[tilespmem:$0x1FEC0] =	vst v63  }
0xe5: {  	_ =	swait.ge [sflag:s8], $0x4000  }
0xe6: {  	[sflag:s8] =	ssyncset.done $0x0  }
0xe7: {  	s24 =	rddreg [dreg:$0x5];
	[sflag:s8] =	ssyncadd.s32 $0xFFFFC000  }
0xe8: {  	[hbm4b:s24+s13] =	stream.linear.scatter [tilespmem:s20], [sflag:$0x1], $0x4000, $0x38;
	[tilespmem:$0x1FEC0] =	vst v63  }
0xe9: {  	_ =	swait.ge [sflag:s25], $0x4000  }
0xea: {  	[sflag:s25] =	ssyncset.done $0x0  }
0xeb: {  	s24 =	rddreg [dreg:$0x10];
	[sflag:s25] =	ssyncadd.s32 $0xFFFFC000  }
0xec: {  	[tilespmem:s21], [sflag:$0x9] =	stream.linear.gather [spmem:s24], $0x4000, $0x38;
	[tilespmem:$0x1FEC0] =	vst v63  }
0xed: {  	_ =	swait.ge [sflag:s8], $0x4000  }
0xee: {  	[sflag:s8] =	ssyncset.done $0x0  }
0xef: {  	s24 =	rddreg [dreg:$0x6];
	[sflag:s8] =	ssyncadd.s32 $0xFFFFC000  }
0xf0: {  	[hbm4b:s24+s13] =	stream.linear.scatter [tilespmem:s21], [sflag:$0x2], $0x4000, $0x38;
	[tilespmem:$0x1FEC0] =	vst v63  }
0xf1: {  	_ =	swait.ge [sflag:s22], $0x4000  }
0xf2: {  	[sflag:s22] =	ssyncset.done $0x0  }
0xf3: {  	s24 =	rddreg [dreg:$0x11];
	[sflag:s22] =	ssyncadd.s32 $0xFFFFC000  }
0xf4: {  	[tilespmem:s20], [sflag:$0x9] =	stream.linear.gather [spmem:s24], $0x4000, $0x38;
	[tilespmem:$0x1FEC0] =	vst v63  }
0xf5: {  	_ =	swait.ge [sflag:s8], $0x4000  }
0xf6: {  	[sflag:s8] =	ssyncset.done $0x0  }
0xf7: {  	s24 =	rddreg [dreg:$0x7];
	[sflag:s8] =	ssyncadd.s32 $0xFFFFC000  }
0xf8: {  	[hbm4b:s24+s13] =	stream.linear.scatter [tilespmem:s20], [sflag:$0x1], $0x4000, $0x38;
	[tilespmem:$0x1FEC0] =	vst v63  }
0xf9: {  	_ =	swait.ge [sflag:s25], $0x4000  }
0xfa: {  	[sflag:s25] =	ssyncset.done $0x0  }
0xfb: {  	s24 =	rddreg [dreg:$0x12];
	[sflag:s25] =	ssyncadd.s32 $0xFFFFC000  }
0xfc: {  	[tilespmem:s21], [sflag:$0x9] =	stream.linear.gather [spmem:s24], $0x4000, $0x38;
	[tilespmem:$0x1FEC0] =	vst v63  }
0xfd: {  	_ =	swait.ge [sflag:s8], $0x4000  }
0xfe: {  	[sflag:s8] =	ssyncset.done $0x0  }
0xff: {  	s24 =	rddreg [dreg:$0x8];
	[sflag:s8] =	ssyncadd.s32 $0xFFFFC000  }
0x100: {  	[hbm4b:s24+s13] =	stream.linear.scatter [tilespmem:s21], [sflag:$0x2], $0x4000, $0x38;
	[tilespmem:$0x1FEC0] =	vst v63  }
0x101: {  	_ =	swait.ge [sflag:s22], $0x4000  }
0x102: {  	[sflag:s22] =	ssyncset.done $0x0  }
0x103: {  	s24 =	rddreg [dreg:$0x13];
	[sflag:s22] =	ssyncadd.s32 $0xFFFFC000  }
0x104: {  	[tilespmem:s20], [sflag:$0x9] =	stream.linear.gather [spmem:s24], $0x4000, $0x38;
	[tilespmem:$0x1FEC0] =	vst v63  }
0x105: {  	_ =	swait.ge [sflag:s8], $0x4000  }
0x106: {  	[sflag:s8] =	ssyncset.done $0x0  }
0x107: {  	s24 =	rddreg [dreg:$0x9];
	[sflag:s8] =	ssyncadd.s32 $0xFFFFC000  }
0x108: {  	[hbm4b:s24+s13] =	stream.linear.scatter [tilespmem:s20], [sflag:$0x1], $0x4000, $0x38;
	[tilespmem:$0x1FEC0] =	vst v63  }
0x109: {  	_ =	swait.ge [sflag:s25], $0x4000  }
0x10a: {  	[sflag:s25] =	ssyncset.done $0x0  }
0x10b: {  	s24 =	rddreg [dreg:$0x14];
	[sflag:s25] =	ssyncadd.s32 $0xFFFFC000  }
0x10c: {  	[tilespmem:s21], [sflag:$0x9] =	stream.linear.gather [spmem:s24], $0x3400, $0x38;
	[tilespmem:$0x1FEC0] =	vst v63  }
0x10d: {  	_ =	swait.ge [sflag:s8], $0x3400  }
0x10e: {  	[sflag:s8] =	ssyncset.done $0x0  }
0x10f: {  	s24 =	rddreg [dreg:$0xa];
	[sflag:s8] =	ssyncadd.s32 $0xFFFFCC00  }
0x110: {  	[hbm4b:s24+s13] =	stream.linear.scatter [tilespmem:s21], [sflag:$0x2], $0x3400, $0x38;
	[tilespmem:$0x1FEC0] =	vst v63  }
0x111: {  	_ =	swait.ge [sflag:s22], $0x4000  }
.Ltmp6:
0x112: {  	[sflag:s22] =	ssyncset.done $0x0;
	(pc) =	sbr.rel .LBB2_8-.Ltmp6, $4  }
0x113: {  	[sflag:s22] =	ssyncadd.s32 $0xFFFFC000  }
0x114: {  	_ =	swait.ge [sflag:s25], $0x3400  }
0x115: {  	[sflag:s25] =	ssyncset.done $0x0  }
0x116: {  	[sflag:s25] =	ssyncadd.s32 $0xFFFFCC00  }
.LBB2_9:
0x117: {  	_ =	sfence.sel $0x180000  }
0x118: {  	[bflag:$0x0] =	sbarrier.arrive $0xFFFF  }
0x119: {  	_ =	strace $0x9000004D  }
0x11a: {  	s0 =	stileid.u32;
	[bflag:$0x2] =	sbarrier.arrive $0xFFFF  }
0x11b: {  	p0 =	sne.s32 s0, $0x0;
	s0 =	rddreg [dreg:$0x2]  }
0x11c: {  	s0 =	sadd.s32 @!p0 $0x100000, s0  }
0x11d: {  	[sflag:s0] =	ssyncadd.tile.s32 @!p0 $0x1;
	_ =	shalt  }
.Lfunc_end2:
_tile_overlayer_lowered:
.L_overlay_start_2:
0x11e: {  	(tag) =	ssettag $0x2  }
0x11f: {  	s0 =	rddreg [dreg:$0x0];
	s2 =	stileid.u32  }
0x120: {  	s1 =	rddreg [dreg:$0x1];
	p0 =	sne.s32 s2, $0x0  }
0x121: {  	s3 =	rddreg [dreg:$0x2];
	[bflag:$0x3] =	sbarrier.arrive $0xFFFF;
	s2 =	simm.s32 @!p0 $0x1C09  }
0x122: {  	[timem:s3], [sflag:s2] =	dma.local @!p0 [hbm:s0], s1  }
0x123: {  	s0 =	simm.s32 @!p0 $0x9  }
0x124: {  	_ =	swait.ge @!p0 [sflag:s0], s1  }
0x125: {  	s1 =	ssub.s32 @!p0 $0x0, s1;
	[sflag:s0] =	ssyncset.done @!p0 $0x0  }
0x126: {  	[sflag:s0] =	ssyncadd.s32 @!p0 s1  }
0x127: {  	[bflag:$0x3] =	sbarrier.arrive $0xFFFF  }
0x128: {  	_ =	shalt  }

// kernel: kernel.8.cloned.1.call-start
scs
__scs_entry_jumppad:
0x0: {  	(pc) =	sbr.rel $0x88, $3  }
0x1: {  	(tag) =	ssettag $0x0;
	lr =	simm.s32 $0x1  }
0x2: {  	[smem:$0x3F93] =	sst lr;
	_ =	strace $0xD0000000  }
0x3: {  	_ = 	snop  }
0x4: {  	_ = 	snop  }
0x5: {  	_ = 	snop  }
0x6: {  	_ = 	snop  }
0x7: {  	_ = 	snop  }
__scs_overlays_trampoline_lowered:
0x8: {  	[smem:$0x3FA2] =	sst s0  }
0x9: {  	[smem:$0x3FA3] =	sst s1  }
0xa: {  	[smem:$0x3FA4] =	sst s2  }
0xb: {  	[smem:$0x3FA5] =	sst s3  }
0xc: {  	[smem:$0x3FA6] =	sst s4  }
0xd: {  	[smem:$0x3FA7] =	sst s5  }
0xe: {  	[smem:$0x3FA8] =	sst s6  }
0xf: {  	[smem:$0x3FA9] =	sst s7  }
0x10: {  	[smem:$0x3FAA] =	sst s8  }
0x11: {  	[smem:$0x3FAB] =	sst s9;
	s0 =	simm.s32 @!p0 $0x0  }
0x12: {  	s1 =	sld [smem:$0x3F91];
	s0 =	simm.s32 @p0 $0x1  }
0x13: {  	[smem:$0x3FAC] =	sst s0;
	s0 =	simm.s32 @!p1 $0x0  }
0x14: {  	s2 =	sld [smem:$0x3F90];
	s0 =	simm.s32 @p1 $0x1  }
0x15: {  	[smem:$0x3FAD] =	sst s0;
	s0 =	simm.s32 @!p2 $0x0  }
0x16: {  	s3 =	sld [smem:$0x3FDB];
	s0 =	simm.s32 @p2 $0x1  }
0x17: {  	s4 =	simm.s32 $0x1BF5;
	[smem:$0x3FAF] =	sst s0  }
0x18: {  	s0 =	sld [smem:$0x3F92];
	_ =	swait.ge [sflag:s4], $0x0  }
0x19: {  	s7 =	sld [smem:$0x3F93]  }
0x1a: {  	s8 =	sadd.s32 $0xFFFFE003, lr  }
0x1b: {  	s9 =	sadd.s32 $0xFFFFFEF7, lr;
	s5 =	simm.s32 $0xFFFFFFFF;
	p2 =	slt.u32 s8, $0xFFFFF086  }
0x1c: {  	p1 =	slt.u32 s9, $0xF7A;
	s5 =	simm.s32 @!p2 $0x0  }
0x1d: {  	s5 =	simm.s32 @p1 $0x1;
	p0 =	seq.s32 s7, s2  }
0x1e: {  	s7 =	smul.u32 @!p0 $0xF7A, s2;
	p2 =	seq.s32 @!p0 s5, $0x0  }
0x1f: {  	s9 =	smul.u32 $0xF7A, s1;
	s8 =	simm.s32 @!p0 $0x1BF5;
	p2 =	por !p2, p0  }
0x20: {  	[sflag:s8] =	ssyncset.s32 @!p0 $0xFFFFF086;
	s6 =	sadd.s32 @!p0 s3, s7;
	s7 =	simm.s32 @!p0 $0x108  }
0x21: {  	s3 =	sadd.s32 s3, s9;
	s6 =	sadd.s32 @!p0 $0x88, s6;
	s7 =	simm.s32 @p2 $0x1082  }
0x22: {  	[simem:s7], [sflag:s8] =	dma.local @!p0 [hbm:s6], $0xF7A  }
0x23: {  	s9 =	sor.u32 $0xD0000000, s2;
	s6 =	simm.s32 $0x108;
	_ =	swait.ge @!p0 [sflag:s8], $0x0  }
0x24: {  	s3 =	sadd.s32 $0x88, s3;
	s6 =	simm.s32 @!p1 $0x1082;
	[sflag:s4] =	ssyncset.s32 $0xFFFFF086  }
0x25: {  	[simem:s6], [sflag:s4] =	dma.local [hbm:s3], $0xF7A  }
0x26: {  	[smem:$0x3F93] =	sst s1;
	(tag) =	ssettag s2;
	_ =	strace s9  }
0x27: {  	s1 =	sld [smem:$0x3FA3]  }
0x28: {  	s2 =	sld [smem:$0x3FA4]  }
0x29: {  	s4 =	sld [smem:$0x3FA6]  }
0x2a: {  	p0 =	seq.s32 s5, $0x0;
	s5 =	sld [smem:$0x3FA7]  }
0x2b: {  	s6 =	sld [smem:$0x3FA8]  }
0x2c: {  	s7 =	sld [smem:$0x3FA9]  }
0x2d: {  	s3 =	simm.s32 $0x108;
	s8 =	sld [smem:$0x3FAA]  }
0x2e: {  	s3 =	simm.s32 @!p0 $0x1082;
	s9 =	sld [smem:$0x3FAB]  }
0x2f: {  	lr =	sadd.s32 s0, s3;
	s0 =	sld [smem:$0x3FA2]  }
0x30: {  	s3 =	sld [smem:$0x3FA5]  }
0x31: {  	[smem:$0x3FAE] =	sst s10  }
0x32: {  	s10 =	sld [smem:$0x3FAC];
	_ =	sdelay $0x3  }
0x33: {  	p0 =	seq.s32 s10, $0x1;
	s10 =	sld [smem:$0x3FAE];
	_ =	sdelay $0x3  }
0x34: {  	[smem:$0x3FAE] =	sst s10  }
0x35: {  	s10 =	sld [smem:$0x3FAD];
	_ =	sdelay $0x3  }
0x36: {  	p1 =	seq.s32 s10, $0x1;
	s10 =	sld [smem:$0x3FAE];
	_ =	sdelay $0x3  }
0x37: {  	[smem:$0x3FAE] =	sst s10  }
0x38: {  	s10 =	sld [smem:$0x3FAF]  }
0x39: {  	_ = 	snop;
	(pc) =	sbr.ind lr, $3  }
0x3a: {  	_ = 	snop  }
0x3b: {  	_ = 	snop  }
0x3c: {  	p2 =	seq.s32 s10, $0x1;
	s10 =	sld [smem:$0x3FAE]  }
0x3d: {  	_ =	shalt  }
0x3e: {  	_ =	shalt  }
0x3f: {  	_ =	shalt  }
0x40: {  	_ =	shalt  }
0x41: {  	_ =	shalt  }
0x42: {  	_ =	shalt  }
0x43: {  	_ =	shalt  }
0x44: {  	_ =	shalt  }
0x45: {  	_ =	shalt  }
0x46: {  	_ =	shalt  }
0x47: {  	_ =	shalt  }
0x48: {  	_ =	shalt  }
0x49: {  	_ =	shalt  }
0x4a: {  	_ =	shalt  }
0x4b: {  	_ =	shalt  }
0x4c: {  	_ =	shalt  }
0x4d: {  	_ =	shalt  }
0x4e: {  	_ =	shalt  }
0x4f: {  	_ =	shalt  }
0x50: {  	_ =	shalt  }
0x51: {  	_ =	shalt  }
0x52: {  	_ =	shalt  }
0x53: {  	_ =	shalt  }
0x54: {  	_ =	shalt  }
0x55: {  	_ =	shalt  }
0x56: {  	_ =	shalt  }
0x57: {  	_ =	shalt  }
0x58: {  	_ =	shalt  }
0x59: {  	_ =	shalt  }
0x5a: {  	_ =	shalt  }
0x5b: {  	_ =	shalt  }
0x5c: {  	_ =	shalt  }
0x5d: {  	_ =	shalt  }
0x5e: {  	_ =	shalt  }
0x5f: {  	_ =	shalt  }
0x60: {  	_ =	shalt  }
0x61: {  	_ =	shalt  }
0x62: {  	_ =	shalt  }
0x63: {  	_ =	shalt  }
0x64: {  	_ =	shalt  }
0x65: {  	_ =	shalt  }
0x66: {  	_ =	shalt  }
0x67: {  	_ =	shalt  }
0x68: {  	_ =	shalt  }
0x69: {  	_ =	shalt  }
0x6a: {  	_ =	shalt  }
0x6b: {  	_ =	shalt  }
0x6c: {  	_ =	shalt  }
0x6d: {  	_ =	shalt  }
0x6e: {  	_ =	shalt  }
0x6f: {  	_ =	shalt  }
0x70: {  	_ =	shalt  }
0x71: {  	_ =	shalt  }
0x72: {  	_ =	shalt  }
0x73: {  	_ =	shalt  }
0x74: {  	_ =	shalt  }
0x75: {  	_ =	shalt  }
0x76: {  	_ =	shalt  }
0x77: {  	_ =	shalt  }
0x78: {  	_ =	shalt  }
0x79: {  	_ =	shalt  }
0x7a: {  	_ =	shalt  }
0x7b: {  	_ =	shalt  }
0x7c: {  	_ =	shalt  }
0x7d: {  	_ =	shalt  }
0x7e: {  	_ =	shalt  }
0x7f: {  	_ =	shalt  }
0x80: {  	_ =	shalt  }
0x81: {  	_ =	shalt  }
0x82: {  	_ =	shalt  }
0x83: {  	_ =	shalt  }
0x84: {  	_ =	shalt  }
0x85: {  	_ =	shalt  }
0x86: {  	_ =	shalt  }
0x87: {  	_ =	shalt  }
.Lfunc_end0:
.L_simem_size_0:
called_computation_lowered:
.L_overlay_start_0:
0x88: {  	s2 =	sld [smem:$0x3FD9]  }
0x89: {  	s3 =	sld [smem:$0x3FFE];
	_ =	sdelay $0x1  }
0x8a: {  	s1 =	srdreg.scid  }
0x8b: {  	s0 =	sand.u32 $0x1, s1  }
0x8c: {  	s16 =	sshll.u32 s0, $0xA;
	s2 =	sadd.s32 s3, s2  }
0x8d: {  	s2 =	sadd.s32 s2, s16  }
0x8e: {  	[smem:$0x3FBA] =	sst s2  }
0x8f: {  	_ = 	snop  }
0x90: {  	(tm) =	ssettm $0x1  }
0x91: {  	s17 =	sld [smem:$0x3FFB];
	_ =	sdelay $0x3  }
0x92: {  	_ =	strace s17  }
0x93: {  	s2 =	sld [smem:$0x3FFC];
	_ =	sdelay $0x3  }
0x94: {  	_ =	strace s2  }
0x95: {  	s2 =	sld [smem:$0x3FFD];
	_ =	sdelay $0x3  }
0x96: {  	_ =	strace s2  }
0x97: {  	_ =	strace $0x8FFFFFFF  }
0x98: {  	s18 =	sld [smem:$0x3FDB];
	_ =	sdelay $0x1  }
0x99: {  	s19 =	simm.s32 $_scs_section_size  }
0x9a: {  	s4 =	simm.s32 $_size__tile_overlayer_lowered;
	s5 =	simm.s32 $_tile_overlayer_lowered  }
0x9b: {  	s22 =	simm.s32 $0x1BFF;
	s21 =	sshll.u32 s5, $0x1;
	s2 =	sadd.s32 s19, s18  }
0x9c: {  	s6 =	simm.s32 $0x0;
	s20 =	sshll.u32 s4, $0x1;
	s4 =	sadd.s32 s21, s2  }
0x9d: {  	[timem:s6], [sflag:s22] =	dma.local [hbm:s4], s20  }
0x9e: {  	_ =	swait.ge [sflag:s22], s20  }
0x9f: {  	s3 =	ssub.s32 $0x0, s20;
	[sflag:s22] =	ssyncset.done $0x0  }
0xa0: {  	[sflag:s22] =	ssyncadd.s32 s3;
	_ =	sdelay $0x1  }
0xa1: {  	s23 =	simm.s32 $0x1B8B  }
0xa2: {  	_ =	swait.ge [sflag:s23], $0x1  }
0xa3: {  	[sflag:s23] =	ssyncset.done $0x0  }
0xa4: {  	s25 =	simm.s32 $0x1B8E;
	s24 =	sld [smem:$0x3FFE];
	[sflag:s23] =	ssyncadd.s32 $0xFFFFFFFF  }
0xa5: {  	s26 =	simm.s32 $execute0_lowered;
	[smem:$0x3FD2] =	sst s25  }
0xa6: {  	s4 =	sshll.u32 s26, $0x1;
	_ =	strace $0x80000046;
	[dreg:$0x1] =	wrdreg $0xFFFFFFFF  }
0xa7: {  	s28 =	simm.s32 $_size_execute0_lowered;
	s2 =	sadd.s32 s2, s4;
	[dreg:$0x0] =	wrdreg $0x0  }
0xa8: {  	s4 =	sshll.u32 s28, $0x1;
	[dreg:$0x2] =	wrdreg s2  }
0xa9: {  	[dreg:$0x3] =	wrdreg s4  }
0xaa: {  	[dreg:$0x4] =	wrdreg $0xC0  }
0xab: {  	_ =	task [dreg:s6], $0x5FFFF  }
0xac: {  	[dreg:$0x1] =	wrdreg $0xFFFFFFFF  }
0xad: {  	[dreg:$0x0] =	wrdreg $0x60  }
0xae: {  	[dreg:$0x2] =	wrdreg s24  }
0xaf: {  	[dreg:$0x3] =	wrdreg $0x53800  }
0xb0: {  	[dreg:$0x4] =	wrdreg $0x9  }
0xb1: {  	_ =	task.clear_ibuf [dreg:s6], $0x5FFFF;
	_ =	strace $0x90000046  }
0xb2: {  	s29 =	simm.s32 $0x9;
	_ =	strace $0x80000048  }
0xb3: {  	_ =	swait.ge [sflag:s29], $0x1  }
0xb4: {  	[sflag:s29] =	ssyncadd.s32 $0xFFFFFFFF  }
0xb5: {  	_ =	strace $0x90000048  }
0xb6: {  	_ =	sfence  }
0xb7: {  	s30 =	sld [smem:$0x0];
	_ =	sdelay $0x2  }
0xb8: {  	s31 =	sshll.u32 s1, $0xD;
	s1 =	sshrl.u32 s1, $0x2  }
0xb9: {  	s3 =	sand.u32 $0x4000, s31;
	s1 =	sadd.s32 s1, s30  }
0xba: {  	s0 =	sor.u32 s3, s0;
	s1 =	sshll.u32 s1, $0x11  }
0xbb: {  	s0 =	sor.u32 s1, s0  }
0xbc: {  	s0 =	sadd.s32 $0x8F2B, s0  }
0xbd: {  	[sflag:s0] =	ssyncadd.remote.s32 $0x1  }
0xbe: {  	_ =	sfence.sel $0xFFFF  }
0xbf: {  	[dreg:$0x0] =	wrdreg $0xFFFFFFFF;
	(pc) =	sbr.abs _section_cstart, $3  }
0xc0: {  	[dreg:$0x1] =	wrdreg $0xFFFFFFFF  }
0xc1: {  	_ =	task.clear_ibuf [dreg:s6], $0x2FFFF;
	_ =	strace $0x9FFFFFFF  }
0xc2: {  	(tm) =	ssettm $0x7FFFFFFF  }
0xc3: {  	_ =	shalt  }
tec
execute0_lowered:
.L_overlay_start_1:
0x0: {  	(tag) =	ssettag $0x1  }
0x1: {  	s4 =	rddreg [dreg:$0x0]  }
0x2: {  	s2 =	rddreg [dreg:$0x1];
	s3 =	srdreg.scid  }
0x3: {  	s0 =	rddreg [dreg:$0x2];
	s1 =	stileid.u32  }
0x4: {  	s11 =	simm.s32 $0x80;
	s12 =	simm.s32 $0x4E80;
	s13 =	simm.s32 $0x1  }
0x5: {  	s14 =	simm.s32 $0x4B00;
	s15 =	simm.s32 $0x4B80;
	s16 =	simm.s32 $0x4C00  }
0x6: {  	s17 =	simm.s32 $0x4C80;
	s18 =	simm.s32 $0x4D00;
	s19 =	simm.s32 $0x4D80  }
0x7: {  	s20 =	simm.s32 $0x4E00;
	s21 =	simm.s32 $0x4F00;
	s7 =	smul.u32 $0x3E8, s1  }
0x8: {  	s5 =	sand.u32 $0x1, s3;
	s3 =	simm.s32 $0x0;
	s9 =	smul.u32 $0xFA0, s1  }
0x9: {  	p0 =	sgt.u32 s1, $0x9;
	s6 =	sshll.u32 s5, $0x4;
	[smem:$0x7FF] =	sst s3  }
0xa: {  	s8 =	smul.u32 $0x2710, s5;
	s5 =	ssub.s32 $0x2, s5;
	p1 =	sne.s32 @p0 s1, $0xA  }
0xb: {  	s6 =	sor.u32 s1, s6;
	_ =	strace $0x80000047;
	s10 =	sshrl.u32 s5, $0x1  }
0xc: {  	s31 =	sshrl.u32 s9, $0x2;
	p1 =	por p1, !p0;
	s6 =	smul.u32 $0x9D0, s6  }
0xd: {  	s8 =	sadd.s32 s7, s8;
	s10 =	ssub.s32 s5, s10;
	s5 =	sadd.s32 s31, s2  }
0xe: {  	s7 =	sadd.s32 s7, s2;
	s8 =	sshrl.u32 s8, $0x3;
	s9 =	smax.u32 s10, $0x1  }
0xf: {  	s10 =	simm.s32 $0x2;
	s6 =	sadd.s32 s6, s4;
	s8 =	sadd.s32 s8, s4  }
0x10: {  	v0 =	vimm.f32 $1.000000000e+00;
	v1 =	vimm.f32 $0.0e+00;
	s4 =	sadd.s32 $0x2710, s2;
	s6 =	sadd.s32 $0x2800, s6;
	s8 =	sadd.s32 $0x16200, s8  }
.LBB2_1:
0x11: {  	[tilespmem:$0x4E80] =	vst v0  }
0x12: {  	[tilespmem:$0x4E90] =	vst v0  }
0x13: {  	[tilespmem:$0x4EA0] =	vst v0  }
0x14: {  	[tilespmem:$0x4EB0] =	vst v0  }
0x15: {  	[tilespmem:$0x4EC0] =	vst v0  }
0x16: {  	[tilespmem:$0x4ED0] =	vst v0  }
0x17: {  	[tilespmem:$0x4EE0] =	vst v0  }
0x18: {  	[tilespmem:$0x4EF0] =	vst v0  }
0x19: {  	[tilespmem:$0x4F00] =	vst v0  }
0x1a: {  	[tilespmem:$0x4F10] =	vst v0  }
0x1b: {  	[tilespmem:$0x4F20] =	vst v1  }
0x1c: {  	[tilespmem:$0x4F30] =	vst v1  }
0x1d: {  	[tilespmem:$0x4F40] =	vst v1  }
0x1e: {  	[tilespmem:$0x4F50] =	vst v1  }
0x1f: {  	[tilespmem:$0x4F60] =	vst v1  }
0x20: {  	[tilespmem:$0x4F70] =	vst v1;
	s22 =	simm.s32 $0x40;
	s23 =	simm.s32 $0x0  }
.LBB2_2:
0x21: {  	p2 =	sne.s32 s22, $0xFC0;
	[tilespmem:s23+$0x4F80] =	vst v1;
	s23 =	smov.u32 s22;
	s22 =	sadd.s32 $0x40, s22  }
.Ltmp0:
0x22: {  	(pc) =	sbr.rel @p2 .LBB2_2-.Ltmp0, $2  }
0x23: {  	_ =	sdelay $0x2  }
0x24: {  	s23 =	sshra.s32 s23, $0x2  }
0x25: {  	[tilespmem:s23+$0x4F80] =	vst v1;
	s22 =	simm.s32 @!p1 $0x4F80  }
0x26: {  	[spmem:s4] =	stream.linear.scatter @!p1 [tilespmem:s22], [sflag:$0x2], $0x8, $0x38;
	[tilespmem:$0x55F8] =	vst v63  }
0x27: {  	s22 =	simm.s32 @!p1 $0x2  }
0x28: {  	_ =	swait.ge @!p1 [sflag:s22], $0x8  }
0x29: {  	[sflag:s22] =	ssyncset.done @!p1 $0x0  }
0x2a: {  	[sflag:s22] =	ssyncadd.s32 @!p1 $0xFFFFFFF8;
	s22 =	simm.s32 @!p0 $0x4F80  }
0x2b: {  	[spmem:s5] =	stream.linear.scatter @!p0 [tilespmem:s22], [sflag:$0x2], $0x3E8, $0x38;
	[tilespmem:$0x55F8] =	vst v63  }
0x2c: {  	s22 =	simm.s32 @!p0 $0x2  }
0x2d: {  	_ =	swait.ge @!p0 [sflag:s22], $0x3E8  }
0x2e: {  	[sflag:s22] =	ssyncset.done @!p0 $0x0  }
0x2f: {  	s29 =	simm.s32 $0x0;
	[sflag:s22] =	ssyncadd.s32 @!p0 $0xFFFFFC18  }
0x30: {  	[tilespmem:s29], [sflag:$0x2] =	stream.linear.gather [hbm4b:s6+s29], $0x4E80, $0x38;
	[tilespmem:$0x55F8] =	vst v63  }
0x31: {  	_ =	swait.ge [sflag:s10], $0x4E80  }
0x32: {  	[sflag:s10] =	ssyncset.done $0x0  }
0x33: {  	[sflag:s10] =	ssyncadd.s32 $0xFFFFB180  }
0x34: {  	s30 =	simm.s32 $0x0;
	[bflag:$0x0] =	sbarrier.arrive $0xFFFF  }
0x35: {  	[spmem:s2] =	stream.indirect.scatter.add.f32 [tilespmem:s12], [sflag:$0x1], $0x1, s30, s11, $0xb8;
	[tilespmem:$0x55F8] =	vst v63  }
0x36: {  	s31 =	simm.s32 $0x80  }
0x37: {  	[spmem:s2] =	stream.indirect.scatter.add.f32 [tilespmem:s12], [sflag:$0x1], $0x1, s31, s11, $0xb8;
	[tilespmem:$0x55F8] =	vst v63  }
0x38: {  	s23 =	simm.s32 $0x100  }
0x39: {  	[spmem:s2] =	stream.indirect.scatter.add.f32 [tilespmem:s12], [sflag:$0x1], $0x1, s23, s11, $0xb8;
	[tilespmem:$0x55F8] =	vst v63  }
0x3a: {  	s24 =	simm.s32 $0x180  }
0x3b: {  	[spmem:s2] =	stream.indirect.scatter.add.f32 [tilespmem:s12], [sflag:$0x1], $0x1, s24, s11, $0xb8;
	[tilespmem:$0x55F8] =	vst v63  }
0x3c: {  	s25 =	simm.s32 $0x200  }
0x3d: {  	[spmem:s2] =	stream.indirect.scatter.add.f32 [tilespmem:s12], [sflag:$0x1], $0x1, s25, s11, $0xb8;
	[tilespmem:$0x55F8] =	vst v63  }
0x3e: {  	s26 =	simm.s32 $0x280  }
0x3f: {  	[spmem:s2] =	stream.indirect.scatter.add.f32 [tilespmem:s12], [sflag:$0x1], $0x1, s26, s11, $0xb8;
	[tilespmem:$0x55F8] =	vst v63  }
0x40: {  	s28 =	simm.s32 $0x300  }
0x41: {  	[spmem:s2] =	stream.indirect.scatter.add.f32 [tilespmem:s12], [sflag:$0x1], $0x1, s28, s11, $0xb8;
	[tilespmem:$0x55F8] =	vst v63  }
0x42: {  	s29 =	simm.s32 $0x380  }
0x43: {  	[spmem:s2] =	stream.indirect.scatter.add.f32 [tilespmem:s12], [sflag:$0x1], $0x1, s29, s11, $0xb8;
	[tilespmem:$0x55F8] =	vst v63  }
0x44: {  	s30 =	simm.s32 $0x400  }
0x45: {  	[spmem:s2] =	stream.indirect.scatter.add.f32 [tilespmem:s12], [sflag:$0x1], $0x1, s30, s11, $0xb8;
	[tilespmem:$0x55F8] =	vst v63  }
0x46: {  	s31 =	simm.s32 $0x480  }
0x47: {  	[spmem:s2] =	stream.indirect.scatter.add.f32 [tilespmem:s12], [sflag:$0x1], $0x1, s31, s11, $0xb8;
	[tilespmem:$0x55F8] =	vst v63  }
0x48: {  	_ =	swait.ge [sflag:s13], $0x80  }
0x49: {  	[sflag:s13] =	ssyncset.done $0x0  }
0x4a: {  	[sflag:s13] =	ssyncadd.s32 $0xFFFFFF80  }
0x4b: {  	_ =	swait.ge [sflag:s13], $0x80  }
0x4c: {  	[sflag:s13] =	ssyncset.done $0x0  }
0x4d: {  	[sflag:s13] =	ssyncadd.s32 $0xFFFFFF80  }
0x4e: {  	_ =	swait.ge [sflag:s13], $0x80  }
0x4f: {  	[sflag:s13] =	ssyncset.done $0x0  }
0x50: {  	[sflag:s13] =	ssyncadd.s32 $0xFFFFFF80  }
0x51: {  	_ =	swait.ge [sflag:s13], $0x80  }
0x52: {  	[sflag:s13] =	ssyncset.done $0x0  }
0x53: {  	[sflag:s13] =	ssyncadd.s32 $0xFFFFFF80  }
0x54: {  	_ =	swait.ge [sflag:s13], $0x80  }
0x55: {  	[sflag:s13] =	ssyncset.done $0x0  }
0x56: {  	[sflag:s13] =	ssyncadd.s32 $0xFFFFFF80  }
0x57: {  	_ =	swait.ge [sflag:s13], $0x80  }
0x58: {  	[sflag:s13] =	ssyncset.done $0x0  }
0x59: {  	[sflag:s13] =	ssyncadd.s32 $0xFFFFFF80  }
0x5a: {  	_ =	swait.ge [sflag:s13], $0x80  }
0x5b: {  	[sflag:s13] =	ssyncset.done $0x0  }
0x5c: {  	[sflag:s13] =	ssyncadd.s32 $0xFFFFFF80  }
0x5d: {  	_ =	swait.ge [sflag:s13], $0x80  }
0x5e: {  	[sflag:s13] =	ssyncset.done $0x0  }
0x5f: {  	[sflag:s13] =	ssyncadd.s32 $0xFFFFFF80  }
0x60: {  	_ =	swait.ge [sflag:s13], $0x80  }
0x61: {  	[sflag:s13] =	ssyncset.done $0x0  }
0x62: {  	[sflag:s13] =	ssyncadd.s32 $0xFFFFFF80  }
0x63: {  	_ =	swait.ge [sflag:s13], $0x80  }
0x64: {  	s22 =	simm.s32 $0x1400;
	s24 =	simm.s32 $0x2800;
	[sflag:s13] =	ssyncset.done $0x0  }
.LBB2_4:
0x65: {  	s25 =	sshra.s32 s22, $0x2  }
0x66: {  	[sflag:s13] =	ssyncadd.s32 $0xFFFFFF80;
	s22 =	smov.u32 s24;
	s23 =	sadd.s32 $0x1400, s24  }
0x67: {  	[spmem:s2] =	stream.indirect.scatter.add.f32 [tilespmem:s12], [sflag:$0x1], $0x1, s25, s11, $0xb8;
	[tilespmem:$0x55F8] =	vst v63  }
0x68: {  	p2 =	sne.s32 s24, $0x11800;
	s24 =	sadd.s32 $0x80, s25  }
0x69: {  	[spmem:s2] =	stream.indirect.scatter.add.f32 [tilespmem:s12], [sflag:$0x1], $0x1, s24, s11, $0xb8;
	[tilespmem:$0x55F8] =	vst v63  }
0x6a: {  	s24 =	sadd.s32 $0x100, s25  }
0x6b: {  	[spmem:s2] =	stream.indirect.scatter.add.f32 [tilespmem:s12], [sflag:$0x1], $0x1, s24, s11, $0xb8;
	[tilespmem:$0x55F8] =	vst v63  }
0x6c: {  	s24 =	sadd.s32 $0x180, s25  }
0x6d: {  	[spmem:s2] =	stream.indirect.scatter.add.f32 [tilespmem:s12], [sflag:$0x1], $0x1, s24, s11, $0xb8;
	[tilespmem:$0x55F8] =	vst v63  }
0x6e: {  	s24 =	sadd.s32 $0x200, s25  }
0x6f: {  	[spmem:s2] =	stream.indirect.scatter.add.f32 [tilespmem:s12], [sflag:$0x1], $0x1, s24, s11, $0xb8;
	[tilespmem:$0x55F8] =	vst v63  }
0x70: {  	s24 =	sadd.s32 $0x280, s25  }
0x71: {  	[spmem:s2] =	stream.indirect.scatter.add.f32 [tilespmem:s12], [sflag:$0x1], $0x1, s24, s11, $0xb8;
	[tilespmem:$0x55F8] =	vst v63  }
0x72: {  	s24 =	sadd.s32 $0x300, s25  }
0x73: {  	[spmem:s2] =	stream.indirect.scatter.add.f32 [tilespmem:s12], [sflag:$0x1], $0x1, s24, s11, $0xb8;
	[tilespmem:$0x55F8] =	vst v63  }
0x74: {  	s24 =	sadd.s32 $0x380, s25  }
0x75: {  	[spmem:s2] =	stream.indirect.scatter.add.f32 [tilespmem:s12], [sflag:$0x1], $0x1, s24, s11, $0xb8;
	[tilespmem:$0x55F8] =	vst v63  }
0x76: {  	s24 =	sadd.s32 $0x400, s25  }
0x77: {  	[spmem:s2] =	stream.indirect.scatter.add.f32 [tilespmem:s12], [sflag:$0x1], $0x1, s24, s11, $0xb8;
	[tilespmem:$0x55F8] =	vst v63  }
0x78: {  	s24 =	sadd.s32 $0x480, s25  }
0x79: {  	[spmem:s2] =	stream.indirect.scatter.add.f32 [tilespmem:s12], [sflag:$0x1], $0x1, s24, s11, $0xb8;
	[tilespmem:$0x55F8] =	vst v63  }
0x7a: {  	_ =	swait.ge [sflag:s13], $0x80  }
0x7b: {  	[sflag:s13] =	ssyncset.done $0x0  }
0x7c: {  	[sflag:s13] =	ssyncadd.s32 $0xFFFFFF80  }
0x7d: {  	_ =	swait.ge [sflag:s13], $0x80  }
0x7e: {  	[sflag:s13] =	ssyncset.done $0x0  }
0x7f: {  	[sflag:s13] =	ssyncadd.s32 $0xFFFFFF80  }
0x80: {  	_ =	swait.ge [sflag:s13], $0x80  }
0x81: {  	[sflag:s13] =	ssyncset.done $0x0  }
0x82: {  	[sflag:s13] =	ssyncadd.s32 $0xFFFFFF80  }
0x83: {  	_ =	swait.ge [sflag:s13], $0x80  }
0x84: {  	[sflag:s13] =	ssyncset.done $0x0  }
0x85: {  	[sflag:s13] =	ssyncadd.s32 $0xFFFFFF80  }
0x86: {  	_ =	swait.ge [sflag:s13], $0x80  }
0x87: {  	[sflag:s13] =	ssyncset.done $0x0  }
0x88: {  	[sflag:s13] =	ssyncadd.s32 $0xFFFFFF80  }
0x89: {  	_ =	swait.ge [sflag:s13], $0x80  }
0x8a: {  	[sflag:s13] =	ssyncset.done $0x0  }
0x8b: {  	[sflag:s13] =	ssyncadd.s32 $0xFFFFFF80  }
0x8c: {  	_ =	swait.ge [sflag:s13], $0x80  }
0x8d: {  	[sflag:s13] =	ssyncset.done $0x0  }
0x8e: {  	[sflag:s13] =	ssyncadd.s32 $0xFFFFFF80  }
0x8f: {  	_ =	swait.ge [sflag:s13], $0x80  }
0x90: {  	[sflag:s13] =	ssyncset.done $0x0  }
0x91: {  	[sflag:s13] =	ssyncadd.s32 $0xFFFFFF80  }
.Ltmp1:
0x92: {  	_ =	swait.ge [sflag:s13], $0x80;
	(pc) =	sbr.rel @p2 .LBB2_4-.Ltmp1, $4  }
0x93: {  	[sflag:s13] =	ssyncset.done $0x0  }
0x94: {  	[sflag:s13] =	ssyncadd.s32 $0xFFFFFF80  }
0x95: {  	_ =	swait.ge [sflag:s13], $0x80  }
0x96: {  	s24 =	smov.u32 s23;
	[sflag:s13] =	ssyncset.done $0x0  }
0x97: {  	s22 =	sshra.s32 s22, $0x2;
	[sflag:s13] =	ssyncadd.s32 $0xFFFFFF80  }
0x98: {  	[spmem:s2] =	stream.indirect.scatter.add.f32 [tilespmem:s12], [sflag:$0x1], $0x1, s22, s11, $0xb8;
	[tilespmem:$0x55F8] =	vst v63  }
0x99: {  	s23 =	sadd.s32 $0x80, s22  }
0x9a: {  	[spmem:s2] =	stream.indirect.scatter.add.f32 [tilespmem:s12], [sflag:$0x1], $0x1, s23, s11, $0xb8;
	[tilespmem:$0x55F8] =	vst v63  }
0x9b: {  	s24 =	sadd.s32 $0x100, s22  }
0x9c: {  	[spmem:s2] =	stream.indirect.scatter.add.f32 [tilespmem:s12], [sflag:$0x1], $0x1, s24, s11, $0xb8;
	[tilespmem:$0x55F8] =	vst v63  }
0x9d: {  	s25 =	sadd.s32 $0x180, s22  }
0x9e: {  	[spmem:s2] =	stream.indirect.scatter.add.f32 [tilespmem:s12], [sflag:$0x1], $0x1, s25, s11, $0xb8;
	[tilespmem:$0x55F8] =	vst v63  }
0x9f: {  	s26 =	sadd.s32 $0x200, s22  }
0xa0: {  	[spmem:s2] =	stream.indirect.scatter.add.f32 [tilespmem:s12], [sflag:$0x1], $0x1, s26, s11, $0xb8;
	[tilespmem:$0x55F8] =	vst v63  }
0xa1: {  	s28 =	sadd.s32 $0x280, s22  }
0xa2: {  	[spmem:s2] =	stream.indirect.scatter.add.f32 [tilespmem:s12], [sflag:$0x1], $0x1, s28, s11, $0xb8;
	[tilespmem:$0x55F8] =	vst v63  }
0xa3: {  	s29 =	sadd.s32 $0x300, s22  }
0xa4: {  	[spmem:s2] =	stream.indirect.scatter.add.f32 [tilespmem:s12], [sflag:$0x1], $0x1, s29, s11, $0xb8;
	[tilespmem:$0x55F8] =	vst v63  }
0xa5: {  	s30 =	sadd.s32 $0x380, s22  }
0xa6: {  	[spmem:s2] =	stream.indirect.scatter.add.f32 [tilespmem:s12], [sflag:$0x1], $0x1, s30, s11, $0xb8;
	[tilespmem:$0x55F8] =	vst v63  }
0xa7: {  	s31 =	sadd.s32 $0x400, s22  }
0xa8: {  	[spmem:s2] =	stream.indirect.scatter.add.f32 [tilespmem:s12], [sflag:$0x1], $0x1, s31, s11, $0xb8;
	[tilespmem:$0x55F8] =	vst v63  }
0xa9: {  	s22 =	sadd.s32 $0x480, s22  }
0xaa: {  	[spmem:s2] =	stream.indirect.scatter.add.f32 [tilespmem:s12], [sflag:$0x1], $0x1, s22, s11, $0xb8;
	[tilespmem:$0x55F8] =	vst v63  }
0xab: {  	_ =	swait.ge [sflag:s13], $0x80  }
0xac: {  	[sflag:s13] =	ssyncset.done $0x0  }
0xad: {  	[sflag:s13] =	ssyncadd.s32 $0xFFFFFF80  }
0xae: {  	_ =	swait.ge [sflag:s13], $0x80  }
0xaf: {  	[sflag:s13] =	ssyncset.done $0x0  }
0xb0: {  	[sflag:s13] =	ssyncadd.s32 $0xFFFFFF80  }
0xb1: {  	_ =	swait.ge [sflag:s13], $0x80  }
0xb2: {  	[sflag:s13] =	ssyncset.done $0x0  }
0xb3: {  	[sflag:s13] =	ssyncadd.s32 $0xFFFFFF80  }
0xb4: {  	_ =	swait.ge [sflag:s13], $0x80  }
0xb5: {  	[sflag:s13] =	ssyncset.done $0x0  }
0xb6: {  	[sflag:s13] =	ssyncadd.s32 $0xFFFFFF80  }
0xb7: {  	_ =	swait.ge [sflag:s13], $0x80  }
0xb8: {  	[sflag:s13] =	ssyncset.done $0x0  }
0xb9: {  	[sflag:s13] =	ssyncadd.s32 $0xFFFFFF80  }
0xba: {  	_ =	swait.ge [sflag:s13], $0x80  }
0xbb: {  	[sflag:s13] =	ssyncset.done $0x0  }
0xbc: {  	[sflag:s13] =	ssyncadd.s32 $0xFFFFFF80  }
0xbd: {  	_ =	swait.ge [sflag:s13], $0x80  }
0xbe: {  	[sflag:s13] =	ssyncset.done $0x0  }
0xbf: {  	[sflag:s13] =	ssyncadd.s32 $0xFFFFFF80  }
0xc0: {  	_ =	swait.ge [sflag:s13], $0x80  }
0xc1: {  	[sflag:s13] =	ssyncset.done $0x0  }
0xc2: {  	[sflag:s13] =	ssyncadd.s32 $0xFFFFFF80  }
0xc3: {  	_ =	swait.ge [sflag:s13], $0x80  }
0xc4: {  	[sflag:s13] =	ssyncset.done $0x0  }
0xc5: {  	[sflag:s13] =	ssyncadd.s32 $0xFFFFFF80  }
0xc6: {  	_ =	swait.ge [sflag:s13], $0x80  }
0xc7: {  	[sflag:s13] =	ssyncset.done $0x0  }
0xc8: {  	[sflag:s13] =	ssyncadd.s32 $0xFFFFFF80  }
0xc9: {  	[spmem:s2] =	stream.indirect.scatter.add.f32 [tilespmem:s12], [sflag:$0x1], $0x1, s14, s11, $0xb8;
	[tilespmem:$0x55F8] =	vst v63  }
0xca: {  	_ = 	snop  }
0xcb: {  	[spmem:s2] =	stream.indirect.scatter.add.f32 [tilespmem:s12], [sflag:$0x1], $0x1, s15, s11, $0xb8;
	[tilespmem:$0x55F8] =	vst v63  }
0xcc: {  	_ = 	snop  }
0xcd: {  	[spmem:s2] =	stream.indirect.scatter.add.f32 [tilespmem:s12], [sflag:$0x1], $0x1, s16, s11, $0xb8;
	[tilespmem:$0x55F8] =	vst v63  }
0xce: {  	_ = 	snop  }
0xcf: {  	[spmem:s2] =	stream.indirect.scatter.add.f32 [tilespmem:s12], [sflag:$0x1], $0x1, s17, s11, $0xb8;
	[tilespmem:$0x55F8] =	vst v63  }
0xd0: {  	_ = 	snop  }
0xd1: {  	[spmem:s2] =	stream.indirect.scatter.add.f32 [tilespmem:s12], [sflag:$0x1], $0x1, s18, s11, $0xb8;
	[tilespmem:$0x55F8] =	vst v63  }
0xd2: {  	_ = 	snop  }
0xd3: {  	[spmem:s2] =	stream.indirect.scatter.add.f32 [tilespmem:s12], [sflag:$0x1], $0x1, s19, s11, $0xb8;
	[tilespmem:$0x55F8] =	vst v63  }
0xd4: {  	_ = 	snop  }
0xd5: {  	[spmem:s2] =	stream.indirect.scatter.add.f32 [tilespmem:s21], [sflag:$0x1], $0x1, s20, s11, $0xb8;
	[tilespmem:$0x55F8] =	vst v63  }
0xd6: {  	_ =	swait.ge [sflag:s13], $0x80  }
0xd7: {  	[sflag:s13] =	ssyncset.done $0x0  }
0xd8: {  	[sflag:s13] =	ssyncadd.s32 $0xFFFFFF80  }
0xd9: {  	_ =	swait.ge [sflag:s13], $0x80  }
0xda: {  	[sflag:s13] =	ssyncset.done $0x0  }
0xdb: {  	[sflag:s13] =	ssyncadd.s32 $0xFFFFFF80  }
0xdc: {  	_ =	swait.ge [sflag:s13], $0x80  }
0xdd: {  	[sflag:s13] =	ssyncset.done $0x0  }
0xde: {  	[sflag:s13] =	ssyncadd.s32 $0xFFFFFF80  }
0xdf: {  	_ =	swait.ge [sflag:s13], $0x80  }
0xe0: {  	[sflag:s13] =	ssyncset.done $0x0  }
0xe1: {  	[sflag:s13] =	ssyncadd.s32 $0xFFFFFF80  }
0xe2: {  	_ =	swait.ge [sflag:s13], $0x80  }
0xe3: {  	[sflag:s13] =	ssyncset.done $0x0  }
0xe4: {  	[sflag:s13] =	ssyncadd.s32 $0xFFFFFF80  }
0xe5: {  	_ =	swait.ge [sflag:s13], $0x80  }
0xe6: {  	[sflag:s13] =	ssyncset.done $0x0  }
0xe7: {  	[sflag:s13] =	ssyncadd.s32 $0xFFFFFF80  }
0xe8: {  	_ =	swait.ge [sflag:s13], $0x80  }
0xe9: {  	[sflag:s13] =	ssyncset.done $0x0  }
0xea: {  	[sflag:s13] =	ssyncadd.s32 $0xFFFFFF80  }
0xeb: {  	s23 =	simm.s32 @!p0 $0x2;
	s22 =	simm.s32 @!p0 $0x4F80;
	[bflag:$0x0] =	sbarrier.arrive $0xFFFF  }
0xec: {  	[tilespmem:s22], [sflag:$0x2] =	stream.linear.gather @!p0 [spmem:s7], $0x3E8, $0x38;
	[tilespmem:$0x55F8] =	vst v63  }
0xed: {  	s3 =	sadd.s32 $0x1, s3;
	_ =	swait.ge @!p0 [sflag:s23], $0x3E8  }
0xee: {  	p2 =	sne.s32 s3, s9;
	[sflag:s23] =	ssyncset.done @!p0 $0x0  }
.Ltmp2:
0xef: {  	s24 =	simm.s32 @!p0 $0x0;
	[sflag:s23] =	ssyncadd.s32 @!p0 $0xFFFFFC18;
	(pc) =	sbr.rel @p2 .LBB2_1-.Ltmp2, $4  }
0xf0: {  	[hbm4b:s8+s24] =	stream.linear.scatter @!p0 [tilespmem:s22], [sflag:$0x2], $0x3E8, $0x38;
	[tilespmem:$0x55F8] =	vst v63  }
0xf1: {  	_ =	swait.ge @!p0 [sflag:s23], $0x3E8  }
0xf2: {  	[sflag:s23] =	ssyncset.done @!p0 $0x0  }
0xf3: {  	[sflag:s23] =	ssyncadd.s32 @!p0 $0xFFFFFC18  }
0xf4: {  	_ =	sfence.sel $0x180000  }
0xf5: {  	[bflag:$0x0] =	sbarrier.arrive $0xFFFF  }
0xf6: {  	p0 =	sne.s32 s1, $0x0;
	_ =	strace $0x90000047  }
0xf7: {  	s0 =	sadd.s32 @!p0 $0x100000, s0;
	[bflag:$0x2] =	sbarrier.arrive $0xFFFF  }
0xf8: {  	[sflag:s0] =	ssyncadd.tile.s32 @!p0 $0x1;
	_ =	shalt  }
.Lfunc_end2:
_tile_overlayer_lowered:
.L_overlay_start_2:
0xf9: {  	(tag) =	ssettag $0x2  }
0xfa: {  	s0 =	rddreg [dreg:$0x0];
	s2 =	stileid.u32  }
0xfb: {  	s1 =	rddreg [dreg:$0x1];
	p0 =	sne.s32 s2, $0x0  }
0xfc: {  	s3 =	rddreg [dreg:$0x2];
	[bflag:$0x3] =	sbarrier.arrive $0xFFFF;
	s2 =	simm.s32 @!p0 $0x1C02  }
0xfd: {  	[timem:s3], [sflag:s2] =	dma.local @!p0 [hbm:s0], s1  }
0xfe: {  	s0 =	simm.s32 @!p0 $0x2  }
0xff: {  	_ =	swait.ge @!p0 [sflag:s0], s1  }
0x100: {  	s1 =	ssub.s32 @!p0 $0x0, s1;
	[sflag:s0] =	ssyncset.done @!p0 $0x0  }
0x101: {  	[sflag:s0] =	ssyncadd.s32 @!p0 s1  }
0x102: {  	[bflag:$0x3] =	sbarrier.arrive $0xFFFF  }
0x103: {  	_ =	shalt  }

</sc_bundles>
